<compile_context>
chip_gen: v7x
topology: tpu7x:2x2x1
jax: 0.10.2.dev20260603
libtpu: 0.0.44.dev20260713+nightly
codegen_flags: <defaults>
</compile_context>

<pallas_src>
import functools

import jax
import jax.numpy as jnp
from jax import lax
from jax.experimental import pallas as pl
from jax.experimental.pallas import tpu as pltpu
from jax.experimental.pallas import tpu_sc as plsc

_B, _D, _P, _FD, _K = 4096, 3, 256, 512, 10
_R = _B * _D
_ROWW = 2 * _P
_NC, _NS, _L = 2, 16, 16
_NW = _NC * _NS
_RPW = _R // _NW
_G = _RPW // _L
_BUFW = _L * _ROWW
_NEG = -3.4e38


def _mse_body(f1_ref, f2_ref, out_ref):
    d = f1_ref[...] - f2_ref[...]
    out_ref[...] = jnp.sum(d * d)[None, None]


def _feature_sq_sum(f1, f2):
    return pl.pallas_call(
        _mse_body,
        out_shape=jax.ShapeDtypeStruct((1, 1), jnp.float32),
    )(f1, f2)


def _sc_body(d1_hbm, d2_hbm, out_hbm, b1a, b2a, b1b, b2b, p1t, p2t,
             m1, a1, m2, a2, accv, sema, semb):
    wid = lax.axis_index("s") * _NC + lax.axis_index("c")
    lvec = lax.iota(jnp.int32, _L)
    negv = jnp.full((_L,), _NEG, jnp.float32)
    zeroi = jnp.zeros((_L,), jnp.int32)
    mask0 = lvec == 0

    def splat(s):
        return jnp.full((_L,), s, jnp.int32)

    def argmax_tree(vals, idxs):
        vals, idxs = list(vals), list(idxs)
        while len(vals) > 1:
            nv, ni = [], []
            for a in range(0, len(vals), 2):
                cond = vals[a + 1] > vals[a]
                nv.append(jnp.where(cond, vals[a + 1], vals[a]))
                ni.append(jnp.where(cond, idxs[a + 1], idxs[a]))
            vals, idxs = nv, ni
        return vals[0], idxs[0]

    kvec = [j * 16 + ((lvec + j) & 15) for j in range(16)]

    def build_pers(buf, pt, mref, aref):
        def rb(r, c0):
            skew = (splat(r) + lvec) & 15
            addr0 = lvec * 16 + skew
            bvs, dvs = [], []
            for i in range(16):
                s = r * _ROWW + (i >> 3) * 256 + (i & 7) * 16
                bvs.append(buf[pl.ds(s, _L)])
                dvs.append(buf[pl.ds(s + 128, _L)])
            for i in range(16):
                diff = dvs[i] - bvs[i]
                plsc.store_scatter(pt, [addr0 + i * 256], diff)
                cm = jnp.max(diff)
                am = plsc.all_reduce_ffs(diff == cm) + (i * 16)
                cr = splat(i * 16 + r)
                plsc.store_scatter(mref, [cr], jnp.full((_L,), cm), mask=mask0)
                plsc.store_scatter(aref, [cr], am, mask=mask0)
            return c0
        lax.fori_loop(0, _L, rb, 0)

    def select_one(pt, mref, aref, buf, do_maint):
        vals = [mref[pl.ds(c * 16, _L)] for c in range(16)]
        idxs = [splat(c) for c in range(16)]
        mb_, cb_ = argmax_tree(vals, idxs)
        cb16 = cb_ * 16
        pstar = plsc.load_gather(aref, [cb16 + lvec])
        dbase = lvec * _ROWW + (pstar >> 7) * 256 + (pstar & 127)
        bsel = plsc.load_gather(buf, [dbase])
        dsel = plsc.load_gather(buf, [dbase + 128])

        if do_maint:
            tidx = pstar * 16 + ((lvec + pstar) & 15)
            plsc.store_scatter(pt, [tidx], negv)
            base16 = cb16 * 16
            vals2, idxs2 = [], []
            for j in range(16):
                vals2.append(plsc.load_gather(pt, [base16 + kvec[j]]))
                idxs2.append(cb16 + j)
            mn, an = argmax_tree(vals2, idxs2)
            plsc.store_scatter(mref, [cb16 + lvec], mn)
            plsc.store_scatter(aref, [cb16 + lvec], an)
        return bsel, dsel

    def start(g, b1, b2, sem):
        base = (wid * _G + g) * _BUFW
        pltpu.async_copy(d1_hbm.at[pl.ds(base, _BUFW)],
                         b1.at[pl.ds(0, _BUFW)], sem)
        pltpu.async_copy(d2_hbm.at[pl.ds(base, _BUFW)],
                         b2.at[pl.ds(0, _BUFW)], sem)

    def wait(b1, b2, sem):
        base = wid * _G * _BUFW
        pltpu.make_async_copy(d1_hbm.at[pl.ds(base, _BUFW)],
                              b1.at[pl.ds(0, _BUFW)], sem).wait()
        pltpu.make_async_copy(d2_hbm.at[pl.ds(base, _BUFW)],
                              b2.at[pl.ds(0, _BUFW)], sem).wait()

    def compute(b1, b2, acc):
        build_pers(b1, p1t, m1, a1)
        build_pers(b2, p2t, m2, a2)

        def kstep(kk, acc2):
            s1, t1 = select_one(p1t, m1, a1, b1, True)
            s2, t2 = select_one(p2t, m2, a2, b2, True)
            db = s1 - s2
            dd = t1 - t2
            return acc2 + db * db + dd * dd
        acc = lax.fori_loop(0, _K - 1, kstep, acc)
        s1, t1 = select_one(p1t, m1, a1, b1, False)
        s2, t2 = select_one(p2t, m2, a2, b2, False)
        db = s1 - s2
        dd = t1 - t2
        return acc + db * db + dd * dd

    start(0, b1a, b2a, sema)

    def pair(i, acc):
        g = i * 2
        start(g + 1, b1b, b2b, semb)
        wait(b1a, b2a, sema)
        acc = compute(b1a, b2a, acc)
        start(lax.rem(g + 2, _G), b1a, b2a, sema)
        wait(b1b, b2b, semb)
        return compute(b1b, b2b, acc)

    acc = lax.fori_loop(0, _G // 2, pair, jnp.zeros((_L,), jnp.float32))
    wait(b1a, b2a, sema)
    accv[...] = acc
    pltpu.sync_copy(accv, out_hbm.at[wid])


def _sc_wasserstein(d1_flat, d2_flat):
    mesh = plsc.VectorSubcoreMesh(core_axis_name="c", subcore_axis_name="s",
                                  num_cores=_NC, num_subcores=_NS)
    run = functools.partial(
        pl.kernel,
        out_type=jax.ShapeDtypeStruct((_NW, _L), jnp.float32),
        mesh=mesh,
        compiler_params=pltpu.CompilerParams(needs_layout_passes=False),
        scratch_types=[
            pltpu.VMEM((_BUFW + 8,), jnp.float32),
            pltpu.VMEM((_BUFW + 8,), jnp.float32),
            pltpu.VMEM((_BUFW + 8,), jnp.float32),
            pltpu.VMEM((_BUFW + 8,), jnp.float32),
            pltpu.VMEM((_P * _L,), jnp.float32),
            pltpu.VMEM((_P * _L,), jnp.float32),
            pltpu.VMEM((16 * _L,), jnp.float32),
            pltpu.VMEM((16 * _L,), jnp.int32),
            pltpu.VMEM((16 * _L,), jnp.float32),
            pltpu.VMEM((16 * _L,), jnp.int32),
            pltpu.VMEM((_L,), jnp.float32),
            pltpu.SemaphoreType.DMA,
            pltpu.SemaphoreType.DMA,
        ],
    )(_sc_body)
    return run(d1_flat, d2_flat)


def _to_physical(d):
    return d.reshape(_B, _D, 2, 128, 2).transpose(0, 1, 2, 4, 3).reshape(-1)


def kernel(features1, features2, diagrams1, diagrams2):
    f_sq = _feature_sq_sum(features1, features2)
    parts = _sc_wasserstein(_to_physical(diagrams1), _to_physical(diagrams2))
    feat = f_sq[0, 0] / (_B * _FD)
    wass = jnp.sum(parts) / (_R * _K)
    return feat + wass

# --- scband reference (transcript-rebuilt; emitter-appended) ---
"""Pipeline reference for scband-topological-loss-37907381354925 (READ-ONLY COPY).

The authoritative reference and input builder live on the scoring server;
editing this copy changes nothing except your own understanding.
"""

import jax, jax.numpy as jnp
import numpy as np

B, D, P, FD = 4096, 3, 256, 512
K = 10
LAMBDA_WASSERSTEIN = 1.0

def setup_inputs(seed: int = 0) -> dict:
    key = jax.random.key(seed)
    k1, k2, k3, k4 = jax.random.split(key, 4)
    features1 = jax.random.normal(k1, (B, FD), dtype=jnp.float32)
    features2 = jax.random.normal(k2, (B, FD), dtype=jnp.float32)
    diagrams1 = jax.random.normal(k3, (B, D, P, 2), dtype=jnp.float32)
    diagrams2 = jax.random.normal(k4, (B, D, P, 2), dtype=jnp.float32)
    return {"features1": features1, "features2": features2, "diagrams1": diagrams1, "diagrams2": diagrams2}

def _top_points(diagrams):
    # persistence = death - birth
    pers = diagrams[..., 1] - diagrams[..., 0]  # [B, D, P]
    # sort descending by persistence (with randn inputs, all rows are 'active',
    # so the non-zero masking in the original module is the identity)
    idx = jnp.argsort(-pers, axis=-1)  # [B, D, P]
    sorted_pts = jnp.take_along_axis(diagrams, idx[..., None], axis=2)  # [B, D, P, 2]
    return sorted_pts[:, :, :K, :]  # top-K most persistent points

def reference(features1, features2, diagrams1, diagrams2):
    feature_loss = jnp.mean((features1 - features2) ** 2)
    top1 = _top_points(diagrams1)
    top2 = _top_points(diagrams2)
    point_distances = jnp.sum((top1 - top2) ** 2, axis=-1)  # [B, D, K]
    dim_distance = jnp.mean(point_distances, axis=-1)  # [B, D]
    # total_distance summed over (b, d) then divided by (B * D) == mean
    wasserstein = jnp.sum(dim_distance) / (dim_distance.shape[0] * dim_distance.shape[1])
    total_loss = feature_loss + LAMBDA_WASSERSTEIN * wasserstein
    return total_loss

if __name__ == "__main__":
    import jax
    _d = setup_inputs()
    print(jax.jit(kernel)(*tuple(_d.values())))

</pallas_src>

<mosaic_0001>
#map = affine_map<(d0, d1) -> (0)>
#map1 = affine_map<(d0, d1) -> (0, 0)>
module attributes {stable_mosaic.version = 14 : i64} {
  func.func @_sc_body(%arg0: i32, %arg1: i32, %arg2: memref<6291456xf32, #tpu.memory_space<hbm>>, %arg3: memref<6291456xf32, #tpu.memory_space<hbm>>, %arg4: memref<32x16xf32, #tpu.memory_space<hbm>>, %arg5: memref<8200xf32, #tpu.memory_space<vmem>>, %arg6: memref<8200xf32, #tpu.memory_space<vmem>>, %arg7: memref<8200xf32, #tpu.memory_space<vmem>>, %arg8: memref<8200xf32, #tpu.memory_space<vmem>>, %arg9: memref<4096xf32, #tpu.memory_space<vmem>>, %arg10: memref<4096xf32, #tpu.memory_space<vmem>>, %arg11: memref<256xf32, #tpu.memory_space<vmem>>, %arg12: memref<256xi32, #tpu.memory_space<vmem>>, %arg13: memref<256xf32, #tpu.memory_space<vmem>>, %arg14: memref<256xi32, #tpu.memory_space<vmem>>, %arg15: memref<16xf32, #tpu.memory_space<vmem>>, %arg16: memref<!tpu.dma_semaphore, #tpu.memory_space<semaphore_mem>>, %arg17: memref<!tpu.dma_semaphore, #tpu.memory_space<semaphore_mem>>) attributes {dimension_semantics = [#tpu.dimension_semantics<core_parallel>, #tpu.dimension_semantics<subcore_parallel>], iteration_bounds = array<i64: 2, 16>, scalar_prefetch = 0 : i64, scratch_operands = 13 : i64, tpu.core_type = #tpu.core_type<sc_vector_subcore>, window_params = [{transform_indices = #map}, {transform_indices = #map}, {transform_indices = #map1}]} {
    %mul3A = arith.constant 2 : i32
    %mul3A_0 = arith.muli %arg1, %mul3A : i32
    %add3A = arith.addi %mul3A_0, %arg0 : i32
    %iota3A = tpu.iota {dimensions = array<i32: 0>} : vector<16xi32>
    %broadcast_in_dim3A = arith.constant -3.400000e+38 : f32
    %broadcast_in_dim3A_1 = vector.broadcast %broadcast_in_dim3A : f32 to vector<16xf32>
    %broadcast_in_dim3A_2 = arith.constant 0 : i32
    %broadcast_in_dim3A_3 = vector.broadcast %broadcast_in_dim3A_2 : i32 to vector<16xi32>
    %eq3A = arith.constant 0 : i32
    %eq3A_4 = vector.broadcast %eq3A : i32 to vector<16xi32>
    %eq3A_5 = arith.cmpi eq, %iota3A, %eq3A_4 : vector<16xi32>
    %add3A_6 = arith.constant 0 : i32
    %add3A_7 = vector.broadcast %add3A_6 : i32 to vector<16xi32>
    %add3A_8 = arith.addi %iota3A, %add3A_7 : vector<16xi32>
    %and3A = arith.constant 15 : i32
    %and3A_9 = vector.broadcast %and3A : i32 to vector<16xi32>
    %and3A_10 = arith.andi %add3A_8, %and3A_9 : vector<16xi32>
    %add3A_11 = arith.constant 0 : i32
    %add3A_12 = vector.broadcast %add3A_11 : i32 to vector<16xi32>
    %add3A_13 = arith.addi %add3A_12, %and3A_10 : vector<16xi32>
    %add3A_14 = arith.constant 1 : i32
    %add3A_15 = vector.broadcast %add3A_14 : i32 to vector<16xi32>
    %add3A_16 = arith.addi %iota3A, %add3A_15 : vector<16xi32>
    %and3A_17 = arith.constant 15 : i32
    %and3A_18 = vector.broadcast %and3A_17 : i32 to vector<16xi32>
    %and3A_19 = arith.andi %add3A_16, %and3A_18 : vector<16xi32>
    %add3A_20 = arith.constant 16 : i32
    %add3A_21 = vector.broadcast %add3A_20 : i32 to vector<16xi32>
    %add3A_22 = arith.addi %add3A_21, %and3A_19 : vector<16xi32>
    %add3A_23 = arith.constant 2 : i32
    %add3A_24 = vector.broadcast %add3A_23 : i32 to vector<16xi32>
    %add3A_25 = arith.addi %iota3A, %add3A_24 : vector<16xi32>
    %and3A_26 = arith.constant 15 : i32
    %and3A_27 = vector.broadcast %and3A_26 : i32 to vector<16xi32>
    %and3A_28 = arith.andi %add3A_25, %and3A_27 : vector<16xi32>
    %add3A_29 = arith.constant 32 : i32
    %add3A_30 = vector.broadcast %add3A_29 : i32 to vector<16xi32>
    %add3A_31 = arith.addi %add3A_30, %and3A_28 : vector<16xi32>
    %add3A_32 = arith.constant 3 : i32
    %add3A_33 = vector.broadcast %add3A_32 : i32 to vector<16xi32>
    %add3A_34 = arith.addi %iota3A, %add3A_33 : vector<16xi32>
    %and3A_35 = arith.constant 15 : i32
    %and3A_36 = vector.broadcast %and3A_35 : i32 to vector<16xi32>
    %and3A_37 = arith.andi %add3A_34, %and3A_36 : vector<16xi32>
    %add3A_38 = arith.constant 48 : i32
    %add3A_39 = vector.broadcast %add3A_38 : i32 to vector<16xi32>
    %add3A_40 = arith.addi %add3A_39, %and3A_37 : vector<16xi32>
    %add3A_41 = arith.constant 4 : i32
    %add3A_42 = vector.broadcast %add3A_41 : i32 to vector<16xi32>
    %add3A_43 = arith.addi %iota3A, %add3A_42 : vector<16xi32>
    %and3A_44 = arith.constant 15 : i32
    %and3A_45 = vector.broadcast %and3A_44 : i32 to vector<16xi32>
    %and3A_46 = arith.andi %add3A_43, %and3A_45 : vector<16xi32>
    %add3A_47 = arith.constant 64 : i32
    %add3A_48 = vector.broadcast %add3A_47 : i32 to vector<16xi32>
    %add3A_49 = arith.addi %add3A_48, %and3A_46 : vector<16xi32>
    %add3A_50 = arith.constant 5 : i32
    %add3A_51 = vector.broadcast %add3A_50 : i32 to vector<16xi32>
    %add3A_52 = arith.addi %iota3A, %add3A_51 : vector<16xi32>
    %and3A_53 = arith.constant 15 : i32
    %and3A_54 = vector.broadcast %and3A_53 : i32 to vector<16xi32>
    %and3A_55 = arith.andi %add3A_52, %and3A_54 : vector<16xi32>
    %add3A_56 = arith.constant 80 : i32
    %add3A_57 = vector.broadcast %add3A_56 : i32 to vector<16xi32>
    %add3A_58 = arith.addi %add3A_57, %and3A_55 : vector<16xi32>
    %add3A_59 = arith.constant 6 : i32
    %add3A_60 = vector.broadcast %add3A_59 : i32 to vector<16xi32>
    %add3A_61 = arith.addi %iota3A, %add3A_60 : vector<16xi32>
    %and3A_62 = arith.constant 15 : i32
    %and3A_63 = vector.broadcast %and3A_62 : i32 to vector<16xi32>
    %and3A_64 = arith.andi %add3A_61, %and3A_63 : vector<16xi32>
    %add3A_65 = arith.constant 96 : i32
    %add3A_66 = vector.broadcast %add3A_65 : i32 to vector<16xi32>
    %add3A_67 = arith.addi %add3A_66, %and3A_64 : vector<16xi32>
    %add3A_68 = arith.constant 7 : i32
    %add3A_69 = vector.broadcast %add3A_68 : i32 to vector<16xi32>
    %add3A_70 = arith.addi %iota3A, %add3A_69 : vector<16xi32>
    %and3A_71 = arith.constant 15 : i32
    %and3A_72 = vector.broadcast %and3A_71 : i32 to vector<16xi32>
    %and3A_73 = arith.andi %add3A_70, %and3A_72 : vector<16xi32>
    %add3A_74 = arith.constant 112 : i32
    %add3A_75 = vector.broadcast %add3A_74 : i32 to vector<16xi32>
    %add3A_76 = arith.addi %add3A_75, %and3A_73 : vector<16xi32>
    %add3A_77 = arith.constant 8 : i32
    %add3A_78 = vector.broadcast %add3A_77 : i32 to vector<16xi32>
    %add3A_79 = arith.addi %iota3A, %add3A_78 : vector<16xi32>
    %and3A_80 = arith.constant 15 : i32
    %and3A_81 = vector.broadcast %and3A_80 : i32 to vector<16xi32>
    %and3A_82 = arith.andi %add3A_79, %and3A_81 : vector<16xi32>
    %add3A_83 = arith.constant 128 : i32
    %add3A_84 = vector.broadcast %add3A_83 : i32 to vector<16xi32>
    %add3A_85 = arith.addi %add3A_84, %and3A_82 : vector<16xi32>
    %add3A_86 = arith.constant 9 : i32
    %add3A_87 = vector.broadcast %add3A_86 : i32 to vector<16xi32>
    %add3A_88 = arith.addi %iota3A, %add3A_87 : vector<16xi32>
    %and3A_89 = arith.constant 15 : i32
    %and3A_90 = vector.broadcast %and3A_89 : i32 to vector<16xi32>
    %and3A_91 = arith.andi %add3A_88, %and3A_90 : vector<16xi32>
    %add3A_92 = arith.constant 144 : i32
    %add3A_93 = vector.broadcast %add3A_92 : i32 to vector<16xi32>
    %add3A_94 = arith.addi %add3A_93, %and3A_91 : vector<16xi32>
    %add3A_95 = arith.constant 10 : i32
    %add3A_96 = vector.broadcast %add3A_95 : i32 to vector<16xi32>
    %add3A_97 = arith.addi %iota3A, %add3A_96 : vector<16xi32>
    %and3A_98 = arith.constant 15 : i32
    %and3A_99 = vector.broadcast %and3A_98 : i32 to vector<16xi32>
    %and3A_100 = arith.andi %add3A_97, %and3A_99 : vector<16xi32>
    %add3A_101 = arith.constant 160 : i32
    %add3A_102 = vector.broadcast %add3A_101 : i32 to vector<16xi32>
    %add3A_103 = arith.addi %add3A_102, %and3A_100 : vector<16xi32>
    %add3A_104 = arith.constant 11 : i32
    %add3A_105 = vector.broadcast %add3A_104 : i32 to vector<16xi32>
    %add3A_106 = arith.addi %iota3A, %add3A_105 : vector<16xi32>
    %and3A_107 = arith.constant 15 : i32
    %and3A_108 = vector.broadcast %and3A_107 : i32 to vector<16xi32>
    %and3A_109 = arith.andi %add3A_106, %and3A_108 : vector<16xi32>
    %add3A_110 = arith.constant 176 : i32
    %add3A_111 = vector.broadcast %add3A_110 : i32 to vector<16xi32>
    %add3A_112 = arith.addi %add3A_111, %and3A_109 : vector<16xi32>
    %add3A_113 = arith.constant 12 : i32
    %add3A_114 = vector.broadcast %add3A_113 : i32 to vector<16xi32>
    %add3A_115 = arith.addi %iota3A, %add3A_114 : vector<16xi32>
    %and3A_116 = arith.constant 15 : i32
    %and3A_117 = vector.broadcast %and3A_116 : i32 to vector<16xi32>
    %and3A_118 = arith.andi %add3A_115, %and3A_117 : vector<16xi32>
    %add3A_119 = arith.constant 192 : i32
    %add3A_120 = vector.broadcast %add3A_119 : i32 to vector<16xi32>
    %add3A_121 = arith.addi %add3A_120, %and3A_118 : vector<16xi32>
    %add3A_122 = arith.constant 13 : i32
    %add3A_123 = vector.broadcast %add3A_122 : i32 to vector<16xi32>
    %add3A_124 = arith.addi %iota3A, %add3A_123 : vector<16xi32>
    %and3A_125 = arith.constant 15 : i32
    %and3A_126 = vector.broadcast %and3A_125 : i32 to vector<16xi32>
    %and3A_127 = arith.andi %add3A_124, %and3A_126 : vector<16xi32>
    %add3A_128 = arith.constant 208 : i32
    %add3A_129 = vector.broadcast %add3A_128 : i32 to vector<16xi32>
    %add3A_130 = arith.addi %add3A_129, %and3A_127 : vector<16xi32>
    %add3A_131 = arith.constant 14 : i32
    %add3A_132 = vector.broadcast %add3A_131 : i32 to vector<16xi32>
    %add3A_133 = arith.addi %iota3A, %add3A_132 : vector<16xi32>
    %and3A_134 = arith.constant 15 : i32
    %and3A_135 = vector.broadcast %and3A_134 : i32 to vector<16xi32>
    %and3A_136 = arith.andi %add3A_133, %and3A_135 : vector<16xi32>
    %add3A_137 = arith.constant 224 : i32
    %add3A_138 = vector.broadcast %add3A_137 : i32 to vector<16xi32>
    %add3A_139 = arith.addi %add3A_138, %and3A_136 : vector<16xi32>
    %add3A_140 = arith.constant 15 : i32
    %add3A_141 = vector.broadcast %add3A_140 : i32 to vector<16xi32>
    %add3A_142 = arith.addi %iota3A, %add3A_141 : vector<16xi32>
    %and3A_143 = arith.constant 15 : i32
    %and3A_144 = vector.broadcast %and3A_143 : i32 to vector<16xi32>
    %and3A_145 = arith.andi %add3A_142, %and3A_144 : vector<16xi32>
    %add3A_146 = arith.constant 240 : i32
    %add3A_147 = vector.broadcast %add3A_146 : i32 to vector<16xi32>
    %add3A_148 = arith.addi %add3A_147, %and3A_145 : vector<16xi32>
    %mul3A_149 = arith.constant 24 : i32
    %mul3A_150 = arith.muli %add3A, %mul3A_149 : i32
    %add3A_151 = arith.constant 0 : i32
    %add3A_152 = arith.addi %mul3A_150, %add3A_151 : i32
    %mul3A_153 = arith.constant 8192 : i32
    %mul3A_154 = arith.muli %add3A_152, %mul3A_153 : i32
    %dma_start3A = arith.constant 0 : i32
    %dma_start3A_155 = tpu.memref_slice %arg5[%dma_start3A] : memref<8200xf32, #tpu.memory_space<vmem>> -> memref<8192xf32, #tpu.memory_space<vmem>>
    %dma_start3A_156 = tpu.memref_slice %arg2[%mul3A_154] : memref<6291456xf32, #tpu.memory_space<hbm>> -> memref<8192xf32, #tpu.memory_space<hbm>>
    %dma_start3A_157 = arith.constant 0 : i32
    %dma_start3A_158 = tpu.memref_slice %arg5[%dma_start3A_157] : memref<8200xf32, #tpu.memory_space<vmem>> -> memref<8192xf32, #tpu.memory_space<vmem>>
    %dma_start3A_159 = tpu.memref_slice %arg2[%mul3A_154] : memref<6291456xf32, #tpu.memory_space<hbm>> -> memref<8192xf32, #tpu.memory_space<hbm>>
    tpu.enqueue_dma source(%dma_start3A_159 : memref<8192xf32, #tpu.memory_space<hbm>>) target(%dma_start3A_158 : memref<8192xf32, #tpu.memory_space<vmem>>) target_semaphore(%arg16 : memref<!tpu.dma_semaphore, #tpu.memory_space<semaphore_mem>>)
    %dma_start3A_160 = arith.constant 0 : i32
    %dma_start3A_161 = tpu.memref_slice %arg6[%dma_start3A_160] : memref<8200xf32, #tpu.memory_space<vmem>> -> memref<8192xf32, #tpu.memory_space<vmem>>
    %dma_start3A_162 = tpu.memref_slice %arg3[%mul3A_154] : memref<6291456xf32, #tpu.memory_space<hbm>> -> memref<8192xf32, #tpu.memory_space<hbm>>
    %dma_start3A_163 = arith.constant 0 : i32
    %dma_start3A_164 = tpu.memref_slice %arg6[%dma_start3A_163] : memref<8200xf32, #tpu.memory_space<vmem>> -> memref<8192xf32, #tpu.memory_space<vmem>>
    %dma_start3A_165 = tpu.memref_slice %arg3[%mul3A_154] : memref<6291456xf32, #tpu.memory_space<hbm>> -> memref<8192xf32, #tpu.memory_space<hbm>>
    tpu.enqueue_dma source(%dma_start3A_165 : memref<8192xf32, #tpu.memory_space<hbm>>) target(%dma_start3A_164 : memref<8192xf32, #tpu.memory_space<vmem>>) target_semaphore(%arg16 : memref<!tpu.dma_semaphore, #tpu.memory_space<semaphore_mem>>)
    %broadcast_in_dim3A_166 = arith.constant 0.000000e+00 : f32
    %broadcast_in_dim3A_167 = vector.broadcast %broadcast_in_dim3A_166 : f32 to vector<16xf32>
    %scan3A = arith.constant 0 : i32
    %scan3A_168 = arith.constant 12 : i32
    %scan3A_169 = arith.addi %scan3A, %scan3A_168 : i32
    %scan3A_170 = arith.constant 1 : i32
    %scan3A_171 = scf.for %scan3A_189 = %scan3A to %scan3A_169 step %scan3A_170 iter_args(%scan3A_190 = %broadcast_in_dim3A_167) -> (vector<16xf32>)  : i32 {
      %mul3A_191 = arith.constant 2 : i32
      %mul3A_192 = arith.muli %scan3A_189, %mul3A_191 : i32
      %add3A_193 = arith.constant 1 : i32
      %add3A_194 = arith.addi %mul3A_192, %add3A_193 : i32
      %mul3A_195 = arith.constant 24 : i32
      %mul3A_196 = arith.muli %add3A, %mul3A_195 : i32
      %add3A_197 = arith.addi %mul3A_196, %add3A_194 : i32
      %mul3A_198 = arith.constant 8192 : i32
      %mul3A_199 = arith.muli %add3A_197, %mul3A_198 : i32
      %dma_start3A_200 = arith.constant 0 : i32
      %dma_start3A_201 = tpu.memref_slice %arg7[%dma_start3A_200] : memref<8200xf32, #tpu.memory_space<vmem>> -> memref<8192xf32, #tpu.memory_space<vmem>>
      %dma_start3A_202 = tpu.memref_slice %arg2[%mul3A_199] : memref<6291456xf32, #tpu.memory_space<hbm>> -> memref<8192xf32, #tpu.memory_space<hbm>>
      %dma_start3A_203 = arith.constant 0 : i32
      %dma_start3A_204 = tpu.memref_slice %arg7[%dma_start3A_203] : memref<8200xf32, #tpu.memory_space<vmem>> -> memref<8192xf32, #tpu.memory_space<vmem>>
      %dma_start3A_205 = tpu.memref_slice %arg2[%mul3A_199] : memref<6291456xf32, #tpu.memory_space<hbm>> -> memref<8192xf32, #tpu.memory_space<hbm>>
      tpu.enqueue_dma source(%dma_start3A_205 : memref<8192xf32, #tpu.memory_space<hbm>>) target(%dma_start3A_204 : memref<8192xf32, #tpu.memory_space<vmem>>) target_semaphore(%arg17 : memref<!tpu.dma_semaphore, #tpu.memory_space<semaphore_mem>>)
      %dma_start3A_206 = arith.constant 0 : i32
      %dma_start3A_207 = tpu.memref_slice %arg8[%dma_start3A_206] : memref<8200xf32, #tpu.memory_space<vmem>> -> memref<8192xf32, #tpu.memory_space<vmem>>
      %dma_start3A_208 = tpu.memref_slice %arg3[%mul3A_199] : memref<6291456xf32, #tpu.memory_space<hbm>> -> memref<8192xf32, #tpu.memory_space<hbm>>
      %dma_start3A_209 = arith.constant 0 : i32
      %dma_start3A_210 = tpu.memref_slice %arg8[%dma_start3A_209] : memref<8200xf32, #tpu.memory_space<vmem>> -> memref<8192xf32, #tpu.memory_space<vmem>>
      %dma_start3A_211 = tpu.memref_slice %arg3[%mul3A_199] : memref<6291456xf32, #tpu.memory_space<hbm>> -> memref<8192xf32, #tpu.memory_space<hbm>>
      tpu.enqueue_dma source(%dma_start3A_211 : memref<8192xf32, #tpu.memory_space<hbm>>) target(%dma_start3A_210 : memref<8192xf32, #tpu.memory_space<vmem>>) target_semaphore(%arg17 : memref<!tpu.dma_semaphore, #tpu.memory_space<semaphore_mem>>)
      %mul3A_212 = arith.constant 24 : i32
      %mul3A_213 = arith.muli %add3A, %mul3A_212 : i32
      %mul3A_214 = arith.constant 8192 : i32
      %mul3A_215 = arith.muli %mul3A_213, %mul3A_214 : i32
      %dma_wait3A_216 = arith.constant 0 : i32
      %dma_wait3A_217 = tpu.memref_slice %arg5[%dma_wait3A_216] : memref<8200xf32, #tpu.memory_space<vmem>> -> memref<8192xf32, #tpu.memory_space<vmem>>
      %dma_wait3A_218 = tpu.memref_slice %arg2[%mul3A_215] : memref<6291456xf32, #tpu.memory_space<hbm>> -> memref<8192xf32, #tpu.memory_space<hbm>>
      %dma_wait3A_219 = arith.constant 0 : i32
      %dma_wait3A_220 = tpu.memref_slice %arg5[%dma_wait3A_219] : memref<8200xf32, #tpu.memory_space<vmem>> -> memref<8192xf32, #tpu.memory_space<vmem>>
      %dma_wait3A_221 = tpu.memref_slice %arg2[%mul3A_215] : memref<6291456xf32, #tpu.memory_space<hbm>> -> memref<8192xf32, #tpu.memory_space<hbm>>
      tpu.wait_dma2 semaphore(%arg16 : memref<!tpu.dma_semaphore, #tpu.memory_space<semaphore_mem>>) src(%dma_wait3A_221 : memref<8192xf32, #tpu.memory_space<hbm>>) dst(%dma_wait3A_220 : memref<8192xf32, #tpu.memory_space<vmem>>)
      %dma_wait3A_222 = arith.constant 0 : i32
      %dma_wait3A_223 = tpu.memref_slice %arg6[%dma_wait3A_222] : memref<8200xf32, #tpu.memory_space<vmem>> -> memref<8192xf32, #tpu.memory_space<vmem>>
      %dma_wait3A_224 = tpu.memref_slice %arg3[%mul3A_215] : memref<6291456xf32, #tpu.memory_space<hbm>> -> memref<8192xf32, #tpu.memory_space<hbm>>
      %dma_wait3A_225 = arith.constant 0 : i32
      %dma_wait3A_226 = tpu.memref_slice %arg6[%dma_wait3A_225] : memref<8200xf32, #tpu.memory_space<vmem>> -> memref<8192xf32, #tpu.memory_space<vmem>>
      %dma_wait3A_227 = tpu.memref_slice %arg3[%mul3A_215] : memref<6291456xf32, #tpu.memory_space<hbm>> -> memref<8192xf32, #tpu.memory_space<hbm>>
      tpu.wait_dma2 semaphore(%arg16 : memref<!tpu.dma_semaphore, #tpu.memory_space<semaphore_mem>>) src(%dma_wait3A_227 : memref<8192xf32, #tpu.memory_space<hbm>>) dst(%dma_wait3A_226 : memref<8192xf32, #tpu.memory_space<vmem>>)
      %scan3A_228 = arith.constant 0 : i32
      %scan3A_229 = arith.constant 0 : i32
      %scan3A_230 = arith.constant 16 : i32
      %scan3A_231 = arith.addi %scan3A_229, %scan3A_230 : i32
      %scan3A_232 = arith.constant 1 : i32
      scf.for %scan3A_838 = %scan3A_229 to %scan3A_231 step %scan3A_232  : i32 {
        %broadcast_in_dim3A_839 = vector.broadcast %scan3A_838 : i32 to vector<16xi32>
        %add3A_840 = arith.addi %broadcast_in_dim3A_839, %iota3A : vector<16xi32>
        %and3A_841 = arith.constant 15 : i32
        %and3A_842 = vector.broadcast %and3A_841 : i32 to vector<16xi32>
        %and3A_843 = arith.andi %add3A_840, %and3A_842 : vector<16xi32>
        %mul3A_844 = arith.constant 16 : i32
        %mul3A_845 = vector.broadcast %mul3A_844 : i32 to vector<16xi32>
        %mul3A_846 = arith.muli %iota3A, %mul3A_845 : vector<16xi32>
        %add3A_847 = arith.addi %mul3A_846, %and3A_843 : vector<16xi32>
        %mul3A_848 = arith.constant 512 : i32
        %mul3A_849 = arith.muli %scan3A_838, %mul3A_848 : i32
        %add3A_850 = arith.constant 0 : i32
        %add3A_851 = arith.addi %mul3A_849, %add3A_850 : i32
        %add3A_852 = arith.constant 0 : i32
        %add3A_853 = arith.addi %add3A_851, %add3A_852 : i32
        %get3A_854 = arith.index_cast %add3A_853 : i32 to index
        %get3A_855 = tpu.vector_load %arg5[%get3A_854] {strides = array<i32>} : memref<8200xf32, #tpu.memory_space<vmem>>, vector<16xf32>,
        %add3A_856 = arith.constant 128 : i32
        %add3A_857 = arith.addi %add3A_853, %add3A_856 : i32
        %get3A_858 = arith.index_cast %add3A_857 : i32 to index
        %get3A_859 = tpu.vector_load %arg5[%get3A_858] {strides = array<i32>} : memref<8200xf32, #tpu.memory_space<vmem>>, vector<16xf32>,
        %mul3A_860 = arith.constant 512 : i32
        %mul3A_861 = arith.muli %scan3A_838, %mul3A_860 : i32
        %add3A_862 = arith.constant 0 : i32
        %add3A_863 = arith.addi %mul3A_861, %add3A_862 : i32
        %add3A_864 = arith.constant 16 : i32
        %add3A_865 = arith.addi %add3A_863, %add3A_864 : i32
        %get3A_866 = arith.index_cast %add3A_865 : i32 to index
        %get3A_867 = tpu.vector_load %arg5[%get3A_866] {strides = array<i32>} : memref<8200xf32, #tpu.memory_space<vmem>>, vector<16xf32>,
        %add3A_868 = arith.constant 128 : i32
        %add3A_869 = arith.addi %add3A_865, %add3A_868 : i32
        %get3A_870 = arith.index_cast %add3A_869 : i32 to index
        %get3A_871 = tpu.vector_load %arg5[%get3A_870] {strides = array<i32>} : memref<8200xf32, #tpu.memory_space<vmem>>, vector<16xf32>,
        %mul3A_872 = arith.constant 512 : i32
        %mul3A_873 = arith.muli %scan3A_838, %mul3A_872 : i32
        %add3A_874 = arith.constant 0 : i32
        %add3A_875 = arith.addi %mul3A_873, %add3A_874 : i32
        %add3A_876 = arith.constant 32 : i32
        %add3A_877 = arith.addi %add3A_875, %add3A_876 : i32
        %get3A_878 = arith.index_cast %add3A_877 : i32 to index
        %get3A_879 = tpu.vector_load %arg5[%get3A_878] {strides = array<i32>} : memref<8200xf32, #tpu.memory_space<vmem>>, vector<16xf32>,
        %add3A_880 = arith.constant 128 : i32
        %add3A_881 = arith.addi %add3A_877, %add3A_880 : i32
        %get3A_882 = arith.index_cast %add3A_881 : i32 to index
        %get3A_883 = tpu.vector_load %arg5[%get3A_882] {strides = array<i32>} : memref<8200xf32, #tpu.memory_space<vmem>>, vector<16xf32>,
        %mul3A_884 = arith.constant 512 : i32
        %mul3A_885 = arith.muli %scan3A_838, %mul3A_884 : i32
        %add3A_886 = arith.constant 0 : i32
        %add3A_887 = arith.addi %mul3A_885, %add3A_886 : i32
        %add3A_888 = arith.constant 48 : i32
        %add3A_889 = arith.addi %add3A_887, %add3A_888 : i32
        %get3A_890 = arith.index_cast %add3A_889 : i32 to index
        %get3A_891 = tpu.vector_load %arg5[%get3A_890] {strides = array<i32>} : memref<8200xf32, #tpu.memory_space<vmem>>, vector<16xf32>,
        %add3A_892 = arith.constant 128 : i32
        %add3A_893 = arith.addi %add3A_889, %add3A_892 : i32
        %get3A_894 = arith.index_cast %add3A_893 : i32 to index
        %get3A_895 = tpu.vector_load %arg5[%get3A_894] {strides = array<i32>} : memref<8200xf32, #tpu.memory_space<vmem>>, vector<16xf32>,
        %mul3A_896 = arith.constant 512 : i32
        %mul3A_897 = arith.muli %scan3A_838, %mul3A_896 : i32
        %add3A_898 = arith.constant 0 : i32
        %add3A_899 = arith.addi %mul3A_897, %add3A_898 : i32
        %add3A_900 = arith.constant 64 : i32
        %add3A_901 = arith.addi %add3A_899, %add3A_900 : i32
        %get3A_902 = arith.index_cast %add3A_901 : i32 to index
        %get3A_903 = tpu.vector_load %arg5[%get3A_902] {strides = array<i32>} : memref<8200xf32, #tpu.memory_space<vmem>>, vector<16xf32>,
        %add3A_904 = arith.constant 128 : i32
        %add3A_905 = arith.addi %add3A_901, %add3A_904 : i32
        %get3A_906 = arith.index_cast %add3A_905 : i32 to index
        %get3A_907 = tpu.vector_load %arg5[%get3A_906] {strides = array<i32>} : memref<8200xf32, #tpu.memory_space<vmem>>, vector<16xf32>,
        %mul3A_908 = arith.constant 512 : i32
        %mul3A_909 = arith.muli %scan3A_838, %mul3A_908 : i32
        %add3A_910 = arith.constant 0 : i32
        %add3A_911 = arith.addi %mul3A_909, %add3A_910 : i32
        %add3A_912 = arith.constant 80 : i32
        %add3A_913 = arith.addi %add3A_911, %add3A_912 : i32
        %get3A_914 = arith.index_cast %add3A_913 : i32 to index
        %get3A_915 = tpu.vector_load %arg5[%get3A_914] {strides = array<i32>} : memref<8200xf32, #tpu.memory_space<vmem>>, vector<16xf32>,
        %add3A_916 = arith.constant 128 : i32
        %add3A_917 = arith.addi %add3A_913, %add3A_916 : i32
        %get3A_918 = arith.index_cast %add3A_917 : i32 to index
        %get3A_919 = tpu.vector_load %arg5[%get3A_918] {strides = array<i32>} : memref<8200xf32, #tpu.memory_space<vmem>>, vector<16xf32>,
        %mul3A_920 = arith.constant 512 : i32
        %mul3A_921 = arith.muli %scan3A_838, %mul3A_920 : i32
        %add3A_922 = arith.constant 0 : i32
        %add3A_923 = arith.addi %mul3A_921, %add3A_922 : i32
        %add3A_924 = arith.constant 96 : i32
        %add3A_925 = arith.addi %add3A_923, %add3A_924 : i32
        %get3A_926 = arith.index_cast %add3A_925 : i32 to index
        %get3A_927 = tpu.vector_load %arg5[%get3A_926] {strides = array<i32>} : memref<8200xf32, #tpu.memory_space<vmem>>, vector<16xf32>,
        %add3A_928 = arith.constant 128 : i32
        %add3A_929 = arith.addi %add3A_925, %add3A_928 : i32
        %get3A_930 = arith.index_cast %add3A_929 : i32 to index
        %get3A_931 = tpu.vector_load %arg5[%get3A_930] {strides = array<i32>} : memref<8200xf32, #tpu.memory_space<vmem>>, vector<16xf32>,
        %mul3A_932 = arith.constant 512 : i32
        %mul3A_933 = arith.muli %scan3A_838, %mul3A_932 : i32
        %add3A_934 = arith.constant 0 : i32
        %add3A_935 = arith.addi %mul3A_933, %add3A_934 : i32
        %add3A_936 = arith.constant 112 : i32
        %add3A_937 = arith.addi %add3A_935, %add3A_936 : i32
        %get3A_938 = arith.index_cast %add3A_937 : i32 to index
        %get3A_939 = tpu.vector_load %arg5[%get3A_938] {strides = array<i32>} : memref<8200xf32, #tpu.memory_space<vmem>>, vector<16xf32>,
        %add3A_940 = arith.constant 128 : i32
        %add3A_941 = arith.addi %add3A_937, %add3A_940 : i32
        %get3A_942 = arith.index_cast %add3A_941 : i32 to index
        %get3A_943 = tpu.vector_load %arg5[%get3A_942] {strides = array<i32>} : memref<8200xf32, #tpu.memory_space<vmem>>, vector<16xf32>,
        %mul3A_944 = arith.constant 512 : i32
        %mul3A_945 = arith.muli %scan3A_838, %mul3A_944 : i32
        %add3A_946 = arith.constant 256 : i32
        %add3A_947 = arith.addi %mul3A_945, %add3A_946 : i32
        %add3A_948 = arith.constant 0 : i32
        %add3A_949 = arith.addi %add3A_947, %add3A_948 : i32
        %get3A_950 = arith.index_cast %add3A_949 : i32 to index
        %get3A_951 = tpu.vector_load %arg5[%get3A_950] {strides = array<i32>} : memref<8200xf32, #tpu.memory_space<vmem>>, vector<16xf32>,
        %add3A_952 = arith.constant 128 : i32
        %add3A_953 = arith.addi %add3A_949, %add3A_952 : i32
        %get3A_954 = arith.index_cast %add3A_953 : i32 to index
        %get3A_955 = tpu.vector_load %arg5[%get3A_954] {strides = array<i32>} : memref<8200xf32, #tpu.memory_space<vmem>>, vector<16xf32>,
        %mul3A_956 = arith.constant 512 : i32
        %mul3A_957 = arith.muli %scan3A_838, %mul3A_956 : i32
        %add3A_958 = arith.constant 256 : i32
        %add3A_959 = arith.addi %mul3A_957, %add3A_958 : i32
        %add3A_960 = arith.constant 16 : i32
        %add3A_961 = arith.addi %add3A_959, %add3A_960 : i32
        %get3A_962 = arith.index_cast %add3A_961 : i32 to index
        %get3A_963 = tpu.vector_load %arg5[%get3A_962] {strides = array<i32>} : memref<8200xf32, #tpu.memory_space<vmem>>, vector<16xf32>,
        %add3A_964 = arith.constant 128 : i32
        %add3A_965 = arith.addi %add3A_961, %add3A_964 : i32
        %get3A_966 = arith.index_cast %add3A_965 : i32 to index
        %get3A_967 = tpu.vector_load %arg5[%get3A_966] {strides = array<i32>} : memref<8200xf32, #tpu.memory_space<vmem>>, vector<16xf32>,
        %mul3A_968 = arith.constant 512 : i32
        %mul3A_969 = arith.muli %scan3A_838, %mul3A_968 : i32
        %add3A_970 = arith.constant 256 : i32
        %add3A_971 = arith.addi %mul3A_969, %add3A_970 : i32
        %add3A_972 = arith.constant 32 : i32
        %add3A_973 = arith.addi %add3A_971, %add3A_972 : i32
        %get3A_974 = arith.index_cast %add3A_973 : i32 to index
        %get3A_975 = tpu.vector_load %arg5[%get3A_974] {strides = array<i32>} : memref<8200xf32, #tpu.memory_space<vmem>>, vector<16xf32>,
        %add3A_976 = arith.constant 128 : i32
        %add3A_977 = arith.addi %add3A_973, %add3A_976 : i32
        %get3A_978 = arith.index_cast %add3A_977 : i32 to index
        %get3A_979 = tpu.vector_load %arg5[%get3A_978] {strides = array<i32>} : memref<8200xf32, #tpu.memory_space<vmem>>, vector<16xf32>,
        %mul3A_980 = arith.constant 512 : i32
        %mul3A_981 = arith.muli %scan3A_838, %mul3A_980 : i32
        %add3A_982 = arith.constant 256 : i32
        %add3A_983 = arith.addi %mul3A_981, %add3A_982 : i32
        %add3A_984 = arith.constant 48 : i32
        %add3A_985 = arith.addi %add3A_983, %add3A_984 : i32
        %get3A_986 = arith.index_cast %add3A_985 : i32 to index
        %get3A_987 = tpu.vector_load %arg5[%get3A_986] {strides = array<i32>} : memref<8200xf32, #tpu.memory_space<vmem>>, vector<16xf32>,
        %add3A_988 = arith.constant 128 : i32
        %add3A_989 = arith.addi %add3A_985, %add3A_988 : i32
        %get3A_990 = arith.index_cast %add3A_989 : i32 to index
        %get3A_991 = tpu.vector_load %arg5[%get3A_990] {strides = array<i32>} : memref<8200xf32, #tpu.memory_space<vmem>>, vector<16xf32>,
        %mul3A_992 = arith.constant 512 : i32
        %mul3A_993 = arith.muli %scan3A_838, %mul3A_992 : i32
        %add3A_994 = arith.constant 256 : i32
        %add3A_995 = arith.addi %mul3A_993, %add3A_994 : i32
        %add3A_996 = arith.constant 64 : i32
        %add3A_997 = arith.addi %add3A_995, %add3A_996 : i32
        %get3A_998 = arith.index_cast %add3A_997 : i32 to index
        %get3A_999 = tpu.vector_load %arg5[%get3A_998] {strides = array<i32>} : memref<8200xf32, #tpu.memory_space<vmem>>, vector<16xf32>,
        %add3A_1000 = arith.constant 128 : i32
        %add3A_1001 = arith.addi %add3A_997, %add3A_1000 : i32
        %get3A_1002 = arith.index_cast %add3A_1001 : i32 to index
        %get3A_1003 = tpu.vector_load %arg5[%get3A_1002] {strides = array<i32>} : memref<8200xf32, #tpu.memory_space<vmem>>, vector<16xf32>,
        %mul3A_1004 = arith.constant 512 : i32
        %mul3A_1005 = arith.muli %scan3A_838, %mul3A_1004 : i32
        %add3A_1006 = arith.constant 256 : i32
        %add3A_1007 = arith.addi %mul3A_1005, %add3A_1006 : i32
        %add3A_1008 = arith.constant 80 : i32
        %add3A_1009 = arith.addi %add3A_1007, %add3A_1008 : i32
        %get3A_1010 = arith.index_cast %add3A_1009 : i32 to index
        %get3A_1011 = tpu.vector_load %arg5[%get3A_1010] {strides = array<i32>} : memref<8200xf32, #tpu.memory_space<vmem>>, vector<16xf32>,
        %add3A_1012 = arith.constant 128 : i32
        %add3A_1013 = arith.addi %add3A_1009, %add3A_1012 : i32
        %get3A_1014 = arith.index_cast %add3A_1013 : i32 to index
        %get3A_1015 = tpu.vector_load %arg5[%get3A_1014] {strides = array<i32>} : memref<8200xf32, #tpu.memory_space<vmem>>, vector<16xf32>,
        %mul3A_1016 = arith.constant 512 : i32
        %mul3A_1017 = arith.muli %scan3A_838, %mul3A_1016 : i32
        %add3A_1018 = arith.constant 256 : i32
        %add3A_1019 = arith.addi %mul3A_1017, %add3A_1018 : i32
        %add3A_1020 = arith.constant 96 : i32
        %add3A_1021 = arith.addi %add3A_1019, %add3A_1020 : i32
        %get3A_1022 = arith.index_cast %add3A_1021 : i32 to index
        %get3A_1023 = tpu.vector_load %arg5[%get3A_1022] {strides = array<i32>} : memref<8200xf32, #tpu.memory_space<vmem>>, vector<16xf32>,
        %add3A_1024 = arith.constant 128 : i32
        %add3A_1025 = arith.addi %add3A_1021, %add3A_1024 : i32
        %get3A_1026 = arith.index_cast %add3A_1025 : i32 to index
        %get3A_1027 = tpu.vector_load %arg5[%get3A_1026] {strides = array<i32>} : memref<8200xf32, #tpu.memory_space<vmem>>, vector<16xf32>,
        %mul3A_1028 = arith.constant 512 : i32
        %mul3A_1029 = arith.muli %scan3A_838, %mul3A_1028 : i32
        %add3A_1030 = arith.constant 256 : i32
        %add3A_1031 = arith.addi %mul3A_1029, %add3A_1030 : i32
        %add3A_1032 = arith.constant 112 : i32
        %add3A_1033 = arith.addi %add3A_1031, %add3A_1032 : i32
        %get3A_1034 = arith.index_cast %add3A_1033 : i32 to index
        %get3A_1035 = tpu.vector_load %arg5[%get3A_1034] {strides = array<i32>} : memref<8200xf32, #tpu.memory_space<vmem>>, vector<16xf32>,
        %add3A_1036 = arith.constant 128 : i32
        %add3A_1037 = arith.addi %add3A_1033, %add3A_1036 : i32
        %get3A_1038 = arith.index_cast %add3A_1037 : i32 to index
        %get3A_1039 = tpu.vector_load %arg5[%get3A_1038] {strides = array<i32>} : memref<8200xf32, #tpu.memory_space<vmem>>, vector<16xf32>,
        %sub3A_1040 = arith.subf %get3A_859, %get3A_855 : vector<16xf32>
        %add3A_1041 = arith.constant 0 : i32
        %add3A_1042 = vector.broadcast %add3A_1041 : i32 to vector<16xi32>
        %add3A_1043 = arith.addi %add3A_847, %add3A_1042 : vector<16xi32>
        tpu.vector_store_idx %arg9[%add3A_1043], %sub3A_1040 : memref<4096xf32, #tpu.memory_space<vmem>>[vector<16xi32>], vector<16xf32>,
        %reduce_max3A = arith.constant true
        %reduce_max3A_1044 = vector.broadcast %reduce_max3A : i1 to vector<16xi1>
        %reduce_max3A_1045 = tpu.scan <max>, %sub3A_1040 masked %reduce_max3A_1044 : vector<16xf32>, vector<16xi1> -> vector<16xf32>
        %reduce_max3A_1046 = vector.extract %reduce_max3A_1045[15] : f32 from vector<16xf32>
        %eq3A_1047 = vector.broadcast %reduce_max3A_1046 : f32 to vector<16xf32>
        %eq3A_1048 = arith.cmpf oeq, %sub3A_1040, %eq3A_1047 : vector<16xf32>
        %all_reduce_ffs3A = tpu.all_reduce %eq3A_1048 {dim = 0 : i64, kind = #tpu.reduction_kind<find_first_set>} : vector<16xi1> -> vector<16xi32>
        %add3A_1049 = arith.constant 0 : i32
        %add3A_1050 = vector.broadcast %add3A_1049 : i32 to vector<16xi32>
        %add3A_1051 = arith.addi %all_reduce_ffs3A, %add3A_1050 : vector<16xi32>
        %add3A_1052 = arith.constant 0 : i32
        %add3A_1053 = arith.addi %add3A_1052, %scan3A_838 : i32
        %broadcast_in_dim3A_1054 = vector.broadcast %add3A_1053 : i32 to vector<16xi32>
        %broadcast_in_dim3A_1055 = vector.broadcast %reduce_max3A_1046 : f32 to vector<16xf32>
        tpu.vector_store_idx %arg11[%broadcast_in_dim3A_1054], %broadcast_in_dim3A_1055 masked %eq3A_5 : memref<256xf32, #tpu.memory_space<vmem>>[vector<16xi32>], vector<16xf32>, vector<16xi1>
        tpu.vector_store_idx %arg12[%broadcast_in_dim3A_1054], %add3A_1051 masked %eq3A_5 : memref<256xi32, #tpu.memory_space<vmem>>[vector<16xi32>], vector<16xi32>, vector<16xi1>
        %sub3A_1056 = arith.subf %get3A_871, %get3A_867 : vector<16xf32>
        %add3A_1057 = arith.constant 256 : i32
        %add3A_1058 = vector.broadcast %add3A_1057 : i32 to vector<16xi32>
        %add3A_1059 = arith.addi %add3A_847, %add3A_1058 : vector<16xi32>
        tpu.vector_store_idx %arg9[%add3A_1059], %sub3A_1056 : memref<4096xf32, #tpu.memory_space<vmem>>[vector<16xi32>], vector<16xf32>,
        %reduce_max3A_1060 = arith.constant true
        %reduce_max3A_1061 = vector.broadcast %reduce_max3A_1060 : i1 to vector<16xi1>
        %reduce_max3A_1062 = tpu.scan <max>, %sub3A_1056 masked %reduce_max3A_1061 : vector<16xf32>, vector<16xi1> -> vector<16xf32>
        %reduce_max3A_1063 = vector.extract %reduce_max3A_1062[15] : f32 from vector<16xf32>
        %eq3A_1064 = vector.broadcast %reduce_max3A_1063 : f32 to vector<16xf32>
        %eq3A_1065 = arith.cmpf oeq, %sub3A_1056, %eq3A_1064 : vector<16xf32>
        %all_reduce_ffs3A_1066 = tpu.all_reduce %eq3A_1065 {dim = 0 : i64, kind = #tpu.reduction_kind<find_first_set>} : vector<16xi1> -> vector<16xi32>
        %add3A_1067 = arith.constant 16 : i32
        %add3A_1068 = vector.broadcast %add3A_1067 : i32 to vector<16xi32>
        %add3A_1069 = arith.addi %all_reduce_ffs3A_1066, %add3A_1068 : vector<16xi32>
        %add3A_1070 = arith.constant 16 : i32
        %add3A_1071 = arith.addi %add3A_1070, %scan3A_838 : i32
        %broadcast_in_dim3A_1072 = vector.broadcast %add3A_1071 : i32 to vector<16xi32>
        %broadcast_in_dim3A_1073 = vector.broadcast %reduce_max3A_1063 : f32 to vector<16xf32>
        tpu.vector_store_idx %arg11[%broadcast_in_dim3A_1072], %broadcast_in_dim3A_1073 masked %eq3A_5 : memref<256xf32, #tpu.memory_space<vmem>>[vector<16xi32>], vector<16xf32>, vector<16xi1>
        tpu.vector_store_idx %arg12[%broadcast_in_dim3A_1072], %add3A_1069 masked %eq3A_5 : memref<256xi32, #tpu.memory_space<vmem>>[vector<16xi32>], vector<16xi32>, vector<16xi1>
        %sub3A_1074 = arith.subf %get3A_883, %get3A_879 : vector<16xf32>
        %add3A_1075 = arith.constant 512 : i32
        %add3A_1076 = vector.broadcast %add3A_1075 : i32 to vector<16xi32>
        %add3A_1077 = arith.addi %add3A_847, %add3A_1076 : vector<16xi32>
        tpu.vector_store_idx %arg9[%add3A_1077], %sub3A_1074 : memref<4096xf32, #tpu.memory_space<vmem>>[vector<16xi32>], vector<16xf32>,
        %reduce_max3A_1078 = arith.constant true
        %reduce_max3A_1079 = vector.broadcast %reduce_max3A_1078 : i1 to vector<16xi1>
        %reduce_max3A_1080 = tpu.scan <max>, %sub3A_1074 masked %reduce_max3A_1079 : vector<16xf32>, vector<16xi1> -> vector<16xf32>
        %reduce_max3A_1081 = vector.extract %reduce_max3A_1080[15] : f32 from vector<16xf32>
        %eq3A_1082 = vector.broadcast %reduce_max3A_1081 : f32 to vector<16xf32>
        %eq3A_1083 = arith.cmpf oeq, %sub3A_1074, %eq3A_1082 : vector<16xf32>
        %all_reduce_ffs3A_1084 = tpu.all_reduce %eq3A_1083 {dim = 0 : i64, kind = #tpu.reduction_kind<find_first_set>} : vector<16xi1> -> vector<16xi32>
        %add3A_1085 = arith.constant 32 : i32
        %add3A_1086 = vector.broadcast %add3A_1085 : i32 to vector<16xi32>
        %add3A_1087 = arith.addi %all_reduce_ffs3A_1084, %add3A_1086 : vector<16xi32>
        %add3A_1088 = arith.constant 32 : i32
        %add3A_1089 = arith.addi %add3A_1088, %scan3A_838 : i32
        %broadcast_in_dim3A_1090 = vector.broadcast %add3A_1089 : i32 to vector<16xi32>
        %broadcast_in_dim3A_1091 = vector.broadcast %reduce_max3A_1081 : f32 to vector<16xf32>
        tpu.vector_store_idx %arg11[%broadcast_in_dim3A_1090], %broadcast_in_dim3A_1091 masked %eq3A_5 : memref<256xf32, #tpu.memory_space<vmem>>[vector<16xi32>], vector<16xf32>, vector<16xi1>
        tpu.vector_store_idx %arg12[%broadcast_in_dim3A_1090], %add3A_1087 masked %eq3A_5 : memref<256xi32, #tpu.memory_space<vmem>>[vector<16xi32>], vector<16xi32>, vector<16xi1>
        %sub3A_1092 = arith.subf %get3A_895, %get3A_891 : vector<16xf32>
        %add3A_1093 = arith.constant 768 : i32
        %add3A_1094 = vector.broadcast %add3A_1093 : i32 to vector<16xi32>
        %add3A_1095 = arith.addi %add3A_847, %add3A_1094 : vector<16xi32>
        tpu.vector_store_idx %arg9[%add3A_1095], %sub3A_1092 : memref<4096xf32, #tpu.memory_space<vmem>>[vector<16xi32>], vector<16xf32>,
        %reduce_max3A_1096 = arith.constant true
        %reduce_max3A_1097 = vector.broadcast %reduce_max3A_1096 : i1 to vector<16xi1>
        %reduce_max3A_1098 = tpu.scan <max>, %sub3A_1092 masked %reduce_max3A_1097 : vector<16xf32>, vector<16xi1> -> vector<16xf32>
        %reduce_max3A_1099 = vector.extract %reduce_max3A_1098[15] : f32 from vector<16xf32>
        %eq3A_1100 = vector.broadcast %reduce_max3A_1099 : f32 to vector<16xf32>
        %eq3A_1101 = arith.cmpf oeq, %sub3A_1092, %eq3A_1100 : vector<16xf32>
        %all_reduce_ffs3A_1102 = tpu.all_reduce %eq3A_1101 {dim = 0 : i64, kind = #tpu.reduction_kind<find_first_set>} : vector<16xi1> -> vector<16xi32>
        %add3A_1103 = arith.constant 48 : i32
        %add3A_1104 = vector.broadcast %add3A_1103 : i32 to vector<16xi32>
        %add3A_1105 = arith.addi %all_reduce_ffs3A_1102, %add3A_1104 : vector<16xi32>
        %add3A_1106 = arith.constant 48 : i32
        %add3A_1107 = arith.addi %add3A_1106, %scan3A_838 : i32
        %broadcast_in_dim3A_1108 = vector.broadcast %add3A_1107 : i32 to vector<16xi32>
        %broadcast_in_dim3A_1109 = vector.broadcast %reduce_max3A_1099 : f32 to vector<16xf32>
        tpu.vector_store_idx %arg11[%broadcast_in_dim3A_1108], %broadcast_in_dim3A_1109 masked %eq3A_5 : memref<256xf32, #tpu.memory_space<vmem>>[vector<16xi32>], vector<16xf32>, vector<16xi1>
        tpu.vector_store_idx %arg12[%broadcast_in_dim3A_1108], %add3A_1105 masked %eq3A_5 : memref<256xi32, #tpu.memory_space<vmem>>[vector<16xi32>], vector<16xi32>, vector<16xi1>
        %sub3A_1110 = arith.subf %get3A_907, %get3A_903 : vector<16xf32>
        %add3A_1111 = arith.constant 1024 : i32
        %add3A_1112 = vector.broadcast %add3A_1111 : i32 to vector<16xi32>
        %add3A_1113 = arith.addi %add3A_847, %add3A_1112 : vector<16xi32>
        tpu.vector_store_idx %arg9[%add3A_1113], %sub3A_1110 : memref<4096xf32, #tpu.memory_space<vmem>>[vector<16xi32>], vector<16xf32>,
        %reduce_max3A_1114 = arith.constant true
        %reduce_max3A_1115 = vector.broadcast %reduce_max3A_1114 : i1 to vector<16xi1>
        %reduce_max3A_1116 = tpu.scan <max>, %sub3A_1110 masked %reduce_max3A_1115 : vector<16xf32>, vector<16xi1> -> vector<16xf32>
        %reduce_max3A_1117 = vector.extract %reduce_max3A_1116[15] : f32 from vector<16xf32>
        %eq3A_1118 = vector.broadcast %reduce_max3A_1117 : f32 to vector<16xf32>
        %eq3A_1119 = arith.cmpf oeq, %sub3A_1110, %eq3A_1118 : vector<16xf32>
        %all_reduce_ffs3A_1120 = tpu.all_reduce %eq3A_1119 {dim = 0 : i64, kind = #tpu.reduction_kind<find_first_set>} : vector<16xi1> -> vector<16xi32>
        %add3A_1121 = arith.constant 64 : i32
        %add3A_1122 = vector.broadcast %add3A_1121 : i32 to vector<16xi32>
        %add3A_1123 = arith.addi %all_reduce_ffs3A_1120, %add3A_1122 : vector<16xi32>
        %add3A_1124 = arith.constant 64 : i32
        %add3A_1125 = arith.addi %add3A_1124, %scan3A_838 : i32
        %broadcast_in_dim3A_1126 = vector.broadcast %add3A_1125 : i32 to vector<16xi32>
        %broadcast_in_dim3A_1127 = vector.broadcast %reduce_max3A_1117 : f32 to vector<16xf32>
        tpu.vector_store_idx %arg11[%broadcast_in_dim3A_1126], %broadcast_in_dim3A_1127 masked %eq3A_5 : memref<256xf32, #tpu.memory_space<vmem>>[vector<16xi32>], vector<16xf32>, vector<16xi1>
        tpu.vector_store_idx %arg12[%broadcast_in_dim3A_1126], %add3A_1123 masked %eq3A_5 : memref<256xi32, #tpu.memory_space<vmem>>[vector<16xi32>], vector<16xi32>, vector<16xi1>
        %sub3A_1128 = arith.subf %get3A_919, %get3A_915 : vector<16xf32>
        %add3A_1129 = arith.constant 1280 : i32
        %add3A_1130 = vector.broadcast %add3A_1129 : i32 to vector<16xi32>
        %add3A_1131 = arith.addi %add3A_847, %add3A_1130 : vector<16xi32>
        tpu.vector_store_idx %arg9[%add3A_1131], %sub3A_1128 : memref<4096xf32, #tpu.memory_space<vmem>>[vector<16xi32>], vector<16xf32>,
        %reduce_max3A_1132 = arith.constant true
        %reduce_max3A_1133 = vector.broadcast %reduce_max3A_1132 : i1 to vector<16xi1>
        %reduce_max3A_1134 = tpu.scan <max>, %sub3A_1128 masked %reduce_max3A_1133 : vector<16xf32>, vector<16xi1> -> vector<16xf32>
        %reduce_max3A_1135 = vector.extract %reduce_max3A_1134[15] : f32 from vector<16xf32>
        %eq3A_1136 = vector.broadcast %reduce_max3A_1135 : f32 to vector<16xf32>
        %eq3A_1137 = arith.cmpf oeq, %sub3A_1128, %eq3A_1136 : vector<16xf32>
        %all_reduce_ffs3A_1138 = tpu.all_reduce %eq3A_1137 {dim = 0 : i64, kind = #tpu.reduction_kind<find_first_set>} : vector<16xi1> -> vector<16xi32>
        %add3A_1139 = arith.constant 80 : i32
        %add3A_1140 = vector.broadcast %add3A_1139 : i32 to vector<16xi32>
        %add3A_1141 = arith.addi %all_reduce_ffs3A_1138, %add3A_1140 : vector<16xi32>
        %add3A_1142 = arith.constant 80 : i32
        %add3A_1143 = arith.addi %add3A_1142, %scan3A_838 : i32
        %broadcast_in_dim3A_1144 = vector.broadcast %add3A_1143 : i32 to vector<16xi32>
        %broadcast_in_dim3A_1145 = vector.broadcast %reduce_max3A_1135 : f32 to vector<16xf32>
        tpu.vector_store_idx %arg11[%broadcast_in_dim3A_1144], %broadcast_in_dim3A_1145 masked %eq3A_5 : memref<256xf32, #tpu.memory_space<vmem>>[vector<16xi32>], vector<16xf32>, vector<16xi1>
        tpu.vector_store_idx %arg12[%broadcast_in_dim3A_1144], %add3A_1141 masked %eq3A_5 : memref<256xi32, #tpu.memory_space<vmem>>[vector<16xi32>], vector<16xi32>, vector<16xi1>
        %sub3A_1146 = arith.subf %get3A_931, %get3A_927 : vector<16xf32>
        %add3A_1147 = arith.constant 1536 : i32
        %add3A_1148 = vector.broadcast %add3A_1147 : i32 to vector<16xi32>
        %add3A_1149 = arith.addi %add3A_847, %add3A_1148 : vector<16xi32>
        tpu.vector_store_idx %arg9[%add3A_1149], %sub3A_1146 : memref<4096xf32, #tpu.memory_space<vmem>>[vector<16xi32>], vector<16xf32>,
        %reduce_max3A_1150 = arith.constant true
        %reduce_max3A_1151 = vector.broadcast %reduce_max3A_1150 : i1 to vector<16xi1>
        %reduce_max3A_1152 = tpu.scan <max>, %sub3A_1146 masked %reduce_max3A_1151 : vector<16xf32>, vector<16xi1> -> vector<16xf32>
        %reduce_max3A_1153 = vector.extract %reduce_max3A_1152[15] : f32 from vector<16xf32>
        %eq3A_1154 = vector.broadcast %reduce_max3A_1153 : f32 to vector<16xf32>
        %eq3A_1155 = arith.cmpf oeq, %sub3A_1146, %eq3A_1154 : vector<16xf32>
        %all_reduce_ffs3A_1156 = tpu.all_reduce %eq3A_1155 {dim = 0 : i64, kind = #tpu.reduction_kind<find_first_set>} : vector<16xi1> -> vector<16xi32>
        %add3A_1157 = arith.constant 96 : i32
        %add3A_1158 = vector.broadcast %add3A_1157 : i32 to vector<16xi32>
        %add3A_1159 = arith.addi %all_reduce_ffs3A_1156, %add3A_1158 : vector<16xi32>
        %add3A_1160 = arith.constant 96 : i32
        %add3A_1161 = arith.addi %add3A_1160, %scan3A_838 : i32
        %broadcast_in_dim3A_1162 = vector.broadcast %add3A_1161 : i32 to vector<16xi32>
        %broadcast_in_dim3A_1163 = vector.broadcast %reduce_max3A_1153 : f32 to vector<16xf32>
        tpu.vector_store_idx %arg11[%broadcast_in_dim3A_1162], %broadcast_in_dim3A_1163 masked %eq3A_5 : memref<256xf32, #tpu.memory_space<vmem>>[vector<16xi32>], vector<16xf32>, vector<16xi1>
        tpu.vector_store_idx %arg12[%broadcast_in_dim3A_1162], %add3A_1159 masked %eq3A_5 : memref<256xi32, #tpu.memory_space<vmem>>[vector<16xi32>], vector<16xi32>, vector<16xi1>
        %sub3A_1164 = arith.subf %get3A_943, %get3A_939 : vector<16xf32>
        %add3A_1165 = arith.constant 1792 : i32
        %add3A_1166 = vector.broadcast %add3A_1165 : i32 to vector<16xi32>
        %add3A_1167 = arith.addi %add3A_847, %add3A_1166 : vector<16xi32>
        tpu.vector_store_idx %arg9[%add3A_1167], %sub3A_1164 : memref<4096xf32, #tpu.memory_space<vmem>>[vector<16xi32>], vector<16xf32>,
        %reduce_max3A_1168 = arith.constant true
        %reduce_max3A_1169 = vector.broadcast %reduce_max3A_1168 : i1 to vector<16xi1>
        %reduce_max3A_1170 = tpu.scan <max>, %sub3A_1164 masked %reduce_max3A_1169 : vector<16xf32>, vector<16xi1> -> vector<16xf32>
        %reduce_max3A_1171 = vector.extract %reduce_max3A_1170[15] : f32 from vector<16xf32>
        %eq3A_1172 = vector.broadcast %reduce_max3A_1171 : f32 to vector<16xf32>
        %eq3A_1173 = arith.cmpf oeq, %sub3A_1164, %eq3A_1172 : vector<16xf32>
        %all_reduce_ffs3A_1174 = tpu.all_reduce %eq3A_1173 {dim = 0 : i64, kind = #tpu.reduction_kind<find_first_set>} : vector<16xi1> -> vector<16xi32>
        %add3A_1175 = arith.constant 112 : i32
        %add3A_1176 = vector.broadcast %add3A_1175 : i32 to vector<16xi32>
        %add3A_1177 = arith.addi %all_reduce_ffs3A_1174, %add3A_1176 : vector<16xi32>
        %add3A_1178 = arith.constant 112 : i32
        %add3A_1179 = arith.addi %add3A_1178, %scan3A_838 : i32
        %broadcast_in_dim3A_1180 = vector.broadcast %add3A_1179 : i32 to vector<16xi32>
        %broadcast_in_dim3A_1181 = vector.broadcast %reduce_max3A_1171 : f32 to vector<16xf32>
        tpu.vector_store_idx %arg11[%broadcast_in_dim3A_1180], %broadcast_in_dim3A_1181 masked %eq3A_5 : memref<256xf32, #tpu.memory_space<vmem>>[vector<16xi32>], vector<16xf32>, vector<16xi1>
        tpu.vector_store_idx %arg12[%broadcast_in_dim3A_1180], %add3A_1177 masked %eq3A_5 : memref<256xi32, #tpu.memory_space<vmem>>[vector<16xi32>], vector<16xi32>, vector<16xi1>
        %sub3A_1182 = arith.subf %get3A_955, %get3A_951 : vector<16xf32>
        %add3A_1183 = arith.constant 2048 : i32
        %add3A_1184 = vector.broadcast %add3A_1183 : i32 to vector<16xi32>
        %add3A_1185 = arith.addi %add3A_847, %add3A_1184 : vector<16xi32>
        tpu.vector_store_idx %arg9[%add3A_1185], %sub3A_1182 : memref<4096xf32, #tpu.memory_space<vmem>>[vector<16xi32>], vector<16xf32>,
        %reduce_max3A_1186 = arith.constant true
        %reduce_max3A_1187 = vector.broadcast %reduce_max3A_1186 : i1 to vector<16xi1>
        %reduce_max3A_1188 = tpu.scan <max>, %sub3A_1182 masked %reduce_max3A_1187 : vector<16xf32>, vector<16xi1> -> vector<16xf32>
        %reduce_max3A_1189 = vector.extract %reduce_max3A_1188[15] : f32 from vector<16xf32>
        %eq3A_1190 = vector.broadcast %reduce_max3A_1189 : f32 to vector<16xf32>
        %eq3A_1191 = arith.cmpf oeq, %sub3A_1182, %eq3A_1190 : vector<16xf32>
        %all_reduce_ffs3A_1192 = tpu.all_reduce %eq3A_1191 {dim = 0 : i64, kind = #tpu.reduction_kind<find_first_set>} : vector<16xi1> -> vector<16xi32>
        %add3A_1193 = arith.constant 128 : i32
        %add3A_1194 = vector.broadcast %add3A_1193 : i32 to vector<16xi32>
        %add3A_1195 = arith.addi %all_reduce_ffs3A_1192, %add3A_1194 : vector<16xi32>
        %add3A_1196 = arith.constant 128 : i32
        %add3A_1197 = arith.addi %add3A_1196, %scan3A_838 : i32
        %broadcast_in_dim3A_1198 = vector.broadcast %add3A_1197 : i32 to vector<16xi32>
        %broadcast_in_dim3A_1199 = vector.broadcast %reduce_max3A_1189 : f32 to vector<16xf32>
        tpu.vector_store_idx %arg11[%broadcast_in_dim3A_1198], %broadcast_in_dim3A_1199 masked %eq3A_5 : memref<256xf32, #tpu.memory_space<vmem>>[vector<16xi32>], vector<16xf32>, vector<16xi1>
        tpu.vector_store_idx %arg12[%broadcast_in_dim3A_1198], %add3A_1195 masked %eq3A_5 : memref<256xi32, #tpu.memory_space<vmem>>[vector<16xi32>], vector<16xi32>, vector<16xi1>
        %sub3A_1200 = arith.subf %get3A_967, %get3A_963 : vector<16xf32>
        %add3A_1201 = arith.constant 2304 : i32
        %add3A_1202 = vector.broadcast %add3A_1201 : i32 to vector<16xi32>
        %add3A_1203 = arith.addi %add3A_847, %add3A_1202 : vector<16xi32>
        tpu.vector_store_idx %arg9[%add3A_1203], %sub3A_1200 : memref<4096xf32, #tpu.memory_space<vmem>>[vector<16xi32>], vector<16xf32>,
        %reduce_max3A_1204 = arith.constant true
        %reduce_max3A_1205 = vector.broadcast %reduce_max3A_1204 : i1 to vector<16xi1>
        %reduce_max3A_1206 = tpu.scan <max>, %sub3A_1200 masked %reduce_max3A_1205 : vector<16xf32>, vector<16xi1> -> vector<16xf32>
        %reduce_max3A_1207 = vector.extract %reduce_max3A_1206[15] : f32 from vector<16xf32>
        %eq3A_1208 = vector.broadcast %reduce_max3A_1207 : f32 to vector<16xf32>
        %eq3A_1209 = arith.cmpf oeq, %sub3A_1200, %eq3A_1208 : vector<16xf32>
        %all_reduce_ffs3A_1210 = tpu.all_reduce %eq3A_1209 {dim = 0 : i64, kind = #tpu.reduction_kind<find_first_set>} : vector<16xi1> -> vector<16xi32>
        %add3A_1211 = arith.constant 144 : i32
        %add3A_1212 = vector.broadcast %add3A_1211 : i32 to vector<16xi32>
        %add3A_1213 = arith.addi %all_reduce_ffs3A_1210, %add3A_1212 : vector<16xi32>
        %add3A_1214 = arith.constant 144 : i32
        %add3A_1215 = arith.addi %add3A_1214, %scan3A_838 : i32
        %broadcast_in_dim3A_1216 = vector.broadcast %add3A_1215 : i32 to vector<16xi32>
        %broadcast_in_dim3A_1217 = vector.broadcast %reduce_max3A_1207 : f32 to vector<16xf32>
        tpu.vector_store_idx %arg11[%broadcast_in_dim3A_1216], %broadcast_in_dim3A_1217 masked %eq3A_5 : memref<256xf32, #tpu.memory_space<vmem>>[vector<16xi32>], vector<16xf32>, vector<16xi1>
        tpu.vector_store_idx %arg12[%broadcast_in_dim3A_1216], %add3A_1213 masked %eq3A_5 : memref<256xi32, #tpu.memory_space<vmem>>[vector<16xi32>], vector<16xi32>, vector<16xi1>
        %sub3A_1218 = arith.subf %get3A_979, %get3A_975 : vector<16xf32>
        %add3A_1219 = arith.constant 2560 : i32
        %add3A_1220 = vector.broadcast %add3A_1219 : i32 to vector<16xi32>
        %add3A_1221 = arith.addi %add3A_847, %add3A_1220 : vector<16xi32>
        tpu.vector_store_idx %arg9[%add3A_1221], %sub3A_1218 : memref<4096xf32, #tpu.memory_space<vmem>>[vector<16xi32>], vector<16xf32>,
        %reduce_max3A_1222 = arith.constant true
        %reduce_max3A_1223 = vector.broadcast %reduce_max3A_1222 : i1 to vector<16xi1>
        %reduce_max3A_1224 = tpu.scan <max>, %sub3A_1218 masked %reduce_max3A_1223 : vector<16xf32>, vector<16xi1> -> vector<16xf32>
        %reduce_max3A_1225 = vector.extract %reduce_max3A_1224[15] : f32 from vector<16xf32>
        %eq3A_1226 = vector.broadcast %reduce_max3A_1225 : f32 to vector<16xf32>
        %eq3A_1227 = arith.cmpf oeq, %sub3A_1218, %eq3A_1226 : vector<16xf32>
        %all_reduce_ffs3A_1228 = tpu.all_reduce %eq3A_1227 {dim = 0 : i64, kind = #tpu.reduction_kind<find_first_set>} : vector<16xi1> -> vector<16xi32>
        %add3A_1229 = arith.constant 160 : i32
        %add3A_1230 = vector.broadcast %add3A_1229 : i32 to vector<16xi32>
        %add3A_1231 = arith.addi %all_reduce_ffs3A_1228, %add3A_1230 : vector<16xi32>
        %add3A_1232 = arith.constant 160 : i32
        %add3A_1233 = arith.addi %add3A_1232, %scan3A_838 : i32
        %broadcast_in_dim3A_1234 = vector.broadcast %add3A_1233 : i32 to vector<16xi32>
        %broadcast_in_dim3A_1235 = vector.broadcast %reduce_max3A_1225 : f32 to vector<16xf32>
        tpu.vector_store_idx %arg11[%broadcast_in_dim3A_1234], %broadcast_in_dim3A_1235 masked %eq3A_5 : memref<256xf32, #tpu.memory_space<vmem>>[vector<16xi32>], vector<16xf32>, vector<16xi1>
        tpu.vector_store_idx %arg12[%broadcast_in_dim3A_1234], %add3A_1231 masked %eq3A_5 : memref<256xi32, #tpu.memory_space<vmem>>[vector<16xi32>], vector<16xi32>, vector<16xi1>
        %sub3A_1236 = arith.subf %get3A_991, %get3A_987 : vector<16xf32>
        %add3A_1237 = arith.constant 2816 : i32
        %add3A_1238 = vector.broadcast %add3A_1237 : i32 to vector<16xi32>
        %add3A_1239 = arith.addi %add3A_847, %add3A_1238 : vector<16xi32>
        tpu.vector_store_idx %arg9[%add3A_1239], %sub3A_1236 : memref<4096xf32, #tpu.memory_space<vmem>>[vector<16xi32>], vector<16xf32>,
        %reduce_max3A_1240 = arith.constant true
        %reduce_max3A_1241 = vector.broadcast %reduce_max3A_1240 : i1 to vector<16xi1>
        %reduce_max3A_1242 = tpu.scan <max>, %sub3A_1236 masked %reduce_max3A_1241 : vector<16xf32>, vector<16xi1> -> vector<16xf32>
        %reduce_max3A_1243 = vector.extract %reduce_max3A_1242[15] : f32 from vector<16xf32>
        %eq3A_1244 = vector.broadcast %reduce_max3A_1243 : f32 to vector<16xf32>
        %eq3A_1245 = arith.cmpf oeq, %sub3A_1236, %eq3A_1244 : vector<16xf32>
        %all_reduce_ffs3A_1246 = tpu.all_reduce %eq3A_1245 {dim = 0 : i64, kind = #tpu.reduction_kind<find_first_set>} : vector<16xi1> -> vector<16xi32>
        %add3A_1247 = arith.constant 176 : i32
        %add3A_1248 = vector.broadcast %add3A_1247 : i32 to vector<16xi32>
        %add3A_1249 = arith.addi %all_reduce_ffs3A_1246, %add3A_1248 : vector<16xi32>
        %add3A_1250 = arith.constant 176 : i32
        %add3A_1251 = arith.addi %add3A_1250, %scan3A_838 : i32
        %broadcast_in_dim3A_1252 = vector.broadcast %add3A_1251 : i32 to vector<16xi32>
        %broadcast_in_dim3A_1253 = vector.broadcast %reduce_max3A_1243 : f32 to vector<16xf32>
        tpu.vector_store_idx %arg11[%broadcast_in_dim3A_1252], %broadcast_in_dim3A_1253 masked %eq3A_5 : memref<256xf32, #tpu.memory_space<vmem>>[vector<16xi32>], vector<16xf32>, vector<16xi1>
        tpu.vector_store_idx %arg12[%broadcast_in_dim3A_1252], %add3A_1249 masked %eq3A_5 : memref<256xi32, #tpu.memory_space<vmem>>[vector<16xi32>], vector<16xi32>, vector<16xi1>
        %sub3A_1254 = arith.subf %get3A_1003, %get3A_999 : vector<16xf32>
        %add3A_1255 = arith.constant 3072 : i32
        %add3A_1256 = vector.broadcast %add3A_1255 : i32 to vector<16xi32>
        %add3A_1257 = arith.addi %add3A_847, %add3A_1256 : vector<16xi32>
        tpu.vector_store_idx %arg9[%add3A_1257], %sub3A_1254 : memref<4096xf32, #tpu.memory_space<vmem>>[vector<16xi32>], vector<16xf32>,
        %reduce_max3A_1258 = arith.constant true
        %reduce_max3A_1259 = vector.broadcast %reduce_max3A_1258 : i1 to vector<16xi1>
        %reduce_max3A_1260 = tpu.scan <max>, %sub3A_1254 masked %reduce_max3A_1259 : vector<16xf32>, vector<16xi1> -> vector<16xf32>
        %reduce_max3A_1261 = vector.extract %reduce_max3A_1260[15] : f32 from vector<16xf32>
        %eq3A_1262 = vector.broadcast %reduce_max3A_1261 : f32 to vector<16xf32>
        %eq3A_1263 = arith.cmpf oeq, %sub3A_1254, %eq3A_1262 : vector<16xf32>
        %all_reduce_ffs3A_1264 = tpu.all_reduce %eq3A_1263 {dim = 0 : i64, kind = #tpu.reduction_kind<find_first_set>} : vector<16xi1> -> vector<16xi32>
        %add3A_1265 = arith.constant 192 : i32
        %add3A_1266 = vector.broadcast %add3A_1265 : i32 to vector<16xi32>
        %add3A_1267 = arith.addi %all_reduce_ffs3A_1264, %add3A_1266 : vector<16xi32>
        %add3A_1268 = arith.constant 192 : i32
        %add3A_1269 = arith.addi %add3A_1268, %scan3A_838 : i32
        %broadcast_in_dim3A_1270 = vector.broadcast %add3A_1269 : i32 to vector<16xi32>
        %broadcast_in_dim3A_1271 = vector.broadcast %reduce_max3A_1261 : f32 to vector<16xf32>
        tpu.vector_store_idx %arg11[%broadcast_in_dim3A_1270], %broadcast_in_dim3A_1271 masked %eq3A_5 : memref<256xf32, #tpu.memory_space<vmem>>[vector<16xi32>], vector<16xf32>, vector<16xi1>
        tpu.vector_store_idx %arg12[%broadcast_in_dim3A_1270], %add3A_1267 masked %eq3A_5 : memref<256xi32, #tpu.memory_space<vmem>>[vector<16xi32>], vector<16xi32>, vector<16xi1>
        %sub3A_1272 = arith.subf %get3A_1015, %get3A_1011 : vector<16xf32>
        %add3A_1273 = arith.constant 3328 : i32
        %add3A_1274 = vector.broadcast %add3A_1273 : i32 to vector<16xi32>
        %add3A_1275 = arith.addi %add3A_847, %add3A_1274 : vector<16xi32>
        tpu.vector_store_idx %arg9[%add3A_1275], %sub3A_1272 : memref<4096xf32, #tpu.memory_space<vmem>>[vector<16xi32>], vector<16xf32>,
        %reduce_max3A_1276 = arith.constant true
        %reduce_max3A_1277 = vector.broadcast %reduce_max3A_1276 : i1 to vector<16xi1>
        %reduce_max3A_1278 = tpu.scan <max>, %sub3A_1272 masked %reduce_max3A_1277 : vector<16xf32>, vector<16xi1> -> vector<16xf32>
        %reduce_max3A_1279 = vector.extract %reduce_max3A_1278[15] : f32 from vector<16xf32>
        %eq3A_1280 = vector.broadcast %reduce_max3A_1279 : f32 to vector<16xf32>
        %eq3A_1281 = arith.cmpf oeq, %sub3A_1272, %eq3A_1280 : vector<16xf32>
        %all_reduce_ffs3A_1282 = tpu.all_reduce %eq3A_1281 {dim = 0 : i64, kind = #tpu.reduction_kind<find_first_set>} : vector<16xi1> -> vector<16xi32>
        %add3A_1283 = arith.constant 208 : i32
        %add3A_1284 = vector.broadcast %add3A_1283 : i32 to vector<16xi32>
        %add3A_1285 = arith.addi %all_reduce_ffs3A_1282, %add3A_1284 : vector<16xi32>
        %add3A_1286 = arith.constant 208 : i32
        %add3A_1287 = arith.addi %add3A_1286, %scan3A_838 : i32
        %broadcast_in_dim3A_1288 = vector.broadcast %add3A_1287 : i32 to vector<16xi32>
        %broadcast_in_dim3A_1289 = vector.broadcast %reduce_max3A_1279 : f32 to vector<16xf32>
        tpu.vector_store_idx %arg11[%broadcast_in_dim3A_1288], %broadcast_in_dim3A_1289 masked %eq3A_5 : memref<256xf32, #tpu.memory_space<vmem>>[vector<16xi32>], vector<16xf32>, vector<16xi1>
        tpu.vector_store_idx %arg12[%broadcast_in_dim3A_1288], %add3A_1285 masked %eq3A_5 : memref<256xi32, #tpu.memory_space<vmem>>[vector<16xi32>], vector<16xi32>, vector<16xi1>
        %sub3A_1290 = arith.subf %get3A_1027, %get3A_1023 : vector<16xf32>
        %add3A_1291 = arith.constant 3584 : i32
        %add3A_1292 = vector.broadcast %add3A_1291 : i32 to vector<16xi32>
        %add3A_1293 = arith.addi %add3A_847, %add3A_1292 : vector<16xi32>
        tpu.vector_store_idx %arg9[%add3A_1293], %sub3A_1290 : memref<4096xf32, #tpu.memory_space<vmem>>[vector<16xi32>], vector<16xf32>,
        %reduce_max3A_1294 = arith.constant true
        %reduce_max3A_1295 = vector.broadcast %reduce_max3A_1294 : i1 to vector<16xi1>
        %reduce_max3A_1296 = tpu.scan <max>, %sub3A_1290 masked %reduce_max3A_1295 : vector<16xf32>, vector<16xi1> -> vector<16xf32>
        %reduce_max3A_1297 = vector.extract %reduce_max3A_1296[15] : f32 from vector<16xf32>
        %eq3A_1298 = vector.broadcast %reduce_max3A_1297 : f32 to vector<16xf32>
        %eq3A_1299 = arith.cmpf oeq, %sub3A_1290, %eq3A_1298 : vector<16xf32>
        %all_reduce_ffs3A_1300 = tpu.all_reduce %eq3A_1299 {dim = 0 : i64, kind = #tpu.reduction_kind<find_first_set>} : vector<16xi1> -> vector<16xi32>
        %add3A_1301 = arith.constant 224 : i32
        %add3A_1302 = vector.broadcast %add3A_1301 : i32 to vector<16xi32>
        %add3A_1303 = arith.addi %all_reduce_ffs3A_1300, %add3A_1302 : vector<16xi32>
        %add3A_1304 = arith.constant 224 : i32
        %add3A_1305 = arith.addi %add3A_1304, %scan3A_838 : i32
        %broadcast_in_dim3A_1306 = vector.broadcast %add3A_1305 : i32 to vector<16xi32>
        %broadcast_in_dim3A_1307 = vector.broadcast %reduce_max3A_1297 : f32 to vector<16xf32>
        tpu.vector_store_idx %arg11[%broadcast_in_dim3A_1306], %broadcast_in_dim3A_1307 masked %eq3A_5 : memref<256xf32, #tpu.memory_space<vmem>>[vector<16xi32>], vector<16xf32>, vector<16xi1>
        tpu.vector_store_idx %arg12[%broadcast_in_dim3A_1306], %add3A_1303 masked %eq3A_5 : memref<256xi32, #tpu.memory_space<vmem>>[vector<16xi32>], vector<16xi32>, vector<16xi1>
        %sub3A_1308 = arith.subf %get3A_1039, %get3A_1035 : vector<16xf32>
        %add3A_1309 = arith.constant 3840 : i32
        %add3A_1310 = vector.broadcast %add3A_1309 : i32 to vector<16xi32>
        %add3A_1311 = arith.addi %add3A_847, %add3A_1310 : vector<16xi32>
        tpu.vector_store_idx %arg9[%add3A_1311], %sub3A_1308 : memref<4096xf32, #tpu.memory_space<vmem>>[vector<16xi32>], vector<16xf32>,
        %reduce_max3A_1312 = arith.constant true
        %reduce_max3A_1313 = vector.broadcast %reduce_max3A_1312 : i1 to vector<16xi1>
        %reduce_max3A_1314 = tpu.scan <max>, %sub3A_1308 masked %reduce_max3A_1313 : vector<16xf32>, vector<16xi1> -> vector<16xf32>
        %reduce_max3A_1315 = vector.extract %reduce_max3A_1314[15] : f32 from vector<16xf32>
        %eq3A_1316 = vector.broadcast %reduce_max3A_1315 : f32 to vector<16xf32>
        %eq3A_1317 = arith.cmpf oeq, %sub3A_1308, %eq3A_1316 : vector<16xf32>
        %all_reduce_ffs3A_1318 = tpu.all_reduce %eq3A_1317 {dim = 0 : i64, kind = #tpu.reduction_kind<find_first_set>} : vector<16xi1> -> vector<16xi32>
        %add3A_1319 = arith.constant 240 : i32
        %add3A_1320 = vector.broadcast %add3A_1319 : i32 to vector<16xi32>
        %add3A_1321 = arith.addi %all_reduce_ffs3A_1318, %add3A_1320 : vector<16xi32>
        %add3A_1322 = arith.constant 240 : i32
        %add3A_1323 = arith.addi %add3A_1322, %scan3A_838 : i32
        %broadcast_in_dim3A_1324 = vector.broadcast %add3A_1323 : i32 to vector<16xi32>
        %broadcast_in_dim3A_1325 = vector.broadcast %reduce_max3A_1315 : f32 to vector<16xf32>
        tpu.vector_store_idx %arg11[%broadcast_in_dim3A_1324], %broadcast_in_dim3A_1325 masked %eq3A_5 : memref<256xf32, #tpu.memory_space<vmem>>[vector<16xi32>], vector<16xf32>, vector<16xi1>
        tpu.vector_store_idx %arg12[%broadcast_in_dim3A_1324], %add3A_1321 masked %eq3A_5 : memref<256xi32, #tpu.memory_space<vmem>>[vector<16xi32>], vector<16xi32>, vector<16xi1>
      }
      %scan3A_233 = arith.constant 16 : i32
      %scan3A_234 = arith.constant 0 : i32
      %scan3A_235 = arith.constant 0 : i32
      %scan3A_236 = arith.constant 16 : i32
      %scan3A_237 = arith.addi %scan3A_235, %scan3A_236 : i32
      %scan3A_238 = arith.constant 1 : i32
      scf.for %scan3A_838 = %scan3A_235 to %scan3A_237 step %scan3A_238  : i32 {
        %broadcast_in_dim3A_839 = vector.broadcast %scan3A_838 : i32 to vector<16xi32>
        %add3A_840 = arith.addi %broadcast_in_dim3A_839, %iota3A : vector<16xi32>
        %and3A_841 = arith.constant 15 : i32
        %and3A_842 = vector.broadcast %and3A_841 : i32 to vector<16xi32>
        %and3A_843 = arith.andi %add3A_840, %and3A_842 : vector<16xi32>
        %mul3A_844 = arith.constant 16 : i32
        %mul3A_845 = vector.broadcast %mul3A_844 : i32 to vector<16xi32>
        %mul3A_846 = arith.muli %iota3A, %mul3A_845 : vector<16xi32>
        %add3A_847 = arith.addi %mul3A_846, %and3A_843 : vector<16xi32>
        %mul3A_848 = arith.constant 512 : i32
        %mul3A_849 = arith.muli %scan3A_838, %mul3A_848 : i32
        %add3A_850 = arith.constant 0 : i32
        %add3A_851 = arith.addi %mul3A_849, %add3A_850 : i32
        %add3A_852 = arith.constant 0 : i32
        %add3A_853 = arith.addi %add3A_851, %add3A_852 : i32
        %get3A_854 = arith.index_cast %add3A_853 : i32 to index
        %get3A_855 = tpu.vector_load %arg6[%get3A_854] {strides = array<i32>} : memref<8200xf32, #tpu.memory_space<vmem>>, vector<16xf32>,
        %add3A_856 = arith.constant 128 : i32
        %add3A_857 = arith.addi %add3A_853, %add3A_856 : i32
        %get3A_858 = arith.index_cast %add3A_857 : i32 to index
        %get3A_859 = tpu.vector_load %arg6[%get3A_858] {strides = array<i32>} : memref<8200xf32, #tpu.memory_space<vmem>>, vector<16xf32>,
        %mul3A_860 = arith.constant 512 : i32
        %mul3A_861 = arith.muli %scan3A_838, %mul3A_860 : i32
        %add3A_862 = arith.constant 0 : i32
        %add3A_863 = arith.addi %mul3A_861, %add3A_862 : i32
        %add3A_864 = arith.constant 16 : i32
        %add3A_865 = arith.addi %add3A_863, %add3A_864 : i32
        %get3A_866 = arith.index_cast %add3A_865 : i32 to index
        %get3A_867 = tpu.vector_load %arg6[%get3A_866] {strides = array<i32>} : memref<8200xf32, #tpu.memory_space<vmem>>, vector<16xf32>,
        %add3A_868 = arith.constant 128 : i32
        %add3A_869 = arith.addi %add3A_865, %add3A_868 : i32
        %get3A_870 = arith.index_cast %add3A_869 : i32 to index
        %get3A_871 = tpu.vector_load %arg6[%get3A_870] {strides = array<i32>} : memref<8200xf32, #tpu.memory_space<vmem>>, vector<16xf32>,
        %mul3A_872 = arith.constant 512 : i32
        %mul3A_873 = arith.muli %scan3A_838, %mul3A_872 : i32
        %add3A_874 = arith.constant 0 : i32
        %add3A_875 = arith.addi %mul3A_873, %add3A_874 : i32
        %add3A_876 = arith.constant 32 : i32
        %add3A_877 = arith.addi %add3A_875, %add3A_876 : i32
        %get3A_878 = arith.index_cast %add3A_877 : i32 to index
        %get3A_879 = tpu.vector_load %arg6[%get3A_878] {strides = array<i32>} : memref<8200xf32, #tpu.memory_space<vmem>>, vector<16xf32>,
        %add3A_880 = arith.constant 128 : i32
        %add3A_881 = arith.addi %add3A_877, %add3A_880 : i32
        %get3A_882 = arith.index_cast %add3A_881 : i32 to index
        %get3A_883 = tpu.vector_load %arg6[%get3A_882] {strides = array<i32>} : memref<8200xf32, #tpu.memory_space<vmem>>, vector<16xf32>,
        %mul3A_884 = arith.constant 512 : i32
        %mul3A_885 = arith.muli %scan3A_838, %mul3A_884 : i32
        %add3A_886 = arith.constant 0 : i32
        %add3A_887 = arith.addi %mul3A_885, %add3A_886 : i32
        %add3A_888 = arith.constant 48 : i32
        %add3A_889 = arith.addi %add3A_887, %add3A_888 : i32
        %get3A_890 = arith.index_cast %add3A_889 : i32 to index
        %get3A_891 = tpu.vector_load %arg6[%get3A_890] {strides = array<i32>} : memref<8200xf32, #tpu.memory_space<vmem>>, vector<16xf32>,
        %add3A_892 = arith.constant 128 : i32
        %add3A_893 = arith.addi %add3A_889, %add3A_892 : i32
        %get3A_894 = arith.index_cast %add3A_893 : i32 to index
        %get3A_895 = tpu.vector_load %arg6[%get3A_894] {strides = array<i32>} : memref<8200xf32, #tpu.memory_space<vmem>>, vector<16xf32>,
        %mul3A_896 = arith.constant 512 : i32
        %mul3A_897 = arith.muli %scan3A_838, %mul3A_896 : i32
        %add3A_898 = arith.constant 0 : i32
        %add3A_899 = arith.addi %mul3A_897, %add3A_898 : i32
        %add3A_900 = arith.constant 64 : i32
        %add3A_901 = arith.addi %add3A_899, %add3A_900 : i32
        %get3A_902 = arith.index_cast %add3A_901 : i32 to index
        %get3A_903 = tpu.vector_load %arg6[%get3A_902] {strides = array<i32>} : memref<8200xf32, #tpu.memory_space<vmem>>, vector<16xf32>,
        %add3A_904 = arith.constant 128 : i32
        %add3A_905 = arith.addi %add3A_901, %add3A_904 : i32
        %get3A_906 = arith.index_cast %add3A_905 : i32 to index
        %get3A_907 = tpu.vector_load %arg6[%get3A_906] {strides = array<i32>} : memref<8200xf32, #tpu.memory_space<vmem>>, vector<16xf32>,
        %mul3A_908 = arith.constant 512 : i32
        %mul3A_909 = arith.muli %scan3A_838, %mul3A_908 : i32
        %add3A_910 = arith.constant 0 : i32
        %add3A_911 = arith.addi %mul3A_909, %add3A_910 : i32
        %add3A_912 = arith.constant 80 : i32
        %add3A_913 = arith.addi %add3A_911, %add3A_912 : i32
        %get3A_914 = arith.index_cast %add3A_913 : i32 to index
        %get3A_915 = tpu.vector_load %arg6[%get3A_914] {strides = array<i32>} : memref<8200xf32, #tpu.memory_space<vmem>>, vector<16xf32>,
        %add3A_916 = arith.constant 128 : i32
        %add3A_917 = arith.addi %add3A_913, %add3A_916 : i32
        %get3A_918 = arith.index_cast %add3A_917 : i32 to index
        %get3A_919 = tpu.vector_load %arg6[%get3A_918] {strides = array<i32>} : memref<8200xf32, #tpu.memory_space<vmem>>, vector<16xf32>,
        %mul3A_920 = arith.constant 512 : i32
        %mul3A_921 = arith.muli %scan3A_838, %mul3A_920 : i32
        %add3A_922 = arith.constant 0 : i32
        %add3A_923 = arith.addi %mul3A_921, %add3A_922 : i32
        %add3A_924 = arith.constant 96 : i32
        %add3A_925 = arith.addi %add3A_923, %add3A_924 : i32
        %get3A_926 = arith.index_cast %add3A_925 : i32 to index
        %get3A_927 = tpu.vector_load %arg6[%get3A_926] {strides = array<i32>} : memref<8200xf32, #tpu.memory_space<vmem>>, vector<16xf32>,
        %add3A_928 = arith.constant 128 : i32
        %add3A_929 = arith.addi %add3A_925, %add3A_928 : i32
        %get3A_930 = arith.index_cast %add3A_929 : i32 to index
        %get3A_931 = tpu.vector_load %arg6[%get3A_930] {strides = array<i32>} : memref<8200xf32, #tpu.memory_space<vmem>>, vector<16xf32>,
        %mul3A_932 = arith.constant 512 : i32
        %mul3A_933 = arith.muli %scan3A_838, %mul3A_932 : i32
        %add3A_934 = arith.constant 0 : i32
        %add3A_935 = arith.addi %mul3A_933, %add3A_934 : i32
        %add3A_936 = arith.constant 112 : i32
        %add3A_937 = arith.addi %add3A_935, %add3A_936 : i32
        %get3A_938 = arith.index_cast %add3A_937 : i32 to index
        %get3A_939 = tpu.vector_load %arg6[%get3A_938] {strides = array<i32>} : memref<8200xf32, #tpu.memory_space<vmem>>, vector<16xf32>,
        %add3A_940 = arith.constant 128 : i32
        %add3A_941 = arith.addi %add3A_937, %add3A_940 : i32
        %get3A_942 = arith.index_cast %add3A_941 : i32 to index
        %get3A_943 = tpu.vector_load %arg6[%get3A_942] {strides = array<i32>} : memref<8200xf32, #tpu.memory_space<vmem>>, vector<16xf32>,
        %mul3A_944 = arith.constant 512 : i32
        %mul3A_945 = arith.muli %scan3A_838, %mul3A_944 : i32
        %add3A_946 = arith.constant 256 : i32
        %add3A_947 = arith.addi %mul3A_945, %add3A_946 : i32
        %add3A_948 = arith.constant 0 : i32
        %add3A_949 = arith.addi %add3A_947, %add3A_948 : i32
        %get3A_950 = arith.index_cast %add3A_949 : i32 to index
        %get3A_951 = tpu.vector_load %arg6[%get3A_950] {strides = array<i32>} : memref<8200xf32, #tpu.memory_space<vmem>>, vector<16xf32>,
        %add3A_952 = arith.constant 128 : i32
        %add3A_953 = arith.addi %add3A_949, %add3A_952 : i32
        %get3A_954 = arith.index_cast %add3A_953 : i32 to index
        %get3A_955 = tpu.vector_load %arg6[%get3A_954] {strides = array<i32>} : memref<8200xf32, #tpu.memory_space<vmem>>, vector<16xf32>,
        %mul3A_956 = arith.constant 512 : i32
        %mul3A_957 = arith.muli %scan3A_838, %mul3A_956 : i32
        %add3A_958 = arith.constant 256 : i32
        %add3A_959 = arith.addi %mul3A_957, %add3A_958 : i32
        %add3A_960 = arith.constant 16 : i32
        %add3A_961 = arith.addi %add3A_959, %add3A_960 : i32
        %get3A_962 = arith.index_cast %add3A_961 : i32 to index
        %get3A_963 = tpu.vector_load %arg6[%get3A_962] {strides = array<i32>} : memref<8200xf32, #tpu.memory_space<vmem>>, vector<16xf32>,
        %add3A_964 = arith.constant 128 : i32
        %add3A_965 = arith.addi %add3A_961, %add3A_964 : i32
        %get3A_966 = arith.index_cast %add3A_965 : i32 to index
        %get3A_967 = tpu.vector_load %arg6[%get3A_966] {strides = array<i32>} : memref<8200xf32, #tpu.memory_space<vmem>>, vector<16xf32>,
        %mul3A_968 = arith.constant 512 : i32
        %mul3A_969 = arith.muli %scan3A_838, %mul3A_968 : i32
        %add3A_970 = arith.constant 256 : i32
        %add3A_971 = arith.addi %mul3A_969, %add3A_970 : i32
        %add3A_972 = arith.constant 32 : i32
        %add3A_973 = arith.addi %add3A_971, %add3A_972 : i32
        %get3A_974 = arith.index_cast %add3A_973 : i32 to index
        %get3A_975 = tpu.vector_load %arg6[%get3A_974] {strides = array<i32>} : memref<8200xf32, #tpu.memory_space<vmem>>, vector<16xf32>,
        %add3A_976 = arith.constant 128 : i32
        %add3A_977 = arith.addi %add3A_973, %add3A_976 : i32
        %get3A_978 = arith.index_cast %add3A_977 : i32 to index
        %get3A_979 = tpu.vector_load %arg6[%get3A_978] {strides = array<i32>} : memref<8200xf32, #tpu.memory_space<vmem>>, vector<16xf32>,
        %mul3A_980 = arith.constant 512 : i32
        %mul3A_981 = arith.muli %scan3A_838, %mul3A_980 : i32
        %add3A_982 = arith.constant 256 : i32
        %add3A_983 = arith.addi %mul3A_981, %add3A_982 : i32
        %add3A_984 = arith.constant 48 : i32
        %add3A_985 = arith.addi %add3A_983, %add3A_984 : i32
        %get3A_986 = arith.index_cast %add3A_985 : i32 to index
        %get3A_987 = tpu.vector_load %arg6[%get3A_986] {strides = array<i32>} : memref<8200xf32, #tpu.memory_space<vmem>>, vector<16xf32>,
        %add3A_988 = arith.constant 128 : i32
        %add3A_989 = arith.addi %add3A_985, %add3A_988 : i32
        %get3A_990 = arith.index_cast %add3A_989 : i32 to index
        %get3A_991 = tpu.vector_load %arg6[%get3A_990] {strides = array<i32>} : memref<8200xf32, #tpu.memory_space<vmem>>, vector<16xf32>,
        %mul3A_992 = arith.constant 512 : i32
        %mul3A_993 = arith.muli %scan3A_838, %mul3A_992 : i32
        %add3A_994 = arith.constant 256 : i32
        %add3A_995 = arith.addi %mul3A_993, %add3A_994 : i32
        %add3A_996 = arith.constant 64 : i32
        %add3A_997 = arith.addi %add3A_995, %add3A_996 : i32
        %get3A_998 = arith.index_cast %add3A_997 : i32 to index
        %get3A_999 = tpu.vector_load %arg6[%get3A_998] {strides = array<i32>} : memref<8200xf32, #tpu.memory_space<vmem>>, vector<16xf32>,
        %add3A_1000 = arith.constant 128 : i32
        %add3A_1001 = arith.addi %add3A_997, %add3A_1000 : i32
        %get3A_1002 = arith.index_cast %add3A_1001 : i32 to index
        %get3A_1003 = tpu.vector_load %arg6[%get3A_1002] {strides = array<i32>} : memref<8200xf32, #tpu.memory_space<vmem>>, vector<16xf32>,
        %mul3A_1004 = arith.constant 512 : i32
        %mul3A_1005 = arith.muli %scan3A_838, %mul3A_1004 : i32
        %add3A_1006 = arith.constant 256 : i32
        %add3A_1007 = arith.addi %mul3A_1005, %add3A_1006 : i32
        %add3A_1008 = arith.constant 80 : i32
        %add3A_1009 = arith.addi %add3A_1007, %add3A_1008 : i32
        %get3A_1010 = arith.index_cast %add3A_1009 : i32 to index
        %get3A_1011 = tpu.vector_load %arg6[%get3A_1010] {strides = array<i32>} : memref<8200xf32, #tpu.memory_space<vmem>>, vector<16xf32>,
        %add3A_1012 = arith.constant 128 : i32
        %add3A_1013 = arith.addi %add3A_1009, %add3A_1012 : i32
        %get3A_1014 = arith.index_cast %add3A_1013 : i32 to index
        %get3A_1015 = tpu.vector_load %arg6[%get3A_1014] {strides = array<i32>} : memref<8200xf32, #tpu.memory_space<vmem>>, vector<16xf32>,
        %mul3A_1016 = arith.constant 512 : i32
        %mul3A_1017 = arith.muli %scan3A_838, %mul3A_1016 : i32
        %add3A_1018 = arith.constant 256 : i32
        %add3A_1019 = arith.addi %mul3A_1017, %add3A_1018 : i32
        %add3A_1020 = arith.constant 96 : i32
        %add3A_1021 = arith.addi %add3A_1019, %add3A_1020 : i32
        %get3A_1022 = arith.index_cast %add3A_1021 : i32 to index
        %get3A_1023 = tpu.vector_load %arg6[%get3A_1022] {strides = array<i32>} : memref<8200xf32, #tpu.memory_space<vmem>>, vector<16xf32>,
        %add3A_1024 = arith.constant 128 : i32
        %add3A_1025 = arith.addi %add3A_1021, %add3A_1024 : i32
        %get3A_1026 = arith.index_cast %add3A_1025 : i32 to index
        %get3A_1027 = tpu.vector_load %arg6[%get3A_1026] {strides = array<i32>} : memref<8200xf32, #tpu.memory_space<vmem>>, vector<16xf32>,
        %mul3A_1028 = arith.constant 512 : i32
        %mul3A_1029 = arith.muli %scan3A_838, %mul3A_1028 : i32
        %add3A_1030 = arith.constant 256 : i32
        %add3A_1031 = arith.addi %mul3A_1029, %add3A_1030 : i32
        %add3A_1032 = arith.constant 112 : i32
        %add3A_1033 = arith.addi %add3A_1031, %add3A_1032 : i32
        %get3A_1034 = arith.index_cast %add3A_1033 : i32 to index
        %get3A_1035 = tpu.vector_load %arg6[%get3A_1034] {strides = array<i32>} : memref<8200xf32, #tpu.memory_space<vmem>>, vector<16xf32>,
        %add3A_1036 = arith.constant 128 : i32
        %add3A_1037 = arith.addi %add3A_1033, %add3A_1036 : i32
        %get3A_1038 = arith.index_cast %add3A_1037 : i32 to index
        %get3A_1039 = tpu.vector_load %arg6[%get3A_1038] {strides = array<i32>} : memref<8200xf32, #tpu.memory_space<vmem>>, vector<16xf32>,
        %sub3A_1040 = arith.subf %get3A_859, %get3A_855 : vector<16xf32>
        %add3A_1041 = arith.constant 0 : i32
        %add3A_1042 = vector.broadcast %add3A_1041 : i32 to vector<16xi32>
        %add3A_1043 = arith.addi %add3A_847, %add3A_1042 : vector<16xi32>
        tpu.vector_store_idx %arg10[%add3A_1043], %sub3A_1040 : memref<4096xf32, #tpu.memory_space<vmem>>[vector<16xi32>], vector<16xf32>,
        %reduce_max3A = arith.constant true
        %reduce_max3A_1044 = vector.broadcast %reduce_max3A : i1 to vector<16xi1>
        %reduce_max3A_1045 = tpu.scan <max>, %sub3A_1040 masked %reduce_max3A_1044 : vector<16xf32>, vector<16xi1> -> vector<16xf32>
        %reduce_max3A_1046 = vector.extract %reduce_max3A_1045[15] : f32 from vector<16xf32>
        %eq3A_1047 = vector.broadcast %reduce_max3A_1046 : f32 to vector<16xf32>
        %eq3A_1048 = arith.cmpf oeq, %sub3A_1040, %eq3A_1047 : vector<16xf32>
        %all_reduce_ffs3A = tpu.all_reduce %eq3A_1048 {dim = 0 : i64, kind = #tpu.reduction_kind<find_first_set>} : vector<16xi1> -> vector<16xi32>
        %add3A_1049 = arith.constant 0 : i32
        %add3A_1050 = vector.broadcast %add3A_1049 : i32 to vector<16xi32>
        %add3A_1051 = arith.addi %all_reduce_ffs3A, %add3A_1050 : vector<16xi32>
        %add3A_1052 = arith.constant 0 : i32
        %add3A_1053 = arith.addi %add3A_1052, %scan3A_838 : i32
        %broadcast_in_dim3A_1054 = vector.broadcast %add3A_1053 : i32 to vector<16xi32>
        %broadcast_in_dim3A_1055 = vector.broadcast %reduce_max3A_1046 : f32 to vector<16xf32>
        tpu.vector_store_idx %arg13[%broadcast_in_dim3A_1054], %broadcast_in_dim3A_1055 masked %eq3A_5 : memref<256xf32, #tpu.memory_space<vmem>>[vector<16xi32>], vector<16xf32>, vector<16xi1>
        tpu.vector_store_idx %arg14[%broadcast_in_dim3A_1054], %add3A_1051 masked %eq3A_5 : memref<256xi32, #tpu.memory_space<vmem>>[vector<16xi32>], vector<16xi32>, vector<16xi1>
        %sub3A_1056 = arith.subf %get3A_871, %get3A_867 : vector<16xf32>
        %add3A_1057 = arith.constant 256 : i32
        %add3A_1058 = vector.broadcast %add3A_1057 : i32 to vector<16xi32>
        %add3A_1059 = arith.addi %add3A_847, %add3A_1058 : vector<16xi32>
        tpu.vector_store_idx %arg10[%add3A_1059], %sub3A_1056 : memref<4096xf32, #tpu.memory_space<vmem>>[vector<16xi32>], vector<16xf32>,
        %reduce_max3A_1060 = arith.constant true
        %reduce_max3A_1061 = vector.broadcast %reduce_max3A_1060 : i1 to vector<16xi1>
        %reduce_max3A_1062 = tpu.scan <max>, %sub3A_1056 masked %reduce_max3A_1061 : vector<16xf32>, vector<16xi1> -> vector<16xf32>
        %reduce_max3A_1063 = vector.extract %reduce_max3A_1062[15] : f32 from vector<16xf32>
        %eq3A_1064 = vector.broadcast %reduce_max3A_1063 : f32 to vector<16xf32>
        %eq3A_1065 = arith.cmpf oeq, %sub3A_1056, %eq3A_1064 : vector<16xf32>
        %all_reduce_ffs3A_1066 = tpu.all_reduce %eq3A_1065 {dim = 0 : i64, kind = #tpu.reduction_kind<find_first_set>} : vector<16xi1> -> vector<16xi32>
        %add3A_1067 = arith.constant 16 : i32
        %add3A_1068 = vector.broadcast %add3A_1067 : i32 to vector<16xi32>
        %add3A_1069 = arith.addi %all_reduce_ffs3A_1066, %add3A_1068 : vector<16xi32>
        %add3A_1070 = arith.constant 16 : i32
        %add3A_1071 = arith.addi %add3A_1070, %scan3A_838 : i32
        %broadcast_in_dim3A_1072 = vector.broadcast %add3A_1071 : i32 to vector<16xi32>
        %broadcast_in_dim3A_1073 = vector.broadcast %reduce_max3A_1063 : f32 to vector<16xf32>
        tpu.vector_store_idx %arg13[%broadcast_in_dim3A_1072], %broadcast_in_dim3A_1073 masked %eq3A_5 : memref<256xf32, #tpu.memory_space<vmem>>[vector<16xi32>], vector<16xf32>, vector<16xi1>
        tpu.vector_store_idx %arg14[%broadcast_in_dim3A_1072], %add3A_1069 masked %eq3A_5 : memref<256xi32, #tpu.memory_space<vmem>>[vector<16xi32>], vector<16xi32>, vector<16xi1>
        %sub3A_1074 = arith.subf %get3A_883, %get3A_879 : vector<16xf32>
        %add3A_1075 = arith.constant 512 : i32
        %add3A_1076 = vector.broadcast %add3A_1075 : i32 to vector<16xi32>
        %add3A_1077 = arith.addi %add3A_847, %add3A_1076 : vector<16xi32>
        tpu.vector_store_idx %arg10[%add3A_1077], %sub3A_1074 : memref<4096xf32, #tpu.memory_space<vmem>>[vector<16xi32>], vector<16xf32>,
        %reduce_max3A_1078 = arith.constant true
        %reduce_max3A_1079 = vector.broadcast %reduce_max3A_1078 : i1 to vector<16xi1>
        %reduce_max3A_1080 = tpu.scan <max>, %sub3A_1074 masked %reduce_max3A_1079 : vector<16xf32>, vector<16xi1> -> vector<16xf32>
        %reduce_max3A_1081 = vector.extract %reduce_max3A_1080[15] : f32 from vector<16xf32>
        %eq3A_1082 = vector.broadcast %reduce_max3A_1081 : f32 to vector<16xf32>
        %eq3A_1083 = arith.cmpf oeq, %sub3A_1074, %eq3A_1082 : vector<16xf32>
        %all_reduce_ffs3A_1084 = tpu.all_reduce %eq3A_1083 {dim = 0 : i64, kind = #tpu.reduction_kind<find_first_set>} : vector<16xi1> -> vector<16xi32>
        %add3A_1085 = arith.constant 32 : i32
        %add3A_1086 = vector.broadcast %add3A_1085 : i32 to vector<16xi32>
        %add3A_1087 = arith.addi %all_reduce_ffs3A_1084, %add3A_1086 : vector<16xi32>
        %add3A_1088 = arith.constant 32 : i32
        %add3A_1089 = arith.addi %add3A_1088, %scan3A_838 : i32
        %broadcast_in_dim3A_1090 = vector.broadcast %add3A_1089 : i32 to vector<16xi32>
        %broadcast_in_dim3A_1091 = vector.broadcast %reduce_max3A_1081 : f32 to vector<16xf32>
        tpu.vector_store_idx %arg13[%broadcast_in_dim3A_1090], %broadcast_in_dim3A_1091 masked %eq3A_5 : memref<256xf32, #tpu.memory_space<vmem>>[vector<16xi32>], vector<16xf32>, vector<16xi1>
        tpu.vector_store_idx %arg14[%broadcast_in_dim3A_1090], %add3A_1087 masked %eq3A_5 : memref<256xi32, #tpu.memory_space<vmem>>[vector<16xi32>], vector<16xi32>, vector<16xi1>
        %sub3A_1092 = arith.subf %get3A_895, %get3A_891 : vector<16xf32>
        %add3A_1093 = arith.constant 768 : i32
        %add3A_1094 = vector.broadcast %add3A_1093 : i32 to vector<16xi32>
        %add3A_1095 = arith.addi %add3A_847, %add3A_1094 : vector<16xi32>
        tpu.vector_store_idx %arg10[%add3A_1095], %sub3A_1092 : memref<4096xf32, #tpu.memory_space<vmem>>[vector<16xi32>], vector<16xf32>,
        %reduce_max3A_1096 = arith.constant true
        %reduce_max3A_1097 = vector.broadcast %reduce_max3A_1096 : i1 to vector<16xi1>
        %reduce_max3A_1098 = tpu.scan <max>, %sub3A_1092 masked %reduce_max3A_1097 : vector<16xf32>, vector<16xi1> -> vector<16xf32>
        %reduce_max3A_1099 = vector.extract %reduce_max3A_1098[15] : f32 from vector<16xf32>
        %eq3A_1100 = vector.broadcast %reduce_max3A_1099 : f32 to vector<16xf32>
        %eq3A_1101 = arith.cmpf oeq, %sub3A_1092, %eq3A_1100 : vector<16xf32>
        %all_reduce_ffs3A_1102 = tpu.all_reduce %eq3A_1101 {dim = 0 : i64, kind = #tpu.reduction_kind<find_first_set>} : vector<16xi1> -> vector<16xi32>
        %add3A_1103 = arith.constant 48 : i32
        %add3A_1104 = vector.broadcast %add3A_1103 : i32 to vector<16xi32>
        %add3A_1105 = arith.addi %all_reduce_ffs3A_1102, %add3A_1104 : vector<16xi32>
        %add3A_1106 = arith.constant 48 : i32
        %add3A_1107 = arith.addi %add3A_1106, %scan3A_838 : i32
        %broadcast_in_dim3A_1108 = vector.broadcast %add3A_1107 : i32 to vector<16xi32>
        %broadcast_in_dim3A_1109 = vector.broadcast %reduce_max3A_1099 : f32 to vector<16xf32>
        tpu.vector_store_idx %arg13[%broadcast_in_dim3A_1108], %broadcast_in_dim3A_1109 masked %eq3A_5 : memref<256xf32, #tpu.memory_space<vmem>>[vector<16xi32>], vector<16xf32>, vector<16xi1>
        tpu.vector_store_idx %arg14[%broadcast_in_dim3A_1108], %add3A_1105 masked %eq3A_5 : memref<256xi32, #tpu.memory_space<vmem>>[vector<16xi32>], vector<16xi32>, vector<16xi1>
        %sub3A_1110 = arith.subf %get3A_907, %get3A_903 : vector<16xf32>
        %add3A_1111 = arith.constant 1024 : i32
        %add3A_1112 = vector.broadcast %add3A_1111 : i32 to vector<16xi32>
        %add3A_1113 = arith.addi %add3A_847, %add3A_1112 : vector<16xi32>
        tpu.vector_store_idx %arg10[%add3A_1113], %sub3A_1110 : memref<4096xf32, #tpu.memory_space<vmem>>[vector<16xi32>], vector<16xf32>,
        %reduce_max3A_1114 = arith.constant true
        %reduce_max3A_1115 = vector.broadcast %reduce_max3A_1114 : i1 to vector<16xi1>
        %reduce_max3A_1116 = tpu.scan <max>, %sub3A_1110 masked %reduce_max3A_1115 : vector<16xf32>, vector<16xi1> -> vector<16xf32>
        %reduce_max3A_1117 = vector.extract %reduce_max3A_1116[15] : f32 from vector<16xf32>
        %eq3A_1118 = vector.broadcast %reduce_max3A_1117 : f32 to vector<16xf32>
        %eq3A_1119 = arith.cmpf oeq, %sub3A_1110, %eq3A_1118 : vector<16xf32>
        %all_reduce_ffs3A_1120 = tpu.all_reduce %eq3A_1119 {dim = 0 : i64, kind = #tpu.reduction_kind<find_first_set>} : vector<16xi1> -> vector<16xi32>
        %add3A_1121 = arith.constant 64 : i32
        %add3A_1122 = vector.broadcast %add3A_1121 : i32 to vector<16xi32>
        %add3A_1123 = arith.addi %all_reduce_ffs3A_1120, %add3A_1122 : vector<16xi32>
        %add3A_1124 = arith.constant 64 : i32
        %add3A_1125 = arith.addi %add3A_1124, %scan3A_838 : i32
        %broadcast_in_dim3A_1126 = vector.broadcast %add3A_1125 : i32 to vector<16xi32>
        %broadcast_in_dim3A_1127 = vector.broadcast %reduce_max3A_1117 : f32 to vector<16xf32>
        tpu.vector_store_idx %arg13[%broadcast_in_dim3A_1126], %broadcast_in_dim3A_1127 masked %eq3A_5 : memref<256xf32, #tpu.memory_space<vmem>>[vector<16xi32>], vector<16xf32>, vector<16xi1>
        tpu.vector_store_idx %arg14[%broadcast_in_dim3A_1126], %add3A_1123 masked %eq3A_5 : memref<256xi32, #tpu.memory_space<vmem>>[vector<16xi32>], vector<16xi32>, vector<16xi1>
        %sub3A_1128 = arith.subf %get3A_919, %get3A_915 : vector<16xf32>
        %add3A_1129 = arith.constant 1280 : i32
        %add3A_1130 = vector.broadcast %add3A_1129 : i32 to vector<16xi32>
        %add3A_1131 = arith.addi %add3A_847, %add3A_1130 : vector<16xi32>
        tpu.vector_store_idx %arg10[%add3A_1131], %sub3A_1128 : memref<4096xf32, #tpu.memory_space<vmem>>[vector<16xi32>], vector<16xf32>,
        %reduce_max3A_1132 = arith.constant true
        %reduce_max3A_1133 = vector.broadcast %reduce_max3A_1132 : i1 to vector<16xi1>
        %reduce_max3A_1134 = tpu.scan <max>, %sub3A_1128 masked %reduce_max3A_1133 : vector<16xf32>, vector<16xi1> -> vector<16xf32>
        %reduce_max3A_1135 = vector.extract %reduce_max3A_1134[15] : f32 from vector<16xf32>
        %eq3A_1136 = vector.broadcast %reduce_max3A_1135 : f32 to vector<16xf32>
        %eq3A_1137 = arith.cmpf oeq, %sub3A_1128, %eq3A_1136 : vector<16xf32>
        %all_reduce_ffs3A_1138 = tpu.all_reduce %eq3A_1137 {dim = 0 : i64, kind = #tpu.reduction_kind<find_first_set>} : vector<16xi1> -> vector<16xi32>
        %add3A_1139 = arith.constant 80 : i32
        %add3A_1140 = vector.broadcast %add3A_1139 : i32 to vector<16xi32>
        %add3A_1141 = arith.addi %all_reduce_ffs3A_1138, %add3A_1140 : vector<16xi32>
        %add3A_1142 = arith.constant 80 : i32
        %add3A_1143 = arith.addi %add3A_1142, %scan3A_838 : i32
        %broadcast_in_dim3A_1144 = vector.broadcast %add3A_1143 : i32 to vector<16xi32>
        %broadcast_in_dim3A_1145 = vector.broadcast %reduce_max3A_1135 : f32 to vector<16xf32>
        tpu.vector_store_idx %arg13[%broadcast_in_dim3A_1144], %broadcast_in_dim3A_1145 masked %eq3A_5 : memref<256xf32, #tpu.memory_space<vmem>>[vector<16xi32>], vector<16xf32>, vector<16xi1>
        tpu.vector_store_idx %arg14[%broadcast_in_dim3A_1144], %add3A_1141 masked %eq3A_5 : memref<256xi32, #tpu.memory_space<vmem>>[vector<16xi32>], vector<16xi32>, vector<16xi1>
        %sub3A_1146 = arith.subf %get3A_931, %get3A_927 : vector<16xf32>
        %add3A_1147 = arith.constant 1536 : i32
        %add3A_1148 = vector.broadcast %add3A_1147 : i32 to vector<16xi32>
        %add3A_1149 = arith.addi %add3A_847, %add3A_1148 : vector<16xi32>
        tpu.vector_store_idx %arg10[%add3A_1149], %sub3A_1146 : memref<4096xf32, #tpu.memory_space<vmem>>[vector<16xi32>], vector<16xf32>,
        %reduce_max3A_1150 = arith.constant true
        %reduce_max3A_1151 = vector.broadcast %reduce_max3A_1150 : i1 to vector<16xi1>
        %reduce_max3A_1152 = tpu.scan <max>, %sub3A_1146 masked %reduce_max3A_1151 : vector<16xf32>, vector<16xi1> -> vector<16xf32>
        %reduce_max3A_1153 = vector.extract %reduce_max3A_1152[15] : f32 from vector<16xf32>
        %eq3A_1154 = vector.broadcast %reduce_max3A_1153 : f32 to vector<16xf32>
        %eq3A_1155 = arith.cmpf oeq, %sub3A_1146, %eq3A_1154 : vector<16xf32>
        %all_reduce_ffs3A_1156 = tpu.all_reduce %eq3A_1155 {dim = 0 : i64, kind = #tpu.reduction_kind<find_first_set>} : vector<16xi1> -> vector<16xi32>
        %add3A_1157 = arith.constant 96 : i32
        %add3A_1158 = vector.broadcast %add3A_1157 : i32 to vector<16xi32>
        %add3A_1159 = arith.addi %all_reduce_ffs3A_1156, %add3A_1158 : vector<16xi32>
        %add3A_1160 = arith.constant 96 : i32
        %add3A_1161 = arith.addi %add3A_1160, %scan3A_838 : i32
        %broadcast_in_dim3A_1162 = vector.broadcast %add3A_1161 : i32 to vector<16xi32>
        %broadcast_in_dim3A_1163 = vector.broadcast %reduce_max3A_1153 : f32 to vector<16xf32>
        tpu.vector_store_idx %arg13[%broadcast_in_dim3A_1162], %broadcast_in_dim3A_1163 masked %eq3A_5 : memref<256xf32, #tpu.memory_space<vmem>>[vector<16xi32>], vector<16xf32>, vector<16xi1>
        tpu.vector_store_idx %arg14[%broadcast_in_dim3A_1162], %add3A_1159 masked %eq3A_5 : memref<256xi32, #tpu.memory_space<vmem>>[vector<16xi32>], vector<16xi32>, vector<16xi1>
        %sub3A_1164 = arith.subf %get3A_943, %get3A_939 : vector<16xf32>
        %add3A_1165 = arith.constant 1792 : i32
        %add3A_1166 = vector.broadcast %add3A_1165 : i32 to vector<16xi32>
        %add3A_1167 = arith.addi %add3A_847, %add3A_1166 : vector<16xi32>
        tpu.vector_store_idx %arg10[%add3A_1167], %sub3A_1164 : memref<4096xf32, #tpu.memory_space<vmem>>[vector<16xi32>], vector<16xf32>,
        %reduce_max3A_1168 = arith.constant true
        %reduce_max3A_1169 = vector.broadcast %reduce_max3A_1168 : i1 to vector<16xi1>
        %reduce_max3A_1170 = tpu.scan <max>, %sub3A_1164 masked %reduce_max3A_1169 : vector<16xf32>, vector<16xi1> -> vector<16xf32>
        %reduce_max3A_1171 = vector.extract %reduce_max3A_1170[15] : f32 from vector<16xf32>
        %eq3A_1172 = vector.broadcast %reduce_max3A_1171 : f32 to vector<16xf32>
        %eq3A_1173 = arith.cmpf oeq, %sub3A_1164, %eq3A_1172 : vector<16xf32>
        %all_reduce_ffs3A_1174 = tpu.all_reduce %eq3A_1173 {dim = 0 : i64, kind = #tpu.reduction_kind<find_first_set>} : vector<16xi1> -> vector<16xi32>
        %add3A_1175 = arith.constant 112 : i32
        %add3A_1176 = vector.broadcast %add3A_1175 : i32 to vector<16xi32>
        %add3A_1177 = arith.addi %all_reduce_ffs3A_1174, %add3A_1176 : vector<16xi32>
        %add3A_1178 = arith.constant 112 : i32
        %add3A_1179 = arith.addi %add3A_1178, %scan3A_838 : i32
        %broadcast_in_dim3A_1180 = vector.broadcast %add3A_1179 : i32 to vector<16xi32>
        %broadcast_in_dim3A_1181 = vector.broadcast %reduce_max3A_1171 : f32 to vector<16xf32>
        tpu.vector_store_idx %arg13[%broadcast_in_dim3A_1180], %broadcast_in_dim3A_1181 masked %eq3A_5 : memref<256xf32, #tpu.memory_space<vmem>>[vector<16xi32>], vector<16xf32>, vector<16xi1>
        tpu.vector_store_idx %arg14[%broadcast_in_dim3A_1180], %add3A_1177 masked %eq3A_5 : memref<256xi32, #tpu.memory_space<vmem>>[vector<16xi32>], vector<16xi32>, vector<16xi1>
        %sub3A_1182 = arith.subf %get3A_955, %get3A_951 : vector<16xf32>
        %add3A_1183 = arith.constant 2048 : i32
        %add3A_1184 = vector.broadcast %add3A_1183 : i32 to vector<16xi32>
        %add3A_1185 = arith.addi %add3A_847, %add3A_1184 : vector<16xi32>
        tpu.vector_store_idx %arg10[%add3A_1185], %sub3A_1182 : memref<4096xf32, #tpu.memory_space<vmem>>[vector<16xi32>], vector<16xf32>,
        %reduce_max3A_1186 = arith.constant true
        %reduce_max3A_1187 = vector.broadcast %reduce_max3A_1186 : i1 to vector<16xi1>
        %reduce_max3A_1188 = tpu.scan <max>, %sub3A_1182 masked %reduce_max3A_1187 : vector<16xf32>, vector<16xi1> -> vector<16xf32>
        %reduce_max3A_1189 = vector.extract %reduce_max3A_1188[15] : f32 from vector<16xf32>
        %eq3A_1190 = vector.broadcast %reduce_max3A_1189 : f32 to vector<16xf32>
        %eq3A_1191 = arith.cmpf oeq, %sub3A_1182, %eq3A_1190 : vector<16xf32>
        %all_reduce_ffs3A_1192 = tpu.all_reduce %eq3A_1191 {dim = 0 : i64, kind = #tpu.reduction_kind<find_first_set>} : vector<16xi1> -> vector<16xi32>
        %add3A_1193 = arith.constant 128 : i32
        %add3A_1194 = vector.broadcast %add3A_1193 : i32 to vector<16xi32>
        %add3A_1195 = arith.addi %all_reduce_ffs3A_1192, %add3A_1194 : vector<16xi32>
        %add3A_1196 = arith.constant 128 : i32
        %add3A_1197 = arith.addi %add3A_1196, %scan3A_838 : i32
        %broadcast_in_dim3A_1198 = vector.broadcast %add3A_1197 : i32 to vector<16xi32>
        %broadcast_in_dim3A_1199 = vector.broadcast %reduce_max3A_1189 : f32 to vector<16xf32>
        tpu.vector_store_idx %arg13[%broadcast_in_dim3A_1198], %broadcast_in_dim3A_1199 masked %eq3A_5 : memref<256xf32, #tpu.memory_space<vmem>>[vector<16xi32>], vector<16xf32>, vector<16xi1>
        tpu.vector_store_idx %arg14[%broadcast_in_dim3A_1198], %add3A_1195 masked %eq3A_5 : memref<256xi32, #tpu.memory_space<vmem>>[vector<16xi32>], vector<16xi32>, vector<16xi1>
        %sub3A_1200 = arith.subf %get3A_967, %get3A_963 : vector<16xf32>
        %add3A_1201 = arith.constant 2304 : i32
        %add3A_1202 = vector.broadcast %add3A_1201 : i32 to vector<16xi32>
        %add3A_1203 = arith.addi %add3A_847, %add3A_1202 : vector<16xi32>
        tpu.vector_store_idx %arg10[%add3A_1203], %sub3A_1200 : memref<4096xf32, #tpu.memory_space<vmem>>[vector<16xi32>], vector<16xf32>,
        %reduce_max3A_1204 = arith.constant true
        %reduce_max3A_1205 = vector.broadcast %reduce_max3A_1204 : i1 to vector<16xi1>
        %reduce_max3A_1206 = tpu.scan <max>, %sub3A_1200 masked %reduce_max3A_1205 : vector<16xf32>, vector<16xi1> -> vector<16xf32>
        %reduce_max3A_1207 = vector.extract %reduce_max3A_1206[15] : f32 from vector<16xf32>
        %eq3A_1208 = vector.broadcast %reduce_max3A_1207 : f32 to vector<16xf32>
        %eq3A_1209 = arith.cmpf oeq, %sub3A_1200, %eq3A_1208 : vector<16xf32>
        %all_reduce_ffs3A_1210 = tpu.all_reduce %eq3A_1209 {dim = 0 : i64, kind = #tpu.reduction_kind<find_first_set>} : vector<16xi1> -> vector<16xi32>
        %add3A_1211 = arith.constant 144 : i32
        %add3A_1212 = vector.broadcast %add3A_1211 : i32 to vector<16xi32>
        %add3A_1213 = arith.addi %all_reduce_ffs3A_1210, %add3A_1212 : vector<16xi32>
        %add3A_1214 = arith.constant 144 : i32
        %add3A_1215 = arith.addi %add3A_1214, %scan3A_838 : i32
        %broadcast_in_dim3A_1216 = vector.broadcast %add3A_1215 : i32 to vector<16xi32>
        %broadcast_in_dim3A_1217 = vector.broadcast %reduce_max3A_1207 : f32 to vector<16xf32>
        tpu.vector_store_idx %arg13[%broadcast_in_dim3A_1216], %broadcast_in_dim3A_1217 masked %eq3A_5 : memref<256xf32, #tpu.memory_space<vmem>>[vector<16xi32>], vector<16xf32>, vector<16xi1>
        tpu.vector_store_idx %arg14[%broadcast_in_dim3A_1216], %add3A_1213 masked %eq3A_5 : memref<256xi32, #tpu.memory_space<vmem>>[vector<16xi32>], vector<16xi32>, vector<16xi1>
        %sub3A_1218 = arith.subf %get3A_979, %get3A_975 : vector<16xf32>
        %add3A_1219 = arith.constant 2560 : i32
        %add3A_1220 = vector.broadcast %add3A_1219 : i32 to vector<16xi32>
        %add3A_1221 = arith.addi %add3A_847, %add3A_1220 : vector<16xi32>
        tpu.vector_store_idx %arg10[%add3A_1221], %sub3A_1218 : memref<4096xf32, #tpu.memory_space<vmem>>[vector<16xi32>], vector<16xf32>,
        %reduce_max3A_1222 = arith.constant true
        %reduce_max3A_1223 = vector.broadcast %reduce_max3A_1222 : i1 to vector<16xi1>
        %reduce_max3A_1224 = tpu.scan <max>, %sub3A_1218 masked %reduce_max3A_1223 : vector<16xf32>, vector<16xi1> -> vector<16xf32>
        %reduce_max3A_1225 = vector.extract %reduce_max3A_1224[15] : f32 from vector<16xf32>
        %eq3A_1226 = vector.broadcast %reduce_max3A_1225 : f32 to vector<16xf32>
        %eq3A_1227 = arith.cmpf oeq, %sub3A_1218, %eq3A_1226 : vector<16xf32>
        %all_reduce_ffs3A_1228 = tpu.all_reduce %eq3A_1227 {dim = 0 : i64, kind = #tpu.reduction_kind<find_first_set>} : vector<16xi1> -> vector<16xi32>
        %add3A_1229 = arith.constant 160 : i32
        %add3A_1230 = vector.broadcast %add3A_1229 : i32 to vector<16xi32>
        %add3A_1231 = arith.addi %all_reduce_ffs3A_1228, %add3A_1230 : vector<16xi32>
        %add3A_1232 = arith.constant 160 : i32
        %add3A_1233 = arith.addi %add3A_1232, %scan3A_838 : i32
        %broadcast_in_dim3A_1234 = vector.broadcast %add3A_1233 : i32 to vector<16xi32>
        %broadcast_in_dim3A_1235 = vector.broadcast %reduce_max3A_1225 : f32 to vector<16xf32>
        tpu.vector_store_idx %arg13[%broadcast_in_dim3A_1234], %broadcast_in_dim3A_1235 masked %eq3A_5 : memref<256xf32, #tpu.memory_space<vmem>>[vector<16xi32>], vector<16xf32>, vector<16xi1>
        tpu.vector_store_idx %arg14[%broadcast_in_dim3A_1234], %add3A_1231 masked %eq3A_5 : memref<256xi32, #tpu.memory_space<vmem>>[vector<16xi32>], vector<16xi32>, vector<16xi1>
        %sub3A_1236 = arith.subf %get3A_991, %get3A_987 : vector<16xf32>
        %add3A_1237 = arith.constant 2816 : i32
        %add3A_1238 = vector.broadcast %add3A_1237 : i32 to vector<16xi32>
        %add3A_1239 = arith.addi %add3A_847, %add3A_1238 : vector<16xi32>
        tpu.vector_store_idx %arg10[%add3A_1239], %sub3A_1236 : memref<4096xf32, #tpu.memory_space<vmem>>[vector<16xi32>], vector<16xf32>,
        %reduce_max3A_1240 = arith.constant true
        %reduce_max3A_1241 = vector.broadcast %reduce_max3A_1240 : i1 to vector<16xi1>
        %reduce_max3A_1242 = tpu.scan <max>, %sub3A_1236 masked %reduce_max3A_1241 : vector<16xf32>, vector<16xi1> -> vector<16xf32>
        %reduce_max3A_1243 = vector.extract %reduce_max3A_1242[15] : f32 from vector<16xf32>
        %eq3A_1244 = vector.broadcast %reduce_max3A_1243 : f32 to vector<16xf32>
        %eq3A_1245 = arith.cmpf oeq, %sub3A_1236, %eq3A_1244 : vector<16xf32>
        %all_reduce_ffs3A_1246 = tpu.all_reduce %eq3A_1245 {dim = 0 : i64, kind = #tpu.reduction_kind<find_first_set>} : vector<16xi1> -> vector<16xi32>
        %add3A_1247 = arith.constant 176 : i32
        %add3A_1248 = vector.broadcast %add3A_1247 : i32 to vector<16xi32>
        %add3A_1249 = arith.addi %all_reduce_ffs3A_1246, %add3A_1248 : vector<16xi32>
        %add3A_1250 = arith.constant 176 : i32
        %add3A_1251 = arith.addi %add3A_1250, %scan3A_838 : i32
        %broadcast_in_dim3A_1252 = vector.broadcast %add3A_1251 : i32 to vector<16xi32>
        %broadcast_in_dim3A_1253 = vector.broadcast %reduce_max3A_1243 : f32 to vector<16xf32>
        tpu.vector_store_idx %arg13[%broadcast_in_dim3A_1252], %broadcast_in_dim3A_1253 masked %eq3A_5 : memref<256xf32, #tpu.memory_space<vmem>>[vector<16xi32>], vector<16xf32>, vector<16xi1>
        tpu.vector_store_idx %arg14[%broadcast_in_dim3A_1252], %add3A_1249 masked %eq3A_5 : memref<256xi32, #tpu.memory_space<vmem>>[vector<16xi32>], vector<16xi32>, vector<16xi1>
        %sub3A_1254 = arith.subf %get3A_1003, %get3A_999 : vector<16xf32>
        %add3A_1255 = arith.constant 3072 : i32
        %add3A_1256 = vector.broadcast %add3A_1255 : i32 to vector<16xi32>
        %add3A_1257 = arith.addi %add3A_847, %add3A_1256 : vector<16xi32>
        tpu.vector_store_idx %arg10[%add3A_1257], %sub3A_1254 : memref<4096xf32, #tpu.memory_space<vmem>>[vector<16xi32>], vector<16xf32>,
        %reduce_max3A_1258 = arith.constant true
        %reduce_max3A_1259 = vector.broadcast %reduce_max3A_1258 : i1 to vector<16xi1>
        %reduce_max3A_1260 = tpu.scan <max>, %sub3A_1254 masked %reduce_max3A_1259 : vector<16xf32>, vector<16xi1> -> vector<16xf32>
        %reduce_max3A_1261 = vector.extract %reduce_max3A_1260[15] : f32 from vector<16xf32>
        %eq3A_1262 = vector.broadcast %reduce_max3A_1261 : f32 to vector<16xf32>
        %eq3A_1263 = arith.cmpf oeq, %sub3A_1254, %eq3A_1262 : vector<16xf32>
        %all_reduce_ffs3A_1264 = tpu.all_reduce %eq3A_1263 {dim = 0 : i64, kind = #tpu.reduction_kind<find_first_set>} : vector<16xi1> -> vector<16xi32>
        %add3A_1265 = arith.constant 192 : i32
        %add3A_1266 = vector.broadcast %add3A_1265 : i32 to vector<16xi32>
        %add3A_1267 = arith.addi %all_reduce_ffs3A_1264, %add3A_1266 : vector<16xi32>
        %add3A_1268 = arith.constant 192 : i32
        %add3A_1269 = arith.addi %add3A_1268, %scan3A_838 : i32
        %broadcast_in_dim3A_1270 = vector.broadcast %add3A_1269 : i32 to vector<16xi32>
        %broadcast_in_dim3A_1271 = vector.broadcast %reduce_max3A_1261 : f32 to vector<16xf32>
        tpu.vector_store_idx %arg13[%broadcast_in_dim3A_1270], %broadcast_in_dim3A_1271 masked %eq3A_5 : memref<256xf32, #tpu.memory_space<vmem>>[vector<16xi32>], vector<16xf32>, vector<16xi1>
        tpu.vector_store_idx %arg14[%broadcast_in_dim3A_1270], %add3A_1267 masked %eq3A_5 : memref<256xi32, #tpu.memory_space<vmem>>[vector<16xi32>], vector<16xi32>, vector<16xi1>
        %sub3A_1272 = arith.subf %get3A_1015, %get3A_1011 : vector<16xf32>
        %add3A_1273 = arith.constant 3328 : i32
        %add3A_1274 = vector.broadcast %add3A_1273 : i32 to vector<16xi32>
        %add3A_1275 = arith.addi %add3A_847, %add3A_1274 : vector<16xi32>
        tpu.vector_store_idx %arg10[%add3A_1275], %sub3A_1272 : memref<4096xf32, #tpu.memory_space<vmem>>[vector<16xi32>], vector<16xf32>,
        %reduce_max3A_1276 = arith.constant true
        %reduce_max3A_1277 = vector.broadcast %reduce_max3A_1276 : i1 to vector<16xi1>
        %reduce_max3A_1278 = tpu.scan <max>, %sub3A_1272 masked %reduce_max3A_1277 : vector<16xf32>, vector<16xi1> -> vector<16xf32>
        %reduce_max3A_1279 = vector.extract %reduce_max3A_1278[15] : f32 from vector<16xf32>
        %eq3A_1280 = vector.broadcast %reduce_max3A_1279 : f32 to vector<16xf32>
        %eq3A_1281 = arith.cmpf oeq, %sub3A_1272, %eq3A_1280 : vector<16xf32>
        %all_reduce_ffs3A_1282 = tpu.all_reduce %eq3A_1281 {dim = 0 : i64, kind = #tpu.reduction_kind<find_first_set>} : vector<16xi1> -> vector<16xi32>
        %add3A_1283 = arith.constant 208 : i32
        %add3A_1284 = vector.broadcast %add3A_1283 : i32 to vector<16xi32>
        %add3A_1285 = arith.addi %all_reduce_ffs3A_1282, %add3A_1284 : vector<16xi32>
        %add3A_1286 = arith.constant 208 : i32
        %add3A_1287 = arith.addi %add3A_1286, %scan3A_838 : i32
        %broadcast_in_dim3A_1288 = vector.broadcast %add3A_1287 : i32 to vector<16xi32>
        %broadcast_in_dim3A_1289 = vector.broadcast %reduce_max3A_1279 : f32 to vector<16xf32>
        tpu.vector_store_idx %arg13[%broadcast_in_dim3A_1288], %broadcast_in_dim3A_1289 masked %eq3A_5 : memref<256xf32, #tpu.memory_space<vmem>>[vector<16xi32>], vector<16xf32>, vector<16xi1>
        tpu.vector_store_idx %arg14[%broadcast_in_dim3A_1288], %add3A_1285 masked %eq3A_5 : memref<256xi32, #tpu.memory_space<vmem>>[vector<16xi32>], vector<16xi32>, vector<16xi1>
        %sub3A_1290 = arith.subf %get3A_1027, %get3A_1023 : vector<16xf32>
        %add3A_1291 = arith.constant 3584 : i32
        %add3A_1292 = vector.broadcast %add3A_1291 : i32 to vector<16xi32>
        %add3A_1293 = arith.addi %add3A_847, %add3A_1292 : vector<16xi32>
        tpu.vector_store_idx %arg10[%add3A_1293], %sub3A_1290 : memref<4096xf32, #tpu.memory_space<vmem>>[vector<16xi32>], vector<16xf32>,
        %reduce_max3A_1294 = arith.constant true
        %reduce_max3A_1295 = vector.broadcast %reduce_max3A_1294 : i1 to vector<16xi1>
        %reduce_max3A_1296 = tpu.scan <max>, %sub3A_1290 masked %reduce_max3A_1295 : vector<16xf32>, vector<16xi1> -> vector<16xf32>
        %reduce_max3A_1297 = vector.extract %reduce_max3A_1296[15] : f32 from vector<16xf32>
        %eq3A_1298 = vector.broadcast %reduce_max3A_1297 : f32 to vector<16xf32>
        %eq3A_1299 = arith.cmpf oeq, %sub3A_1290, %eq3A_1298 : vector<16xf32>
        %all_reduce_ffs3A_1300 = tpu.all_reduce %eq3A_1299 {dim = 0 : i64, kind = #tpu.reduction_kind<find_first_set>} : vector<16xi1> -> vector<16xi32>
        %add3A_1301 = arith.constant 224 : i32
        %add3A_1302 = vector.broadcast %add3A_1301 : i32 to vector<16xi32>
        %add3A_1303 = arith.addi %all_reduce_ffs3A_1300, %add3A_1302 : vector<16xi32>
        %add3A_1304 = arith.constant 224 : i32
        %add3A_1305 = arith.addi %add3A_1304, %scan3A_838 : i32
        %broadcast_in_dim3A_1306 = vector.broadcast %add3A_1305 : i32 to vector<16xi32>
        %broadcast_in_dim3A_1307 = vector.broadcast %reduce_max3A_1297 : f32 to vector<16xf32>
        tpu.vector_store_idx %arg13[%broadcast_in_dim3A_1306], %broadcast_in_dim3A_1307 masked %eq3A_5 : memref<256xf32, #tpu.memory_space<vmem>>[vector<16xi32>], vector<16xf32>, vector<16xi1>
        tpu.vector_store_idx %arg14[%broadcast_in_dim3A_1306], %add3A_1303 masked %eq3A_5 : memref<256xi32, #tpu.memory_space<vmem>>[vector<16xi32>], vector<16xi32>, vector<16xi1>
        %sub3A_1308 = arith.subf %get3A_1039, %get3A_1035 : vector<16xf32>
        %add3A_1309 = arith.constant 3840 : i32
        %add3A_1310 = vector.broadcast %add3A_1309 : i32 to vector<16xi32>
        %add3A_1311 = arith.addi %add3A_847, %add3A_1310 : vector<16xi32>
        tpu.vector_store_idx %arg10[%add3A_1311], %sub3A_1308 : memref<4096xf32, #tpu.memory_space<vmem>>[vector<16xi32>], vector<16xf32>,
        %reduce_max3A_1312 = arith.constant true
        %reduce_max3A_1313 = vector.broadcast %reduce_max3A_1312 : i1 to vector<16xi1>
        %reduce_max3A_1314 = tpu.scan <max>, %sub3A_1308 masked %reduce_max3A_1313 : vector<16xf32>, vector<16xi1> -> vector<16xf32>
        %reduce_max3A_1315 = vector.extract %reduce_max3A_1314[15] : f32 from vector<16xf32>
        %eq3A_1316 = vector.broadcast %reduce_max3A_1315 : f32 to vector<16xf32>
        %eq3A_1317 = arith.cmpf oeq, %sub3A_1308, %eq3A_1316 : vector<16xf32>
        %all_reduce_ffs3A_1318 = tpu.all_reduce %eq3A_1317 {dim = 0 : i64, kind = #tpu.reduction_kind<find_first_set>} : vector<16xi1> -> vector<16xi32>
        %add3A_1319 = arith.constant 240 : i32
        %add3A_1320 = vector.broadcast %add3A_1319 : i32 to vector<16xi32>
        %add3A_1321 = arith.addi %all_reduce_ffs3A_1318, %add3A_1320 : vector<16xi32>
        %add3A_1322 = arith.constant 240 : i32
        %add3A_1323 = arith.addi %add3A_1322, %scan3A_838 : i32
        %broadcast_in_dim3A_1324 = vector.broadcast %add3A_1323 : i32 to vector<16xi32>
        %broadcast_in_dim3A_1325 = vector.broadcast %reduce_max3A_1315 : f32 to vector<16xf32>
        tpu.vector_store_idx %arg13[%broadcast_in_dim3A_1324], %broadcast_in_dim3A_1325 masked %eq3A_5 : memref<256xf32, #tpu.memory_space<vmem>>[vector<16xi32>], vector<16xf32>, vector<16xi1>
        tpu.vector_store_idx %arg14[%broadcast_in_dim3A_1324], %add3A_1321 masked %eq3A_5 : memref<256xi32, #tpu.memory_space<vmem>>[vector<16xi32>], vector<16xi32>, vector<16xi1>
      }
      %scan3A_239 = arith.constant 16 : i32
      %scan3A_240 = arith.constant 0 : i32
      %scan3A_241 = arith.constant 9 : i32
      %scan3A_242 = arith.addi %scan3A_240, %scan3A_241 : i32
      %scan3A_243 = arith.constant 1 : i32
      %scan3A_244 = scf.for %scan3A_838 = %scan3A_240 to %scan3A_242 step %scan3A_243 iter_args(%scan3A_839 = %scan3A_190) -> (vector<16xf32>)  : i32 {
        %get3A_840 = arith.constant 0 : index
        %get3A_841 = tpu.vector_load %arg11[%get3A_840] {strides = array<i32>} : memref<256xf32, #tpu.memory_space<vmem>>, vector<16xf32>,
        %get3A_842 = arith.constant 16 : index
        %get3A_843 = tpu.vector_load %arg11[%get3A_842] {strides = array<i32>} : memref<256xf32, #tpu.memory_space<vmem>>, vector<16xf32>,
        %get3A_844 = arith.constant 32 : index
        %get3A_845 = tpu.vector_load %arg11[%get3A_844] {strides = array<i32>} : memref<256xf32, #tpu.memory_space<vmem>>, vector<16xf32>,
        %get3A_846 = arith.constant 48 : index
        %get3A_847 = tpu.vector_load %arg11[%get3A_846] {strides = array<i32>} : memref<256xf32, #tpu.memory_space<vmem>>, vector<16xf32>,
        %get3A_848 = arith.constant 64 : index
        %get3A_849 = tpu.vector_load %arg11[%get3A_848] {strides = array<i32>} : memref<256xf32, #tpu.memory_space<vmem>>, vector<16xf32>,
        %get3A_850 = arith.constant 80 : index
        %get3A_851 = tpu.vector_load %arg11[%get3A_850] {strides = array<i32>} : memref<256xf32, #tpu.memory_space<vmem>>, vector<16xf32>,
        %get3A_852 = arith.constant 96 : index
        %get3A_853 = tpu.vector_load %arg11[%get3A_852] {strides = array<i32>} : memref<256xf32, #tpu.memory_space<vmem>>, vector<16xf32>,
        %get3A_854 = arith.constant 112 : index
        %get3A_855 = tpu.vector_load %arg11[%get3A_854] {strides = array<i32>} : memref<256xf32, #tpu.memory_space<vmem>>, vector<16xf32>,
        %get3A_856 = arith.constant 128 : index
        %get3A_857 = tpu.vector_load %arg11[%get3A_856] {strides = array<i32>} : memref<256xf32, #tpu.memory_space<vmem>>, vector<16xf32>,
        %get3A_858 = arith.constant 144 : index
        %get3A_859 = tpu.vector_load %arg11[%get3A_858] {strides = array<i32>} : memref<256xf32, #tpu.memory_space<vmem>>, vector<16xf32>,
        %get3A_860 = arith.constant 160 : index
        %get3A_861 = tpu.vector_load %arg11[%get3A_860] {strides = array<i32>} : memref<256xf32, #tpu.memory_space<vmem>>, vector<16xf32>,
        %get3A_862 = arith.constant 176 : index
        %get3A_863 = tpu.vector_load %arg11[%get3A_862] {strides = array<i32>} : memref<256xf32, #tpu.memory_space<vmem>>, vector<16xf32>,
        %get3A_864 = arith.constant 192 : index
        %get3A_865 = tpu.vector_load %arg11[%get3A_864] {strides = array<i32>} : memref<256xf32, #tpu.memory_space<vmem>>, vector<16xf32>,
        %get3A_866 = arith.constant 208 : index
        %get3A_867 = tpu.vector_load %arg11[%get3A_866] {strides = array<i32>} : memref<256xf32, #tpu.memory_space<vmem>>, vector<16xf32>,
        %get3A_868 = arith.constant 224 : index
        %get3A_869 = tpu.vector_load %arg11[%get3A_868] {strides = array<i32>} : memref<256xf32, #tpu.memory_space<vmem>>, vector<16xf32>,
        %get3A_870 = arith.constant 240 : index
        %get3A_871 = tpu.vector_load %arg11[%get3A_870] {strides = array<i32>} : memref<256xf32, #tpu.memory_space<vmem>>, vector<16xf32>,
        %broadcast_in_dim3A_872 = arith.constant 0 : i32
        %broadcast_in_dim3A_873 = vector.broadcast %broadcast_in_dim3A_872 : i32 to vector<16xi32>
        %broadcast_in_dim3A_874 = arith.constant 1 : i32
        %broadcast_in_dim3A_875 = vector.broadcast %broadcast_in_dim3A_874 : i32 to vector<16xi32>
        %broadcast_in_dim3A_876 = arith.constant 2 : i32
        %broadcast_in_dim3A_877 = vector.broadcast %broadcast_in_dim3A_876 : i32 to vector<16xi32>
        %broadcast_in_dim3A_878 = arith.constant 3 : i32
        %broadcast_in_dim3A_879 = vector.broadcast %broadcast_in_dim3A_878 : i32 to vector<16xi32>
        %broadcast_in_dim3A_880 = arith.constant 4 : i32
        %broadcast_in_dim3A_881 = vector.broadcast %broadcast_in_dim3A_880 : i32 to vector<16xi32>
        %broadcast_in_dim3A_882 = arith.constant 5 : i32
        %broadcast_in_dim3A_883 = vector.broadcast %broadcast_in_dim3A_882 : i32 to vector<16xi32>
        %broadcast_in_dim3A_884 = arith.constant 6 : i32
        %broadcast_in_dim3A_885 = vector.broadcast %broadcast_in_dim3A_884 : i32 to vector<16xi32>
        %broadcast_in_dim3A_886 = arith.constant 7 : i32
        %broadcast_in_dim3A_887 = vector.broadcast %broadcast_in_dim3A_886 : i32 to vector<16xi32>
        %broadcast_in_dim3A_888 = arith.constant 8 : i32
        %broadcast_in_dim3A_889 = vector.broadcast %broadcast_in_dim3A_888 : i32 to vector<16xi32>
        %broadcast_in_dim3A_890 = arith.constant 9 : i32
        %broadcast_in_dim3A_891 = vector.broadcast %broadcast_in_dim3A_890 : i32 to vector<16xi32>
        %broadcast_in_dim3A_892 = arith.constant 10 : i32
        %broadcast_in_dim3A_893 = vector.broadcast %broadcast_in_dim3A_892 : i32 to vector<16xi32>
        %broadcast_in_dim3A_894 = arith.constant 11 : i32
        %broadcast_in_dim3A_895 = vector.broadcast %broadcast_in_dim3A_894 : i32 to vector<16xi32>
        %broadcast_in_dim3A_896 = arith.constant 12 : i32
        %broadcast_in_dim3A_897 = vector.broadcast %broadcast_in_dim3A_896 : i32 to vector<16xi32>
        %broadcast_in_dim3A_898 = arith.constant 13 : i32
        %broadcast_in_dim3A_899 = vector.broadcast %broadcast_in_dim3A_898 : i32 to vector<16xi32>
        %broadcast_in_dim3A_900 = arith.constant 14 : i32
        %broadcast_in_dim3A_901 = vector.broadcast %broadcast_in_dim3A_900 : i32 to vector<16xi32>
        %broadcast_in_dim3A_902 = arith.constant 15 : i32
        %broadcast_in_dim3A_903 = vector.broadcast %broadcast_in_dim3A_902 : i32 to vector<16xi32>
        %gt3A_904 = arith.cmpf ogt, %get3A_843, %get3A_841 : vector<16xf32>
        %select_n3A_905 = arith.select %gt3A_904, %get3A_843, %get3A_841 : vector<16xi1>, vector<16xf32>
        %select_n3A_906 = arith.select %gt3A_904, %broadcast_in_dim3A_875, %broadcast_in_dim3A_873 : vector<16xi1>, vector<16xi32>
        %gt3A_907 = arith.cmpf ogt, %get3A_847, %get3A_845 : vector<16xf32>
        %select_n3A_908 = arith.select %gt3A_907, %get3A_847, %get3A_845 : vector<16xi1>, vector<16xf32>
        %select_n3A_909 = arith.select %gt3A_907, %broadcast_in_dim3A_879, %broadcast_in_dim3A_877 : vector<16xi1>, vector<16xi32>
        %gt3A_910 = arith.cmpf ogt, %get3A_851, %get3A_849 : vector<16xf32>
        %select_n3A_911 = arith.select %gt3A_910, %get3A_851, %get3A_849 : vector<16xi1>, vector<16xf32>
        %select_n3A_912 = arith.select %gt3A_910, %broadcast_in_dim3A_883, %broadcast_in_dim3A_881 : vector<16xi1>, vector<16xi32>
        %gt3A_913 = arith.cmpf ogt, %get3A_855, %get3A_853 : vector<16xf32>
        %select_n3A_914 = arith.select %gt3A_913, %get3A_855, %get3A_853 : vector<16xi1>, vector<16xf32>
        %select_n3A_915 = arith.select %gt3A_913, %broadcast_in_dim3A_887, %broadcast_in_dim3A_885 : vector<16xi1>, vector<16xi32>
        %gt3A_916 = arith.cmpf ogt, %get3A_859, %get3A_857 : vector<16xf32>
        %select_n3A_917 = arith.select %gt3A_916, %get3A_859, %get3A_857 : vector<16xi1>, vector<16xf32>
        %select_n3A_918 = arith.select %gt3A_916, %broadcast_in_dim3A_891, %broadcast_in_dim3A_889 : vector<16xi1>, vector<16xi32>
        %gt3A_919 = arith.cmpf ogt, %get3A_863, %get3A_861 : vector<16xf32>
        %select_n3A_920 = arith.select %gt3A_919, %get3A_863, %get3A_861 : vector<16xi1>, vector<16xf32>
        %select_n3A_921 = arith.select %gt3A_919, %broadcast_in_dim3A_895, %broadcast_in_dim3A_893 : vector<16xi1>, vector<16xi32>
        %gt3A_922 = arith.cmpf ogt, %get3A_867, %get3A_865 : vector<16xf32>
        %select_n3A_923 = arith.select %gt3A_922, %get3A_867, %get3A_865 : vector<16xi1>, vector<16xf32>
        %select_n3A_924 = arith.select %gt3A_922, %broadcast_in_dim3A_899, %broadcast_in_dim3A_897 : vector<16xi1>, vector<16xi32>
        %gt3A_925 = arith.cmpf ogt, %get3A_871, %get3A_869 : vector<16xf32>
        %select_n3A_926 = arith.select %gt3A_925, %get3A_871, %get3A_869 : vector<16xi1>, vector<16xf32>
        %select_n3A_927 = arith.select %gt3A_925, %broadcast_in_dim3A_903, %broadcast_in_dim3A_901 : vector<16xi1>, vector<16xi32>
        %gt3A_928 = arith.cmpf ogt, %select_n3A_908, %select_n3A_905 : vector<16xf32>
        %select_n3A_929 = arith.select %gt3A_928, %select_n3A_908, %select_n3A_905 : vector<16xi1>, vector<16xf32>
        %select_n3A_930 = arith.select %gt3A_928, %select_n3A_909, %select_n3A_906 : vector<16xi1>, vector<16xi32>
        %gt3A_931 = arith.cmpf ogt, %select_n3A_914, %select_n3A_911 : vector<16xf32>
        %select_n3A_932 = arith.select %gt3A_931, %select_n3A_914, %select_n3A_911 : vector<16xi1>, vector<16xf32>
        %select_n3A_933 = arith.select %gt3A_931, %select_n3A_915, %select_n3A_912 : vector<16xi1>, vector<16xi32>
        %gt3A_934 = arith.cmpf ogt, %select_n3A_920, %select_n3A_917 : vector<16xf32>
        %select_n3A_935 = arith.select %gt3A_934, %select_n3A_920, %select_n3A_917 : vector<16xi1>, vector<16xf32>
        %select_n3A_936 = arith.select %gt3A_934, %select_n3A_921, %select_n3A_918 : vector<16xi1>, vector<16xi32>
        %gt3A_937 = arith.cmpf ogt, %select_n3A_926, %select_n3A_923 : vector<16xf32>
        %select_n3A_938 = arith.select %gt3A_937, %select_n3A_926, %select_n3A_923 : vector<16xi1>, vector<16xf32>
        %select_n3A_939 = arith.select %gt3A_937, %select_n3A_927, %select_n3A_924 : vector<16xi1>, vector<16xi32>
        %gt3A_940 = arith.cmpf ogt, %select_n3A_932, %select_n3A_929 : vector<16xf32>
        %select_n3A_941 = arith.select %gt3A_940, %select_n3A_932, %select_n3A_929 : vector<16xi1>, vector<16xf32>
        %select_n3A_942 = arith.select %gt3A_940, %select_n3A_933, %select_n3A_930 : vector<16xi1>, vector<16xi32>
        %gt3A_943 = arith.cmpf ogt, %select_n3A_938, %select_n3A_935 : vector<16xf32>
        %select_n3A_944 = arith.select %gt3A_943, %select_n3A_938, %select_n3A_935 : vector<16xi1>, vector<16xf32>
        %select_n3A_945 = arith.select %gt3A_943, %select_n3A_939, %select_n3A_936 : vector<16xi1>, vector<16xi32>
        %gt3A_946 = arith.cmpf ogt, %select_n3A_944, %select_n3A_941 : vector<16xf32>
        %select_n3A_947 = arith.select %gt3A_946, %select_n3A_944, %select_n3A_941 : vector<16xi1>, vector<16xf32>
        %select_n3A_948 = arith.select %gt3A_946, %select_n3A_945, %select_n3A_942 : vector<16xi1>, vector<16xi32>
        %mul3A_949 = arith.constant 16 : i32
        %mul3A_950 = vector.broadcast %mul3A_949 : i32 to vector<16xi32>
        %mul3A_951 = arith.muli %select_n3A_948, %mul3A_950 : vector<16xi32>
        %add3A_952 = arith.addi %mul3A_951, %iota3A : vector<16xi32>
        %gather3A_953 = tpu.vector_load_idx %arg12[%add3A_952] : memref<256xi32, #tpu.memory_space<vmem>>[vector<16xi32>], vector<16xi32>,
        %mul3A_954 = arith.constant 512 : i32
        %mul3A_955 = vector.broadcast %mul3A_954 : i32 to vector<16xi32>
        %mul3A_956 = arith.muli %iota3A, %mul3A_955 : vector<16xi32>
        %shift_right_arithmetic3A_957 = arith.constant 7 : i32
        %shift_right_arithmetic3A_958 = vector.broadcast %shift_right_arithmetic3A_957 : i32 to vector<16xi32>
        %shift_right_arithmetic3A_959 = arith.shrsi %gather3A_953, %shift_right_arithmetic3A_958 : vector<16xi32>
        %mul3A_960 = arith.constant 256 : i32
        %mul3A_961 = vector.broadcast %mul3A_960 : i32 to vector<16xi32>
        %mul3A_962 = arith.muli %shift_right_arithmetic3A_959, %mul3A_961 : vector<16xi32>
        %add3A_963 = arith.addi %mul3A_956, %mul3A_962 : vector<16xi32>
        %and3A_964 = arith.constant 127 : i32
        %and3A_965 = vector.broadcast %and3A_964 : i32 to vector<16xi32>
        %and3A_966 = arith.andi %gather3A_953, %and3A_965 : vector<16xi32>
        %add3A_967 = arith.addi %add3A_963, %and3A_966 : vector<16xi32>
        %gather3A_968 = tpu.vector_load_idx %arg5[%add3A_967] : memref<8200xf32, #tpu.memory_space<vmem>>[vector<16xi32>], vector<16xf32>,
        %add3A_969 = arith.constant 128 : i32
        %add3A_970 = vector.broadcast %add3A_969 : i32 to vector<16xi32>
        %add3A_971 = arith.addi %add3A_967, %add3A_970 : vector<16xi32>
        %gather3A_972 = tpu.vector_load_idx %arg5[%add3A_971] : memref<8200xf32, #tpu.memory_space<vmem>>[vector<16xi32>], vector<16xf32>,
        %mul3A_973 = arith.constant 16 : i32
        %mul3A_974 = vector.broadcast %mul3A_973 : i32 to vector<16xi32>
        %mul3A_975 = arith.muli %gather3A_953, %mul3A_974 : vector<16xi32>
        %add3A_976 = arith.addi %iota3A, %gather3A_953 : vector<16xi32>
        %and3A_977 = arith.constant 15 : i32
        %and3A_978 = vector.broadcast %and3A_977 : i32 to vector<16xi32>
        %and3A_979 = arith.andi %add3A_976, %and3A_978 : vector<16xi32>
        %add3A_980 = arith.addi %mul3A_975, %and3A_979 : vector<16xi32>
        tpu.vector_store_idx %arg9[%add3A_980], %broadcast_in_dim3A_1 : memref<4096xf32, #tpu.memory_space<vmem>>[vector<16xi32>], vector<16xf32>,
        %mul3A_981 = arith.constant 16 : i32
        %mul3A_982 = vector.broadcast %mul3A_981 : i32 to vector<16xi32>
        %mul3A_983 = arith.muli %mul3A_951, %mul3A_982 : vector<16xi32>
        %add3A_984 = arith.addi %mul3A_983, %add3A_13 : vector<16xi32>
        %gather3A_985 = tpu.vector_load_idx %arg9[%add3A_984] : memref<4096xf32, #tpu.memory_space<vmem>>[vector<16xi32>], vector<16xf32>,
        %add3A_986 = arith.constant 0 : i32
        %add3A_987 = vector.broadcast %add3A_986 : i32 to vector<16xi32>
        %add3A_988 = arith.addi %mul3A_951, %add3A_987 : vector<16xi32>
        %add3A_989 = arith.addi %mul3A_983, %add3A_22 : vector<16xi32>
        %gather3A_990 = tpu.vector_load_idx %arg9[%add3A_989] : memref<4096xf32, #tpu.memory_space<vmem>>[vector<16xi32>], vector<16xf32>,
        %add3A_991 = arith.constant 1 : i32
        %add3A_992 = vector.broadcast %add3A_991 : i32 to vector<16xi32>
        %add3A_993 = arith.addi %mul3A_951, %add3A_992 : vector<16xi32>
        %add3A_994 = arith.addi %mul3A_983, %add3A_31 : vector<16xi32>
        %gather3A_995 = tpu.vector_load_idx %arg9[%add3A_994] : memref<4096xf32, #tpu.memory_space<vmem>>[vector<16xi32>], vector<16xf32>,
        %add3A_996 = arith.constant 2 : i32
        %add3A_997 = vector.broadcast %add3A_996 : i32 to vector<16xi32>
        %add3A_998 = arith.addi %mul3A_951, %add3A_997 : vector<16xi32>
        %add3A_999 = arith.addi %mul3A_983, %add3A_40 : vector<16xi32>
        %gather3A_1000 = tpu.vector_load_idx %arg9[%add3A_999] : memref<4096xf32, #tpu.memory_space<vmem>>[vector<16xi32>], vector<16xf32>,
        %add3A_1001 = arith.constant 3 : i32
        %add3A_1002 = vector.broadcast %add3A_1001 : i32 to vector<16xi32>
        %add3A_1003 = arith.addi %mul3A_951, %add3A_1002 : vector<16xi32>
        %add3A_1004 = arith.addi %mul3A_983, %add3A_49 : vector<16xi32>
        %gather3A_1005 = tpu.vector_load_idx %arg9[%add3A_1004] : memref<4096xf32, #tpu.memory_space<vmem>>[vector<16xi32>], vector<16xf32>,
        %add3A_1006 = arith.constant 4 : i32
        %add3A_1007 = vector.broadcast %add3A_1006 : i32 to vector<16xi32>
        %add3A_1008 = arith.addi %mul3A_951, %add3A_1007 : vector<16xi32>
        %add3A_1009 = arith.addi %mul3A_983, %add3A_58 : vector<16xi32>
        %gather3A_1010 = tpu.vector_load_idx %arg9[%add3A_1009] : memref<4096xf32, #tpu.memory_space<vmem>>[vector<16xi32>], vector<16xf32>,
        %add3A_1011 = arith.constant 5 : i32
        %add3A_1012 = vector.broadcast %add3A_1011 : i32 to vector<16xi32>
        %add3A_1013 = arith.addi %mul3A_951, %add3A_1012 : vector<16xi32>
        %add3A_1014 = arith.addi %mul3A_983, %add3A_67 : vector<16xi32>
        %gather3A_1015 = tpu.vector_load_idx %arg9[%add3A_1014] : memref<4096xf32, #tpu.memory_space<vmem>>[vector<16xi32>], vector<16xf32>,
        %add3A_1016 = arith.constant 6 : i32
        %add3A_1017 = vector.broadcast %add3A_1016 : i32 to vector<16xi32>
        %add3A_1018 = arith.addi %mul3A_951, %add3A_1017 : vector<16xi32>
        %add3A_1019 = arith.addi %mul3A_983, %add3A_76 : vector<16xi32>
        %gather3A_1020 = tpu.vector_load_idx %arg9[%add3A_1019] : memref<4096xf32, #tpu.memory_space<vmem>>[vector<16xi32>], vector<16xf32>,
        %add3A_1021 = arith.constant 7 : i32
        %add3A_1022 = vector.broadcast %add3A_1021 : i32 to vector<16xi32>
        %add3A_1023 = arith.addi %mul3A_951, %add3A_1022 : vector<16xi32>
        %add3A_1024 = arith.addi %mul3A_983, %add3A_85 : vector<16xi32>
        %gather3A_1025 = tpu.vector_load_idx %arg9[%add3A_1024] : memref<4096xf32, #tpu.memory_space<vmem>>[vector<16xi32>], vector<16xf32>,
        %add3A_1026 = arith.constant 8 : i32
        %add3A_1027 = vector.broadcast %add3A_1026 : i32 to vector<16xi32>
        %add3A_1028 = arith.addi %mul3A_951, %add3A_1027 : vector<16xi32>
        %add3A_1029 = arith.addi %mul3A_983, %add3A_94 : vector<16xi32>
        %gather3A_1030 = tpu.vector_load_idx %arg9[%add3A_1029] : memref<4096xf32, #tpu.memory_space<vmem>>[vector<16xi32>], vector<16xf32>,
        %add3A_1031 = arith.constant 9 : i32
        %add3A_1032 = vector.broadcast %add3A_1031 : i32 to vector<16xi32>
        %add3A_1033 = arith.addi %mul3A_951, %add3A_1032 : vector<16xi32>
        %add3A_1034 = arith.addi %mul3A_983, %add3A_103 : vector<16xi32>
        %gather3A_1035 = tpu.vector_load_idx %arg9[%add3A_1034] : memref<4096xf32, #tpu.memory_space<vmem>>[vector<16xi32>], vector<16xf32>,
        %add3A_1036 = arith.constant 10 : i32
        %add3A_1037 = vector.broadcast %add3A_1036 : i32 to vector<16xi32>
        %add3A_1038 = arith.addi %mul3A_951, %add3A_1037 : vector<16xi32>
        %add3A_1039 = arith.addi %mul3A_983, %add3A_112 : vector<16xi32>
        %gather3A_1040 = tpu.vector_load_idx %arg9[%add3A_1039] : memref<4096xf32, #tpu.memory_space<vmem>>[vector<16xi32>], vector<16xf32>,
        %add3A_1041 = arith.constant 11 : i32
        %add3A_1042 = vector.broadcast %add3A_1041 : i32 to vector<16xi32>
        %add3A_1043 = arith.addi %mul3A_951, %add3A_1042 : vector<16xi32>
        %add3A_1044 = arith.addi %mul3A_983, %add3A_121 : vector<16xi32>
        %gather3A_1045 = tpu.vector_load_idx %arg9[%add3A_1044] : memref<4096xf32, #tpu.memory_space<vmem>>[vector<16xi32>], vector<16xf32>,
        %add3A_1046 = arith.constant 12 : i32
        %add3A_1047 = vector.broadcast %add3A_1046 : i32 to vector<16xi32>
        %add3A_1048 = arith.addi %mul3A_951, %add3A_1047 : vector<16xi32>
        %add3A_1049 = arith.addi %mul3A_983, %add3A_130 : vector<16xi32>
        %gather3A_1050 = tpu.vector_load_idx %arg9[%add3A_1049] : memref<4096xf32, #tpu.memory_space<vmem>>[vector<16xi32>], vector<16xf32>,
        %add3A_1051 = arith.constant 13 : i32
        %add3A_1052 = vector.broadcast %add3A_1051 : i32 to vector<16xi32>
        %add3A_1053 = arith.addi %mul3A_951, %add3A_1052 : vector<16xi32>
        %add3A_1054 = arith.addi %mul3A_983, %add3A_139 : vector<16xi32>
        %gather3A_1055 = tpu.vector_load_idx %arg9[%add3A_1054] : memref<4096xf32, #tpu.memory_space<vmem>>[vector<16xi32>], vector<16xf32>,
        %add3A_1056 = arith.constant 14 : i32
        %add3A_1057 = vector.broadcast %add3A_1056 : i32 to vector<16xi32>
        %add3A_1058 = arith.addi %mul3A_951, %add3A_1057 : vector<16xi32>
        %add3A_1059 = arith.addi %mul3A_983, %add3A_148 : vector<16xi32>
        %gather3A_1060 = tpu.vector_load_idx %arg9[%add3A_1059] : memref<4096xf32, #tpu.memory_space<vmem>>[vector<16xi32>], vector<16xf32>,
        %add3A_1061 = arith.constant 15 : i32
        %add3A_1062 = vector.broadcast %add3A_1061 : i32 to vector<16xi32>
        %add3A_1063 = arith.addi %mul3A_951, %add3A_1062 : vector<16xi32>
        %gt3A_1064 = arith.cmpf ogt, %gather3A_990, %gather3A_985 : vector<16xf32>
        %select_n3A_1065 = arith.select %gt3A_1064, %gather3A_990, %gather3A_985 : vector<16xi1>, vector<16xf32>
        %select_n3A_1066 = arith.select %gt3A_1064, %add3A_993, %add3A_988 : vector<16xi1>, vector<16xi32>
        %gt3A_1067 = arith.cmpf ogt, %gather3A_1000, %gather3A_995 : vector<16xf32>
        %select_n3A_1068 = arith.select %gt3A_1067, %gather3A_1000, %gather3A_995 : vector<16xi1>, vector<16xf32>
        %select_n3A_1069 = arith.select %gt3A_1067, %add3A_1003, %add3A_998 : vector<16xi1>, vector<16xi32>
        %gt3A_1070 = arith.cmpf ogt, %gather3A_1010, %gather3A_1005 : vector<16xf32>
        %select_n3A_1071 = arith.select %gt3A_1070, %gather3A_1010, %gather3A_1005 : vector<16xi1>, vector<16xf32>
        %select_n3A_1072 = arith.select %gt3A_1070, %add3A_1013, %add3A_1008 : vector<16xi1>, vector<16xi32>
        %gt3A_1073 = arith.cmpf ogt, %gather3A_1020, %gather3A_1015 : vector<16xf32>
        %select_n3A_1074 = arith.select %gt3A_1073, %gather3A_1020, %gather3A_1015 : vector<16xi1>, vector<16xf32>
        %select_n3A_1075 = arith.select %gt3A_1073, %add3A_1023, %add3A_1018 : vector<16xi1>, vector<16xi32>
        %gt3A_1076 = arith.cmpf ogt, %gather3A_1030, %gather3A_1025 : vector<16xf32>
        %select_n3A_1077 = arith.select %gt3A_1076, %gather3A_1030, %gather3A_1025 : vector<16xi1>, vector<16xf32>
        %select_n3A_1078 = arith.select %gt3A_1076, %add3A_1033, %add3A_1028 : vector<16xi1>, vector<16xi32>
        %gt3A_1079 = arith.cmpf ogt, %gather3A_1040, %gather3A_1035 : vector<16xf32>
        %select_n3A_1080 = arith.select %gt3A_1079, %gather3A_1040, %gather3A_1035 : vector<16xi1>, vector<16xf32>
        %select_n3A_1081 = arith.select %gt3A_1079, %add3A_1043, %add3A_1038 : vector<16xi1>, vector<16xi32>
        %gt3A_1082 = arith.cmpf ogt, %gather3A_1050, %gather3A_1045 : vector<16xf32>
        %select_n3A_1083 = arith.select %gt3A_1082, %gather3A_1050, %gather3A_1045 : vector<16xi1>, vector<16xf32>
        %select_n3A_1084 = arith.select %gt3A_1082, %add3A_1053, %add3A_1048 : vector<16xi1>, vector<16xi32>
        %gt3A_1085 = arith.cmpf ogt, %gather3A_1060, %gather3A_1055 : vector<16xf32>
        %select_n3A_1086 = arith.select %gt3A_1085, %gather3A_1060, %gather3A_1055 : vector<16xi1>, vector<16xf32>
        %select_n3A_1087 = arith.select %gt3A_1085, %add3A_1063, %add3A_1058 : vector<16xi1>, vector<16xi32>
        %gt3A_1088 = arith.cmpf ogt, %select_n3A_1068, %select_n3A_1065 : vector<16xf32>
        %select_n3A_1089 = arith.select %gt3A_1088, %select_n3A_1068, %select_n3A_1065 : vector<16xi1>, vector<16xf32>
        %select_n3A_1090 = arith.select %gt3A_1088, %select_n3A_1069, %select_n3A_1066 : vector<16xi1>, vector<16xi32>
        %gt3A_1091 = arith.cmpf ogt, %select_n3A_1074, %select_n3A_1071 : vector<16xf32>
        %select_n3A_1092 = arith.select %gt3A_1091, %select_n3A_1074, %select_n3A_1071 : vector<16xi1>, vector<16xf32>
        %select_n3A_1093 = arith.select %gt3A_1091, %select_n3A_1075, %select_n3A_1072 : vector<16xi1>, vector<16xi32>
        %gt3A_1094 = arith.cmpf ogt, %select_n3A_1080, %select_n3A_1077 : vector<16xf32>
        %select_n3A_1095 = arith.select %gt3A_1094, %select_n3A_1080, %select_n3A_1077 : vector<16xi1>, vector<16xf32>
        %select_n3A_1096 = arith.select %gt3A_1094, %select_n3A_1081, %select_n3A_1078 : vector<16xi1>, vector<16xi32>
        %gt3A_1097 = arith.cmpf ogt, %select_n3A_1086, %select_n3A_1083 : vector<16xf32>
        %select_n3A_1098 = arith.select %gt3A_1097, %select_n3A_1086, %select_n3A_1083 : vector<16xi1>, vector<16xf32>
        %select_n3A_1099 = arith.select %gt3A_1097, %select_n3A_1087, %select_n3A_1084 : vector<16xi1>, vector<16xi32>
        %gt3A_1100 = arith.cmpf ogt, %select_n3A_1092, %select_n3A_1089 : vector<16xf32>
        %select_n3A_1101 = arith.select %gt3A_1100, %select_n3A_1092, %select_n3A_1089 : vector<16xi1>, vector<16xf32>
        %select_n3A_1102 = arith.select %gt3A_1100, %select_n3A_1093, %select_n3A_1090 : vector<16xi1>, vector<16xi32>
        %gt3A_1103 = arith.cmpf ogt, %select_n3A_1098, %select_n3A_1095 : vector<16xf32>
        %select_n3A_1104 = arith.select %gt3A_1103, %select_n3A_1098, %select_n3A_1095 : vector<16xi1>, vector<16xf32>
        %select_n3A_1105 = arith.select %gt3A_1103, %select_n3A_1099, %select_n3A_1096 : vector<16xi1>, vector<16xi32>
        %gt3A_1106 = arith.cmpf ogt, %select_n3A_1104, %select_n3A_1101 : vector<16xf32>
        %select_n3A_1107 = arith.select %gt3A_1106, %select_n3A_1104, %select_n3A_1101 : vector<16xi1>, vector<16xf32>
        %select_n3A_1108 = arith.select %gt3A_1106, %select_n3A_1105, %select_n3A_1102 : vector<16xi1>, vector<16xi32>
        %add3A_1109 = arith.addi %mul3A_951, %iota3A : vector<16xi32>
        tpu.vector_store_idx %arg11[%add3A_1109], %select_n3A_1107 : memref<256xf32, #tpu.memory_space<vmem>>[vector<16xi32>], vector<16xf32>,
        %add3A_1110 = arith.addi %mul3A_951, %iota3A : vector<16xi32>
        tpu.vector_store_idx %arg12[%add3A_1110], %select_n3A_1108 : memref<256xi32, #tpu.memory_space<vmem>>[vector<16xi32>], vector<16xi32>,
        %get3A_1111 = arith.constant 0 : index
        %get3A_1112 = tpu.vector_load %arg13[%get3A_1111] {strides = array<i32>} : memref<256xf32, #tpu.memory_space<vmem>>, vector<16xf32>,
        %get3A_1113 = arith.constant 16 : index
        %get3A_1114 = tpu.vector_load %arg13[%get3A_1113] {strides = array<i32>} : memref<256xf32, #tpu.memory_space<vmem>>, vector<16xf32>,
        %get3A_1115 = arith.constant 32 : index
        %get3A_1116 = tpu.vector_load %arg13[%get3A_1115] {strides = array<i32>} : memref<256xf32, #tpu.memory_space<vmem>>, vector<16xf32>,
        %get3A_1117 = arith.constant 48 : index
        %get3A_1118 = tpu.vector_load %arg13[%get3A_1117] {strides = array<i32>} : memref<256xf32, #tpu.memory_space<vmem>>, vector<16xf32>,
        %get3A_1119 = arith.constant 64 : index
        %get3A_1120 = tpu.vector_load %arg13[%get3A_1119] {strides = array<i32>} : memref<256xf32, #tpu.memory_space<vmem>>, vector<16xf32>,
        %get3A_1121 = arith.constant 80 : index
        %get3A_1122 = tpu.vector_load %arg13[%get3A_1121] {strides = array<i32>} : memref<256xf32, #tpu.memory_space<vmem>>, vector<16xf32>,
        %get3A_1123 = arith.constant 96 : index
        %get3A_1124 = tpu.vector_load %arg13[%get3A_1123] {strides = array<i32>} : memref<256xf32, #tpu.memory_space<vmem>>, vector<16xf32>,
        %get3A_1125 = arith.constant 112 : index
        %get3A_1126 = tpu.vector_load %arg13[%get3A_1125] {strides = array<i32>} : memref<256xf32, #tpu.memory_space<vmem>>, vector<16xf32>,
        %get3A_1127 = arith.constant 128 : index
        %get3A_1128 = tpu.vector_load %arg13[%get3A_1127] {strides = array<i32>} : memref<256xf32, #tpu.memory_space<vmem>>, vector<16xf32>,
        %get3A_1129 = arith.constant 144 : index
        %get3A_1130 = tpu.vector_load %arg13[%get3A_1129] {strides = array<i32>} : memref<256xf32, #tpu.memory_space<vmem>>, vector<16xf32>,
        %get3A_1131 = arith.constant 160 : index
        %get3A_1132 = tpu.vector_load %arg13[%get3A_1131] {strides = array<i32>} : memref<256xf32, #tpu.memory_space<vmem>>, vector<16xf32>,
        %get3A_1133 = arith.constant 176 : index
        %get3A_1134 = tpu.vector_load %arg13[%get3A_1133] {strides = array<i32>} : memref<256xf32, #tpu.memory_space<vmem>>, vector<16xf32>,
        %get3A_1135 = arith.constant 192 : index
        %get3A_1136 = tpu.vector_load %arg13[%get3A_1135] {strides = array<i32>} : memref<256xf32, #tpu.memory_space<vmem>>, vector<16xf32>,
        %get3A_1137 = arith.constant 208 : index
        %get3A_1138 = tpu.vector_load %arg13[%get3A_1137] {strides = array<i32>} : memref<256xf32, #tpu.memory_space<vmem>>, vector<16xf32>,
        %get3A_1139 = arith.constant 224 : index
        %get3A_1140 = tpu.vector_load %arg13[%get3A_1139] {strides = array<i32>} : memref<256xf32, #tpu.memory_space<vmem>>, vector<16xf32>,
        %get3A_1141 = arith.constant 240 : index
        %get3A_1142 = tpu.vector_load %arg13[%get3A_1141] {strides = array<i32>} : memref<256xf32, #tpu.memory_space<vmem>>, vector<16xf32>,
        %broadcast_in_dim3A_1143 = arith.constant 0 : i32
        %broadcast_in_dim3A_1144 = vector.broadcast %broadcast_in_dim3A_1143 : i32 to vector<16xi32>
        %broadcast_in_dim3A_1145 = arith.constant 1 : i32
        %broadcast_in_dim3A_1146 = vector.broadcast %broadcast_in_dim3A_1145 : i32 to vector<16xi32>
        %broadcast_in_dim3A_1147 = arith.constant 2 : i32
        %broadcast_in_dim3A_1148 = vector.broadcast %broadcast_in_dim3A_1147 : i32 to vector<16xi32>
        %broadcast_in_dim3A_1149 = arith.constant 3 : i32
        %broadcast_in_dim3A_1150 = vector.broadcast %broadcast_in_dim3A_1149 : i32 to vector<16xi32>
        %broadcast_in_dim3A_1151 = arith.constant 4 : i32
        %broadcast_in_dim3A_1152 = vector.broadcast %broadcast_in_dim3A_1151 : i32 to vector<16xi32>
        %broadcast_in_dim3A_1153 = arith.constant 5 : i32
        %broadcast_in_dim3A_1154 = vector.broadcast %broadcast_in_dim3A_1153 : i32 to vector<16xi32>
        %broadcast_in_dim3A_1155 = arith.constant 6 : i32
        %broadcast_in_dim3A_1156 = vector.broadcast %broadcast_in_dim3A_1155 : i32 to vector<16xi32>
        %broadcast_in_dim3A_1157 = arith.constant 7 : i32
        %broadcast_in_dim3A_1158 = vector.broadcast %broadcast_in_dim3A_1157 : i32 to vector<16xi32>
        %broadcast_in_dim3A_1159 = arith.constant 8 : i32
        %broadcast_in_dim3A_1160 = vector.broadcast %broadcast_in_dim3A_1159 : i32 to vector<16xi32>
        %broadcast_in_dim3A_1161 = arith.constant 9 : i32
        %broadcast_in_dim3A_1162 = vector.broadcast %broadcast_in_dim3A_1161 : i32 to vector<16xi32>
        %broadcast_in_dim3A_1163 = arith.constant 10 : i32
        %broadcast_in_dim3A_1164 = vector.broadcast %broadcast_in_dim3A_1163 : i32 to vector<16xi32>
        %broadcast_in_dim3A_1165 = arith.constant 11 : i32
        %broadcast_in_dim3A_1166 = vector.broadcast %broadcast_in_dim3A_1165 : i32 to vector<16xi32>
        %broadcast_in_dim3A_1167 = arith.constant 12 : i32
        %broadcast_in_dim3A_1168 = vector.broadcast %broadcast_in_dim3A_1167 : i32 to vector<16xi32>
        %broadcast_in_dim3A_1169 = arith.constant 13 : i32
        %broadcast_in_dim3A_1170 = vector.broadcast %broadcast_in_dim3A_1169 : i32 to vector<16xi32>
        %broadcast_in_dim3A_1171 = arith.constant 14 : i32
        %broadcast_in_dim3A_1172 = vector.broadcast %broadcast_in_dim3A_1171 : i32 to vector<16xi32>
        %broadcast_in_dim3A_1173 = arith.constant 15 : i32
        %broadcast_in_dim3A_1174 = vector.broadcast %broadcast_in_dim3A_1173 : i32 to vector<16xi32>
        %gt3A_1175 = arith.cmpf ogt, %get3A_1114, %get3A_1112 : vector<16xf32>
        %select_n3A_1176 = arith.select %gt3A_1175, %get3A_1114, %get3A_1112 : vector<16xi1>, vector<16xf32>
        %select_n3A_1177 = arith.select %gt3A_1175, %broadcast_in_dim3A_1146, %broadcast_in_dim3A_1144 : vector<16xi1>, vector<16xi32>
        %gt3A_1178 = arith.cmpf ogt, %get3A_1118, %get3A_1116 : vector<16xf32>
        %select_n3A_1179 = arith.select %gt3A_1178, %get3A_1118, %get3A_1116 : vector<16xi1>, vector<16xf32>
        %select_n3A_1180 = arith.select %gt3A_1178, %broadcast_in_dim3A_1150, %broadcast_in_dim3A_1148 : vector<16xi1>, vector<16xi32>
        %gt3A_1181 = arith.cmpf ogt, %get3A_1122, %get3A_1120 : vector<16xf32>
        %select_n3A_1182 = arith.select %gt3A_1181, %get3A_1122, %get3A_1120 : vector<16xi1>, vector<16xf32>
        %select_n3A_1183 = arith.select %gt3A_1181, %broadcast_in_dim3A_1154, %broadcast_in_dim3A_1152 : vector<16xi1>, vector<16xi32>
        %gt3A_1184 = arith.cmpf ogt, %get3A_1126, %get3A_1124 : vector<16xf32>
        %select_n3A_1185 = arith.select %gt3A_1184, %get3A_1126, %get3A_1124 : vector<16xi1>, vector<16xf32>
        %select_n3A_1186 = arith.select %gt3A_1184, %broadcast_in_dim3A_1158, %broadcast_in_dim3A_1156 : vector<16xi1>, vector<16xi32>
        %gt3A_1187 = arith.cmpf ogt, %get3A_1130, %get3A_1128 : vector<16xf32>
        %select_n3A_1188 = arith.select %gt3A_1187, %get3A_1130, %get3A_1128 : vector<16xi1>, vector<16xf32>
        %select_n3A_1189 = arith.select %gt3A_1187, %broadcast_in_dim3A_1162, %broadcast_in_dim3A_1160 : vector<16xi1>, vector<16xi32>
        %gt3A_1190 = arith.cmpf ogt, %get3A_1134, %get3A_1132 : vector<16xf32>
        %select_n3A_1191 = arith.select %gt3A_1190, %get3A_1134, %get3A_1132 : vector<16xi1>, vector<16xf32>
        %select_n3A_1192 = arith.select %gt3A_1190, %broadcast_in_dim3A_1166, %broadcast_in_dim3A_1164 : vector<16xi1>, vector<16xi32>
        %gt3A_1193 = arith.cmpf ogt, %get3A_1138, %get3A_1136 : vector<16xf32>
        %select_n3A_1194 = arith.select %gt3A_1193, %get3A_1138, %get3A_1136 : vector<16xi1>, vector<16xf32>
        %select_n3A_1195 = arith.select %gt3A_1193, %broadcast_in_dim3A_1170, %broadcast_in_dim3A_1168 : vector<16xi1>, vector<16xi32>
        %gt3A_1196 = arith.cmpf ogt, %get3A_1142, %get3A_1140 : vector<16xf32>
        %select_n3A_1197 = arith.select %gt3A_1196, %get3A_1142, %get3A_1140 : vector<16xi1>, vector<16xf32>
        %select_n3A_1198 = arith.select %gt3A_1196, %broadcast_in_dim3A_1174, %broadcast_in_dim3A_1172 : vector<16xi1>, vector<16xi32>
        %gt3A_1199 = arith.cmpf ogt, %select_n3A_1179, %select_n3A_1176 : vector<16xf32>
        %select_n3A_1200 = arith.select %gt3A_1199, %select_n3A_1179, %select_n3A_1176 : vector<16xi1>, vector<16xf32>
        %select_n3A_1201 = arith.select %gt3A_1199, %select_n3A_1180, %select_n3A_1177 : vector<16xi1>, vector<16xi32>
        %gt3A_1202 = arith.cmpf ogt, %select_n3A_1185, %select_n3A_1182 : vector<16xf32>
        %select_n3A_1203 = arith.select %gt3A_1202, %select_n3A_1185, %select_n3A_1182 : vector<16xi1>, vector<16xf32>
        %select_n3A_1204 = arith.select %gt3A_1202, %select_n3A_1186, %select_n3A_1183 : vector<16xi1>, vector<16xi32>
        %gt3A_1205 = arith.cmpf ogt, %select_n3A_1191, %select_n3A_1188 : vector<16xf32>
        %select_n3A_1206 = arith.select %gt3A_1205, %select_n3A_1191, %select_n3A_1188 : vector<16xi1>, vector<16xf32>
        %select_n3A_1207 = arith.select %gt3A_1205, %select_n3A_1192, %select_n3A_1189 : vector<16xi1>, vector<16xi32>
        %gt3A_1208 = arith.cmpf ogt, %select_n3A_1197, %select_n3A_1194 : vector<16xf32>
        %select_n3A_1209 = arith.select %gt3A_1208, %select_n3A_1197, %select_n3A_1194 : vector<16xi1>, vector<16xf32>
        %select_n3A_1210 = arith.select %gt3A_1208, %select_n3A_1198, %select_n3A_1195 : vector<16xi1>, vector<16xi32>
        %gt3A_1211 = arith.cmpf ogt, %select_n3A_1203, %select_n3A_1200 : vector<16xf32>
        %select_n3A_1212 = arith.select %gt3A_1211, %select_n3A_1203, %select_n3A_1200 : vector<16xi1>, vector<16xf32>
        %select_n3A_1213 = arith.select %gt3A_1211, %select_n3A_1204, %select_n3A_1201 : vector<16xi1>, vector<16xi32>
        %gt3A_1214 = arith.cmpf ogt, %select_n3A_1209, %select_n3A_1206 : vector<16xf32>
        %select_n3A_1215 = arith.select %gt3A_1214, %select_n3A_1209, %select_n3A_1206 : vector<16xi1>, vector<16xf32>
        %select_n3A_1216 = arith.select %gt3A_1214, %select_n3A_1210, %select_n3A_1207 : vector<16xi1>, vector<16xi32>
        %gt3A_1217 = arith.cmpf ogt, %select_n3A_1215, %select_n3A_1212 : vector<16xf32>
        %select_n3A_1218 = arith.select %gt3A_1217, %select_n3A_1215, %select_n3A_1212 : vector<16xi1>, vector<16xf32>
        %select_n3A_1219 = arith.select %gt3A_1217, %select_n3A_1216, %select_n3A_1213 : vector<16xi1>, vector<16xi32>
        %mul3A_1220 = arith.constant 16 : i32
        %mul3A_1221 = vector.broadcast %mul3A_1220 : i32 to vector<16xi32>
        %mul3A_1222 = arith.muli %select_n3A_1219, %mul3A_1221 : vector<16xi32>
        %add3A_1223 = arith.addi %mul3A_1222, %iota3A : vector<16xi32>
        %gather3A_1224 = tpu.vector_load_idx %arg14[%add3A_1223] : memref<256xi32, #tpu.memory_space<vmem>>[vector<16xi32>], vector<16xi32>,
        %mul3A_1225 = arith.constant 512 : i32
        %mul3A_1226 = vector.broadcast %mul3A_1225 : i32 to vector<16xi32>
        %mul3A_1227 = arith.muli %iota3A, %mul3A_1226 : vector<16xi32>
        %shift_right_arithmetic3A_1228 = arith.constant 7 : i32
        %shift_right_arithmetic3A_1229 = vector.broadcast %shift_right_arithmetic3A_1228 : i32 to vector<16xi32>
        %shift_right_arithmetic3A_1230 = arith.shrsi %gather3A_1224, %shift_right_arithmetic3A_1229 : vector<16xi32>
        %mul3A_1231 = arith.constant 256 : i32
        %mul3A_1232 = vector.broadcast %mul3A_1231 : i32 to vector<16xi32>
        %mul3A_1233 = arith.muli %shift_right_arithmetic3A_1230, %mul3A_1232 : vector<16xi32>
        %add3A_1234 = arith.addi %mul3A_1227, %mul3A_1233 : vector<16xi32>
        %and3A_1235 = arith.constant 127 : i32
        %and3A_1236 = vector.broadcast %and3A_1235 : i32 to vector<16xi32>
        %and3A_1237 = arith.andi %gather3A_1224, %and3A_1236 : vector<16xi32>
        %add3A_1238 = arith.addi %add3A_1234, %and3A_1237 : vector<16xi32>
        %gather3A_1239 = tpu.vector_load_idx %arg6[%add3A_1238] : memref<8200xf32, #tpu.memory_space<vmem>>[vector<16xi32>], vector<16xf32>,
        %add3A_1240 = arith.constant 128 : i32
        %add3A_1241 = vector.broadcast %add3A_1240 : i32 to vector<16xi32>
        %add3A_1242 = arith.addi %add3A_1238, %add3A_1241 : vector<16xi32>
        %gather3A_1243 = tpu.vector_load_idx %arg6[%add3A_1242] : memref<8200xf32, #tpu.memory_space<vmem>>[vector<16xi32>], vector<16xf32>,
        %mul3A_1244 = arith.constant 16 : i32
        %mul3A_1245 = vector.broadcast %mul3A_1244 : i32 to vector<16xi32>
        %mul3A_1246 = arith.muli %gather3A_1224, %mul3A_1245 : vector<16xi32>
        %add3A_1247 = arith.addi %iota3A, %gather3A_1224 : vector<16xi32>
        %and3A_1248 = arith.constant 15 : i32
        %and3A_1249 = vector.broadcast %and3A_1248 : i32 to vector<16xi32>
        %and3A_1250 = arith.andi %add3A_1247, %and3A_1249 : vector<16xi32>
        %add3A_1251 = arith.addi %mul3A_1246, %and3A_1250 : vector<16xi32>
        tpu.vector_store_idx %arg10[%add3A_1251], %broadcast_in_dim3A_1 : memref<4096xf32, #tpu.memory_space<vmem>>[vector<16xi32>], vector<16xf32>,
        %mul3A_1252 = arith.constant 16 : i32
        %mul3A_1253 = vector.broadcast %mul3A_1252 : i32 to vector<16xi32>
        %mul3A_1254 = arith.muli %mul3A_1222, %mul3A_1253 : vector<16xi32>
        %add3A_1255 = arith.addi %mul3A_1254, %add3A_13 : vector<16xi32>
        %gather3A_1256 = tpu.vector_load_idx %arg10[%add3A_1255] : memref<4096xf32, #tpu.memory_space<vmem>>[vector<16xi32>], vector<16xf32>,
        %add3A_1257 = arith.constant 0 : i32
        %add3A_1258 = vector.broadcast %add3A_1257 : i32 to vector<16xi32>
        %add3A_1259 = arith.addi %mul3A_1222, %add3A_1258 : vector<16xi32>
        %add3A_1260 = arith.addi %mul3A_1254, %add3A_22 : vector<16xi32>
        %gather3A_1261 = tpu.vector_load_idx %arg10[%add3A_1260] : memref<4096xf32, #tpu.memory_space<vmem>>[vector<16xi32>], vector<16xf32>,
        %add3A_1262 = arith.constant 1 : i32
        %add3A_1263 = vector.broadcast %add3A_1262 : i32 to vector<16xi32>
        %add3A_1264 = arith.addi %mul3A_1222, %add3A_1263 : vector<16xi32>
        %add3A_1265 = arith.addi %mul3A_1254, %add3A_31 : vector<16xi32>
        %gather3A_1266 = tpu.vector_load_idx %arg10[%add3A_1265] : memref<4096xf32, #tpu.memory_space<vmem>>[vector<16xi32>], vector<16xf32>,
        %add3A_1267 = arith.constant 2 : i32
        %add3A_1268 = vector.broadcast %add3A_1267 : i32 to vector<16xi32>
        %add3A_1269 = arith.addi %mul3A_1222, %add3A_1268 : vector<16xi32>
        %add3A_1270 = arith.addi %mul3A_1254, %add3A_40 : vector<16xi32>
        %gather3A_1271 = tpu.vector_load_idx %arg10[%add3A_1270] : memref<4096xf32, #tpu.memory_space<vmem>>[vector<16xi32>], vector<16xf32>,
        %add3A_1272 = arith.constant 3 : i32
        %add3A_1273 = vector.broadcast %add3A_1272 : i32 to vector<16xi32>
        %add3A_1274 = arith.addi %mul3A_1222, %add3A_1273 : vector<16xi32>
        %add3A_1275 = arith.addi %mul3A_1254, %add3A_49 : vector<16xi32>
        %gather3A_1276 = tpu.vector_load_idx %arg10[%add3A_1275] : memref<4096xf32, #tpu.memory_space<vmem>>[vector<16xi32>], vector<16xf32>,
        %add3A_1277 = arith.constant 4 : i32
        %add3A_1278 = vector.broadcast %add3A_1277 : i32 to vector<16xi32>
        %add3A_1279 = arith.addi %mul3A_1222, %add3A_1278 : vector<16xi32>
        %add3A_1280 = arith.addi %mul3A_1254, %add3A_58 : vector<16xi32>
        %gather3A_1281 = tpu.vector_load_idx %arg10[%add3A_1280] : memref<4096xf32, #tpu.memory_space<vmem>>[vector<16xi32>], vector<16xf32>,
        %add3A_1282 = arith.constant 5 : i32
        %add3A_1283 = vector.broadcast %add3A_1282 : i32 to vector<16xi32>
        %add3A_1284 = arith.addi %mul3A_1222, %add3A_1283 : vector<16xi32>
        %add3A_1285 = arith.addi %mul3A_1254, %add3A_67 : vector<16xi32>
        %gather3A_1286 = tpu.vector_load_idx %arg10[%add3A_1285] : memref<4096xf32, #tpu.memory_space<vmem>>[vector<16xi32>], vector<16xf32>,
        %add3A_1287 = arith.constant 6 : i32
        %add3A_1288 = vector.broadcast %add3A_1287 : i32 to vector<16xi32>
        %add3A_1289 = arith.addi %mul3A_1222, %add3A_1288 : vector<16xi32>
        %add3A_1290 = arith.addi %mul3A_1254, %add3A_76 : vector<16xi32>
        %gather3A_1291 = tpu.vector_load_idx %arg10[%add3A_1290] : memref<4096xf32, #tpu.memory_space<vmem>>[vector<16xi32>], vector<16xf32>,
        %add3A_1292 = arith.constant 7 : i32
        %add3A_1293 = vector.broadcast %add3A_1292 : i32 to vector<16xi32>
        %add3A_1294 = arith.addi %mul3A_1222, %add3A_1293 : vector<16xi32>
        %add3A_1295 = arith.addi %mul3A_1254, %add3A_85 : vector<16xi32>
        %gather3A_1296 = tpu.vector_load_idx %arg10[%add3A_1295] : memref<4096xf32, #tpu.memory_space<vmem>>[vector<16xi32>], vector<16xf32>,
        %add3A_1297 = arith.constant 8 : i32
        %add3A_1298 = vector.broadcast %add3A_1297 : i32 to vector<16xi32>
        %add3A_1299 = arith.addi %mul3A_1222, %add3A_1298 : vector<16xi32>
        %add3A_1300 = arith.addi %mul3A_1254, %add3A_94 : vector<16xi32>
        %gather3A_1301 = tpu.vector_load_idx %arg10[%add3A_1300] : memref<4096xf32, #tpu.memory_space<vmem>>[vector<16xi32>], vector<16xf32>,
        %add3A_1302 = arith.constant 9 : i32
        %add3A_1303 = vector.broadcast %add3A_1302 : i32 to vector<16xi32>
        %add3A_1304 = arith.addi %mul3A_1222, %add3A_1303 : vector<16xi32>
        %add3A_1305 = arith.addi %mul3A_1254, %add3A_103 : vector<16xi32>
        %gather3A_1306 = tpu.vector_load_idx %arg10[%add3A_1305] : memref<4096xf32, #tpu.memory_space<vmem>>[vector<16xi32>], vector<16xf32>,
        %add3A_1307 = arith.constant 10 : i32
        %add3A_1308 = vector.broadcast %add3A_1307 : i32 to vector<16xi32>
        %add3A_1309 = arith.addi %mul3A_1222, %add3A_1308 : vector<16xi32>
        %add3A_1310 = arith.addi %mul3A_1254, %add3A_112 : vector<16xi32>
        %gather3A_1311 = tpu.vector_load_idx %arg10[%add3A_1310] : memref<4096xf32, #tpu.memory_space<vmem>>[vector<16xi32>], vector<16xf32>,
        %add3A_1312 = arith.constant 11 : i32
        %add3A_1313 = vector.broadcast %add3A_1312 : i32 to vector<16xi32>
        %add3A_1314 = arith.addi %mul3A_1222, %add3A_1313 : vector<16xi32>
        %add3A_1315 = arith.addi %mul3A_1254, %add3A_121 : vector<16xi32>
        %gather3A_1316 = tpu.vector_load_idx %arg10[%add3A_1315] : memref<4096xf32, #tpu.memory_space<vmem>>[vector<16xi32>], vector<16xf32>,
        %add3A_1317 = arith.constant 12 : i32
        %add3A_1318 = vector.broadcast %add3A_1317 : i32 to vector<16xi32>
        %add3A_1319 = arith.addi %mul3A_1222, %add3A_1318 : vector<16xi32>
        %add3A_1320 = arith.addi %mul3A_1254, %add3A_130 : vector<16xi32>
        %gather3A_1321 = tpu.vector_load_idx %arg10[%add3A_1320] : memref<4096xf32, #tpu.memory_space<vmem>>[vector<16xi32>], vector<16xf32>,
        %add3A_1322 = arith.constant 13 : i32
        %add3A_1323 = vector.broadcast %add3A_1322 : i32 to vector<16xi32>
        %add3A_1324 = arith.addi %mul3A_1222, %add3A_1323 : vector<16xi32>
        %add3A_1325 = arith.addi %mul3A_1254, %add3A_139 : vector<16xi32>
        %gather3A_1326 = tpu.vector_load_idx %arg10[%add3A_1325] : memref<4096xf32, #tpu.memory_space<vmem>>[vector<16xi32>], vector<16xf32>,
        %add3A_1327 = arith.constant 14 : i32
        %add3A_1328 = vector.broadcast %add3A_1327 : i32 to vector<16xi32>
        %add3A_1329 = arith.addi %mul3A_1222, %add3A_1328 : vector<16xi32>
        %add3A_1330 = arith.addi %mul3A_1254, %add3A_148 : vector<16xi32>
        %gather3A_1331 = tpu.vector_load_idx %arg10[%add3A_1330] : memref<4096xf32, #tpu.memory_space<vmem>>[vector<16xi32>], vector<16xf32>,
        %add3A_1332 = arith.constant 15 : i32
        %add3A_1333 = vector.broadcast %add3A_1332 : i32 to vector<16xi32>
        %add3A_1334 = arith.addi %mul3A_1222, %add3A_1333 : vector<16xi32>
        %gt3A_1335 = arith.cmpf ogt, %gather3A_1261, %gather3A_1256 : vector<16xf32>
        %select_n3A_1336 = arith.select %gt3A_1335, %gather3A_1261, %gather3A_1256 : vector<16xi1>, vector<16xf32>
        %select_n3A_1337 = arith.select %gt3A_1335, %add3A_1264, %add3A_1259 : vector<16xi1>, vector<16xi32>
        %gt3A_1338 = arith.cmpf ogt, %gather3A_1271, %gather3A_1266 : vector<16xf32>
        %select_n3A_1339 = arith.select %gt3A_1338, %gather3A_1271, %gather3A_1266 : vector<16xi1>, vector<16xf32>
        %select_n3A_1340 = arith.select %gt3A_1338, %add3A_1274, %add3A_1269 : vector<16xi1>, vector<16xi32>
        %gt3A_1341 = arith.cmpf ogt, %gather3A_1281, %gather3A_1276 : vector<16xf32>
        %select_n3A_1342 = arith.select %gt3A_1341, %gather3A_1281, %gather3A_1276 : vector<16xi1>, vector<16xf32>
        %select_n3A_1343 = arith.select %gt3A_1341, %add3A_1284, %add3A_1279 : vector<16xi1>, vector<16xi32>
        %gt3A_1344 = arith.cmpf ogt, %gather3A_1291, %gather3A_1286 : vector<16xf32>
        %select_n3A_1345 = arith.select %gt3A_1344, %gather3A_1291, %gather3A_1286 : vector<16xi1>, vector<16xf32>
        %select_n3A_1346 = arith.select %gt3A_1344, %add3A_1294, %add3A_1289 : vector<16xi1>, vector<16xi32>
        %gt3A_1347 = arith.cmpf ogt, %gather3A_1301, %gather3A_1296 : vector<16xf32>
        %select_n3A_1348 = arith.select %gt3A_1347, %gather3A_1301, %gather3A_1296 : vector<16xi1>, vector<16xf32>
        %select_n3A_1349 = arith.select %gt3A_1347, %add3A_1304, %add3A_1299 : vector<16xi1>, vector<16xi32>
        %gt3A_1350 = arith.cmpf ogt, %gather3A_1311, %gather3A_1306 : vector<16xf32>
        %select_n3A_1351 = arith.select %gt3A_1350, %gather3A_1311, %gather3A_1306 : vector<16xi1>, vector<16xf32>
        %select_n3A_1352 = arith.select %gt3A_1350, %add3A_1314, %add3A_1309 : vector<16xi1>, vector<16xi32>
        %gt3A_1353 = arith.cmpf ogt, %gather3A_1321, %gather3A_1316 : vector<16xf32>
        %select_n3A_1354 = arith.select %gt3A_1353, %gather3A_1321, %gather3A_1316 : vector<16xi1>, vector<16xf32>
        %select_n3A_1355 = arith.select %gt3A_1353, %add3A_1324, %add3A_1319 : vector<16xi1>, vector<16xi32>
        %gt3A_1356 = arith.cmpf ogt, %gather3A_1331, %gather3A_1326 : vector<16xf32>
        %select_n3A_1357 = arith.select %gt3A_1356, %gather3A_1331, %gather3A_1326 : vector<16xi1>, vector<16xf32>
        %select_n3A_1358 = arith.select %gt3A_1356, %add3A_1334, %add3A_1329 : vector<16xi1>, vector<16xi32>
        %gt3A_1359 = arith.cmpf ogt, %select_n3A_1339, %select_n3A_1336 : vector<16xf32>
        %select_n3A_1360 = arith.select %gt3A_1359, %select_n3A_1339, %select_n3A_1336 : vector<16xi1>, vector<16xf32>
        %select_n3A_1361 = arith.select %gt3A_1359, %select_n3A_1340, %select_n3A_1337 : vector<16xi1>, vector<16xi32>
        %gt3A_1362 = arith.cmpf ogt, %select_n3A_1345, %select_n3A_1342 : vector<16xf32>
        %select_n3A_1363 = arith.select %gt3A_1362, %select_n3A_1345, %select_n3A_1342 : vector<16xi1>, vector<16xf32>
        %select_n3A_1364 = arith.select %gt3A_1362, %select_n3A_1346, %select_n3A_1343 : vector<16xi1>, vector<16xi32>
        %gt3A_1365 = arith.cmpf ogt, %select_n3A_1351, %select_n3A_1348 : vector<16xf32>
        %select_n3A_1366 = arith.select %gt3A_1365, %select_n3A_1351, %select_n3A_1348 : vector<16xi1>, vector<16xf32>
        %select_n3A_1367 = arith.select %gt3A_1365, %select_n3A_1352, %select_n3A_1349 : vector<16xi1>, vector<16xi32>
        %gt3A_1368 = arith.cmpf ogt, %select_n3A_1357, %select_n3A_1354 : vector<16xf32>
        %select_n3A_1369 = arith.select %gt3A_1368, %select_n3A_1357, %select_n3A_1354 : vector<16xi1>, vector<16xf32>
        %select_n3A_1370 = arith.select %gt3A_1368, %select_n3A_1358, %select_n3A_1355 : vector<16xi1>, vector<16xi32>
        %gt3A_1371 = arith.cmpf ogt, %select_n3A_1363, %select_n3A_1360 : vector<16xf32>
        %select_n3A_1372 = arith.select %gt3A_1371, %select_n3A_1363, %select_n3A_1360 : vector<16xi1>, vector<16xf32>
        %select_n3A_1373 = arith.select %gt3A_1371, %select_n3A_1364, %select_n3A_1361 : vector<16xi1>, vector<16xi32>
        %gt3A_1374 = arith.cmpf ogt, %select_n3A_1369, %select_n3A_1366 : vector<16xf32>
        %select_n3A_1375 = arith.select %gt3A_1374, %select_n3A_1369, %select_n3A_1366 : vector<16xi1>, vector<16xf32>
        %select_n3A_1376 = arith.select %gt3A_1374, %select_n3A_1370, %select_n3A_1367 : vector<16xi1>, vector<16xi32>
        %gt3A_1377 = arith.cmpf ogt, %select_n3A_1375, %select_n3A_1372 : vector<16xf32>
        %select_n3A_1378 = arith.select %gt3A_1377, %select_n3A_1375, %select_n3A_1372 : vector<16xi1>, vector<16xf32>
        %select_n3A_1379 = arith.select %gt3A_1377, %select_n3A_1376, %select_n3A_1373 : vector<16xi1>, vector<16xi32>
        %add3A_1380 = arith.addi %mul3A_1222, %iota3A : vector<16xi32>
        tpu.vector_store_idx %arg13[%add3A_1380], %select_n3A_1378 : memref<256xf32, #tpu.memory_space<vmem>>[vector<16xi32>], vector<16xf32>,
        %add3A_1381 = arith.addi %mul3A_1222, %iota3A : vector<16xi32>
        tpu.vector_store_idx %arg14[%add3A_1381], %select_n3A_1379 : memref<256xi32, #tpu.memory_space<vmem>>[vector<16xi32>], vector<16xi32>,
        %sub3A_1382 = arith.subf %gather3A_968, %gather3A_1239 : vector<16xf32>
        %sub3A_1383 = arith.subf %gather3A_972, %gather3A_1243 : vector<16xf32>
        %mul3A_1384 = arith.mulf %sub3A_1382, %sub3A_1382 : vector<16xf32>
        %add3A_1385 = arith.addf %scan3A_839, %mul3A_1384 : vector<16xf32>
        %mul3A_1386 = arith.mulf %sub3A_1383, %sub3A_1383 : vector<16xf32>
        %add3A_1387 = arith.addf %add3A_1385, %mul3A_1386 : vector<16xf32>
        scf.yield %add3A_1387 : vector<16xf32>
      }
      %scan3A_245 = arith.constant 9 : i32
      %get3A = arith.constant 0 : index
      %get3A_246 = tpu.vector_load %arg11[%get3A] {strides = array<i32>} : memref<256xf32, #tpu.memory_space<vmem>>, vector<16xf32>,
      %get3A_247 = arith.constant 16 : index
      %get3A_248 = tpu.vector_load %arg11[%get3A_247] {strides = array<i32>} : memref<256xf32, #tpu.memory_space<vmem>>, vector<16xf32>,
      %get3A_249 = arith.constant 32 : index
      %get3A_250 = tpu.vector_load %arg11[%get3A_249] {strides = array<i32>} : memref<256xf32, #tpu.memory_space<vmem>>, vector<16xf32>,
      %get3A_251 = arith.constant 48 : index
      %get3A_252 = tpu.vector_load %arg11[%get3A_251] {strides = array<i32>} : memref<256xf32, #tpu.memory_space<vmem>>, vector<16xf32>,
      %get3A_253 = arith.constant 64 : index
      %get3A_254 = tpu.vector_load %arg11[%get3A_253] {strides = array<i32>} : memref<256xf32, #tpu.memory_space<vmem>>, vector<16xf32>,
      %get3A_255 = arith.constant 80 : index
      %get3A_256 = tpu.vector_load %arg11[%get3A_255] {strides = array<i32>} : memref<256xf32, #tpu.memory_space<vmem>>, vector<16xf32>,
      %get3A_257 = arith.constant 96 : index
      %get3A_258 = tpu.vector_load %arg11[%get3A_257] {strides = array<i32>} : memref<256xf32, #tpu.memory_space<vmem>>, vector<16xf32>,
      %get3A_259 = arith.constant 112 : index
      %get3A_260 = tpu.vector_load %arg11[%get3A_259] {strides = array<i32>} : memref<256xf32, #tpu.memory_space<vmem>>, vector<16xf32>,
      %get3A_261 = arith.constant 128 : index
      %get3A_262 = tpu.vector_load %arg11[%get3A_261] {strides = array<i32>} : memref<256xf32, #tpu.memory_space<vmem>>, vector<16xf32>,
      %get3A_263 = arith.constant 144 : index
      %get3A_264 = tpu.vector_load %arg11[%get3A_263] {strides = array<i32>} : memref<256xf32, #tpu.memory_space<vmem>>, vector<16xf32>,
      %get3A_265 = arith.constant 160 : index
      %get3A_266 = tpu.vector_load %arg11[%get3A_265] {strides = array<i32>} : memref<256xf32, #tpu.memory_space<vmem>>, vector<16xf32>,
      %get3A_267 = arith.constant 176 : index
      %get3A_268 = tpu.vector_load %arg11[%get3A_267] {strides = array<i32>} : memref<256xf32, #tpu.memory_space<vmem>>, vector<16xf32>,
      %get3A_269 = arith.constant 192 : index
      %get3A_270 = tpu.vector_load %arg11[%get3A_269] {strides = array<i32>} : memref<256xf32, #tpu.memory_space<vmem>>, vector<16xf32>,
      %get3A_271 = arith.constant 208 : index
      %get3A_272 = tpu.vector_load %arg11[%get3A_271] {strides = array<i32>} : memref<256xf32, #tpu.memory_space<vmem>>, vector<16xf32>,
      %get3A_273 = arith.constant 224 : index
      %get3A_274 = tpu.vector_load %arg11[%get3A_273] {strides = array<i32>} : memref<256xf32, #tpu.memory_space<vmem>>, vector<16xf32>,
      %get3A_275 = arith.constant 240 : index
      %get3A_276 = tpu.vector_load %arg11[%get3A_275] {strides = array<i32>} : memref<256xf32, #tpu.memory_space<vmem>>, vector<16xf32>,
      %broadcast_in_dim3A_277 = arith.constant 0 : i32
      %broadcast_in_dim3A_278 = vector.broadcast %broadcast_in_dim3A_277 : i32 to vector<16xi32>
      %broadcast_in_dim3A_279 = arith.constant 1 : i32
      %broadcast_in_dim3A_280 = vector.broadcast %broadcast_in_dim3A_279 : i32 to vector<16xi32>
      %broadcast_in_dim3A_281 = arith.constant 2 : i32
      %broadcast_in_dim3A_282 = vector.broadcast %broadcast_in_dim3A_281 : i32 to vector<16xi32>
      %broadcast_in_dim3A_283 = arith.constant 3 : i32
      %broadcast_in_dim3A_284 = vector.broadcast %broadcast_in_dim3A_283 : i32 to vector<16xi32>
      %broadcast_in_dim3A_285 = arith.constant 4 : i32
      %broadcast_in_dim3A_286 = vector.broadcast %broadcast_in_dim3A_285 : i32 to vector<16xi32>
      %broadcast_in_dim3A_287 = arith.constant 5 : i32
      %broadcast_in_dim3A_288 = vector.broadcast %broadcast_in_dim3A_287 : i32 to vector<16xi32>
      %broadcast_in_dim3A_289 = arith.constant 6 : i32
      %broadcast_in_dim3A_290 = vector.broadcast %broadcast_in_dim3A_289 : i32 to vector<16xi32>
      %broadcast_in_dim3A_291 = arith.constant 7 : i32
      %broadcast_in_dim3A_292 = vector.broadcast %broadcast_in_dim3A_291 : i32 to vector<16xi32>
      %broadcast_in_dim3A_293 = arith.constant 8 : i32
      %broadcast_in_dim3A_294 = vector.broadcast %broadcast_in_dim3A_293 : i32 to vector<16xi32>
      %broadcast_in_dim3A_295 = arith.constant 9 : i32
      %broadcast_in_dim3A_296 = vector.broadcast %broadcast_in_dim3A_295 : i32 to vector<16xi32>
      %broadcast_in_dim3A_297 = arith.constant 10 : i32
      %broadcast_in_dim3A_298 = vector.broadcast %broadcast_in_dim3A_297 : i32 to vector<16xi32>
      %broadcast_in_dim3A_299 = arith.constant 11 : i32
      %broadcast_in_dim3A_300 = vector.broadcast %broadcast_in_dim3A_299 : i32 to vector<16xi32>
      %broadcast_in_dim3A_301 = arith.constant 12 : i32
      %broadcast_in_dim3A_302 = vector.broadcast %broadcast_in_dim3A_301 : i32 to vector<16xi32>
      %broadcast_in_dim3A_303 = arith.constant 13 : i32
      %broadcast_in_dim3A_304 = vector.broadcast %broadcast_in_dim3A_303 : i32 to vector<16xi32>
      %broadcast_in_dim3A_305 = arith.constant 14 : i32
      %broadcast_in_dim3A_306 = vector.broadcast %broadcast_in_dim3A_305 : i32 to vector<16xi32>
      %broadcast_in_dim3A_307 = arith.constant 15 : i32
      %broadcast_in_dim3A_308 = vector.broadcast %broadcast_in_dim3A_307 : i32 to vector<16xi32>
      %gt3A = arith.cmpf ogt, %get3A_248, %get3A_246 : vector<16xf32>
      %select_n3A = arith.select %gt3A, %get3A_248, %get3A_246 : vector<16xi1>, vector<16xf32>
      %select_n3A_309 = arith.select %gt3A, %broadcast_in_dim3A_280, %broadcast_in_dim3A_278 : vector<16xi1>, vector<16xi32>
      %gt3A_310 = arith.cmpf ogt, %get3A_252, %get3A_250 : vector<16xf32>
      %select_n3A_311 = arith.select %gt3A_310, %get3A_252, %get3A_250 : vector<16xi1>, vector<16xf32>
      %select_n3A_312 = arith.select %gt3A_310, %broadcast_in_dim3A_284, %broadcast_in_dim3A_282 : vector<16xi1>, vector<16xi32>
      %gt3A_313 = arith.cmpf ogt, %get3A_256, %get3A_254 : vector<16xf32>
      %select_n3A_314 = arith.select %gt3A_313, %get3A_256, %get3A_254 : vector<16xi1>, vector<16xf32>
      %select_n3A_315 = arith.select %gt3A_313, %broadcast_in_dim3A_288, %broadcast_in_dim3A_286 : vector<16xi1>, vector<16xi32>
      %gt3A_316 = arith.cmpf ogt, %get3A_260, %get3A_258 : vector<16xf32>
      %select_n3A_317 = arith.select %gt3A_316, %get3A_260, %get3A_258 : vector<16xi1>, vector<16xf32>
      %select_n3A_318 = arith.select %gt3A_316, %broadcast_in_dim3A_292, %broadcast_in_dim3A_290 : vector<16xi1>, vector<16xi32>
      %gt3A_319 = arith.cmpf ogt, %get3A_264, %get3A_262 : vector<16xf32>
      %select_n3A_320 = arith.select %gt3A_319, %get3A_264, %get3A_262 : vector<16xi1>, vector<16xf32>
      %select_n3A_321 = arith.select %gt3A_319, %broadcast_in_dim3A_296, %broadcast_in_dim3A_294 : vector<16xi1>, vector<16xi32>
      %gt3A_322 = arith.cmpf ogt, %get3A_268, %get3A_266 : vector<16xf32>
      %select_n3A_323 = arith.select %gt3A_322, %get3A_268, %get3A_266 : vector<16xi1>, vector<16xf32>
      %select_n3A_324 = arith.select %gt3A_322, %broadcast_in_dim3A_300, %broadcast_in_dim3A_298 : vector<16xi1>, vector<16xi32>
      %gt3A_325 = arith.cmpf ogt, %get3A_272, %get3A_270 : vector<16xf32>
      %select_n3A_326 = arith.select %gt3A_325, %get3A_272, %get3A_270 : vector<16xi1>, vector<16xf32>
      %select_n3A_327 = arith.select %gt3A_325, %broadcast_in_dim3A_304, %broadcast_in_dim3A_302 : vector<16xi1>, vector<16xi32>
      %gt3A_328 = arith.cmpf ogt, %get3A_276, %get3A_274 : vector<16xf32>
      %select_n3A_329 = arith.select %gt3A_328, %get3A_276, %get3A_274 : vector<16xi1>, vector<16xf32>
      %select_n3A_330 = arith.select %gt3A_328, %broadcast_in_dim3A_308, %broadcast_in_dim3A_306 : vector<16xi1>, vector<16xi32>
      %gt3A_331 = arith.cmpf ogt, %select_n3A_311, %select_n3A : vector<16xf32>
      %select_n3A_332 = arith.select %gt3A_331, %select_n3A_311, %select_n3A : vector<16xi1>, vector<16xf32>
      %select_n3A_333 = arith.select %gt3A_331, %select_n3A_312, %select_n3A_309 : vector<16xi1>, vector<16xi32>
      %gt3A_334 = arith.cmpf ogt, %select_n3A_317, %select_n3A_314 : vector<16xf32>
      %select_n3A_335 = arith.select %gt3A_334, %select_n3A_317, %select_n3A_314 : vector<16xi1>, vector<16xf32>
      %select_n3A_336 = arith.select %gt3A_334, %select_n3A_318, %select_n3A_315 : vector<16xi1>, vector<16xi32>
      %gt3A_337 = arith.cmpf ogt, %select_n3A_323, %select_n3A_320 : vector<16xf32>
      %select_n3A_338 = arith.select %gt3A_337, %select_n3A_323, %select_n3A_320 : vector<16xi1>, vector<16xf32>
      %select_n3A_339 = arith.select %gt3A_337, %select_n3A_324, %select_n3A_321 : vector<16xi1>, vector<16xi32>
      %gt3A_340 = arith.cmpf ogt, %select_n3A_329, %select_n3A_326 : vector<16xf32>
      %select_n3A_341 = arith.select %gt3A_340, %select_n3A_329, %select_n3A_326 : vector<16xi1>, vector<16xf32>
      %select_n3A_342 = arith.select %gt3A_340, %select_n3A_330, %select_n3A_327 : vector<16xi1>, vector<16xi32>
      %gt3A_343 = arith.cmpf ogt, %select_n3A_335, %select_n3A_332 : vector<16xf32>
      %select_n3A_344 = arith.select %gt3A_343, %select_n3A_335, %select_n3A_332 : vector<16xi1>, vector<16xf32>
      %select_n3A_345 = arith.select %gt3A_343, %select_n3A_336, %select_n3A_333 : vector<16xi1>, vector<16xi32>
      %gt3A_346 = arith.cmpf ogt, %select_n3A_341, %select_n3A_338 : vector<16xf32>
      %select_n3A_347 = arith.select %gt3A_346, %select_n3A_341, %select_n3A_338 : vector<16xi1>, vector<16xf32>
      %select_n3A_348 = arith.select %gt3A_346, %select_n3A_342, %select_n3A_339 : vector<16xi1>, vector<16xi32>
      %gt3A_349 = arith.cmpf ogt, %select_n3A_347, %select_n3A_344 : vector<16xf32>
      %select_n3A_350 = arith.select %gt3A_349, %select_n3A_347, %select_n3A_344 : vector<16xi1>, vector<16xf32>
      %select_n3A_351 = arith.select %gt3A_349, %select_n3A_348, %select_n3A_345 : vector<16xi1>, vector<16xi32>
      %mul3A_352 = arith.constant 16 : i32
      %mul3A_353 = vector.broadcast %mul3A_352 : i32 to vector<16xi32>
      %mul3A_354 = arith.muli %select_n3A_351, %mul3A_353 : vector<16xi32>
      %add3A_355 = arith.addi %mul3A_354, %iota3A : vector<16xi32>
      %gather3A = tpu.vector_load_idx %arg12[%add3A_355] : memref<256xi32, #tpu.memory_space<vmem>>[vector<16xi32>], vector<16xi32>,
      %mul3A_356 = arith.constant 512 : i32
      %mul3A_357 = vector.broadcast %mul3A_356 : i32 to vector<16xi32>
      %mul3A_358 = arith.muli %iota3A, %mul3A_357 : vector<16xi32>
      %shift_right_arithmetic3A = arith.constant 7 : i32
      %shift_right_arithmetic3A_359 = vector.broadcast %shift_right_arithmetic3A : i32 to vector<16xi32>
      %shift_right_arithmetic3A_360 = arith.shrsi %gather3A, %shift_right_arithmetic3A_359 : vector<16xi32>
      %mul3A_361 = arith.constant 256 : i32
      %mul3A_362 = vector.broadcast %mul3A_361 : i32 to vector<16xi32>
      %mul3A_363 = arith.muli %shift_right_arithmetic3A_360, %mul3A_362 : vector<16xi32>
      %add3A_364 = arith.addi %mul3A_358, %mul3A_363 : vector<16xi32>
      %and3A_365 = arith.constant 127 : i32
      %and3A_366 = vector.broadcast %and3A_365 : i32 to vector<16xi32>
      %and3A_367 = arith.andi %gather3A, %and3A_366 : vector<16xi32>
      %add3A_368 = arith.addi %add3A_364, %and3A_367 : vector<16xi32>
      %gather3A_369 = tpu.vector_load_idx %arg5[%add3A_368] : memref<8200xf32, #tpu.memory_space<vmem>>[vector<16xi32>], vector<16xf32>,
      %add3A_370 = arith.constant 128 : i32
      %add3A_371 = vector.broadcast %add3A_370 : i32 to vector<16xi32>
      %add3A_372 = arith.addi %add3A_368, %add3A_371 : vector<16xi32>
      %gather3A_373 = tpu.vector_load_idx %arg5[%add3A_372] : memref<8200xf32, #tpu.memory_space<vmem>>[vector<16xi32>], vector<16xf32>,
      %get3A_374 = arith.constant 0 : index
      %get3A_375 = tpu.vector_load %arg13[%get3A_374] {strides = array<i32>} : memref<256xf32, #tpu.memory_space<vmem>>, vector<16xf32>,
      %get3A_376 = arith.constant 16 : index
      %get3A_377 = tpu.vector_load %arg13[%get3A_376] {strides = array<i32>} : memref<256xf32, #tpu.memory_space<vmem>>, vector<16xf32>,
      %get3A_378 = arith.constant 32 : index
      %get3A_379 = tpu.vector_load %arg13[%get3A_378] {strides = array<i32>} : memref<256xf32, #tpu.memory_space<vmem>>, vector<16xf32>,
      %get3A_380 = arith.constant 48 : index
      %get3A_381 = tpu.vector_load %arg13[%get3A_380] {strides = array<i32>} : memref<256xf32, #tpu.memory_space<vmem>>, vector<16xf32>,
      %get3A_382 = arith.constant 64 : index
      %get3A_383 = tpu.vector_load %arg13[%get3A_382] {strides = array<i32>} : memref<256xf32, #tpu.memory_space<vmem>>, vector<16xf32>,
      %get3A_384 = arith.constant 80 : index
      %get3A_385 = tpu.vector_load %arg13[%get3A_384] {strides = array<i32>} : memref<256xf32, #tpu.memory_space<vmem>>, vector<16xf32>,
      %get3A_386 = arith.constant 96 : index
      %get3A_387 = tpu.vector_load %arg13[%get3A_386] {strides = array<i32>} : memref<256xf32, #tpu.memory_space<vmem>>, vector<16xf32>,
      %get3A_388 = arith.constant 112 : index
      %get3A_389 = tpu.vector_load %arg13[%get3A_388] {strides = array<i32>} : memref<256xf32, #tpu.memory_space<vmem>>, vector<16xf32>,
      %get3A_390 = arith.constant 128 : index
      %get3A_391 = tpu.vector_load %arg13[%get3A_390] {strides = array<i32>} : memref<256xf32, #tpu.memory_space<vmem>>, vector<16xf32>,
      %get3A_392 = arith.constant 144 : index
      %get3A_393 = tpu.vector_load %arg13[%get3A_392] {strides = array<i32>} : memref<256xf32, #tpu.memory_space<vmem>>, vector<16xf32>,
      %get3A_394 = arith.constant 160 : index
      %get3A_395 = tpu.vector_load %arg13[%get3A_394] {strides = array<i32>} : memref<256xf32, #tpu.memory_space<vmem>>, vector<16xf32>,
      %get3A_396 = arith.constant 176 : index
      %get3A_397 = tpu.vector_load %arg13[%get3A_396] {strides = array<i32>} : memref<256xf32, #tpu.memory_space<vmem>>, vector<16xf32>,
      %get3A_398 = arith.constant 192 : index
      %get3A_399 = tpu.vector_load %arg13[%get3A_398] {strides = array<i32>} : memref<256xf32, #tpu.memory_space<vmem>>, vector<16xf32>,
      %get3A_400 = arith.constant 208 : index
      %get3A_401 = tpu.vector_load %arg13[%get3A_400] {strides = array<i32>} : memref<256xf32, #tpu.memory_space<vmem>>, vector<16xf32>,
      %get3A_402 = arith.constant 224 : index
      %get3A_403 = tpu.vector_load %arg13[%get3A_402] {strides = array<i32>} : memref<256xf32, #tpu.memory_space<vmem>>, vector<16xf32>,
      %get3A_404 = arith.constant 240 : index
      %get3A_405 = tpu.vector_load %arg13[%get3A_404] {strides = array<i32>} : memref<256xf32, #tpu.memory_space<vmem>>, vector<16xf32>,
      %broadcast_in_dim3A_406 = arith.constant 0 : i32
      %broadcast_in_dim3A_407 = vector.broadcast %broadcast_in_dim3A_406 : i32 to vector<16xi32>
      %broadcast_in_dim3A_408 = arith.constant 1 : i32
      %broadcast_in_dim3A_409 = vector.broadcast %broadcast_in_dim3A_408 : i32 to vector<16xi32>
      %broadcast_in_dim3A_410 = arith.constant 2 : i32
      %broadcast_in_dim3A_411 = vector.broadcast %broadcast_in_dim3A_410 : i32 to vector<16xi32>
      %broadcast_in_dim3A_412 = arith.constant 3 : i32
      %broadcast_in_dim3A_413 = vector.broadcast %broadcast_in_dim3A_412 : i32 to vector<16xi32>
      %broadcast_in_dim3A_414 = arith.constant 4 : i32
      %broadcast_in_dim3A_415 = vector.broadcast %broadcast_in_dim3A_414 : i32 to vector<16xi32>
      %broadcast_in_dim3A_416 = arith.constant 5 : i32
      %broadcast_in_dim3A_417 = vector.broadcast %broadcast_in_dim3A_416 : i32 to vector<16xi32>
      %broadcast_in_dim3A_418 = arith.constant 6 : i32
      %broadcast_in_dim3A_419 = vector.broadcast %broadcast_in_dim3A_418 : i32 to vector<16xi32>
      %broadcast_in_dim3A_420 = arith.constant 7 : i32
      %broadcast_in_dim3A_421 = vector.broadcast %broadcast_in_dim3A_420 : i32 to vector<16xi32>
      %broadcast_in_dim3A_422 = arith.constant 8 : i32
      %broadcast_in_dim3A_423 = vector.broadcast %broadcast_in_dim3A_422 : i32 to vector<16xi32>
      %broadcast_in_dim3A_424 = arith.constant 9 : i32
      %broadcast_in_dim3A_425 = vector.broadcast %broadcast_in_dim3A_424 : i32 to vector<16xi32>
      %broadcast_in_dim3A_426 = arith.constant 10 : i32
      %broadcast_in_dim3A_427 = vector.broadcast %broadcast_in_dim3A_426 : i32 to vector<16xi32>
      %broadcast_in_dim3A_428 = arith.constant 11 : i32
      %broadcast_in_dim3A_429 = vector.broadcast %broadcast_in_dim3A_428 : i32 to vector<16xi32>
      %broadcast_in_dim3A_430 = arith.constant 12 : i32
      %broadcast_in_dim3A_431 = vector.broadcast %broadcast_in_dim3A_430 : i32 to vector<16xi32>
      %broadcast_in_dim3A_432 = arith.constant 13 : i32
      %broadcast_in_dim3A_433 = vector.broadcast %broadcast_in_dim3A_432 : i32 to vector<16xi32>
      %broadcast_in_dim3A_434 = arith.constant 14 : i32
      %broadcast_in_dim3A_435 = vector.broadcast %broadcast_in_dim3A_434 : i32 to vector<16xi32>
      %broadcast_in_dim3A_436 = arith.constant 15 : i32
      %broadcast_in_dim3A_437 = vector.broadcast %broadcast_in_dim3A_436 : i32 to vector<16xi32>
      %gt3A_438 = arith.cmpf ogt, %get3A_377, %get3A_375 : vector<16xf32>
      %select_n3A_439 = arith.select %gt3A_438, %get3A_377, %get3A_375 : vector<16xi1>, vector<16xf32>
      %select_n3A_440 = arith.select %gt3A_438, %broadcast_in_dim3A_409, %broadcast_in_dim3A_407 : vector<16xi1>, vector<16xi32>
      %gt3A_441 = arith.cmpf ogt, %get3A_381, %get3A_379 : vector<16xf32>
      %select_n3A_442 = arith.select %gt3A_441, %get3A_381, %get3A_379 : vector<16xi1>, vector<16xf32>
      %select_n3A_443 = arith.select %gt3A_441, %broadcast_in_dim3A_413, %broadcast_in_dim3A_411 : vector<16xi1>, vector<16xi32>
      %gt3A_444 = arith.cmpf ogt, %get3A_385, %get3A_383 : vector<16xf32>
      %select_n3A_445 = arith.select %gt3A_444, %get3A_385, %get3A_383 : vector<16xi1>, vector<16xf32>
      %select_n3A_446 = arith.select %gt3A_444, %broadcast_in_dim3A_417, %broadcast_in_dim3A_415 : vector<16xi1>, vector<16xi32>
      %gt3A_447 = arith.cmpf ogt, %get3A_389, %get3A_387 : vector<16xf32>
      %select_n3A_448 = arith.select %gt3A_447, %get3A_389, %get3A_387 : vector<16xi1>, vector<16xf32>
      %select_n3A_449 = arith.select %gt3A_447, %broadcast_in_dim3A_421, %broadcast_in_dim3A_419 : vector<16xi1>, vector<16xi32>
      %gt3A_450 = arith.cmpf ogt, %get3A_393, %get3A_391 : vector<16xf32>
      %select_n3A_451 = arith.select %gt3A_450, %get3A_393, %get3A_391 : vector<16xi1>, vector<16xf32>
      %select_n3A_452 = arith.select %gt3A_450, %broadcast_in_dim3A_425, %broadcast_in_dim3A_423 : vector<16xi1>, vector<16xi32>
      %gt3A_453 = arith.cmpf ogt, %get3A_397, %get3A_395 : vector<16xf32>
      %select_n3A_454 = arith.select %gt3A_453, %get3A_397, %get3A_395 : vector<16xi1>, vector<16xf32>
      %select_n3A_455 = arith.select %gt3A_453, %broadcast_in_dim3A_429, %broadcast_in_dim3A_427 : vector<16xi1>, vector<16xi32>
      %gt3A_456 = arith.cmpf ogt, %get3A_401, %get3A_399 : vector<16xf32>
      %select_n3A_457 = arith.select %gt3A_456, %get3A_401, %get3A_399 : vector<16xi1>, vector<16xf32>
      %select_n3A_458 = arith.select %gt3A_456, %broadcast_in_dim3A_433, %broadcast_in_dim3A_431 : vector<16xi1>, vector<16xi32>
      %gt3A_459 = arith.cmpf ogt, %get3A_405, %get3A_403 : vector<16xf32>
      %select_n3A_460 = arith.select %gt3A_459, %get3A_405, %get3A_403 : vector<16xi1>, vector<16xf32>
      %select_n3A_461 = arith.select %gt3A_459, %broadcast_in_dim3A_437, %broadcast_in_dim3A_435 : vector<16xi1>, vector<16xi32>
      %gt3A_462 = arith.cmpf ogt, %select_n3A_442, %select_n3A_439 : vector<16xf32>
      %select_n3A_463 = arith.select %gt3A_462, %select_n3A_442, %select_n3A_439 : vector<16xi1>, vector<16xf32>
      %select_n3A_464 = arith.select %gt3A_462, %select_n3A_443, %select_n3A_440 : vector<16xi1>, vector<16xi32>
      %gt3A_465 = arith.cmpf ogt, %select_n3A_448, %select_n3A_445 : vector<16xf32>
      %select_n3A_466 = arith.select %gt3A_465, %select_n3A_448, %select_n3A_445 : vector<16xi1>, vector<16xf32>
      %select_n3A_467 = arith.select %gt3A_465, %select_n3A_449, %select_n3A_446 : vector<16xi1>, vector<16xi32>
      %gt3A_468 = arith.cmpf ogt, %select_n3A_454, %select_n3A_451 : vector<16xf32>
      %select_n3A_469 = arith.select %gt3A_468, %select_n3A_454, %select_n3A_451 : vector<16xi1>, vector<16xf32>
      %select_n3A_470 = arith.select %gt3A_468, %select_n3A_455, %select_n3A_452 : vector<16xi1>, vector<16xi32>
      %gt3A_471 = arith.cmpf ogt, %select_n3A_460, %select_n3A_457 : vector<16xf32>
      %select_n3A_472 = arith.select %gt3A_471, %select_n3A_460, %select_n3A_457 : vector<16xi1>, vector<16xf32>
      %select_n3A_473 = arith.select %gt3A_471, %select_n3A_461, %select_n3A_458 : vector<16xi1>, vector<16xi32>
      %gt3A_474 = arith.cmpf ogt, %select_n3A_466, %select_n3A_463 : vector<16xf32>
      %select_n3A_475 = arith.select %gt3A_474, %select_n3A_466, %select_n3A_463 : vector<16xi1>, vector<16xf32>
      %select_n3A_476 = arith.select %gt3A_474, %select_n3A_467, %select_n3A_464 : vector<16xi1>, vector<16xi32>
      %gt3A_477 = arith.cmpf ogt, %select_n3A_472, %select_n3A_469 : vector<16xf32>
      %select_n3A_478 = arith.select %gt3A_477, %select_n3A_472, %select_n3A_469 : vector<16xi1>, vector<16xf32>
      %select_n3A_479 = arith.select %gt3A_477, %select_n3A_473, %select_n3A_470 : vector<16xi1>, vector<16xi32>
      %gt3A_480 = arith.cmpf ogt, %select_n3A_478, %select_n3A_475 : vector<16xf32>
      %select_n3A_481 = arith.select %gt3A_480, %select_n3A_478, %select_n3A_475 : vector<16xi1>, vector<16xf32>
      %select_n3A_482 = arith.select %gt3A_480, %select_n3A_479, %select_n3A_476 : vector<16xi1>, vector<16xi32>
      %mul3A_483 = arith.constant 16 : i32
      %mul3A_484 = vector.broadcast %mul3A_483 : i32 to vector<16xi32>
      %mul3A_485 = arith.muli %select_n3A_482, %mul3A_484 : vector<16xi32>
      %add3A_486 = arith.addi %mul3A_485, %iota3A : vector<16xi32>
      %gather3A_487 = tpu.vector_load_idx %arg14[%add3A_486] : memref<256xi32, #tpu.memory_space<vmem>>[vector<16xi32>], vector<16xi32>,
      %mul3A_488 = arith.constant 512 : i32
      %mul3A_489 = vector.broadcast %mul3A_488 : i32 to vector<16xi32>
      %mul3A_490 = arith.muli %iota3A, %mul3A_489 : vector<16xi32>
      %shift_right_arithmetic3A_491 = arith.constant 7 : i32
      %shift_right_arithmetic3A_492 = vector.broadcast %shift_right_arithmetic3A_491 : i32 to vector<16xi32>
      %shift_right_arithmetic3A_493 = arith.shrsi %gather3A_487, %shift_right_arithmetic3A_492 : vector<16xi32>
      %mul3A_494 = arith.constant 256 : i32
      %mul3A_495 = vector.broadcast %mul3A_494 : i32 to vector<16xi32>
      %mul3A_496 = arith.muli %shift_right_arithmetic3A_493, %mul3A_495 : vector<16xi32>
      %add3A_497 = arith.addi %mul3A_490, %mul3A_496 : vector<16xi32>
      %and3A_498 = arith.constant 127 : i32
      %and3A_499 = vector.broadcast %and3A_498 : i32 to vector<16xi32>
      %and3A_500 = arith.andi %gather3A_487, %and3A_499 : vector<16xi32>
      %add3A_501 = arith.addi %add3A_497, %and3A_500 : vector<16xi32>
      %gather3A_502 = tpu.vector_load_idx %arg6[%add3A_501] : memref<8200xf32, #tpu.memory_space<vmem>>[vector<16xi32>], vector<16xf32>,
      %add3A_503 = arith.constant 128 : i32
      %add3A_504 = vector.broadcast %add3A_503 : i32 to vector<16xi32>
      %add3A_505 = arith.addi %add3A_501, %add3A_504 : vector<16xi32>
      %gather3A_506 = tpu.vector_load_idx %arg6[%add3A_505] : memref<8200xf32, #tpu.memory_space<vmem>>[vector<16xi32>], vector<16xf32>,
      %sub3A = arith.subf %gather3A_369, %gather3A_502 : vector<16xf32>
      %sub3A_507 = arith.subf %gather3A_373, %gather3A_506 : vector<16xf32>
      %mul3A_508 = arith.mulf %sub3A, %sub3A : vector<16xf32>
      %add3A_509 = arith.addf %scan3A_244, %mul3A_508 : vector<16xf32>
      %mul3A_510 = arith.mulf %sub3A_507, %sub3A_507 : vector<16xf32>
      %add3A_511 = arith.addf %add3A_509, %mul3A_510 : vector<16xf32>
      %add3A_512 = arith.constant 2 : i32
      %add3A_513 = arith.addi %mul3A_192, %add3A_512 : i32
      %rem3A = arith.constant 24 : i32
      %rem3A_514 = arith.remsi %add3A_513, %rem3A : i32
      %mul3A_515 = arith.constant 24 : i32
      %mul3A_516 = arith.muli %add3A, %mul3A_515 : i32
      %add3A_517 = arith.addi %mul3A_516, %rem3A_514 : i32
      %mul3A_518 = arith.constant 8192 : i32
      %mul3A_519 = arith.muli %add3A_517, %mul3A_518 : i32
      %dma_start3A_520 = arith.constant 0 : i32
      %dma_start3A_521 = tpu.memref_slice %arg5[%dma_start3A_520] : memref<8200xf32, #tpu.memory_space<vmem>> -> memref<8192xf32, #tpu.memory_space<vmem>>
      %dma_start3A_522 = tpu.memref_slice %arg2[%mul3A_519] : memref<6291456xf32, #tpu.memory_space<hbm>> -> memref<8192xf32, #tpu.memory_space<hbm>>
      %dma_start3A_523 = arith.constant 0 : i32
      %dma_start3A_524 = tpu.memref_slice %arg5[%dma_start3A_523] : memref<8200xf32, #tpu.memory_space<vmem>> -> memref<8192xf32, #tpu.memory_space<vmem>>
      %dma_start3A_525 = tpu.memref_slice %arg2[%mul3A_519] : memref<6291456xf32, #tpu.memory_space<hbm>> -> memref<8192xf32, #tpu.memory_space<hbm>>
      tpu.enqueue_dma source(%dma_start3A_525 : memref<8192xf32, #tpu.memory_space<hbm>>) target(%dma_start3A_524 : memref<8192xf32, #tpu.memory_space<vmem>>) target_semaphore(%arg16 : memref<!tpu.dma_semaphore, #tpu.memory_space<semaphore_mem>>)
      %dma_start3A_526 = arith.constant 0 : i32
      %dma_start3A_527 = tpu.memref_slice %arg6[%dma_start3A_526] : memref<8200xf32, #tpu.memory_space<vmem>> -> memref<8192xf32, #tpu.memory_space<vmem>>
      %dma_start3A_528 = tpu.memref_slice %arg3[%mul3A_519] : memref<6291456xf32, #tpu.memory_space<hbm>> -> memref<8192xf32, #tpu.memory_space<hbm>>
      %dma_start3A_529 = arith.constant 0 : i32
      %dma_start3A_530 = tpu.memref_slice %arg6[%dma_start3A_529] : memref<8200xf32, #tpu.memory_space<vmem>> -> memref<8192xf32, #tpu.memory_space<vmem>>
      %dma_start3A_531 = tpu.memref_slice %arg3[%mul3A_519] : memref<6291456xf32, #tpu.memory_space<hbm>> -> memref<8192xf32, #tpu.memory_space<hbm>>
      tpu.enqueue_dma source(%dma_start3A_531 : memref<8192xf32, #tpu.memory_space<hbm>>) target(%dma_start3A_530 : memref<8192xf32, #tpu.memory_space<vmem>>) target_semaphore(%arg16 : memref<!tpu.dma_semaphore, #tpu.memory_space<semaphore_mem>>)
      %mul3A_532 = arith.constant 24 : i32
      %mul3A_533 = arith.muli %add3A, %mul3A_532 : i32
      %mul3A_534 = arith.constant 8192 : i32
      %mul3A_535 = arith.muli %mul3A_533, %mul3A_534 : i32
      %dma_wait3A_536 = arith.constant 0 : i32
      %dma_wait3A_537 = tpu.memref_slice %arg7[%dma_wait3A_536] : memref<8200xf32, #tpu.memory_space<vmem>> -> memref<8192xf32, #tpu.memory_space<vmem>>
      %dma_wait3A_538 = tpu.memref_slice %arg2[%mul3A_535] : memref<6291456xf32, #tpu.memory_space<hbm>> -> memref<8192xf32, #tpu.memory_space<hbm>>
      %dma_wait3A_539 = arith.constant 0 : i32
      %dma_wait3A_540 = tpu.memref_slice %arg7[%dma_wait3A_539] : memref<8200xf32, #tpu.memory_space<vmem>> -> memref<8192xf32, #tpu.memory_space<vmem>>
      %dma_wait3A_541 = tpu.memref_slice %arg2[%mul3A_535] : memref<6291456xf32, #tpu.memory_space<hbm>> -> memref<8192xf32, #tpu.memory_space<hbm>>
      tpu.wait_dma2 semaphore(%arg17 : memref<!tpu.dma_semaphore, #tpu.memory_space<semaphore_mem>>) src(%dma_wait3A_541 : memref<8192xf32, #tpu.memory_space<hbm>>) dst(%dma_wait3A_540 : memref<8192xf32, #tpu.memory_space<vmem>>)
      %dma_wait3A_542 = arith.constant 0 : i32
      %dma_wait3A_543 = tpu.memref_slice %arg8[%dma_wait3A_542] : memref<8200xf32, #tpu.memory_space<vmem>> -> memref<8192xf32, #tpu.memory_space<vmem>>
      %dma_wait3A_544 = tpu.memref_slice %arg3[%mul3A_535] : memref<6291456xf32, #tpu.memory_space<hbm>> -> memref<8192xf32, #tpu.memory_space<hbm>>
      %dma_wait3A_545 = arith.constant 0 : i32
      %dma_wait3A_546 = tpu.memref_slice %arg8[%dma_wait3A_545] : memref<8200xf32, #tpu.memory_space<vmem>> -> memref<8192xf32, #tpu.memory_space<vmem>>
      %dma_wait3A_547 = tpu.memref_slice %arg3[%mul3A_535] : memref<6291456xf32, #tpu.memory_space<hbm>> -> memref<8192xf32, #tpu.memory_space<hbm>>
      tpu.wait_dma2 semaphore(%arg17 : memref<!tpu.dma_semaphore, #tpu.memory_space<semaphore_mem>>) src(%dma_wait3A_547 : memref<8192xf32, #tpu.memory_space<hbm>>) dst(%dma_wait3A_546 : memref<8192xf32, #tpu.memory_space<vmem>>)
      %scan3A_548 = arith.constant 0 : i32
      %scan3A_549 = arith.constant 0 : i32
      %scan3A_550 = arith.constant 16 : i32
      %scan3A_551 = arith.addi %scan3A_549, %scan3A_550 : i32
      %scan3A_552 = arith.constant 1 : i32
      scf.for %scan3A_838 = %scan3A_549 to %scan3A_551 step %scan3A_552  : i32 {
        %broadcast_in_dim3A_839 = vector.broadcast %scan3A_838 : i32 to vector<16xi32>
        %add3A_840 = arith.addi %broadcast_in_dim3A_839, %iota3A : vector<16xi32>
        %and3A_841 = arith.constant 15 : i32
        %and3A_842 = vector.broadcast %and3A_841 : i32 to vector<16xi32>
        %and3A_843 = arith.andi %add3A_840, %and3A_842 : vector<16xi32>
        %mul3A_844 = arith.constant 16 : i32
        %mul3A_845 = vector.broadcast %mul3A_844 : i32 to vector<16xi32>
        %mul3A_846 = arith.muli %iota3A, %mul3A_845 : vector<16xi32>
        %add3A_847 = arith.addi %mul3A_846, %and3A_843 : vector<16xi32>
        %mul3A_848 = arith.constant 512 : i32
        %mul3A_849 = arith.muli %scan3A_838, %mul3A_848 : i32
        %add3A_850 = arith.constant 0 : i32
        %add3A_851 = arith.addi %mul3A_849, %add3A_850 : i32
        %add3A_852 = arith.constant 0 : i32
        %add3A_853 = arith.addi %add3A_851, %add3A_852 : i32
        %get3A_854 = arith.index_cast %add3A_853 : i32 to index
        %get3A_855 = tpu.vector_load %arg7[%get3A_854] {strides = array<i32>} : memref<8200xf32, #tpu.memory_space<vmem>>, vector<16xf32>,
        %add3A_856 = arith.constant 128 : i32
        %add3A_857 = arith.addi %add3A_853, %add3A_856 : i32
        %get3A_858 = arith.index_cast %add3A_857 : i32 to index
        %get3A_859 = tpu.vector_load %arg7[%get3A_858] {strides = array<i32>} : memref<8200xf32, #tpu.memory_space<vmem>>, vector<16xf32>,
        %mul3A_860 = arith.constant 512 : i32
        %mul3A_861 = arith.muli %scan3A_838, %mul3A_860 : i32
        %add3A_862 = arith.constant 0 : i32
        %add3A_863 = arith.addi %mul3A_861, %add3A_862 : i32
        %add3A_864 = arith.constant 16 : i32
        %add3A_865 = arith.addi %add3A_863, %add3A_864 : i32
        %get3A_866 = arith.index_cast %add3A_865 : i32 to index
        %get3A_867 = tpu.vector_load %arg7[%get3A_866] {strides = array<i32>} : memref<8200xf32, #tpu.memory_space<vmem>>, vector<16xf32>,
        %add3A_868 = arith.constant 128 : i32
        %add3A_869 = arith.addi %add3A_865, %add3A_868 : i32
        %get3A_870 = arith.index_cast %add3A_869 : i32 to index
        %get3A_871 = tpu.vector_load %arg7[%get3A_870] {strides = array<i32>} : memref<8200xf32, #tpu.memory_space<vmem>>, vector<16xf32>,
        %mul3A_872 = arith.constant 512 : i32
        %mul3A_873 = arith.muli %scan3A_838, %mul3A_872 : i32
        %add3A_874 = arith.constant 0 : i32
        %add3A_875 = arith.addi %mul3A_873, %add3A_874 : i32
        %add3A_876 = arith.constant 32 : i32
        %add3A_877 = arith.addi %add3A_875, %add3A_876 : i32
        %get3A_878 = arith.index_cast %add3A_877 : i32 to index
        %get3A_879 = tpu.vector_load %arg7[%get3A_878] {strides = array<i32>} : memref<8200xf32, #tpu.memory_space<vmem>>, vector<16xf32>,
        %add3A_880 = arith.constant 128 : i32
        %add3A_881 = arith.addi %add3A_877, %add3A_880 : i32
        %get3A_882 = arith.index_cast %add3A_881 : i32 to index
        %get3A_883 = tpu.vector_load %arg7[%get3A_882] {strides = array<i32>} : memref<8200xf32, #tpu.memory_space<vmem>>, vector<16xf32>,
        %mul3A_884 = arith.constant 512 : i32
        %mul3A_885 = arith.muli %scan3A_838, %mul3A_884 : i32
        %add3A_886 = arith.constant 0 : i32
        %add3A_887 = arith.addi %mul3A_885, %add3A_886 : i32
        %add3A_888 = arith.constant 48 : i32
        %add3A_889 = arith.addi %add3A_887, %add3A_888 : i32
        %get3A_890 = arith.index_cast %add3A_889 : i32 to index
        %get3A_891 = tpu.vector_load %arg7[%get3A_890] {strides = array<i32>} : memref<8200xf32, #tpu.memory_space<vmem>>, vector<16xf32>,
        %add3A_892 = arith.constant 128 : i32
        %add3A_893 = arith.addi %add3A_889, %add3A_892 : i32
        %get3A_894 = arith.index_cast %add3A_893 : i32 to index
        %get3A_895 = tpu.vector_load %arg7[%get3A_894] {strides = array<i32>} : memref<8200xf32, #tpu.memory_space<vmem>>, vector<16xf32>,
        %mul3A_896 = arith.constant 512 : i32
        %mul3A_897 = arith.muli %scan3A_838, %mul3A_896 : i32
        %add3A_898 = arith.constant 0 : i32
        %add3A_899 = arith.addi %mul3A_897, %add3A_898 : i32
        %add3A_900 = arith.constant 64 : i32
        %add3A_901 = arith.addi %add3A_899, %add3A_900 : i32
        %get3A_902 = arith.index_cast %add3A_901 : i32 to index
        %get3A_903 = tpu.vector_load %arg7[%get3A_902] {strides = array<i32>} : memref<8200xf32, #tpu.memory_space<vmem>>, vector<16xf32>,
        %add3A_904 = arith.constant 128 : i32
        %add3A_905 = arith.addi %add3A_901, %add3A_904 : i32
        %get3A_906 = arith.index_cast %add3A_905 : i32 to index
        %get3A_907 = tpu.vector_load %arg7[%get3A_906] {strides = array<i32>} : memref<8200xf32, #tpu.memory_space<vmem>>, vector<16xf32>,
        %mul3A_908 = arith.constant 512 : i32
        %mul3A_909 = arith.muli %scan3A_838, %mul3A_908 : i32
        %add3A_910 = arith.constant 0 : i32
        %add3A_911 = arith.addi %mul3A_909, %add3A_910 : i32
        %add3A_912 = arith.constant 80 : i32
        %add3A_913 = arith.addi %add3A_911, %add3A_912 : i32
        %get3A_914 = arith.index_cast %add3A_913 : i32 to index
        %get3A_915 = tpu.vector_load %arg7[%get3A_914] {strides = array<i32>} : memref<8200xf32, #tpu.memory_space<vmem>>, vector<16xf32>,
        %add3A_916 = arith.constant 128 : i32
        %add3A_917 = arith.addi %add3A_913, %add3A_916 : i32
        %get3A_918 = arith.index_cast %add3A_917 : i32 to index
        %get3A_919 = tpu.vector_load %arg7[%get3A_918] {strides = array<i32>} : memref<8200xf32, #tpu.memory_space<vmem>>, vector<16xf32>,
        %mul3A_920 = arith.constant 512 : i32
        %mul3A_921 = arith.muli %scan3A_838, %mul3A_920 : i32
        %add3A_922 = arith.constant 0 : i32
        %add3A_923 = arith.addi %mul3A_921, %add3A_922 : i32
        %add3A_924 = arith.constant 96 : i32
        %add3A_925 = arith.addi %add3A_923, %add3A_924 : i32
        %get3A_926 = arith.index_cast %add3A_925 : i32 to index
        %get3A_927 = tpu.vector_load %arg7[%get3A_926] {strides = array<i32>} : memref<8200xf32, #tpu.memory_space<vmem>>, vector<16xf32>,
        %add3A_928 = arith.constant 128 : i32
        %add3A_929 = arith.addi %add3A_925, %add3A_928 : i32
        %get3A_930 = arith.index_cast %add3A_929 : i32 to index
        %get3A_931 = tpu.vector_load %arg7[%get3A_930] {strides = array<i32>} : memref<8200xf32, #tpu.memory_space<vmem>>, vector<16xf32>,
        %mul3A_932 = arith.constant 512 : i32
        %mul3A_933 = arith.muli %scan3A_838, %mul3A_932 : i32
        %add3A_934 = arith.constant 0 : i32
        %add3A_935 = arith.addi %mul3A_933, %add3A_934 : i32
        %add3A_936 = arith.constant 112 : i32
        %add3A_937 = arith.addi %add3A_935, %add3A_936 : i32
        %get3A_938 = arith.index_cast %add3A_937 : i32 to index
        %get3A_939 = tpu.vector_load %arg7[%get3A_938] {strides = array<i32>} : memref<8200xf32, #tpu.memory_space<vmem>>, vector<16xf32>,
        %add3A_940 = arith.constant 128 : i32
        %add3A_941 = arith.addi %add3A_937, %add3A_940 : i32
        %get3A_942 = arith.index_cast %add3A_941 : i32 to index
        %get3A_943 = tpu.vector_load %arg7[%get3A_942] {strides = array<i32>} : memref<8200xf32, #tpu.memory_space<vmem>>, vector<16xf32>,
        %mul3A_944 = arith.constant 512 : i32
        %mul3A_945 = arith.muli %scan3A_838, %mul3A_944 : i32
        %add3A_946 = arith.constant 256 : i32
        %add3A_947 = arith.addi %mul3A_945, %add3A_946 : i32
        %add3A_948 = arith.constant 0 : i32
        %add3A_949 = arith.addi %add3A_947, %add3A_948 : i32
        %get3A_950 = arith.index_cast %add3A_949 : i32 to index
        %get3A_951 = tpu.vector_load %arg7[%get3A_950] {strides = array<i32>} : memref<8200xf32, #tpu.memory_space<vmem>>, vector<16xf32>,
        %add3A_952 = arith.constant 128 : i32
        %add3A_953 = arith.addi %add3A_949, %add3A_952 : i32
        %get3A_954 = arith.index_cast %add3A_953 : i32 to index
        %get3A_955 = tpu.vector_load %arg7[%get3A_954] {strides = array<i32>} : memref<8200xf32, #tpu.memory_space<vmem>>, vector<16xf32>,
        %mul3A_956 = arith.constant 512 : i32
        %mul3A_957 = arith.muli %scan3A_838, %mul3A_956 : i32
        %add3A_958 = arith.constant 256 : i32
        %add3A_959 = arith.addi %mul3A_957, %add3A_958 : i32
        %add3A_960 = arith.constant 16 : i32
        %add3A_961 = arith.addi %add3A_959, %add3A_960 : i32
        %get3A_962 = arith.index_cast %add3A_961 : i32 to index
        %get3A_963 = tpu.vector_load %arg7[%get3A_962] {strides = array<i32>} : memref<8200xf32, #tpu.memory_space<vmem>>, vector<16xf32>,
        %add3A_964 = arith.constant 128 : i32
        %add3A_965 = arith.addi %add3A_961, %add3A_964 : i32
        %get3A_966 = arith.index_cast %add3A_965 : i32 to index
        %get3A_967 = tpu.vector_load %arg7[%get3A_966] {strides = array<i32>} : memref<8200xf32, #tpu.memory_space<vmem>>, vector<16xf32>,
        %mul3A_968 = arith.constant 512 : i32
        %mul3A_969 = arith.muli %scan3A_838, %mul3A_968 : i32
        %add3A_970 = arith.constant 256 : i32
        %add3A_971 = arith.addi %mul3A_969, %add3A_970 : i32
        %add3A_972 = arith.constant 32 : i32
        %add3A_973 = arith.addi %add3A_971, %add3A_972 : i32
        %get3A_974 = arith.index_cast %add3A_973 : i32 to index
        %get3A_975 = tpu.vector_load %arg7[%get3A_974] {strides = array<i32>} : memref<8200xf32, #tpu.memory_space<vmem>>, vector<16xf32>,
        %add3A_976 = arith.constant 128 : i32
        %add3A_977 = arith.addi %add3A_973, %add3A_976 : i32
        %get3A_978 = arith.index_cast %add3A_977 : i32 to index
        %get3A_979 = tpu.vector_load %arg7[%get3A_978] {strides = array<i32>} : memref<8200xf32, #tpu.memory_space<vmem>>, vector<16xf32>,
        %mul3A_980 = arith.constant 512 : i32
        %mul3A_981 = arith.muli %scan3A_838, %mul3A_980 : i32
        %add3A_982 = arith.constant 256 : i32
        %add3A_983 = arith.addi %mul3A_981, %add3A_982 : i32
        %add3A_984 = arith.constant 48 : i32
        %add3A_985 = arith.addi %add3A_983, %add3A_984 : i32
        %get3A_986 = arith.index_cast %add3A_985 : i32 to index
        %get3A_987 = tpu.vector_load %arg7[%get3A_986] {strides = array<i32>} : memref<8200xf32, #tpu.memory_space<vmem>>, vector<16xf32>,
        %add3A_988 = arith.constant 128 : i32
        %add3A_989 = arith.addi %add3A_985, %add3A_988 : i32
        %get3A_990 = arith.index_cast %add3A_989 : i32 to index
        %get3A_991 = tpu.vector_load %arg7[%get3A_990] {strides = array<i32>} : memref<8200xf32, #tpu.memory_space<vmem>>, vector<16xf32>,
        %mul3A_992 = arith.constant 512 : i32
        %mul3A_993 = arith.muli %scan3A_838, %mul3A_992 : i32
        %add3A_994 = arith.constant 256 : i32
        %add3A_995 = arith.addi %mul3A_993, %add3A_994 : i32
        %add3A_996 = arith.constant 64 : i32
        %add3A_997 = arith.addi %add3A_995, %add3A_996 : i32
        %get3A_998 = arith.index_cast %add3A_997 : i32 to index
        %get3A_999 = tpu.vector_load %arg7[%get3A_998] {strides = array<i32>} : memref<8200xf32, #tpu.memory_space<vmem>>, vector<16xf32>,
        %add3A_1000 = arith.constant 128 : i32
        %add3A_1001 = arith.addi %add3A_997, %add3A_1000 : i32
        %get3A_1002 = arith.index_cast %add3A_1001 : i32 to index
        %get3A_1003 = tpu.vector_load %arg7[%get3A_1002] {strides = array<i32>} : memref<8200xf32, #tpu.memory_space<vmem>>, vector<16xf32>,
        %mul3A_1004 = arith.constant 512 : i32
        %mul3A_1005 = arith.muli %scan3A_838, %mul3A_1004 : i32
        %add3A_1006 = arith.constant 256 : i32
        %add3A_1007 = arith.addi %mul3A_1005, %add3A_1006 : i32
        %add3A_1008 = arith.constant 80 : i32
        %add3A_1009 = arith.addi %add3A_1007, %add3A_1008 : i32
        %get3A_1010 = arith.index_cast %add3A_1009 : i32 to index
        %get3A_1011 = tpu.vector_load %arg7[%get3A_1010] {strides = array<i32>} : memref<8200xf32, #tpu.memory_space<vmem>>, vector<16xf32>,
        %add3A_1012 = arith.constant 128 : i32
        %add3A_1013 = arith.addi %add3A_1009, %add3A_1012 : i32
        %get3A_1014 = arith.index_cast %add3A_1013 : i32 to index
        %get3A_1015 = tpu.vector_load %arg7[%get3A_1014] {strides = array<i32>} : memref<8200xf32, #tpu.memory_space<vmem>>, vector<16xf32>,
        %mul3A_1016 = arith.constant 512 : i32
        %mul3A_1017 = arith.muli %scan3A_838, %mul3A_1016 : i32
        %add3A_1018 = arith.constant 256 : i32
        %add3A_1019 = arith.addi %mul3A_1017, %add3A_1018 : i32
        %add3A_1020 = arith.constant 96 : i32
        %add3A_1021 = arith.addi %add3A_1019, %add3A_1020 : i32
        %get3A_1022 = arith.index_cast %add3A_1021 : i32 to index
        %get3A_1023 = tpu.vector_load %arg7[%get3A_1022] {strides = array<i32>} : memref<8200xf32, #tpu.memory_space<vmem>>, vector<16xf32>,
        %add3A_1024 = arith.constant 128 : i32
        %add3A_1025 = arith.addi %add3A_1021, %add3A_1024 : i32
        %get3A_1026 = arith.index_cast %add3A_1025 : i32 to index
        %get3A_1027 = tpu.vector_load %arg7[%get3A_1026] {strides = array<i32>} : memref<8200xf32, #tpu.memory_space<vmem>>, vector<16xf32>,
        %mul3A_1028 = arith.constant 512 : i32
        %mul3A_1029 = arith.muli %scan3A_838, %mul3A_1028 : i32
        %add3A_1030 = arith.constant 256 : i32
        %add3A_1031 = arith.addi %mul3A_1029, %add3A_1030 : i32
        %add3A_1032 = arith.constant 112 : i32
        %add3A_1033 = arith.addi %add3A_1031, %add3A_1032 : i32
        %get3A_1034 = arith.index_cast %add3A_1033 : i32 to index
        %get3A_1035 = tpu.vector_load %arg7[%get3A_1034] {strides = array<i32>} : memref<8200xf32, #tpu.memory_space<vmem>>, vector<16xf32>,
        %add3A_1036 = arith.constant 128 : i32
        %add3A_1037 = arith.addi %add3A_1033, %add3A_1036 : i32
        %get3A_1038 = arith.index_cast %add3A_1037 : i32 to index
        %get3A_1039 = tpu.vector_load %arg7[%get3A_1038] {strides = array<i32>} : memref<8200xf32, #tpu.memory_space<vmem>>, vector<16xf32>,
        %sub3A_1040 = arith.subf %get3A_859, %get3A_855 : vector<16xf32>
        %add3A_1041 = arith.constant 0 : i32
        %add3A_1042 = vector.broadcast %add3A_1041 : i32 to vector<16xi32>
        %add3A_1043 = arith.addi %add3A_847, %add3A_1042 : vector<16xi32>
        tpu.vector_store_idx %arg9[%add3A_1043], %sub3A_1040 : memref<4096xf32, #tpu.memory_space<vmem>>[vector<16xi32>], vector<16xf32>,
        %reduce_max3A = arith.constant true
        %reduce_max3A_1044 = vector.broadcast %reduce_max3A : i1 to vector<16xi1>
        %reduce_max3A_1045 = tpu.scan <max>, %sub3A_1040 masked %reduce_max3A_1044 : vector<16xf32>, vector<16xi1> -> vector<16xf32>
        %reduce_max3A_1046 = vector.extract %reduce_max3A_1045[15] : f32 from vector<16xf32>
        %eq3A_1047 = vector.broadcast %reduce_max3A_1046 : f32 to vector<16xf32>
        %eq3A_1048 = arith.cmpf oeq, %sub3A_1040, %eq3A_1047 : vector<16xf32>
        %all_reduce_ffs3A = tpu.all_reduce %eq3A_1048 {dim = 0 : i64, kind = #tpu.reduction_kind<find_first_set>} : vector<16xi1> -> vector<16xi32>
        %add3A_1049 = arith.constant 0 : i32
        %add3A_1050 = vector.broadcast %add3A_1049 : i32 to vector<16xi32>
        %add3A_1051 = arith.addi %all_reduce_ffs3A, %add3A_1050 : vector<16xi32>
        %add3A_1052 = arith.constant 0 : i32
        %add3A_1053 = arith.addi %add3A_1052, %scan3A_838 : i32
        %broadcast_in_dim3A_1054 = vector.broadcast %add3A_1053 : i32 to vector<16xi32>
        %broadcast_in_dim3A_1055 = vector.broadcast %reduce_max3A_1046 : f32 to vector<16xf32>
        tpu.vector_store_idx %arg11[%broadcast_in_dim3A_1054], %broadcast_in_dim3A_1055 masked %eq3A_5 : memref<256xf32, #tpu.memory_space<vmem>>[vector<16xi32>], vector<16xf32>, vector<16xi1>
        tpu.vector_store_idx %arg12[%broadcast_in_dim3A_1054], %add3A_1051 masked %eq3A_5 : memref<256xi32, #tpu.memory_space<vmem>>[vector<16xi32>], vector<16xi32>, vector<16xi1>
        %sub3A_1056 = arith.subf %get3A_871, %get3A_867 : vector<16xf32>
        %add3A_1057 = arith.constant 256 : i32
        %add3A_1058 = vector.broadcast %add3A_1057 : i32 to vector<16xi32>
        %add3A_1059 = arith.addi %add3A_847, %add3A_1058 : vector<16xi32>
        tpu.vector_store_idx %arg9[%add3A_1059], %sub3A_1056 : memref<4096xf32, #tpu.memory_space<vmem>>[vector<16xi32>], vector<16xf32>,
        %reduce_max3A_1060 = arith.constant true
        %reduce_max3A_1061 = vector.broadcast %reduce_max3A_1060 : i1 to vector<16xi1>
        %reduce_max3A_1062 = tpu.scan <max>, %sub3A_1056 masked %reduce_max3A_1061 : vector<16xf32>, vector<16xi1> -> vector<16xf32>
        %reduce_max3A_1063 = vector.extract %reduce_max3A_1062[15] : f32 from vector<16xf32>
        %eq3A_1064 = vector.broadcast %reduce_max3A_1063 : f32 to vector<16xf32>
        %eq3A_1065 = arith.cmpf oeq, %sub3A_1056, %eq3A_1064 : vector<16xf32>
        %all_reduce_ffs3A_1066 = tpu.all_reduce %eq3A_1065 {dim = 0 : i64, kind = #tpu.reduction_kind<find_first_set>} : vector<16xi1> -> vector<16xi32>
        %add3A_1067 = arith.constant 16 : i32
        %add3A_1068 = vector.broadcast %add3A_1067 : i32 to vector<16xi32>
        %add3A_1069 = arith.addi %all_reduce_ffs3A_1066, %add3A_1068 : vector<16xi32>
        %add3A_1070 = arith.constant 16 : i32
        %add3A_1071 = arith.addi %add3A_1070, %scan3A_838 : i32
        %broadcast_in_dim3A_1072 = vector.broadcast %add3A_1071 : i32 to vector<16xi32>
        %broadcast_in_dim3A_1073 = vector.broadcast %reduce_max3A_1063 : f32 to vector<16xf32>
        tpu.vector_store_idx %arg11[%broadcast_in_dim3A_1072], %broadcast_in_dim3A_1073 masked %eq3A_5 : memref<256xf32, #tpu.memory_space<vmem>>[vector<16xi32>], vector<16xf32>, vector<16xi1>
        tpu.vector_store_idx %arg12[%broadcast_in_dim3A_1072], %add3A_1069 masked %eq3A_5 : memref<256xi32, #tpu.memory_space<vmem>>[vector<16xi32>], vector<16xi32>, vector<16xi1>
        %sub3A_1074 = arith.subf %get3A_883, %get3A_879 : vector<16xf32>
        %add3A_1075 = arith.constant 512 : i32
        %add3A_1076 = vector.broadcast %add3A_1075 : i32 to vector<16xi32>
        %add3A_1077 = arith.addi %add3A_847, %add3A_1076 : vector<16xi32>
        tpu.vector_store_idx %arg9[%add3A_1077], %sub3A_1074 : memref<4096xf32, #tpu.memory_space<vmem>>[vector<16xi32>], vector<16xf32>,
        %reduce_max3A_1078 = arith.constant true
        %reduce_max3A_1079 = vector.broadcast %reduce_max3A_1078 : i1 to vector<16xi1>
        %reduce_max3A_1080 = tpu.scan <max>, %sub3A_1074 masked %reduce_max3A_1079 : vector<16xf32>, vector<16xi1> -> vector<16xf32>
        %reduce_max3A_1081 = vector.extract %reduce_max3A_1080[15] : f32 from vector<16xf32>
        %eq3A_1082 = vector.broadcast %reduce_max3A_1081 : f32 to vector<16xf32>
        %eq3A_1083 = arith.cmpf oeq, %sub3A_1074, %eq3A_1082 : vector<16xf32>
        %all_reduce_ffs3A_1084 = tpu.all_reduce %eq3A_1083 {dim = 0 : i64, kind = #tpu.reduction_kind<find_first_set>} : vector<16xi1> -> vector<16xi32>
        %add3A_1085 = arith.constant 32 : i32
        %add3A_1086 = vector.broadcast %add3A_1085 : i32 to vector<16xi32>
        %add3A_1087 = arith.addi %all_reduce_ffs3A_1084, %add3A_1086 : vector<16xi32>
        %add3A_1088 = arith.constant 32 : i32
        %add3A_1089 = arith.addi %add3A_1088, %scan3A_838 : i32
        %broadcast_in_dim3A_1090 = vector.broadcast %add3A_1089 : i32 to vector<16xi32>
        %broadcast_in_dim3A_1091 = vector.broadcast %reduce_max3A_1081 : f32 to vector<16xf32>
        tpu.vector_store_idx %arg11[%broadcast_in_dim3A_1090], %broadcast_in_dim3A_1091 masked %eq3A_5 : memref<256xf32, #tpu.memory_space<vmem>>[vector<16xi32>], vector<16xf32>, vector<16xi1>
        tpu.vector_store_idx %arg12[%broadcast_in_dim3A_1090], %add3A_1087 masked %eq3A_5 : memref<256xi32, #tpu.memory_space<vmem>>[vector<16xi32>], vector<16xi32>, vector<16xi1>
        %sub3A_1092 = arith.subf %get3A_895, %get3A_891 : vector<16xf32>
        %add3A_1093 = arith.constant 768 : i32
        %add3A_1094 = vector.broadcast %add3A_1093 : i32 to vector<16xi32>
        %add3A_1095 = arith.addi %add3A_847, %add3A_1094 : vector<16xi32>
        tpu.vector_store_idx %arg9[%add3A_1095], %sub3A_1092 : memref<4096xf32, #tpu.memory_space<vmem>>[vector<16xi32>], vector<16xf32>,
        %reduce_max3A_1096 = arith.constant true
        %reduce_max3A_1097 = vector.broadcast %reduce_max3A_1096 : i1 to vector<16xi1>
        %reduce_max3A_1098 = tpu.scan <max>, %sub3A_1092 masked %reduce_max3A_1097 : vector<16xf32>, vector<16xi1> -> vector<16xf32>
        %reduce_max3A_1099 = vector.extract %reduce_max3A_1098[15] : f32 from vector<16xf32>
        %eq3A_1100 = vector.broadcast %reduce_max3A_1099 : f32 to vector<16xf32>
        %eq3A_1101 = arith.cmpf oeq, %sub3A_1092, %eq3A_1100 : vector<16xf32>
        %all_reduce_ffs3A_1102 = tpu.all_reduce %eq3A_1101 {dim = 0 : i64, kind = #tpu.reduction_kind<find_first_set>} : vector<16xi1> -> vector<16xi32>
        %add3A_1103 = arith.constant 48 : i32
        %add3A_1104 = vector.broadcast %add3A_1103 : i32 to vector<16xi32>
        %add3A_1105 = arith.addi %all_reduce_ffs3A_1102, %add3A_1104 : vector<16xi32>
        %add3A_1106 = arith.constant 48 : i32
        %add3A_1107 = arith.addi %add3A_1106, %scan3A_838 : i32
        %broadcast_in_dim3A_1108 = vector.broadcast %add3A_1107 : i32 to vector<16xi32>
        %broadcast_in_dim3A_1109 = vector.broadcast %reduce_max3A_1099 : f32 to vector<16xf32>
        tpu.vector_store_idx %arg11[%broadcast_in_dim3A_1108], %broadcast_in_dim3A_1109 masked %eq3A_5 : memref<256xf32, #tpu.memory_space<vmem>>[vector<16xi32>], vector<16xf32>, vector<16xi1>
        tpu.vector_store_idx %arg12[%broadcast_in_dim3A_1108], %add3A_1105 masked %eq3A_5 : memref<256xi32, #tpu.memory_space<vmem>>[vector<16xi32>], vector<16xi32>, vector<16xi1>
        %sub3A_1110 = arith.subf %get3A_907, %get3A_903 : vector<16xf32>
        %add3A_1111 = arith.constant 1024 : i32
        %add3A_1112 = vector.broadcast %add3A_1111 : i32 to vector<16xi32>
        %add3A_1113 = arith.addi %add3A_847, %add3A_1112 : vector<16xi32>
        tpu.vector_store_idx %arg9[%add3A_1113], %sub3A_1110 : memref<4096xf32, #tpu.memory_space<vmem>>[vector<16xi32>], vector<16xf32>,
        %reduce_max3A_1114 = arith.constant true
        %reduce_max3A_1115 = vector.broadcast %reduce_max3A_1114 : i1 to vector<16xi1>
        %reduce_max3A_1116 = tpu.scan <max>, %sub3A_1110 masked %reduce_max3A_1115 : vector<16xf32>, vector<16xi1> -> vector<16xf32>
        %reduce_max3A_1117 = vector.extract %reduce_max3A_1116[15] : f32 from vector<16xf32>
        %eq3A_1118 = vector.broadcast %reduce_max3A_1117 : f32 to vector<16xf32>
        %eq3A_1119 = arith.cmpf oeq, %sub3A_1110, %eq3A_1118 : vector<16xf32>
        %all_reduce_ffs3A_1120 = tpu.all_reduce %eq3A_1119 {dim = 0 : i64, kind = #tpu.reduction_kind<find_first_set>} : vector<16xi1> -> vector<16xi32>
        %add3A_1121 = arith.constant 64 : i32
        %add3A_1122 = vector.broadcast %add3A_1121 : i32 to vector<16xi32>
        %add3A_1123 = arith.addi %all_reduce_ffs3A_1120, %add3A_1122 : vector<16xi32>
        %add3A_1124 = arith.constant 64 : i32
        %add3A_1125 = arith.addi %add3A_1124, %scan3A_838 : i32
        %broadcast_in_dim3A_1126 = vector.broadcast %add3A_1125 : i32 to vector<16xi32>
        %broadcast_in_dim3A_1127 = vector.broadcast %reduce_max3A_1117 : f32 to vector<16xf32>
        tpu.vector_store_idx %arg11[%broadcast_in_dim3A_1126], %broadcast_in_dim3A_1127 masked %eq3A_5 : memref<256xf32, #tpu.memory_space<vmem>>[vector<16xi32>], vector<16xf32>, vector<16xi1>
        tpu.vector_store_idx %arg12[%broadcast_in_dim3A_1126], %add3A_1123 masked %eq3A_5 : memref<256xi32, #tpu.memory_space<vmem>>[vector<16xi32>], vector<16xi32>, vector<16xi1>
        %sub3A_1128 = arith.subf %get3A_919, %get3A_915 : vector<16xf32>
        %add3A_1129 = arith.constant 1280 : i32
        %add3A_1130 = vector.broadcast %add3A_1129 : i32 to vector<16xi32>
        %add3A_1131 = arith.addi %add3A_847, %add3A_1130 : vector<16xi32>
        tpu.vector_store_idx %arg9[%add3A_1131], %sub3A_1128 : memref<4096xf32, #tpu.memory_space<vmem>>[vector<16xi32>], vector<16xf32>,
        %reduce_max3A_1132 = arith.constant true
        %reduce_max3A_1133 = vector.broadcast %reduce_max3A_1132 : i1 to vector<16xi1>
        %reduce_max3A_1134 = tpu.scan <max>, %sub3A_1128 masked %reduce_max3A_1133 : vector<16xf32>, vector<16xi1> -> vector<16xf32>
        %reduce_max3A_1135 = vector.extract %reduce_max3A_1134[15] : f32 from vector<16xf32>
        %eq3A_1136 = vector.broadcast %reduce_max3A_1135 : f32 to vector<16xf32>
        %eq3A_1137 = arith.cmpf oeq, %sub3A_1128, %eq3A_1136 : vector<16xf32>
        %all_reduce_ffs3A_1138 = tpu.all_reduce %eq3A_1137 {dim = 0 : i64, kind = #tpu.reduction_kind<find_first_set>} : vector<16xi1> -> vector<16xi32>
        %add3A_1139 = arith.constant 80 : i32
        %add3A_1140 = vector.broadcast %add3A_1139 : i32 to vector<16xi32>
        %add3A_1141 = arith.addi %all_reduce_ffs3A_1138, %add3A_1140 : vector<16xi32>
        %add3A_1142 = arith.constant 80 : i32
        %add3A_1143 = arith.addi %add3A_1142, %scan3A_838 : i32
        %broadcast_in_dim3A_1144 = vector.broadcast %add3A_1143 : i32 to vector<16xi32>
        %broadcast_in_dim3A_1145 = vector.broadcast %reduce_max3A_1135 : f32 to vector<16xf32>
        tpu.vector_store_idx %arg11[%broadcast_in_dim3A_1144], %broadcast_in_dim3A_1145 masked %eq3A_5 : memref<256xf32, #tpu.memory_space<vmem>>[vector<16xi32>], vector<16xf32>, vector<16xi1>
        tpu.vector_store_idx %arg12[%broadcast_in_dim3A_1144], %add3A_1141 masked %eq3A_5 : memref<256xi32, #tpu.memory_space<vmem>>[vector<16xi32>], vector<16xi32>, vector<16xi1>
        %sub3A_1146 = arith.subf %get3A_931, %get3A_927 : vector<16xf32>
        %add3A_1147 = arith.constant 1536 : i32
        %add3A_1148 = vector.broadcast %add3A_1147 : i32 to vector<16xi32>
        %add3A_1149 = arith.addi %add3A_847, %add3A_1148 : vector<16xi32>
        tpu.vector_store_idx %arg9[%add3A_1149], %sub3A_1146 : memref<4096xf32, #tpu.memory_space<vmem>>[vector<16xi32>], vector<16xf32>,
        %reduce_max3A_1150 = arith.constant true
        %reduce_max3A_1151 = vector.broadcast %reduce_max3A_1150 : i1 to vector<16xi1>
        %reduce_max3A_1152 = tpu.scan <max>, %sub3A_1146 masked %reduce_max3A_1151 : vector<16xf32>, vector<16xi1> -> vector<16xf32>
        %reduce_max3A_1153 = vector.extract %reduce_max3A_1152[15] : f32 from vector<16xf32>
        %eq3A_1154 = vector.broadcast %reduce_max3A_1153 : f32 to vector<16xf32>
        %eq3A_1155 = arith.cmpf oeq, %sub3A_1146, %eq3A_1154 : vector<16xf32>
        %all_reduce_ffs3A_1156 = tpu.all_reduce %eq3A_1155 {dim = 0 : i64, kind = #tpu.reduction_kind<find_first_set>} : vector<16xi1> -> vector<16xi32>
        %add3A_1157 = arith.constant 96 : i32
        %add3A_1158 = vector.broadcast %add3A_1157 : i32 to vector<16xi32>
        %add3A_1159 = arith.addi %all_reduce_ffs3A_1156, %add3A_1158 : vector<16xi32>
        %add3A_1160 = arith.constant 96 : i32
        %add3A_1161 = arith.addi %add3A_1160, %scan3A_838 : i32
        %broadcast_in_dim3A_1162 = vector.broadcast %add3A_1161 : i32 to vector<16xi32>
        %broadcast_in_dim3A_1163 = vector.broadcast %reduce_max3A_1153 : f32 to vector<16xf32>
        tpu.vector_store_idx %arg11[%broadcast_in_dim3A_1162], %broadcast_in_dim3A_1163 masked %eq3A_5 : memref<256xf32, #tpu.memory_space<vmem>>[vector<16xi32>], vector<16xf32>, vector<16xi1>
        tpu.vector_store_idx %arg12[%broadcast_in_dim3A_1162], %add3A_1159 masked %eq3A_5 : memref<256xi32, #tpu.memory_space<vmem>>[vector<16xi32>], vector<16xi32>, vector<16xi1>
        %sub3A_1164 = arith.subf %get3A_943, %get3A_939 : vector<16xf32>
        %add3A_1165 = arith.constant 1792 : i32
        %add3A_1166 = vector.broadcast %add3A_1165 : i32 to vector<16xi32>
        %add3A_1167 = arith.addi %add3A_847, %add3A_1166 : vector<16xi32>
        tpu.vector_store_idx %arg9[%add3A_1167], %sub3A_1164 : memref<4096xf32, #tpu.memory_space<vmem>>[vector<16xi32>], vector<16xf32>,
        %reduce_max3A_1168 = arith.constant true
        %reduce_max3A_1169 = vector.broadcast %reduce_max3A_1168 : i1 to vector<16xi1>
        %reduce_max3A_1170 = tpu.scan <max>, %sub3A_1164 masked %reduce_max3A_1169 : vector<16xf32>, vector<16xi1> -> vector<16xf32>
        %reduce_max3A_1171 = vector.extract %reduce_max3A_1170[15] : f32 from vector<16xf32>
        %eq3A_1172 = vector.broadcast %reduce_max3A_1171 : f32 to vector<16xf32>
        %eq3A_1173 = arith.cmpf oeq, %sub3A_1164, %eq3A_1172 : vector<16xf32>
        %all_reduce_ffs3A_1174 = tpu.all_reduce %eq3A_1173 {dim = 0 : i64, kind = #tpu.reduction_kind<find_first_set>} : vector<16xi1> -> vector<16xi32>
        %add3A_1175 = arith.constant 112 : i32
        %add3A_1176 = vector.broadcast %add3A_1175 : i32 to vector<16xi32>
        %add3A_1177 = arith.addi %all_reduce_ffs3A_1174, %add3A_1176 : vector<16xi32>
        %add3A_1178 = arith.constant 112 : i32
        %add3A_1179 = arith.addi %add3A_1178, %scan3A_838 : i32
        %broadcast_in_dim3A_1180 = vector.broadcast %add3A_1179 : i32 to vector<16xi32>
        %broadcast_in_dim3A_1181 = vector.broadcast %reduce_max3A_1171 : f32 to vector<16xf32>
        tpu.vector_store_idx %arg11[%broadcast_in_dim3A_1180], %broadcast_in_dim3A_1181 masked %eq3A_5 : memref<256xf32, #tpu.memory_space<vmem>>[vector<16xi32>], vector<16xf32>, vector<16xi1>
        tpu.vector_store_idx %arg12[%broadcast_in_dim3A_1180], %add3A_1177 masked %eq3A_5 : memref<256xi32, #tpu.memory_space<vmem>>[vector<16xi32>], vector<16xi32>, vector<16xi1>
        %sub3A_1182 = arith.subf %get3A_955, %get3A_951 : vector<16xf32>
        %add3A_1183 = arith.constant 2048 : i32
        %add3A_1184 = vector.broadcast %add3A_1183 : i32 to vector<16xi32>
        %add3A_1185 = arith.addi %add3A_847, %add3A_1184 : vector<16xi32>
        tpu.vector_store_idx %arg9[%add3A_1185], %sub3A_1182 : memref<4096xf32, #tpu.memory_space<vmem>>[vector<16xi32>], vector<16xf32>,
        %reduce_max3A_1186 = arith.constant true
        %reduce_max3A_1187 = vector.broadcast %reduce_max3A_1186 : i1 to vector<16xi1>
        %reduce_max3A_1188 = tpu.scan <max>, %sub3A_1182 masked %reduce_max3A_1187 : vector<16xf32>, vector<16xi1> -> vector<16xf32>
        %reduce_max3A_1189 = vector.extract %reduce_max3A_1188[15] : f32 from vector<16xf32>
        %eq3A_1190 = vector.broadcast %reduce_max3A_1189 : f32 to vector<16xf32>
        %eq3A_1191 = arith.cmpf oeq, %sub3A_1182, %eq3A_1190 : vector<16xf32>
        %all_reduce_ffs3A_1192 = tpu.all_reduce %eq3A_1191 {dim = 0 : i64, kind = #tpu.reduction_kind<find_first_set>} : vector<16xi1> -> vector<16xi32>
        %add3A_1193 = arith.constant 128 : i32
        %add3A_1194 = vector.broadcast %add3A_1193 : i32 to vector<16xi32>
        %add3A_1195 = arith.addi %all_reduce_ffs3A_1192, %add3A_1194 : vector<16xi32>
        %add3A_1196 = arith.constant 128 : i32
        %add3A_1197 = arith.addi %add3A_1196, %scan3A_838 : i32
        %broadcast_in_dim3A_1198 = vector.broadcast %add3A_1197 : i32 to vector<16xi32>
        %broadcast_in_dim3A_1199 = vector.broadcast %reduce_max3A_1189 : f32 to vector<16xf32>
        tpu.vector_store_idx %arg11[%broadcast_in_dim3A_1198], %broadcast_in_dim3A_1199 masked %eq3A_5 : memref<256xf32, #tpu.memory_space<vmem>>[vector<16xi32>], vector<16xf32>, vector<16xi1>
        tpu.vector_store_idx %arg12[%broadcast_in_dim3A_1198], %add3A_1195 masked %eq3A_5 : memref<256xi32, #tpu.memory_space<vmem>>[vector<16xi32>], vector<16xi32>, vector<16xi1>
        %sub3A_1200 = arith.subf %get3A_967, %get3A_963 : vector<16xf32>
        %add3A_1201 = arith.constant 2304 : i32
        %add3A_1202 = vector.broadcast %add3A_1201 : i32 to vector<16xi32>
        %add3A_1203 = arith.addi %add3A_847, %add3A_1202 : vector<16xi32>
        tpu.vector_store_idx %arg9[%add3A_1203], %sub3A_1200 : memref<4096xf32, #tpu.memory_space<vmem>>[vector<16xi32>], vector<16xf32>,
        %reduce_max3A_1204 = arith.constant true
        %reduce_max3A_1205 = vector.broadcast %reduce_max3A_1204 : i1 to vector<16xi1>
        %reduce_max3A_1206 = tpu.scan <max>, %sub3A_1200 masked %reduce_max3A_1205 : vector<16xf32>, vector<16xi1> -> vector<16xf32>
        %reduce_max3A_1207 = vector.extract %reduce_max3A_1206[15] : f32 from vector<16xf32>
        %eq3A_1208 = vector.broadcast %reduce_max3A_1207 : f32 to vector<16xf32>
        %eq3A_1209 = arith.cmpf oeq, %sub3A_1200, %eq3A_1208 : vector<16xf32>
        %all_reduce_ffs3A_1210 = tpu.all_reduce %eq3A_1209 {dim = 0 : i64, kind = #tpu.reduction_kind<find_first_set>} : vector<16xi1> -> vector<16xi32>
        %add3A_1211 = arith.constant 144 : i32
        %add3A_1212 = vector.broadcast %add3A_1211 : i32 to vector<16xi32>
        %add3A_1213 = arith.addi %all_reduce_ffs3A_1210, %add3A_1212 : vector<16xi32>
        %add3A_1214 = arith.constant 144 : i32
        %add3A_1215 = arith.addi %add3A_1214, %scan3A_838 : i32
        %broadcast_in_dim3A_1216 = vector.broadcast %add3A_1215 : i32 to vector<16xi32>
        %broadcast_in_dim3A_1217 = vector.broadcast %reduce_max3A_1207 : f32 to vector<16xf32>
        tpu.vector_store_idx %arg11[%broadcast_in_dim3A_1216], %broadcast_in_dim3A_1217 masked %eq3A_5 : memref<256xf32, #tpu.memory_space<vmem>>[vector<16xi32>], vector<16xf32>, vector<16xi1>
        tpu.vector_store_idx %arg12[%broadcast_in_dim3A_1216], %add3A_1213 masked %eq3A_5 : memref<256xi32, #tpu.memory_space<vmem>>[vector<16xi32>], vector<16xi32>, vector<16xi1>
        %sub3A_1218 = arith.subf %get3A_979, %get3A_975 : vector<16xf32>
        %add3A_1219 = arith.constant 2560 : i32
        %add3A_1220 = vector.broadcast %add3A_1219 : i32 to vector<16xi32>
        %add3A_1221 = arith.addi %add3A_847, %add3A_1220 : vector<16xi32>
        tpu.vector_store_idx %arg9[%add3A_1221], %sub3A_1218 : memref<4096xf32, #tpu.memory_space<vmem>>[vector<16xi32>], vector<16xf32>,
        %reduce_max3A_1222 = arith.constant true
        %reduce_max3A_1223 = vector.broadcast %reduce_max3A_1222 : i1 to vector<16xi1>
        %reduce_max3A_1224 = tpu.scan <max>, %sub3A_1218 masked %reduce_max3A_1223 : vector<16xf32>, vector<16xi1> -> vector<16xf32>
        %reduce_max3A_1225 = vector.extract %reduce_max3A_1224[15] : f32 from vector<16xf32>
        %eq3A_1226 = vector.broadcast %reduce_max3A_1225 : f32 to vector<16xf32>
        %eq3A_1227 = arith.cmpf oeq, %sub3A_1218, %eq3A_1226 : vector<16xf32>
        %all_reduce_ffs3A_1228 = tpu.all_reduce %eq3A_1227 {dim = 0 : i64, kind = #tpu.reduction_kind<find_first_set>} : vector<16xi1> -> vector<16xi32>
        %add3A_1229 = arith.constant 160 : i32
        %add3A_1230 = vector.broadcast %add3A_1229 : i32 to vector<16xi32>
        %add3A_1231 = arith.addi %all_reduce_ffs3A_1228, %add3A_1230 : vector<16xi32>
        %add3A_1232 = arith.constant 160 : i32
        %add3A_1233 = arith.addi %add3A_1232, %scan3A_838 : i32
        %broadcast_in_dim3A_1234 = vector.broadcast %add3A_1233 : i32 to vector<16xi32>
        %broadcast_in_dim3A_1235 = vector.broadcast %reduce_max3A_1225 : f32 to vector<16xf32>
        tpu.vector_store_idx %arg11[%broadcast_in_dim3A_1234], %broadcast_in_dim3A_1235 masked %eq3A_5 : memref<256xf32, #tpu.memory_space<vmem>>[vector<16xi32>], vector<16xf32>, vector<16xi1>
        tpu.vector_store_idx %arg12[%broadcast_in_dim3A_1234], %add3A_1231 masked %eq3A_5 : memref<256xi32, #tpu.memory_space<vmem>>[vector<16xi32>], vector<16xi32>, vector<16xi1>
        %sub3A_1236 = arith.subf %get3A_991, %get3A_987 : vector<16xf32>
        %add3A_1237 = arith.constant 2816 : i32
        %add3A_1238 = vector.broadcast %add3A_1237 : i32 to vector<16xi32>
        %add3A_1239 = arith.addi %add3A_847, %add3A_1238 : vector<16xi32>
        tpu.vector_store_idx %arg9[%add3A_1239], %sub3A_1236 : memref<4096xf32, #tpu.memory_space<vmem>>[vector<16xi32>], vector<16xf32>,
        %reduce_max3A_1240 = arith.constant true
        %reduce_max3A_1241 = vector.broadcast %reduce_max3A_1240 : i1 to vector<16xi1>
        %reduce_max3A_1242 = tpu.scan <max>, %sub3A_1236 masked %reduce_max3A_1241 : vector<16xf32>, vector<16xi1> -> vector<16xf32>
        %reduce_max3A_1243 = vector.extract %reduce_max3A_1242[15] : f32 from vector<16xf32>
        %eq3A_1244 = vector.broadcast %reduce_max3A_1243 : f32 to vector<16xf32>
        %eq3A_1245 = arith.cmpf oeq, %sub3A_1236, %eq3A_1244 : vector<16xf32>
        %all_reduce_ffs3A_1246 = tpu.all_reduce %eq3A_1245 {dim = 0 : i64, kind = #tpu.reduction_kind<find_first_set>} : vector<16xi1> -> vector<16xi32>
        %add3A_1247 = arith.constant 176 : i32
        %add3A_1248 = vector.broadcast %add3A_1247 : i32 to vector<16xi32>
        %add3A_1249 = arith.addi %all_reduce_ffs3A_1246, %add3A_1248 : vector<16xi32>
        %add3A_1250 = arith.constant 176 : i32
        %add3A_1251 = arith.addi %add3A_1250, %scan3A_838 : i32
        %broadcast_in_dim3A_1252 = vector.broadcast %add3A_1251 : i32 to vector<16xi32>
        %broadcast_in_dim3A_1253 = vector.broadcast %reduce_max3A_1243 : f32 to vector<16xf32>
        tpu.vector_store_idx %arg11[%broadcast_in_dim3A_1252], %broadcast_in_dim3A_1253 masked %eq3A_5 : memref<256xf32, #tpu.memory_space<vmem>>[vector<16xi32>], vector<16xf32>, vector<16xi1>
        tpu.vector_store_idx %arg12[%broadcast_in_dim3A_1252], %add3A_1249 masked %eq3A_5 : memref<256xi32, #tpu.memory_space<vmem>>[vector<16xi32>], vector<16xi32>, vector<16xi1>
        %sub3A_1254 = arith.subf %get3A_1003, %get3A_999 : vector<16xf32>
        %add3A_1255 = arith.constant 3072 : i32
        %add3A_1256 = vector.broadcast %add3A_1255 : i32 to vector<16xi32>
        %add3A_1257 = arith.addi %add3A_847, %add3A_1256 : vector<16xi32>
        tpu.vector_store_idx %arg9[%add3A_1257], %sub3A_1254 : memref<4096xf32, #tpu.memory_space<vmem>>[vector<16xi32>], vector<16xf32>,
        %reduce_max3A_1258 = arith.constant true
        %reduce_max3A_1259 = vector.broadcast %reduce_max3A_1258 : i1 to vector<16xi1>
        %reduce_max3A_1260 = tpu.scan <max>, %sub3A_1254 masked %reduce_max3A_1259 : vector<16xf32>, vector<16xi1> -> vector<16xf32>
        %reduce_max3A_1261 = vector.extract %reduce_max3A_1260[15] : f32 from vector<16xf32>
        %eq3A_1262 = vector.broadcast %reduce_max3A_1261 : f32 to vector<16xf32>
        %eq3A_1263 = arith.cmpf oeq, %sub3A_1254, %eq3A_1262 : vector<16xf32>
        %all_reduce_ffs3A_1264 = tpu.all_reduce %eq3A_1263 {dim = 0 : i64, kind = #tpu.reduction_kind<find_first_set>} : vector<16xi1> -> vector<16xi32>
        %add3A_1265 = arith.constant 192 : i32
        %add3A_1266 = vector.broadcast %add3A_1265 : i32 to vector<16xi32>
        %add3A_1267 = arith.addi %all_reduce_ffs3A_1264, %add3A_1266 : vector<16xi32>
        %add3A_1268 = arith.constant 192 : i32
        %add3A_1269 = arith.addi %add3A_1268, %scan3A_838 : i32
        %broadcast_in_dim3A_1270 = vector.broadcast %add3A_1269 : i32 to vector<16xi32>
        %broadcast_in_dim3A_1271 = vector.broadcast %reduce_max3A_1261 : f32 to vector<16xf32>
        tpu.vector_store_idx %arg11[%broadcast_in_dim3A_1270], %broadcast_in_dim3A_1271 masked %eq3A_5 : memref<256xf32, #tpu.memory_space<vmem>>[vector<16xi32>], vector<16xf32>, vector<16xi1>
        tpu.vector_store_idx %arg12[%broadcast_in_dim3A_1270], %add3A_1267 masked %eq3A_5 : memref<256xi32, #tpu.memory_space<vmem>>[vector<16xi32>], vector<16xi32>, vector<16xi1>
        %sub3A_1272 = arith.subf %get3A_1015, %get3A_1011 : vector<16xf32>
        %add3A_1273 = arith.constant 3328 : i32
        %add3A_1274 = vector.broadcast %add3A_1273 : i32 to vector<16xi32>
        %add3A_1275 = arith.addi %add3A_847, %add3A_1274 : vector<16xi32>
        tpu.vector_store_idx %arg9[%add3A_1275], %sub3A_1272 : memref<4096xf32, #tpu.memory_space<vmem>>[vector<16xi32>], vector<16xf32>,
        %reduce_max3A_1276 = arith.constant true
        %reduce_max3A_1277 = vector.broadcast %reduce_max3A_1276 : i1 to vector<16xi1>
        %reduce_max3A_1278 = tpu.scan <max>, %sub3A_1272 masked %reduce_max3A_1277 : vector<16xf32>, vector<16xi1> -> vector<16xf32>
        %reduce_max3A_1279 = vector.extract %reduce_max3A_1278[15] : f32 from vector<16xf32>
        %eq3A_1280 = vector.broadcast %reduce_max3A_1279 : f32 to vector<16xf32>
        %eq3A_1281 = arith.cmpf oeq, %sub3A_1272, %eq3A_1280 : vector<16xf32>
        %all_reduce_ffs3A_1282 = tpu.all_reduce %eq3A_1281 {dim = 0 : i64, kind = #tpu.reduction_kind<find_first_set>} : vector<16xi1> -> vector<16xi32>
        %add3A_1283 = arith.constant 208 : i32
        %add3A_1284 = vector.broadcast %add3A_1283 : i32 to vector<16xi32>
        %add3A_1285 = arith.addi %all_reduce_ffs3A_1282, %add3A_1284 : vector<16xi32>
        %add3A_1286 = arith.constant 208 : i32
        %add3A_1287 = arith.addi %add3A_1286, %scan3A_838 : i32
        %broadcast_in_dim3A_1288 = vector.broadcast %add3A_1287 : i32 to vector<16xi32>
        %broadcast_in_dim3A_1289 = vector.broadcast %reduce_max3A_1279 : f32 to vector<16xf32>
        tpu.vector_store_idx %arg11[%broadcast_in_dim3A_1288], %broadcast_in_dim3A_1289 masked %eq3A_5 : memref<256xf32, #tpu.memory_space<vmem>>[vector<16xi32>], vector<16xf32>, vector<16xi1>
        tpu.vector_store_idx %arg12[%broadcast_in_dim3A_1288], %add3A_1285 masked %eq3A_5 : memref<256xi32, #tpu.memory_space<vmem>>[vector<16xi32>], vector<16xi32>, vector<16xi1>
        %sub3A_1290 = arith.subf %get3A_1027, %get3A_1023 : vector<16xf32>
        %add3A_1291 = arith.constant 3584 : i32
        %add3A_1292 = vector.broadcast %add3A_1291 : i32 to vector<16xi32>
        %add3A_1293 = arith.addi %add3A_847, %add3A_1292 : vector<16xi32>
        tpu.vector_store_idx %arg9[%add3A_1293], %sub3A_1290 : memref<4096xf32, #tpu.memory_space<vmem>>[vector<16xi32>], vector<16xf32>,
        %reduce_max3A_1294 = arith.constant true
        %reduce_max3A_1295 = vector.broadcast %reduce_max3A_1294 : i1 to vector<16xi1>
        %reduce_max3A_1296 = tpu.scan <max>, %sub3A_1290 masked %reduce_max3A_1295 : vector<16xf32>, vector<16xi1> -> vector<16xf32>
        %reduce_max3A_1297 = vector.extract %reduce_max3A_1296[15] : f32 from vector<16xf32>
        %eq3A_1298 = vector.broadcast %reduce_max3A_1297 : f32 to vector<16xf32>
        %eq3A_1299 = arith.cmpf oeq, %sub3A_1290, %eq3A_1298 : vector<16xf32>
        %all_reduce_ffs3A_1300 = tpu.all_reduce %eq3A_1299 {dim = 0 : i64, kind = #tpu.reduction_kind<find_first_set>} : vector<16xi1> -> vector<16xi32>
        %add3A_1301 = arith.constant 224 : i32
        %add3A_1302 = vector.broadcast %add3A_1301 : i32 to vector<16xi32>
        %add3A_1303 = arith.addi %all_reduce_ffs3A_1300, %add3A_1302 : vector<16xi32>
        %add3A_1304 = arith.constant 224 : i32
        %add3A_1305 = arith.addi %add3A_1304, %scan3A_838 : i32
        %broadcast_in_dim3A_1306 = vector.broadcast %add3A_1305 : i32 to vector<16xi32>
        %broadcast_in_dim3A_1307 = vector.broadcast %reduce_max3A_1297 : f32 to vector<16xf32>
        tpu.vector_store_idx %arg11[%broadcast_in_dim3A_1306], %broadcast_in_dim3A_1307 masked %eq3A_5 : memref<256xf32, #tpu.memory_space<vmem>>[vector<16xi32>], vector<16xf32>, vector<16xi1>
        tpu.vector_store_idx %arg12[%broadcast_in_dim3A_1306], %add3A_1303 masked %eq3A_5 : memref<256xi32, #tpu.memory_space<vmem>>[vector<16xi32>], vector<16xi32>, vector<16xi1>
        %sub3A_1308 = arith.subf %get3A_1039, %get3A_1035 : vector<16xf32>
        %add3A_1309 = arith.constant 3840 : i32
        %add3A_1310 = vector.broadcast %add3A_1309 : i32 to vector<16xi32>
        %add3A_1311 = arith.addi %add3A_847, %add3A_1310 : vector<16xi32>
        tpu.vector_store_idx %arg9[%add3A_1311], %sub3A_1308 : memref<4096xf32, #tpu.memory_space<vmem>>[vector<16xi32>], vector<16xf32>,
        %reduce_max3A_1312 = arith.constant true
        %reduce_max3A_1313 = vector.broadcast %reduce_max3A_1312 : i1 to vector<16xi1>
        %reduce_max3A_1314 = tpu.scan <max>, %sub3A_1308 masked %reduce_max3A_1313 : vector<16xf32>, vector<16xi1> -> vector<16xf32>
        %reduce_max3A_1315 = vector.extract %reduce_max3A_1314[15] : f32 from vector<16xf32>
        %eq3A_1316 = vector.broadcast %reduce_max3A_1315 : f32 to vector<16xf32>
        %eq3A_1317 = arith.cmpf oeq, %sub3A_1308, %eq3A_1316 : vector<16xf32>
        %all_reduce_ffs3A_1318 = tpu.all_reduce %eq3A_1317 {dim = 0 : i64, kind = #tpu.reduction_kind<find_first_set>} : vector<16xi1> -> vector<16xi32>
        %add3A_1319 = arith.constant 240 : i32
        %add3A_1320 = vector.broadcast %add3A_1319 : i32 to vector<16xi32>
        %add3A_1321 = arith.addi %all_reduce_ffs3A_1318, %add3A_1320 : vector<16xi32>
        %add3A_1322 = arith.constant 240 : i32
        %add3A_1323 = arith.addi %add3A_1322, %scan3A_838 : i32
        %broadcast_in_dim3A_1324 = vector.broadcast %add3A_1323 : i32 to vector<16xi32>
        %broadcast_in_dim3A_1325 = vector.broadcast %reduce_max3A_1315 : f32 to vector<16xf32>
        tpu.vector_store_idx %arg11[%broadcast_in_dim3A_1324], %broadcast_in_dim3A_1325 masked %eq3A_5 : memref<256xf32, #tpu.memory_space<vmem>>[vector<16xi32>], vector<16xf32>, vector<16xi1>
        tpu.vector_store_idx %arg12[%broadcast_in_dim3A_1324], %add3A_1321 masked %eq3A_5 : memref<256xi32, #tpu.memory_space<vmem>>[vector<16xi32>], vector<16xi32>, vector<16xi1>
      }
      %scan3A_553 = arith.constant 16 : i32
      %scan3A_554 = arith.constant 0 : i32
      %scan3A_555 = arith.constant 0 : i32
      %scan3A_556 = arith.constant 16 : i32
      %scan3A_557 = arith.addi %scan3A_555, %scan3A_556 : i32
      %scan3A_558 = arith.constant 1 : i32
      scf.for %scan3A_838 = %scan3A_555 to %scan3A_557 step %scan3A_558  : i32 {
        %broadcast_in_dim3A_839 = vector.broadcast %scan3A_838 : i32 to vector<16xi32>
        %add3A_840 = arith.addi %broadcast_in_dim3A_839, %iota3A : vector<16xi32>
        %and3A_841 = arith.constant 15 : i32
        %and3A_842 = vector.broadcast %and3A_841 : i32 to vector<16xi32>
        %and3A_843 = arith.andi %add3A_840, %and3A_842 : vector<16xi32>
        %mul3A_844 = arith.constant 16 : i32
        %mul3A_845 = vector.broadcast %mul3A_844 : i32 to vector<16xi32>
        %mul3A_846 = arith.muli %iota3A, %mul3A_845 : vector<16xi32>
        %add3A_847 = arith.addi %mul3A_846, %and3A_843 : vector<16xi32>
        %mul3A_848 = arith.constant 512 : i32
        %mul3A_849 = arith.muli %scan3A_838, %mul3A_848 : i32
        %add3A_850 = arith.constant 0 : i32
        %add3A_851 = arith.addi %mul3A_849, %add3A_850 : i32
        %add3A_852 = arith.constant 0 : i32
        %add3A_853 = arith.addi %add3A_851, %add3A_852 : i32
        %get3A_854 = arith.index_cast %add3A_853 : i32 to index
        %get3A_855 = tpu.vector_load %arg8[%get3A_854] {strides = array<i32>} : memref<8200xf32, #tpu.memory_space<vmem>>, vector<16xf32>,
        %add3A_856 = arith.constant 128 : i32
        %add3A_857 = arith.addi %add3A_853, %add3A_856 : i32
        %get3A_858 = arith.index_cast %add3A_857 : i32 to index
        %get3A_859 = tpu.vector_load %arg8[%get3A_858] {strides = array<i32>} : memref<8200xf32, #tpu.memory_space<vmem>>, vector<16xf32>,
        %mul3A_860 = arith.constant 512 : i32
        %mul3A_861 = arith.muli %scan3A_838, %mul3A_860 : i32
        %add3A_862 = arith.constant 0 : i32
        %add3A_863 = arith.addi %mul3A_861, %add3A_862 : i32
        %add3A_864 = arith.constant 16 : i32
        %add3A_865 = arith.addi %add3A_863, %add3A_864 : i32
        %get3A_866 = arith.index_cast %add3A_865 : i32 to index
        %get3A_867 = tpu.vector_load %arg8[%get3A_866] {strides = array<i32>} : memref<8200xf32, #tpu.memory_space<vmem>>, vector<16xf32>,
        %add3A_868 = arith.constant 128 : i32
        %add3A_869 = arith.addi %add3A_865, %add3A_868 : i32
        %get3A_870 = arith.index_cast %add3A_869 : i32 to index
        %get3A_871 = tpu.vector_load %arg8[%get3A_870] {strides = array<i32>} : memref<8200xf32, #tpu.memory_space<vmem>>, vector<16xf32>,
        %mul3A_872 = arith.constant 512 : i32
        %mul3A_873 = arith.muli %scan3A_838, %mul3A_872 : i32
        %add3A_874 = arith.constant 0 : i32
        %add3A_875 = arith.addi %mul3A_873, %add3A_874 : i32
        %add3A_876 = arith.constant 32 : i32
        %add3A_877 = arith.addi %add3A_875, %add3A_876 : i32
        %get3A_878 = arith.index_cast %add3A_877 : i32 to index
        %get3A_879 = tpu.vector_load %arg8[%get3A_878] {strides = array<i32>} : memref<8200xf32, #tpu.memory_space<vmem>>, vector<16xf32>,
        %add3A_880 = arith.constant 128 : i32
        %add3A_881 = arith.addi %add3A_877, %add3A_880 : i32
        %get3A_882 = arith.index_cast %add3A_881 : i32 to index
        %get3A_883 = tpu.vector_load %arg8[%get3A_882] {strides = array<i32>} : memref<8200xf32, #tpu.memory_space<vmem>>, vector<16xf32>,
        %mul3A_884 = arith.constant 512 : i32
        %mul3A_885 = arith.muli %scan3A_838, %mul3A_884 : i32
        %add3A_886 = arith.constant 0 : i32
        %add3A_887 = arith.addi %mul3A_885, %add3A_886 : i32
        %add3A_888 = arith.constant 48 : i32
        %add3A_889 = arith.addi %add3A_887, %add3A_888 : i32
        %get3A_890 = arith.index_cast %add3A_889 : i32 to index
        %get3A_891 = tpu.vector_load %arg8[%get3A_890] {strides = array<i32>} : memref<8200xf32, #tpu.memory_space<vmem>>, vector<16xf32>,
        %add3A_892 = arith.constant 128 : i32
        %add3A_893 = arith.addi %add3A_889, %add3A_892 : i32
        %get3A_894 = arith.index_cast %add3A_893 : i32 to index
        %get3A_895 = tpu.vector_load %arg8[%get3A_894] {strides = array<i32>} : memref<8200xf32, #tpu.memory_space<vmem>>, vector<16xf32>,
        %mul3A_896 = arith.constant 512 : i32
        %mul3A_897 = arith.muli %scan3A_838, %mul3A_896 : i32
        %add3A_898 = arith.constant 0 : i32
        %add3A_899 = arith.addi %mul3A_897, %add3A_898 : i32
        %add3A_900 = arith.constant 64 : i32
        %add3A_901 = arith.addi %add3A_899, %add3A_900 : i32
        %get3A_902 = arith.index_cast %add3A_901 : i32 to index
        %get3A_903 = tpu.vector_load %arg8[%get3A_902] {strides = array<i32>} : memref<8200xf32, #tpu.memory_space<vmem>>, vector<16xf32>,
        %add3A_904 = arith.constant 128 : i32
        %add3A_905 = arith.addi %add3A_901, %add3A_904 : i32
        %get3A_906 = arith.index_cast %add3A_905 : i32 to index
        %get3A_907 = tpu.vector_load %arg8[%get3A_906] {strides = array<i32>} : memref<8200xf32, #tpu.memory_space<vmem>>, vector<16xf32>,
        %mul3A_908 = arith.constant 512 : i32
        %mul3A_909 = arith.muli %scan3A_838, %mul3A_908 : i32
        %add3A_910 = arith.constant 0 : i32
        %add3A_911 = arith.addi %mul3A_909, %add3A_910 : i32
        %add3A_912 = arith.constant 80 : i32
        %add3A_913 = arith.addi %add3A_911, %add3A_912 : i32
        %get3A_914 = arith.index_cast %add3A_913 : i32 to index
        %get3A_915 = tpu.vector_load %arg8[%get3A_914] {strides = array<i32>} : memref<8200xf32, #tpu.memory_space<vmem>>, vector<16xf32>,
        %add3A_916 = arith.constant 128 : i32
        %add3A_917 = arith.addi %add3A_913, %add3A_916 : i32
        %get3A_918 = arith.index_cast %add3A_917 : i32 to index
        %get3A_919 = tpu.vector_load %arg8[%get3A_918] {strides = array<i32>} : memref<8200xf32, #tpu.memory_space<vmem>>, vector<16xf32>,
        %mul3A_920 = arith.constant 512 : i32
        %mul3A_921 = arith.muli %scan3A_838, %mul3A_920 : i32
        %add3A_922 = arith.constant 0 : i32
        %add3A_923 = arith.addi %mul3A_921, %add3A_922 : i32
        %add3A_924 = arith.constant 96 : i32
        %add3A_925 = arith.addi %add3A_923, %add3A_924 : i32
        %get3A_926 = arith.index_cast %add3A_925 : i32 to index
        %get3A_927 = tpu.vector_load %arg8[%get3A_926] {strides = array<i32>} : memref<8200xf32, #tpu.memory_space<vmem>>, vector<16xf32>,
        %add3A_928 = arith.constant 128 : i32
        %add3A_929 = arith.addi %add3A_925, %add3A_928 : i32
        %get3A_930 = arith.index_cast %add3A_929 : i32 to index
        %get3A_931 = tpu.vector_load %arg8[%get3A_930] {strides = array<i32>} : memref<8200xf32, #tpu.memory_space<vmem>>, vector<16xf32>,
        %mul3A_932 = arith.constant 512 : i32
        %mul3A_933 = arith.muli %scan3A_838, %mul3A_932 : i32
        %add3A_934 = arith.constant 0 : i32
        %add3A_935 = arith.addi %mul3A_933, %add3A_934 : i32
        %add3A_936 = arith.constant 112 : i32
        %add3A_937 = arith.addi %add3A_935, %add3A_936 : i32
        %get3A_938 = arith.index_cast %add3A_937 : i32 to index
        %get3A_939 = tpu.vector_load %arg8[%get3A_938] {strides = array<i32>} : memref<8200xf32, #tpu.memory_space<vmem>>, vector<16xf32>,
        %add3A_940 = arith.constant 128 : i32
        %add3A_941 = arith.addi %add3A_937, %add3A_940 : i32
        %get3A_942 = arith.index_cast %add3A_941 : i32 to index
        %get3A_943 = tpu.vector_load %arg8[%get3A_942] {strides = array<i32>} : memref<8200xf32, #tpu.memory_space<vmem>>, vector<16xf32>,
        %mul3A_944 = arith.constant 512 : i32
        %mul3A_945 = arith.muli %scan3A_838, %mul3A_944 : i32
        %add3A_946 = arith.constant 256 : i32
        %add3A_947 = arith.addi %mul3A_945, %add3A_946 : i32
        %add3A_948 = arith.constant 0 : i32
        %add3A_949 = arith.addi %add3A_947, %add3A_948 : i32
        %get3A_950 = arith.index_cast %add3A_949 : i32 to index
        %get3A_951 = tpu.vector_load %arg8[%get3A_950] {strides = array<i32>} : memref<8200xf32, #tpu.memory_space<vmem>>, vector<16xf32>,
        %add3A_952 = arith.constant 128 : i32
        %add3A_953 = arith.addi %add3A_949, %add3A_952 : i32
        %get3A_954 = arith.index_cast %add3A_953 : i32 to index
        %get3A_955 = tpu.vector_load %arg8[%get3A_954] {strides = array<i32>} : memref<8200xf32, #tpu.memory_space<vmem>>, vector<16xf32>,
        %mul3A_956 = arith.constant 512 : i32
        %mul3A_957 = arith.muli %scan3A_838, %mul3A_956 : i32
        %add3A_958 = arith.constant 256 : i32
        %add3A_959 = arith.addi %mul3A_957, %add3A_958 : i32
        %add3A_960 = arith.constant 16 : i32
        %add3A_961 = arith.addi %add3A_959, %add3A_960 : i32
        %get3A_962 = arith.index_cast %add3A_961 : i32 to index
        %get3A_963 = tpu.vector_load %arg8[%get3A_962] {strides = array<i32>} : memref<8200xf32, #tpu.memory_space<vmem>>, vector<16xf32>,
        %add3A_964 = arith.constant 128 : i32
        %add3A_965 = arith.addi %add3A_961, %add3A_964 : i32
        %get3A_966 = arith.index_cast %add3A_965 : i32 to index
        %get3A_967 = tpu.vector_load %arg8[%get3A_966] {strides = array<i32>} : memref<8200xf32, #tpu.memory_space<vmem>>, vector<16xf32>,
        %mul3A_968 = arith.constant 512 : i32
        %mul3A_969 = arith.muli %scan3A_838, %mul3A_968 : i32
        %add3A_970 = arith.constant 256 : i32
        %add3A_971 = arith.addi %mul3A_969, %add3A_970 : i32
        %add3A_972 = arith.constant 32 : i32
        %add3A_973 = arith.addi %add3A_971, %add3A_972 : i32
        %get3A_974 = arith.index_cast %add3A_973 : i32 to index
        %get3A_975 = tpu.vector_load %arg8[%get3A_974] {strides = array<i32>} : memref<8200xf32, #tpu.memory_space<vmem>>, vector<16xf32>,
        %add3A_976 = arith.constant 128 : i32
        %add3A_977 = arith.addi %add3A_973, %add3A_976 : i32
        %get3A_978 = arith.index_cast %add3A_977 : i32 to index
        %get3A_979 = tpu.vector_load %arg8[%get3A_978] {strides = array<i32>} : memref<8200xf32, #tpu.memory_space<vmem>>, vector<16xf32>,
        %mul3A_980 = arith.constant 512 : i32
        %mul3A_981 = arith.muli %scan3A_838, %mul3A_980 : i32
        %add3A_982 = arith.constant 256 : i32
        %add3A_983 = arith.addi %mul3A_981, %add3A_982 : i32
        %add3A_984 = arith.constant 48 : i32
        %add3A_985 = arith.addi %add3A_983, %add3A_984 : i32
        %get3A_986 = arith.index_cast %add3A_985 : i32 to index
        %get3A_987 = tpu.vector_load %arg8[%get3A_986] {strides = array<i32>} : memref<8200xf32, #tpu.memory_space<vmem>>, vector<16xf32>,
        %add3A_988 = arith.constant 128 : i32
        %add3A_989 = arith.addi %add3A_985, %add3A_988 : i32
        %get3A_990 = arith.index_cast %add3A_989 : i32 to index
        %get3A_991 = tpu.vector_load %arg8[%get3A_990] {strides = array<i32>} : memref<8200xf32, #tpu.memory_space<vmem>>, vector<16xf32>,
        %mul3A_992 = arith.constant 512 : i32
        %mul3A_993 = arith.muli %scan3A_838, %mul3A_992 : i32
        %add3A_994 = arith.constant 256 : i32
        %add3A_995 = arith.addi %mul3A_993, %add3A_994 : i32
        %add3A_996 = arith.constant 64 : i32
        %add3A_997 = arith.addi %add3A_995, %add3A_996 : i32
        %get3A_998 = arith.index_cast %add3A_997 : i32 to index
        %get3A_999 = tpu.vector_load %arg8[%get3A_998] {strides = array<i32>} : memref<8200xf32, #tpu.memory_space<vmem>>, vector<16xf32>,
        %add3A_1000 = arith.constant 128 : i32
        %add3A_1001 = arith.addi %add3A_997, %add3A_1000 : i32
        %get3A_1002 = arith.index_cast %add3A_1001 : i32 to index
        %get3A_1003 = tpu.vector_load %arg8[%get3A_1002] {strides = array<i32>} : memref<8200xf32, #tpu.memory_space<vmem>>, vector<16xf32>,
        %mul3A_1004 = arith.constant 512 : i32
        %mul3A_1005 = arith.muli %scan3A_838, %mul3A_1004 : i32
        %add3A_1006 = arith.constant 256 : i32
        %add3A_1007 = arith.addi %mul3A_1005, %add3A_1006 : i32
        %add3A_1008 = arith.constant 80 : i32
        %add3A_1009 = arith.addi %add3A_1007, %add3A_1008 : i32
        %get3A_1010 = arith.index_cast %add3A_1009 : i32 to index
        %get3A_1011 = tpu.vector_load %arg8[%get3A_1010] {strides = array<i32>} : memref<8200xf32, #tpu.memory_space<vmem>>, vector<16xf32>,
        %add3A_1012 = arith.constant 128 : i32
        %add3A_1013 = arith.addi %add3A_1009, %add3A_1012 : i32
        %get3A_1014 = arith.index_cast %add3A_1013 : i32 to index
        %get3A_1015 = tpu.vector_load %arg8[%get3A_1014] {strides = array<i32>} : memref<8200xf32, #tpu.memory_space<vmem>>, vector<16xf32>,
        %mul3A_1016 = arith.constant 512 : i32
        %mul3A_1017 = arith.muli %scan3A_838, %mul3A_1016 : i32
        %add3A_1018 = arith.constant 256 : i32
        %add3A_1019 = arith.addi %mul3A_1017, %add3A_1018 : i32
        %add3A_1020 = arith.constant 96 : i32
        %add3A_1021 = arith.addi %add3A_1019, %add3A_1020 : i32
        %get3A_1022 = arith.index_cast %add3A_1021 : i32 to index
        %get3A_1023 = tpu.vector_load %arg8[%get3A_1022] {strides = array<i32>} : memref<8200xf32, #tpu.memory_space<vmem>>, vector<16xf32>,
        %add3A_1024 = arith.constant 128 : i32
        %add3A_1025 = arith.addi %add3A_1021, %add3A_1024 : i32
        %get3A_1026 = arith.index_cast %add3A_1025 : i32 to index
        %get3A_1027 = tpu.vector_load %arg8[%get3A_1026] {strides = array<i32>} : memref<8200xf32, #tpu.memory_space<vmem>>, vector<16xf32>,
        %mul3A_1028 = arith.constant 512 : i32
        %mul3A_1029 = arith.muli %scan3A_838, %mul3A_1028 : i32
        %add3A_1030 = arith.constant 256 : i32
        %add3A_1031 = arith.addi %mul3A_1029, %add3A_1030 : i32
        %add3A_1032 = arith.constant 112 : i32
        %add3A_1033 = arith.addi %add3A_1031, %add3A_1032 : i32
        %get3A_1034 = arith.index_cast %add3A_1033 : i32 to index
        %get3A_1035 = tpu.vector_load %arg8[%get3A_1034] {strides = array<i32>} : memref<8200xf32, #tpu.memory_space<vmem>>, vector<16xf32>,
        %add3A_1036 = arith.constant 128 : i32
        %add3A_1037 = arith.addi %add3A_1033, %add3A_1036 : i32
        %get3A_1038 = arith.index_cast %add3A_1037 : i32 to index
        %get3A_1039 = tpu.vector_load %arg8[%get3A_1038] {strides = array<i32>} : memref<8200xf32, #tpu.memory_space<vmem>>, vector<16xf32>,
        %sub3A_1040 = arith.subf %get3A_859, %get3A_855 : vector<16xf32>
        %add3A_1041 = arith.constant 0 : i32
        %add3A_1042 = vector.broadcast %add3A_1041 : i32 to vector<16xi32>
        %add3A_1043 = arith.addi %add3A_847, %add3A_1042 : vector<16xi32>
        tpu.vector_store_idx %arg10[%add3A_1043], %sub3A_1040 : memref<4096xf32, #tpu.memory_space<vmem>>[vector<16xi32>], vector<16xf32>,
        %reduce_max3A = arith.constant true
        %reduce_max3A_1044 = vector.broadcast %reduce_max3A : i1 to vector<16xi1>
        %reduce_max3A_1045 = tpu.scan <max>, %sub3A_1040 masked %reduce_max3A_1044 : vector<16xf32>, vector<16xi1> -> vector<16xf32>
        %reduce_max3A_1046 = vector.extract %reduce_max3A_1045[15] : f32 from vector<16xf32>
        %eq3A_1047 = vector.broadcast %reduce_max3A_1046 : f32 to vector<16xf32>
        %eq3A_1048 = arith.cmpf oeq, %sub3A_1040, %eq3A_1047 : vector<16xf32>
        %all_reduce_ffs3A = tpu.all_reduce %eq3A_1048 {dim = 0 : i64, kind = #tpu.reduction_kind<find_first_set>} : vector<16xi1> -> vector<16xi32>
        %add3A_1049 = arith.constant 0 : i32
        %add3A_1050 = vector.broadcast %add3A_1049 : i32 to vector<16xi32>
        %add3A_1051 = arith.addi %all_reduce_ffs3A, %add3A_1050 : vector<16xi32>
        %add3A_1052 = arith.constant 0 : i32
        %add3A_1053 = arith.addi %add3A_1052, %scan3A_838 : i32
        %broadcast_in_dim3A_1054 = vector.broadcast %add3A_1053 : i32 to vector<16xi32>
        %broadcast_in_dim3A_1055 = vector.broadcast %reduce_max3A_1046 : f32 to vector<16xf32>
        tpu.vector_store_idx %arg13[%broadcast_in_dim3A_1054], %broadcast_in_dim3A_1055 masked %eq3A_5 : memref<256xf32, #tpu.memory_space<vmem>>[vector<16xi32>], vector<16xf32>, vector<16xi1>
        tpu.vector_store_idx %arg14[%broadcast_in_dim3A_1054], %add3A_1051 masked %eq3A_5 : memref<256xi32, #tpu.memory_space<vmem>>[vector<16xi32>], vector<16xi32>, vector<16xi1>
        %sub3A_1056 = arith.subf %get3A_871, %get3A_867 : vector<16xf32>
        %add3A_1057 = arith.constant 256 : i32
        %add3A_1058 = vector.broadcast %add3A_1057 : i32 to vector<16xi32>
        %add3A_1059 = arith.addi %add3A_847, %add3A_1058 : vector<16xi32>
        tpu.vector_store_idx %arg10[%add3A_1059], %sub3A_1056 : memref<4096xf32, #tpu.memory_space<vmem>>[vector<16xi32>], vector<16xf32>,
        %reduce_max3A_1060 = arith.constant true
        %reduce_max3A_1061 = vector.broadcast %reduce_max3A_1060 : i1 to vector<16xi1>
        %reduce_max3A_1062 = tpu.scan <max>, %sub3A_1056 masked %reduce_max3A_1061 : vector<16xf32>, vector<16xi1> -> vector<16xf32>
        %reduce_max3A_1063 = vector.extract %reduce_max3A_1062[15] : f32 from vector<16xf32>
        %eq3A_1064 = vector.broadcast %reduce_max3A_1063 : f32 to vector<16xf32>
        %eq3A_1065 = arith.cmpf oeq, %sub3A_1056, %eq3A_1064 : vector<16xf32>
        %all_reduce_ffs3A_1066 = tpu.all_reduce %eq3A_1065 {dim = 0 : i64, kind = #tpu.reduction_kind<find_first_set>} : vector<16xi1> -> vector<16xi32>
        %add3A_1067 = arith.constant 16 : i32
        %add3A_1068 = vector.broadcast %add3A_1067 : i32 to vector<16xi32>
        %add3A_1069 = arith.addi %all_reduce_ffs3A_1066, %add3A_1068 : vector<16xi32>
        %add3A_1070 = arith.constant 16 : i32
        %add3A_1071 = arith.addi %add3A_1070, %scan3A_838 : i32
        %broadcast_in_dim3A_1072 = vector.broadcast %add3A_1071 : i32 to vector<16xi32>
        %broadcast_in_dim3A_1073 = vector.broadcast %reduce_max3A_1063 : f32 to vector<16xf32>
        tpu.vector_store_idx %arg13[%broadcast_in_dim3A_1072], %broadcast_in_dim3A_1073 masked %eq3A_5 : memref<256xf32, #tpu.memory_space<vmem>>[vector<16xi32>], vector<16xf32>, vector<16xi1>
        tpu.vector_store_idx %arg14[%broadcast_in_dim3A_1072], %add3A_1069 masked %eq3A_5 : memref<256xi32, #tpu.memory_space<vmem>>[vector<16xi32>], vector<16xi32>, vector<16xi1>
        %sub3A_1074 = arith.subf %get3A_883, %get3A_879 : vector<16xf32>
        %add3A_1075 = arith.constant 512 : i32
        %add3A_1076 = vector.broadcast %add3A_1075 : i32 to vector<16xi32>
        %add3A_1077 = arith.addi %add3A_847, %add3A_1076 : vector<16xi32>
        tpu.vector_store_idx %arg10[%add3A_1077], %sub3A_1074 : memref<4096xf32, #tpu.memory_space<vmem>>[vector<16xi32>], vector<16xf32>,
        %reduce_max3A_1078 = arith.constant true
        %reduce_max3A_1079 = vector.broadcast %reduce_max3A_1078 : i1 to vector<16xi1>
        %reduce_max3A_1080 = tpu.scan <max>, %sub3A_1074 masked %reduce_max3A_1079 : vector<16xf32>, vector<16xi1> -> vector<16xf32>
        %reduce_max3A_1081 = vector.extract %reduce_max3A_1080[15] : f32 from vector<16xf32>
        %eq3A_1082 = vector.broadcast %reduce_max3A_1081 : f32 to vector<16xf32>
        %eq3A_1083 = arith.cmpf oeq, %sub3A_1074, %eq3A_1082 : vector<16xf32>
        %all_reduce_ffs3A_1084 = tpu.all_reduce %eq3A_1083 {dim = 0 : i64, kind = #tpu.reduction_kind<find_first_set>} : vector<16xi1> -> vector<16xi32>
        %add3A_1085 = arith.constant 32 : i32
        %add3A_1086 = vector.broadcast %add3A_1085 : i32 to vector<16xi32>
        %add3A_1087 = arith.addi %all_reduce_ffs3A_1084, %add3A_1086 : vector<16xi32>
        %add3A_1088 = arith.constant 32 : i32
        %add3A_1089 = arith.addi %add3A_1088, %scan3A_838 : i32
        %broadcast_in_dim3A_1090 = vector.broadcast %add3A_1089 : i32 to vector<16xi32>
        %broadcast_in_dim3A_1091 = vector.broadcast %reduce_max3A_1081 : f32 to vector<16xf32>
        tpu.vector_store_idx %arg13[%broadcast_in_dim3A_1090], %broadcast_in_dim3A_1091 masked %eq3A_5 : memref<256xf32, #tpu.memory_space<vmem>>[vector<16xi32>], vector<16xf32>, vector<16xi1>
        tpu.vector_store_idx %arg14[%broadcast_in_dim3A_1090], %add3A_1087 masked %eq3A_5 : memref<256xi32, #tpu.memory_space<vmem>>[vector<16xi32>], vector<16xi32>, vector<16xi1>
        %sub3A_1092 = arith.subf %get3A_895, %get3A_891 : vector<16xf32>
        %add3A_1093 = arith.constant 768 : i32
        %add3A_1094 = vector.broadcast %add3A_1093 : i32 to vector<16xi32>
        %add3A_1095 = arith.addi %add3A_847, %add3A_1094 : vector<16xi32>
        tpu.vector_store_idx %arg10[%add3A_1095], %sub3A_1092 : memref<4096xf32, #tpu.memory_space<vmem>>[vector<16xi32>], vector<16xf32>,
        %reduce_max3A_1096 = arith.constant true
        %reduce_max3A_1097 = vector.broadcast %reduce_max3A_1096 : i1 to vector<16xi1>
        %reduce_max3A_1098 = tpu.scan <max>, %sub3A_1092 masked %reduce_max3A_1097 : vector<16xf32>, vector<16xi1> -> vector<16xf32>
        %reduce_max3A_1099 = vector.extract %reduce_max3A_1098[15] : f32 from vector<16xf32>
        %eq3A_1100 = vector.broadcast %reduce_max3A_1099 : f32 to vector<16xf32>
        %eq3A_1101 = arith.cmpf oeq, %sub3A_1092, %eq3A_1100 : vector<16xf32>
        %all_reduce_ffs3A_1102 = tpu.all_reduce %eq3A_1101 {dim = 0 : i64, kind = #tpu.reduction_kind<find_first_set>} : vector<16xi1> -> vector<16xi32>
        %add3A_1103 = arith.constant 48 : i32
        %add3A_1104 = vector.broadcast %add3A_1103 : i32 to vector<16xi32>
        %add3A_1105 = arith.addi %all_reduce_ffs3A_1102, %add3A_1104 : vector<16xi32>
        %add3A_1106 = arith.constant 48 : i32
        %add3A_1107 = arith.addi %add3A_1106, %scan3A_838 : i32
        %broadcast_in_dim3A_1108 = vector.broadcast %add3A_1107 : i32 to vector<16xi32>
        %broadcast_in_dim3A_1109 = vector.broadcast %reduce_max3A_1099 : f32 to vector<16xf32>
        tpu.vector_store_idx %arg13[%broadcast_in_dim3A_1108], %broadcast_in_dim3A_1109 masked %eq3A_5 : memref<256xf32, #tpu.memory_space<vmem>>[vector<16xi32>], vector<16xf32>, vector<16xi1>
        tpu.vector_store_idx %arg14[%broadcast_in_dim3A_1108], %add3A_1105 masked %eq3A_5 : memref<256xi32, #tpu.memory_space<vmem>>[vector<16xi32>], vector<16xi32>, vector<16xi1>
        %sub3A_1110 = arith.subf %get3A_907, %get3A_903 : vector<16xf32>
        %add3A_1111 = arith.constant 1024 : i32
        %add3A_1112 = vector.broadcast %add3A_1111 : i32 to vector<16xi32>
        %add3A_1113 = arith.addi %add3A_847, %add3A_1112 : vector<16xi32>
        tpu.vector_store_idx %arg10[%add3A_1113], %sub3A_1110 : memref<4096xf32, #tpu.memory_space<vmem>>[vector<16xi32>], vector<16xf32>,
        %reduce_max3A_1114 = arith.constant true
        %reduce_max3A_1115 = vector.broadcast %reduce_max3A_1114 : i1 to vector<16xi1>
        %reduce_max3A_1116 = tpu.scan <max>, %sub3A_1110 masked %reduce_max3A_1115 : vector<16xf32>, vector<16xi1> -> vector<16xf32>
        %reduce_max3A_1117 = vector.extract %reduce_max3A_1116[15] : f32 from vector<16xf32>
        %eq3A_1118 = vector.broadcast %reduce_max3A_1117 : f32 to vector<16xf32>
        %eq3A_1119 = arith.cmpf oeq, %sub3A_1110, %eq3A_1118 : vector<16xf32>
        %all_reduce_ffs3A_1120 = tpu.all_reduce %eq3A_1119 {dim = 0 : i64, kind = #tpu.reduction_kind<find_first_set>} : vector<16xi1> -> vector<16xi32>
        %add3A_1121 = arith.constant 64 : i32
        %add3A_1122 = vector.broadcast %add3A_1121 : i32 to vector<16xi32>
        %add3A_1123 = arith.addi %all_reduce_ffs3A_1120, %add3A_1122 : vector<16xi32>
        %add3A_1124 = arith.constant 64 : i32
        %add3A_1125 = arith.addi %add3A_1124, %scan3A_838 : i32
        %broadcast_in_dim3A_1126 = vector.broadcast %add3A_1125 : i32 to vector<16xi32>
        %broadcast_in_dim3A_1127 = vector.broadcast %reduce_max3A_1117 : f32 to vector<16xf32>
        tpu.vector_store_idx %arg13[%broadcast_in_dim3A_1126], %broadcast_in_dim3A_1127 masked %eq3A_5 : memref<256xf32, #tpu.memory_space<vmem>>[vector<16xi32>], vector<16xf32>, vector<16xi1>
        tpu.vector_store_idx %arg14[%broadcast_in_dim3A_1126], %add3A_1123 masked %eq3A_5 : memref<256xi32, #tpu.memory_space<vmem>>[vector<16xi32>], vector<16xi32>, vector<16xi1>
        %sub3A_1128 = arith.subf %get3A_919, %get3A_915 : vector<16xf32>
        %add3A_1129 = arith.constant 1280 : i32
        %add3A_1130 = vector.broadcast %add3A_1129 : i32 to vector<16xi32>
        %add3A_1131 = arith.addi %add3A_847, %add3A_1130 : vector<16xi32>
        tpu.vector_store_idx %arg10[%add3A_1131], %sub3A_1128 : memref<4096xf32, #tpu.memory_space<vmem>>[vector<16xi32>], vector<16xf32>,
        %reduce_max3A_1132 = arith.constant true
        %reduce_max3A_1133 = vector.broadcast %reduce_max3A_1132 : i1 to vector<16xi1>
        %reduce_max3A_1134 = tpu.scan <max>, %sub3A_1128 masked %reduce_max3A_1133 : vector<16xf32>, vector<16xi1> -> vector<16xf32>
        %reduce_max3A_1135 = vector.extract %reduce_max3A_1134[15] : f32 from vector<16xf32>
        %eq3A_1136 = vector.broadcast %reduce_max3A_1135 : f32 to vector<16xf32>
        %eq3A_1137 = arith.cmpf oeq, %sub3A_1128, %eq3A_1136 : vector<16xf32>
        %all_reduce_ffs3A_1138 = tpu.all_reduce %eq3A_1137 {dim = 0 : i64, kind = #tpu.reduction_kind<find_first_set>} : vector<16xi1> -> vector<16xi32>
        %add3A_1139 = arith.constant 80 : i32
        %add3A_1140 = vector.broadcast %add3A_1139 : i32 to vector<16xi32>
        %add3A_1141 = arith.addi %all_reduce_ffs3A_1138, %add3A_1140 : vector<16xi32>
        %add3A_1142 = arith.constant 80 : i32
        %add3A_1143 = arith.addi %add3A_1142, %scan3A_838 : i32
        %broadcast_in_dim3A_1144 = vector.broadcast %add3A_1143 : i32 to vector<16xi32>
        %broadcast_in_dim3A_1145 = vector.broadcast %reduce_max3A_1135 : f32 to vector<16xf32>
        tpu.vector_store_idx %arg13[%broadcast_in_dim3A_1144], %broadcast_in_dim3A_1145 masked %eq3A_5 : memref<256xf32, #tpu.memory_space<vmem>>[vector<16xi32>], vector<16xf32>, vector<16xi1>
        tpu.vector_store_idx %arg14[%broadcast_in_dim3A_1144], %add3A_1141 masked %eq3A_5 : memref<256xi32, #tpu.memory_space<vmem>>[vector<16xi32>], vector<16xi32>, vector<16xi1>
        %sub3A_1146 = arith.subf %get3A_931, %get3A_927 : vector<16xf32>
        %add3A_1147 = arith.constant 1536 : i32
        %add3A_1148 = vector.broadcast %add3A_1147 : i32 to vector<16xi32>
        %add3A_1149 = arith.addi %add3A_847, %add3A_1148 : vector<16xi32>
        tpu.vector_store_idx %arg10[%add3A_1149], %sub3A_1146 : memref<4096xf32, #tpu.memory_space<vmem>>[vector<16xi32>], vector<16xf32>,
        %reduce_max3A_1150 = arith.constant true
        %reduce_max3A_1151 = vector.broadcast %reduce_max3A_1150 : i1 to vector<16xi1>
        %reduce_max3A_1152 = tpu.scan <max>, %sub3A_1146 masked %reduce_max3A_1151 : vector<16xf32>, vector<16xi1> -> vector<16xf32>
        %reduce_max3A_1153 = vector.extract %reduce_max3A_1152[15] : f32 from vector<16xf32>
        %eq3A_1154 = vector.broadcast %reduce_max3A_1153 : f32 to vector<16xf32>
        %eq3A_1155 = arith.cmpf oeq, %sub3A_1146, %eq3A_1154 : vector<16xf32>
        %all_reduce_ffs3A_1156 = tpu.all_reduce %eq3A_1155 {dim = 0 : i64, kind = #tpu.reduction_kind<find_first_set>} : vector<16xi1> -> vector<16xi32>
        %add3A_1157 = arith.constant 96 : i32
        %add3A_1158 = vector.broadcast %add3A_1157 : i32 to vector<16xi32>
        %add3A_1159 = arith.addi %all_reduce_ffs3A_1156, %add3A_1158 : vector<16xi32>
        %add3A_1160 = arith.constant 96 : i32
        %add3A_1161 = arith.addi %add3A_1160, %scan3A_838 : i32
        %broadcast_in_dim3A_1162 = vector.broadcast %add3A_1161 : i32 to vector<16xi32>
        %broadcast_in_dim3A_1163 = vector.broadcast %reduce_max3A_1153 : f32 to vector<16xf32>
        tpu.vector_store_idx %arg13[%broadcast_in_dim3A_1162], %broadcast_in_dim3A_1163 masked %eq3A_5 : memref<256xf32, #tpu.memory_space<vmem>>[vector<16xi32>], vector<16xf32>, vector<16xi1>
        tpu.vector_store_idx %arg14[%broadcast_in_dim3A_1162], %add3A_1159 masked %eq3A_5 : memref<256xi32, #tpu.memory_space<vmem>>[vector<16xi32>], vector<16xi32>, vector<16xi1>
        %sub3A_1164 = arith.subf %get3A_943, %get3A_939 : vector<16xf32>
        %add3A_1165 = arith.constant 1792 : i32
        %add3A_1166 = vector.broadcast %add3A_1165 : i32 to vector<16xi32>
        %add3A_1167 = arith.addi %add3A_847, %add3A_1166 : vector<16xi32>
        tpu.vector_store_idx %arg10[%add3A_1167], %sub3A_1164 : memref<4096xf32, #tpu.memory_space<vmem>>[vector<16xi32>], vector<16xf32>,
        %reduce_max3A_1168 = arith.constant true
        %reduce_max3A_1169 = vector.broadcast %reduce_max3A_1168 : i1 to vector<16xi1>
        %reduce_max3A_1170 = tpu.scan <max>, %sub3A_1164 masked %reduce_max3A_1169 : vector<16xf32>, vector<16xi1> -> vector<16xf32>
        %reduce_max3A_1171 = vector.extract %reduce_max3A_1170[15] : f32 from vector<16xf32>
        %eq3A_1172 = vector.broadcast %reduce_max3A_1171 : f32 to vector<16xf32>
        %eq3A_1173 = arith.cmpf oeq, %sub3A_1164, %eq3A_1172 : vector<16xf32>
        %all_reduce_ffs3A_1174 = tpu.all_reduce %eq3A_1173 {dim = 0 : i64, kind = #tpu.reduction_kind<find_first_set>} : vector<16xi1> -> vector<16xi32>
        %add3A_1175 = arith.constant 112 : i32
        %add3A_1176 = vector.broadcast %add3A_1175 : i32 to vector<16xi32>
        %add3A_1177 = arith.addi %all_reduce_ffs3A_1174, %add3A_1176 : vector<16xi32>
        %add3A_1178 = arith.constant 112 : i32
        %add3A_1179 = arith.addi %add3A_1178, %scan3A_838 : i32
        %broadcast_in_dim3A_1180 = vector.broadcast %add3A_1179 : i32 to vector<16xi32>
        %broadcast_in_dim3A_1181 = vector.broadcast %reduce_max3A_1171 : f32 to vector<16xf32>
        tpu.vector_store_idx %arg13[%broadcast_in_dim3A_1180], %broadcast_in_dim3A_1181 masked %eq3A_5 : memref<256xf32, #tpu.memory_space<vmem>>[vector<16xi32>], vector<16xf32>, vector<16xi1>
        tpu.vector_store_idx %arg14[%broadcast_in_dim3A_1180], %add3A_1177 masked %eq3A_5 : memref<256xi32, #tpu.memory_space<vmem>>[vector<16xi32>], vector<16xi32>, vector<16xi1>
        %sub3A_1182 = arith.subf %get3A_955, %get3A_951 : vector<16xf32>
        %add3A_1183 = arith.constant 2048 : i32
        %add3A_1184 = vector.broadcast %add3A_1183 : i32 to vector<16xi32>
        %add3A_1185 = arith.addi %add3A_847, %add3A_1184 : vector<16xi32>
        tpu.vector_store_idx %arg10[%add3A_1185], %sub3A_1182 : memref<4096xf32, #tpu.memory_space<vmem>>[vector<16xi32>], vector<16xf32>,
        %reduce_max3A_1186 = arith.constant true
        %reduce_max3A_1187 = vector.broadcast %reduce_max3A_1186 : i1 to vector<16xi1>
        %reduce_max3A_1188 = tpu.scan <max>, %sub3A_1182 masked %reduce_max3A_1187 : vector<16xf32>, vector<16xi1> -> vector<16xf32>
        %reduce_max3A_1189 = vector.extract %reduce_max3A_1188[15] : f32 from vector<16xf32>
        %eq3A_1190 = vector.broadcast %reduce_max3A_1189 : f32 to vector<16xf32>
        %eq3A_1191 = arith.cmpf oeq, %sub3A_1182, %eq3A_1190 : vector<16xf32>
        %all_reduce_ffs3A_1192 = tpu.all_reduce %eq3A_1191 {dim = 0 : i64, kind = #tpu.reduction_kind<find_first_set>} : vector<16xi1> -> vector<16xi32>
        %add3A_1193 = arith.constant 128 : i32
        %add3A_1194 = vector.broadcast %add3A_1193 : i32 to vector<16xi32>
        %add3A_1195 = arith.addi %all_reduce_ffs3A_1192, %add3A_1194 : vector<16xi32>
        %add3A_1196 = arith.constant 128 : i32
        %add3A_1197 = arith.addi %add3A_1196, %scan3A_838 : i32
        %broadcast_in_dim3A_1198 = vector.broadcast %add3A_1197 : i32 to vector<16xi32>
        %broadcast_in_dim3A_1199 = vector.broadcast %reduce_max3A_1189 : f32 to vector<16xf32>
        tpu.vector_store_idx %arg13[%broadcast_in_dim3A_1198], %broadcast_in_dim3A_1199 masked %eq3A_5 : memref<256xf32, #tpu.memory_space<vmem>>[vector<16xi32>], vector<16xf32>, vector<16xi1>
        tpu.vector_store_idx %arg14[%broadcast_in_dim3A_1198], %add3A_1195 masked %eq3A_5 : memref<256xi32, #tpu.memory_space<vmem>>[vector<16xi32>], vector<16xi32>, vector<16xi1>
        %sub3A_1200 = arith.subf %get3A_967, %get3A_963 : vector<16xf32>
        %add3A_1201 = arith.constant 2304 : i32
        %add3A_1202 = vector.broadcast %add3A_1201 : i32 to vector<16xi32>
        %add3A_1203 = arith.addi %add3A_847, %add3A_1202 : vector<16xi32>
        tpu.vector_store_idx %arg10[%add3A_1203], %sub3A_1200 : memref<4096xf32, #tpu.memory_space<vmem>>[vector<16xi32>], vector<16xf32>,
        %reduce_max3A_1204 = arith.constant true
        %reduce_max3A_1205 = vector.broadcast %reduce_max3A_1204 : i1 to vector<16xi1>
        %reduce_max3A_1206 = tpu.scan <max>, %sub3A_1200 masked %reduce_max3A_1205 : vector<16xf32>, vector<16xi1> -> vector<16xf32>
        %reduce_max3A_1207 = vector.extract %reduce_max3A_1206[15] : f32 from vector<16xf32>
        %eq3A_1208 = vector.broadcast %reduce_max3A_1207 : f32 to vector<16xf32>
        %eq3A_1209 = arith.cmpf oeq, %sub3A_1200, %eq3A_1208 : vector<16xf32>
        %all_reduce_ffs3A_1210 = tpu.all_reduce %eq3A_1209 {dim = 0 : i64, kind = #tpu.reduction_kind<find_first_set>} : vector<16xi1> -> vector<16xi32>
        %add3A_1211 = arith.constant 144 : i32
        %add3A_1212 = vector.broadcast %add3A_1211 : i32 to vector<16xi32>
        %add3A_1213 = arith.addi %all_reduce_ffs3A_1210, %add3A_1212 : vector<16xi32>
        %add3A_1214 = arith.constant 144 : i32
        %add3A_1215 = arith.addi %add3A_1214, %scan3A_838 : i32
        %broadcast_in_dim3A_1216 = vector.broadcast %add3A_1215 : i32 to vector<16xi32>
        %broadcast_in_dim3A_1217 = vector.broadcast %reduce_max3A_1207 : f32 to vector<16xf32>
        tpu.vector_store_idx %arg13[%broadcast_in_dim3A_1216], %broadcast_in_dim3A_1217 masked %eq3A_5 : memref<256xf32, #tpu.memory_space<vmem>>[vector<16xi32>], vector<16xf32>, vector<16xi1>
        tpu.vector_store_idx %arg14[%broadcast_in_dim3A_1216], %add3A_1213 masked %eq3A_5 : memref<256xi32, #tpu.memory_space<vmem>>[vector<16xi32>], vector<16xi32>, vector<16xi1>
        %sub3A_1218 = arith.subf %get3A_979, %get3A_975 : vector<16xf32>
        %add3A_1219 = arith.constant 2560 : i32
        %add3A_1220 = vector.broadcast %add3A_1219 : i32 to vector<16xi32>
        %add3A_1221 = arith.addi %add3A_847, %add3A_1220 : vector<16xi32>
        tpu.vector_store_idx %arg10[%add3A_1221], %sub3A_1218 : memref<4096xf32, #tpu.memory_space<vmem>>[vector<16xi32>], vector<16xf32>,
        %reduce_max3A_1222 = arith.constant true
        %reduce_max3A_1223 = vector.broadcast %reduce_max3A_1222 : i1 to vector<16xi1>
        %reduce_max3A_1224 = tpu.scan <max>, %sub3A_1218 masked %reduce_max3A_1223 : vector<16xf32>, vector<16xi1> -> vector<16xf32>
        %reduce_max3A_1225 = vector.extract %reduce_max3A_1224[15] : f32 from vector<16xf32>
        %eq3A_1226 = vector.broadcast %reduce_max3A_1225 : f32 to vector<16xf32>
        %eq3A_1227 = arith.cmpf oeq, %sub3A_1218, %eq3A_1226 : vector<16xf32>
        %all_reduce_ffs3A_1228 = tpu.all_reduce %eq3A_1227 {dim = 0 : i64, kind = #tpu.reduction_kind<find_first_set>} : vector<16xi1> -> vector<16xi32>
        %add3A_1229 = arith.constant 160 : i32
        %add3A_1230 = vector.broadcast %add3A_1229 : i32 to vector<16xi32>
        %add3A_1231 = arith.addi %all_reduce_ffs3A_1228, %add3A_1230 : vector<16xi32>
        %add3A_1232 = arith.constant 160 : i32
        %add3A_1233 = arith.addi %add3A_1232, %scan3A_838 : i32
        %broadcast_in_dim3A_1234 = vector.broadcast %add3A_1233 : i32 to vector<16xi32>
        %broadcast_in_dim3A_1235 = vector.broadcast %reduce_max3A_1225 : f32 to vector<16xf32>
        tpu.vector_store_idx %arg13[%broadcast_in_dim3A_1234], %broadcast_in_dim3A_1235 masked %eq3A_5 : memref<256xf32, #tpu.memory_space<vmem>>[vector<16xi32>], vector<16xf32>, vector<16xi1>
        tpu.vector_store_idx %arg14[%broadcast_in_dim3A_1234], %add3A_1231 masked %eq3A_5 : memref<256xi32, #tpu.memory_space<vmem>>[vector<16xi32>], vector<16xi32>, vector<16xi1>
        %sub3A_1236 = arith.subf %get3A_991, %get3A_987 : vector<16xf32>
        %add3A_1237 = arith.constant 2816 : i32
        %add3A_1238 = vector.broadcast %add3A_1237 : i32 to vector<16xi32>
        %add3A_1239 = arith.addi %add3A_847, %add3A_1238 : vector<16xi32>
        tpu.vector_store_idx %arg10[%add3A_1239], %sub3A_1236 : memref<4096xf32, #tpu.memory_space<vmem>>[vector<16xi32>], vector<16xf32>,
        %reduce_max3A_1240 = arith.constant true
        %reduce_max3A_1241 = vector.broadcast %reduce_max3A_1240 : i1 to vector<16xi1>
        %reduce_max3A_1242 = tpu.scan <max>, %sub3A_1236 masked %reduce_max3A_1241 : vector<16xf32>, vector<16xi1> -> vector<16xf32>
        %reduce_max3A_1243 = vector.extract %reduce_max3A_1242[15] : f32 from vector<16xf32>
        %eq3A_1244 = vector.broadcast %reduce_max3A_1243 : f32 to vector<16xf32>
        %eq3A_1245 = arith.cmpf oeq, %sub3A_1236, %eq3A_1244 : vector<16xf32>
        %all_reduce_ffs3A_1246 = tpu.all_reduce %eq3A_1245 {dim = 0 : i64, kind = #tpu.reduction_kind<find_first_set>} : vector<16xi1> -> vector<16xi32>
        %add3A_1247 = arith.constant 176 : i32
        %add3A_1248 = vector.broadcast %add3A_1247 : i32 to vector<16xi32>
        %add3A_1249 = arith.addi %all_reduce_ffs3A_1246, %add3A_1248 : vector<16xi32>
        %add3A_1250 = arith.constant 176 : i32
        %add3A_1251 = arith.addi %add3A_1250, %scan3A_838 : i32
        %broadcast_in_dim3A_1252 = vector.broadcast %add3A_1251 : i32 to vector<16xi32>
        %broadcast_in_dim3A_1253 = vector.broadcast %reduce_max3A_1243 : f32 to vector<16xf32>
        tpu.vector_store_idx %arg13[%broadcast_in_dim3A_1252], %broadcast_in_dim3A_1253 masked %eq3A_5 : memref<256xf32, #tpu.memory_space<vmem>>[vector<16xi32>], vector<16xf32>, vector<16xi1>
        tpu.vector_store_idx %arg14[%broadcast_in_dim3A_1252], %add3A_1249 masked %eq3A_5 : memref<256xi32, #tpu.memory_space<vmem>>[vector<16xi32>], vector<16xi32>, vector<16xi1>
        %sub3A_1254 = arith.subf %get3A_1003, %get3A_999 : vector<16xf32>
        %add3A_1255 = arith.constant 3072 : i32
        %add3A_1256 = vector.broadcast %add3A_1255 : i32 to vector<16xi32>
        %add3A_1257 = arith.addi %add3A_847, %add3A_1256 : vector<16xi32>
        tpu.vector_store_idx %arg10[%add3A_1257], %sub3A_1254 : memref<4096xf32, #tpu.memory_space<vmem>>[vector<16xi32>], vector<16xf32>,
        %reduce_max3A_1258 = arith.constant true
        %reduce_max3A_1259 = vector.broadcast %reduce_max3A_1258 : i1 to vector<16xi1>
        %reduce_max3A_1260 = tpu.scan <max>, %sub3A_1254 masked %reduce_max3A_1259 : vector<16xf32>, vector<16xi1> -> vector<16xf32>
        %reduce_max3A_1261 = vector.extract %reduce_max3A_1260[15] : f32 from vector<16xf32>
        %eq3A_1262 = vector.broadcast %reduce_max3A_1261 : f32 to vector<16xf32>
        %eq3A_1263 = arith.cmpf oeq, %sub3A_1254, %eq3A_1262 : vector<16xf32>
        %all_reduce_ffs3A_1264 = tpu.all_reduce %eq3A_1263 {dim = 0 : i64, kind = #tpu.reduction_kind<find_first_set>} : vector<16xi1> -> vector<16xi32>
        %add3A_1265 = arith.constant 192 : i32
        %add3A_1266 = vector.broadcast %add3A_1265 : i32 to vector<16xi32>
        %add3A_1267 = arith.addi %all_reduce_ffs3A_1264, %add3A_1266 : vector<16xi32>
        %add3A_1268 = arith.constant 192 : i32
        %add3A_1269 = arith.addi %add3A_1268, %scan3A_838 : i32
        %broadcast_in_dim3A_1270 = vector.broadcast %add3A_1269 : i32 to vector<16xi32>
        %broadcast_in_dim3A_1271 = vector.broadcast %reduce_max3A_1261 : f32 to vector<16xf32>
        tpu.vector_store_idx %arg13[%broadcast_in_dim3A_1270], %broadcast_in_dim3A_1271 masked %eq3A_5 : memref<256xf32, #tpu.memory_space<vmem>>[vector<16xi32>], vector<16xf32>, vector<16xi1>
        tpu.vector_store_idx %arg14[%broadcast_in_dim3A_1270], %add3A_1267 masked %eq3A_5 : memref<256xi32, #tpu.memory_space<vmem>>[vector<16xi32>], vector<16xi32>, vector<16xi1>
        %sub3A_1272 = arith.subf %get3A_1015, %get3A_1011 : vector<16xf32>
        %add3A_1273 = arith.constant 3328 : i32
        %add3A_1274 = vector.broadcast %add3A_1273 : i32 to vector<16xi32>
        %add3A_1275 = arith.addi %add3A_847, %add3A_1274 : vector<16xi32>
        tpu.vector_store_idx %arg10[%add3A_1275], %sub3A_1272 : memref<4096xf32, #tpu.memory_space<vmem>>[vector<16xi32>], vector<16xf32>,
        %reduce_max3A_1276 = arith.constant true
        %reduce_max3A_1277 = vector.broadcast %reduce_max3A_1276 : i1 to vector<16xi1>
        %reduce_max3A_1278 = tpu.scan <max>, %sub3A_1272 masked %reduce_max3A_1277 : vector<16xf32>, vector<16xi1> -> vector<16xf32>
        %reduce_max3A_1279 = vector.extract %reduce_max3A_1278[15] : f32 from vector<16xf32>
        %eq3A_1280 = vector.broadcast %reduce_max3A_1279 : f32 to vector<16xf32>
        %eq3A_1281 = arith.cmpf oeq, %sub3A_1272, %eq3A_1280 : vector<16xf32>
        %all_reduce_ffs3A_1282 = tpu.all_reduce %eq3A_1281 {dim = 0 : i64, kind = #tpu.reduction_kind<find_first_set>} : vector<16xi1> -> vector<16xi32>
        %add3A_1283 = arith.constant 208 : i32
        %add3A_1284 = vector.broadcast %add3A_1283 : i32 to vector<16xi32>
        %add3A_1285 = arith.addi %all_reduce_ffs3A_1282, %add3A_1284 : vector<16xi32>
        %add3A_1286 = arith.constant 208 : i32
        %add3A_1287 = arith.addi %add3A_1286, %scan3A_838 : i32
        %broadcast_in_dim3A_1288 = vector.broadcast %add3A_1287 : i32 to vector<16xi32>
        %broadcast_in_dim3A_1289 = vector.broadcast %reduce_max3A_1279 : f32 to vector<16xf32>
        tpu.vector_store_idx %arg13[%broadcast_in_dim3A_1288], %broadcast_in_dim3A_1289 masked %eq3A_5 : memref<256xf32, #tpu.memory_space<vmem>>[vector<16xi32>], vector<16xf32>, vector<16xi1>
        tpu.vector_store_idx %arg14[%broadcast_in_dim3A_1288], %add3A_1285 masked %eq3A_5 : memref<256xi32, #tpu.memory_space<vmem>>[vector<16xi32>], vector<16xi32>, vector<16xi1>
        %sub3A_1290 = arith.subf %get3A_1027, %get3A_1023 : vector<16xf32>
        %add3A_1291 = arith.constant 3584 : i32
        %add3A_1292 = vector.broadcast %add3A_1291 : i32 to vector<16xi32>
        %add3A_1293 = arith.addi %add3A_847, %add3A_1292 : vector<16xi32>
        tpu.vector_store_idx %arg10[%add3A_1293], %sub3A_1290 : memref<4096xf32, #tpu.memory_space<vmem>>[vector<16xi32>], vector<16xf32>,
        %reduce_max3A_1294 = arith.constant true
        %reduce_max3A_1295 = vector.broadcast %reduce_max3A_1294 : i1 to vector<16xi1>
        %reduce_max3A_1296 = tpu.scan <max>, %sub3A_1290 masked %reduce_max3A_1295 : vector<16xf32>, vector<16xi1> -> vector<16xf32>
        %reduce_max3A_1297 = vector.extract %reduce_max3A_1296[15] : f32 from vector<16xf32>
        %eq3A_1298 = vector.broadcast %reduce_max3A_1297 : f32 to vector<16xf32>
        %eq3A_1299 = arith.cmpf oeq, %sub3A_1290, %eq3A_1298 : vector<16xf32>
        %all_reduce_ffs3A_1300 = tpu.all_reduce %eq3A_1299 {dim = 0 : i64, kind = #tpu.reduction_kind<find_first_set>} : vector<16xi1> -> vector<16xi32>
        %add3A_1301 = arith.constant 224 : i32
        %add3A_1302 = vector.broadcast %add3A_1301 : i32 to vector<16xi32>
        %add3A_1303 = arith.addi %all_reduce_ffs3A_1300, %add3A_1302 : vector<16xi32>
        %add3A_1304 = arith.constant 224 : i32
        %add3A_1305 = arith.addi %add3A_1304, %scan3A_838 : i32
        %broadcast_in_dim3A_1306 = vector.broadcast %add3A_1305 : i32 to vector<16xi32>
        %broadcast_in_dim3A_1307 = vector.broadcast %reduce_max3A_1297 : f32 to vector<16xf32>
        tpu.vector_store_idx %arg13[%broadcast_in_dim3A_1306], %broadcast_in_dim3A_1307 masked %eq3A_5 : memref<256xf32, #tpu.memory_space<vmem>>[vector<16xi32>], vector<16xf32>, vector<16xi1>
        tpu.vector_store_idx %arg14[%broadcast_in_dim3A_1306], %add3A_1303 masked %eq3A_5 : memref<256xi32, #tpu.memory_space<vmem>>[vector<16xi32>], vector<16xi32>, vector<16xi1>
        %sub3A_1308 = arith.subf %get3A_1039, %get3A_1035 : vector<16xf32>
        %add3A_1309 = arith.constant 3840 : i32
        %add3A_1310 = vector.broadcast %add3A_1309 : i32 to vector<16xi32>
        %add3A_1311 = arith.addi %add3A_847, %add3A_1310 : vector<16xi32>
        tpu.vector_store_idx %arg10[%add3A_1311], %sub3A_1308 : memref<4096xf32, #tpu.memory_space<vmem>>[vector<16xi32>], vector<16xf32>,
        %reduce_max3A_1312 = arith.constant true
        %reduce_max3A_1313 = vector.broadcast %reduce_max3A_1312 : i1 to vector<16xi1>
        %reduce_max3A_1314 = tpu.scan <max>, %sub3A_1308 masked %reduce_max3A_1313 : vector<16xf32>, vector<16xi1> -> vector<16xf32>
        %reduce_max3A_1315 = vector.extract %reduce_max3A_1314[15] : f32 from vector<16xf32>
        %eq3A_1316 = vector.broadcast %reduce_max3A_1315 : f32 to vector<16xf32>
        %eq3A_1317 = arith.cmpf oeq, %sub3A_1308, %eq3A_1316 : vector<16xf32>
        %all_reduce_ffs3A_1318 = tpu.all_reduce %eq3A_1317 {dim = 0 : i64, kind = #tpu.reduction_kind<find_first_set>} : vector<16xi1> -> vector<16xi32>
        %add3A_1319 = arith.constant 240 : i32
        %add3A_1320 = vector.broadcast %add3A_1319 : i32 to vector<16xi32>
        %add3A_1321 = arith.addi %all_reduce_ffs3A_1318, %add3A_1320 : vector<16xi32>
        %add3A_1322 = arith.constant 240 : i32
        %add3A_1323 = arith.addi %add3A_1322, %scan3A_838 : i32
        %broadcast_in_dim3A_1324 = vector.broadcast %add3A_1323 : i32 to vector<16xi32>
        %broadcast_in_dim3A_1325 = vector.broadcast %reduce_max3A_1315 : f32 to vector<16xf32>
        tpu.vector_store_idx %arg13[%broadcast_in_dim3A_1324], %broadcast_in_dim3A_1325 masked %eq3A_5 : memref<256xf32, #tpu.memory_space<vmem>>[vector<16xi32>], vector<16xf32>, vector<16xi1>
        tpu.vector_store_idx %arg14[%broadcast_in_dim3A_1324], %add3A_1321 masked %eq3A_5 : memref<256xi32, #tpu.memory_space<vmem>>[vector<16xi32>], vector<16xi32>, vector<16xi1>
      }
      %scan3A_559 = arith.constant 16 : i32
      %scan3A_560 = arith.constant 0 : i32
      %scan3A_561 = arith.constant 9 : i32
      %scan3A_562 = arith.addi %scan3A_560, %scan3A_561 : i32
      %scan3A_563 = arith.constant 1 : i32
      %scan3A_564 = scf.for %scan3A_838 = %scan3A_560 to %scan3A_562 step %scan3A_563 iter_args(%scan3A_839 = %add3A_511) -> (vector<16xf32>)  : i32 {
        %get3A_840 = arith.constant 0 : index
        %get3A_841 = tpu.vector_load %arg11[%get3A_840] {strides = array<i32>} : memref<256xf32, #tpu.memory_space<vmem>>, vector<16xf32>,
        %get3A_842 = arith.constant 16 : index
        %get3A_843 = tpu.vector_load %arg11[%get3A_842] {strides = array<i32>} : memref<256xf32, #tpu.memory_space<vmem>>, vector<16xf32>,
        %get3A_844 = arith.constant 32 : index
        %get3A_845 = tpu.vector_load %arg11[%get3A_844] {strides = array<i32>} : memref<256xf32, #tpu.memory_space<vmem>>, vector<16xf32>,
        %get3A_846 = arith.constant 48 : index
        %get3A_847 = tpu.vector_load %arg11[%get3A_846] {strides = array<i32>} : memref<256xf32, #tpu.memory_space<vmem>>, vector<16xf32>,
        %get3A_848 = arith.constant 64 : index
        %get3A_849 = tpu.vector_load %arg11[%get3A_848] {strides = array<i32>} : memref<256xf32, #tpu.memory_space<vmem>>, vector<16xf32>,
        %get3A_850 = arith.constant 80 : index
        %get3A_851 = tpu.vector_load %arg11[%get3A_850] {strides = array<i32>} : memref<256xf32, #tpu.memory_space<vmem>>, vector<16xf32>,
        %get3A_852 = arith.constant 96 : index
        %get3A_853 = tpu.vector_load %arg11[%get3A_852] {strides = array<i32>} : memref<256xf32, #tpu.memory_space<vmem>>, vector<16xf32>,
        %get3A_854 = arith.constant 112 : index
        %get3A_855 = tpu.vector_load %arg11[%get3A_854] {strides = array<i32>} : memref<256xf32, #tpu.memory_space<vmem>>, vector<16xf32>,
        %get3A_856 = arith.constant 128 : index
        %get3A_857 = tpu.vector_load %arg11[%get3A_856] {strides = array<i32>} : memref<256xf32, #tpu.memory_space<vmem>>, vector<16xf32>,
        %get3A_858 = arith.constant 144 : index
        %get3A_859 = tpu.vector_load %arg11[%get3A_858] {strides = array<i32>} : memref<256xf32, #tpu.memory_space<vmem>>, vector<16xf32>,
        %get3A_860 = arith.constant 160 : index
        %get3A_861 = tpu.vector_load %arg11[%get3A_860] {strides = array<i32>} : memref<256xf32, #tpu.memory_space<vmem>>, vector<16xf32>,
        %get3A_862 = arith.constant 176 : index
        %get3A_863 = tpu.vector_load %arg11[%get3A_862] {strides = array<i32>} : memref<256xf32, #tpu.memory_space<vmem>>, vector<16xf32>,
        %get3A_864 = arith.constant 192 : index
        %get3A_865 = tpu.vector_load %arg11[%get3A_864] {strides = array<i32>} : memref<256xf32, #tpu.memory_space<vmem>>, vector<16xf32>,
        %get3A_866 = arith.constant 208 : index
        %get3A_867 = tpu.vector_load %arg11[%get3A_866] {strides = array<i32>} : memref<256xf32, #tpu.memory_space<vmem>>, vector<16xf32>,
        %get3A_868 = arith.constant 224 : index
        %get3A_869 = tpu.vector_load %arg11[%get3A_868] {strides = array<i32>} : memref<256xf32, #tpu.memory_space<vmem>>, vector<16xf32>,
        %get3A_870 = arith.constant 240 : index
        %get3A_871 = tpu.vector_load %arg11[%get3A_870] {strides = array<i32>} : memref<256xf32, #tpu.memory_space<vmem>>, vector<16xf32>,
        %broadcast_in_dim3A_872 = arith.constant 0 : i32
        %broadcast_in_dim3A_873 = vector.broadcast %broadcast_in_dim3A_872 : i32 to vector<16xi32>
        %broadcast_in_dim3A_874 = arith.constant 1 : i32
        %broadcast_in_dim3A_875 = vector.broadcast %broadcast_in_dim3A_874 : i32 to vector<16xi32>
        %broadcast_in_dim3A_876 = arith.constant 2 : i32
        %broadcast_in_dim3A_877 = vector.broadcast %broadcast_in_dim3A_876 : i32 to vector<16xi32>
        %broadcast_in_dim3A_878 = arith.constant 3 : i32
        %broadcast_in_dim3A_879 = vector.broadcast %broadcast_in_dim3A_878 : i32 to vector<16xi32>
        %broadcast_in_dim3A_880 = arith.constant 4 : i32
        %broadcast_in_dim3A_881 = vector.broadcast %broadcast_in_dim3A_880 : i32 to vector<16xi32>
        %broadcast_in_dim3A_882 = arith.constant 5 : i32
        %broadcast_in_dim3A_883 = vector.broadcast %broadcast_in_dim3A_882 : i32 to vector<16xi32>
        %broadcast_in_dim3A_884 = arith.constant 6 : i32
        %broadcast_in_dim3A_885 = vector.broadcast %broadcast_in_dim3A_884 : i32 to vector<16xi32>
        %broadcast_in_dim3A_886 = arith.constant 7 : i32
        %broadcast_in_dim3A_887 = vector.broadcast %broadcast_in_dim3A_886 : i32 to vector<16xi32>
        %broadcast_in_dim3A_888 = arith.constant 8 : i32
        %broadcast_in_dim3A_889 = vector.broadcast %broadcast_in_dim3A_888 : i32 to vector<16xi32>
        %broadcast_in_dim3A_890 = arith.constant 9 : i32
        %broadcast_in_dim3A_891 = vector.broadcast %broadcast_in_dim3A_890 : i32 to vector<16xi32>
        %broadcast_in_dim3A_892 = arith.constant 10 : i32
        %broadcast_in_dim3A_893 = vector.broadcast %broadcast_in_dim3A_892 : i32 to vector<16xi32>
        %broadcast_in_dim3A_894 = arith.constant 11 : i32
        %broadcast_in_dim3A_895 = vector.broadcast %broadcast_in_dim3A_894 : i32 to vector<16xi32>
        %broadcast_in_dim3A_896 = arith.constant 12 : i32
        %broadcast_in_dim3A_897 = vector.broadcast %broadcast_in_dim3A_896 : i32 to vector<16xi32>
        %broadcast_in_dim3A_898 = arith.constant 13 : i32
        %broadcast_in_dim3A_899 = vector.broadcast %broadcast_in_dim3A_898 : i32 to vector<16xi32>
        %broadcast_in_dim3A_900 = arith.constant 14 : i32
        %broadcast_in_dim3A_901 = vector.broadcast %broadcast_in_dim3A_900 : i32 to vector<16xi32>
        %broadcast_in_dim3A_902 = arith.constant 15 : i32
        %broadcast_in_dim3A_903 = vector.broadcast %broadcast_in_dim3A_902 : i32 to vector<16xi32>
        %gt3A_904 = arith.cmpf ogt, %get3A_843, %get3A_841 : vector<16xf32>
        %select_n3A_905 = arith.select %gt3A_904, %get3A_843, %get3A_841 : vector<16xi1>, vector<16xf32>
        %select_n3A_906 = arith.select %gt3A_904, %broadcast_in_dim3A_875, %broadcast_in_dim3A_873 : vector<16xi1>, vector<16xi32>
        %gt3A_907 = arith.cmpf ogt, %get3A_847, %get3A_845 : vector<16xf32>
        %select_n3A_908 = arith.select %gt3A_907, %get3A_847, %get3A_845 : vector<16xi1>, vector<16xf32>
        %select_n3A_909 = arith.select %gt3A_907, %broadcast_in_dim3A_879, %broadcast_in_dim3A_877 : vector<16xi1>, vector<16xi32>
        %gt3A_910 = arith.cmpf ogt, %get3A_851, %get3A_849 : vector<16xf32>
        %select_n3A_911 = arith.select %gt3A_910, %get3A_851, %get3A_849 : vector<16xi1>, vector<16xf32>
        %select_n3A_912 = arith.select %gt3A_910, %broadcast_in_dim3A_883, %broadcast_in_dim3A_881 : vector<16xi1>, vector<16xi32>
        %gt3A_913 = arith.cmpf ogt, %get3A_855, %get3A_853 : vector<16xf32>
        %select_n3A_914 = arith.select %gt3A_913, %get3A_855, %get3A_853 : vector<16xi1>, vector<16xf32>
        %select_n3A_915 = arith.select %gt3A_913, %broadcast_in_dim3A_887, %broadcast_in_dim3A_885 : vector<16xi1>, vector<16xi32>
        %gt3A_916 = arith.cmpf ogt, %get3A_859, %get3A_857 : vector<16xf32>
        %select_n3A_917 = arith.select %gt3A_916, %get3A_859, %get3A_857 : vector<16xi1>, vector<16xf32>
        %select_n3A_918 = arith.select %gt3A_916, %broadcast_in_dim3A_891, %broadcast_in_dim3A_889 : vector<16xi1>, vector<16xi32>
        %gt3A_919 = arith.cmpf ogt, %get3A_863, %get3A_861 : vector<16xf32>
        %select_n3A_920 = arith.select %gt3A_919, %get3A_863, %get3A_861 : vector<16xi1>, vector<16xf32>
        %select_n3A_921 = arith.select %gt3A_919, %broadcast_in_dim3A_895, %broadcast_in_dim3A_893 : vector<16xi1>, vector<16xi32>
        %gt3A_922 = arith.cmpf ogt, %get3A_867, %get3A_865 : vector<16xf32>
        %select_n3A_923 = arith.select %gt3A_922, %get3A_867, %get3A_865 : vector<16xi1>, vector<16xf32>
        %select_n3A_924 = arith.select %gt3A_922, %broadcast_in_dim3A_899, %broadcast_in_dim3A_897 : vector<16xi1>, vector<16xi32>
        %gt3A_925 = arith.cmpf ogt, %get3A_871, %get3A_869 : vector<16xf32>
        %select_n3A_926 = arith.select %gt3A_925, %get3A_871, %get3A_869 : vector<16xi1>, vector<16xf32>
        %select_n3A_927 = arith.select %gt3A_925, %broadcast_in_dim3A_903, %broadcast_in_dim3A_901 : vector<16xi1>, vector<16xi32>
        %gt3A_928 = arith.cmpf ogt, %select_n3A_908, %select_n3A_905 : vector<16xf32>
        %select_n3A_929 = arith.select %gt3A_928, %select_n3A_908, %select_n3A_905 : vector<16xi1>, vector<16xf32>
        %select_n3A_930 = arith.select %gt3A_928, %select_n3A_909, %select_n3A_906 : vector<16xi1>, vector<16xi32>
        %gt3A_931 = arith.cmpf ogt, %select_n3A_914, %select_n3A_911 : vector<16xf32>
        %select_n3A_932 = arith.select %gt3A_931, %select_n3A_914, %select_n3A_911 : vector<16xi1>, vector<16xf32>
        %select_n3A_933 = arith.select %gt3A_931, %select_n3A_915, %select_n3A_912 : vector<16xi1>, vector<16xi32>
        %gt3A_934 = arith.cmpf ogt, %select_n3A_920, %select_n3A_917 : vector<16xf32>
        %select_n3A_935 = arith.select %gt3A_934, %select_n3A_920, %select_n3A_917 : vector<16xi1>, vector<16xf32>
        %select_n3A_936 = arith.select %gt3A_934, %select_n3A_921, %select_n3A_918 : vector<16xi1>, vector<16xi32>
        %gt3A_937 = arith.cmpf ogt, %select_n3A_926, %select_n3A_923 : vector<16xf32>
        %select_n3A_938 = arith.select %gt3A_937, %select_n3A_926, %select_n3A_923 : vector<16xi1>, vector<16xf32>
        %select_n3A_939 = arith.select %gt3A_937, %select_n3A_927, %select_n3A_924 : vector<16xi1>, vector<16xi32>
        %gt3A_940 = arith.cmpf ogt, %select_n3A_932, %select_n3A_929 : vector<16xf32>
        %select_n3A_941 = arith.select %gt3A_940, %select_n3A_932, %select_n3A_929 : vector<16xi1>, vector<16xf32>
        %select_n3A_942 = arith.select %gt3A_940, %select_n3A_933, %select_n3A_930 : vector<16xi1>, vector<16xi32>
        %gt3A_943 = arith.cmpf ogt, %select_n3A_938, %select_n3A_935 : vector<16xf32>
        %select_n3A_944 = arith.select %gt3A_943, %select_n3A_938, %select_n3A_935 : vector<16xi1>, vector<16xf32>
        %select_n3A_945 = arith.select %gt3A_943, %select_n3A_939, %select_n3A_936 : vector<16xi1>, vector<16xi32>
        %gt3A_946 = arith.cmpf ogt, %select_n3A_944, %select_n3A_941 : vector<16xf32>
        %select_n3A_947 = arith.select %gt3A_946, %select_n3A_944, %select_n3A_941 : vector<16xi1>, vector<16xf32>
        %select_n3A_948 = arith.select %gt3A_946, %select_n3A_945, %select_n3A_942 : vector<16xi1>, vector<16xi32>
        %mul3A_949 = arith.constant 16 : i32
        %mul3A_950 = vector.broadcast %mul3A_949 : i32 to vector<16xi32>
        %mul3A_951 = arith.muli %select_n3A_948, %mul3A_950 : vector<16xi32>
        %add3A_952 = arith.addi %mul3A_951, %iota3A : vector<16xi32>
        %gather3A_953 = tpu.vector_load_idx %arg12[%add3A_952] : memref<256xi32, #tpu.memory_space<vmem>>[vector<16xi32>], vector<16xi32>,
        %mul3A_954 = arith.constant 512 : i32
        %mul3A_955 = vector.broadcast %mul3A_954 : i32 to vector<16xi32>
        %mul3A_956 = arith.muli %iota3A, %mul3A_955 : vector<16xi32>
        %shift_right_arithmetic3A_957 = arith.constant 7 : i32
        %shift_right_arithmetic3A_958 = vector.broadcast %shift_right_arithmetic3A_957 : i32 to vector<16xi32>
        %shift_right_arithmetic3A_959 = arith.shrsi %gather3A_953, %shift_right_arithmetic3A_958 : vector<16xi32>
        %mul3A_960 = arith.constant 256 : i32
        %mul3A_961 = vector.broadcast %mul3A_960 : i32 to vector<16xi32>
        %mul3A_962 = arith.muli %shift_right_arithmetic3A_959, %mul3A_961 : vector<16xi32>
        %add3A_963 = arith.addi %mul3A_956, %mul3A_962 : vector<16xi32>
        %and3A_964 = arith.constant 127 : i32
        %and3A_965 = vector.broadcast %and3A_964 : i32 to vector<16xi32>
        %and3A_966 = arith.andi %gather3A_953, %and3A_965 : vector<16xi32>
        %add3A_967 = arith.addi %add3A_963, %and3A_966 : vector<16xi32>
        %gather3A_968 = tpu.vector_load_idx %arg7[%add3A_967] : memref<8200xf32, #tpu.memory_space<vmem>>[vector<16xi32>], vector<16xf32>,
        %add3A_969 = arith.constant 128 : i32
        %add3A_970 = vector.broadcast %add3A_969 : i32 to vector<16xi32>
        %add3A_971 = arith.addi %add3A_967, %add3A_970 : vector<16xi32>
        %gather3A_972 = tpu.vector_load_idx %arg7[%add3A_971] : memref<8200xf32, #tpu.memory_space<vmem>>[vector<16xi32>], vector<16xf32>,
        %mul3A_973 = arith.constant 16 : i32
        %mul3A_974 = vector.broadcast %mul3A_973 : i32 to vector<16xi32>
        %mul3A_975 = arith.muli %gather3A_953, %mul3A_974 : vector<16xi32>
        %add3A_976 = arith.addi %iota3A, %gather3A_953 : vector<16xi32>
        %and3A_977 = arith.constant 15 : i32
        %and3A_978 = vector.broadcast %and3A_977 : i32 to vector<16xi32>
        %and3A_979 = arith.andi %add3A_976, %and3A_978 : vector<16xi32>
        %add3A_980 = arith.addi %mul3A_975, %and3A_979 : vector<16xi32>
        tpu.vector_store_idx %arg9[%add3A_980], %broadcast_in_dim3A_1 : memref<4096xf32, #tpu.memory_space<vmem>>[vector<16xi32>], vector<16xf32>,
        %mul3A_981 = arith.constant 16 : i32
        %mul3A_982 = vector.broadcast %mul3A_981 : i32 to vector<16xi32>
        %mul3A_983 = arith.muli %mul3A_951, %mul3A_982 : vector<16xi32>
        %add3A_984 = arith.addi %mul3A_983, %add3A_13 : vector<16xi32>
        %gather3A_985 = tpu.vector_load_idx %arg9[%add3A_984] : memref<4096xf32, #tpu.memory_space<vmem>>[vector<16xi32>], vector<16xf32>,
        %add3A_986 = arith.constant 0 : i32
        %add3A_987 = vector.broadcast %add3A_986 : i32 to vector<16xi32>
        %add3A_988 = arith.addi %mul3A_951, %add3A_987 : vector<16xi32>
        %add3A_989 = arith.addi %mul3A_983, %add3A_22 : vector<16xi32>
        %gather3A_990 = tpu.vector_load_idx %arg9[%add3A_989] : memref<4096xf32, #tpu.memory_space<vmem>>[vector<16xi32>], vector<16xf32>,
        %add3A_991 = arith.constant 1 : i32
        %add3A_992 = vector.broadcast %add3A_991 : i32 to vector<16xi32>
        %add3A_993 = arith.addi %mul3A_951, %add3A_992 : vector<16xi32>
        %add3A_994 = arith.addi %mul3A_983, %add3A_31 : vector<16xi32>
        %gather3A_995 = tpu.vector_load_idx %arg9[%add3A_994] : memref<4096xf32, #tpu.memory_space<vmem>>[vector<16xi32>], vector<16xf32>,
        %add3A_996 = arith.constant 2 : i32
        %add3A_997 = vector.broadcast %add3A_996 : i32 to vector<16xi32>
        %add3A_998 = arith.addi %mul3A_951, %add3A_997 : vector<16xi32>
        %add3A_999 = arith.addi %mul3A_983, %add3A_40 : vector<16xi32>
        %gather3A_1000 = tpu.vector_load_idx %arg9[%add3A_999] : memref<4096xf32, #tpu.memory_space<vmem>>[vector<16xi32>], vector<16xf32>,
        %add3A_1001 = arith.constant 3 : i32
        %add3A_1002 = vector.broadcast %add3A_1001 : i32 to vector<16xi32>
        %add3A_1003 = arith.addi %mul3A_951, %add3A_1002 : vector<16xi32>
        %add3A_1004 = arith.addi %mul3A_983, %add3A_49 : vector<16xi32>
        %gather3A_1005 = tpu.vector_load_idx %arg9[%add3A_1004] : memref<4096xf32, #tpu.memory_space<vmem>>[vector<16xi32>], vector<16xf32>,
        %add3A_1006 = arith.constant 4 : i32
        %add3A_1007 = vector.broadcast %add3A_1006 : i32 to vector<16xi32>
        %add3A_1008 = arith.addi %mul3A_951, %add3A_1007 : vector<16xi32>
        %add3A_1009 = arith.addi %mul3A_983, %add3A_58 : vector<16xi32>
        %gather3A_1010 = tpu.vector_load_idx %arg9[%add3A_1009] : memref<4096xf32, #tpu.memory_space<vmem>>[vector<16xi32>], vector<16xf32>,
        %add3A_1011 = arith.constant 5 : i32
        %add3A_1012 = vector.broadcast %add3A_1011 : i32 to vector<16xi32>
        %add3A_1013 = arith.addi %mul3A_951, %add3A_1012 : vector<16xi32>
        %add3A_1014 = arith.addi %mul3A_983, %add3A_67 : vector<16xi32>
        %gather3A_1015 = tpu.vector_load_idx %arg9[%add3A_1014] : memref<4096xf32, #tpu.memory_space<vmem>>[vector<16xi32>], vector<16xf32>,
        %add3A_1016 = arith.constant 6 : i32
        %add3A_1017 = vector.broadcast %add3A_1016 : i32 to vector<16xi32>
        %add3A_1018 = arith.addi %mul3A_951, %add3A_1017 : vector<16xi32>
        %add3A_1019 = arith.addi %mul3A_983, %add3A_76 : vector<16xi32>
        %gather3A_1020 = tpu.vector_load_idx %arg9[%add3A_1019] : memref<4096xf32, #tpu.memory_space<vmem>>[vector<16xi32>], vector<16xf32>,
        %add3A_1021 = arith.constant 7 : i32
        %add3A_1022 = vector.broadcast %add3A_1021 : i32 to vector<16xi32>
        %add3A_1023 = arith.addi %mul3A_951, %add3A_1022 : vector<16xi32>
        %add3A_1024 = arith.addi %mul3A_983, %add3A_85 : vector<16xi32>
        %gather3A_1025 = tpu.vector_load_idx %arg9[%add3A_1024] : memref<4096xf32, #tpu.memory_space<vmem>>[vector<16xi32>], vector<16xf32>,
        %add3A_1026 = arith.constant 8 : i32
        %add3A_1027 = vector.broadcast %add3A_1026 : i32 to vector<16xi32>
        %add3A_1028 = arith.addi %mul3A_951, %add3A_1027 : vector<16xi32>
        %add3A_1029 = arith.addi %mul3A_983, %add3A_94 : vector<16xi32>
        %gather3A_1030 = tpu.vector_load_idx %arg9[%add3A_1029] : memref<4096xf32, #tpu.memory_space<vmem>>[vector<16xi32>], vector<16xf32>,
        %add3A_1031 = arith.constant 9 : i32
        %add3A_1032 = vector.broadcast %add3A_1031 : i32 to vector<16xi32>
        %add3A_1033 = arith.addi %mul3A_951, %add3A_1032 : vector<16xi32>
        %add3A_1034 = arith.addi %mul3A_983, %add3A_103 : vector<16xi32>
        %gather3A_1035 = tpu.vector_load_idx %arg9[%add3A_1034] : memref<4096xf32, #tpu.memory_space<vmem>>[vector<16xi32>], vector<16xf32>,
        %add3A_1036 = arith.constant 10 : i32
        %add3A_1037 = vector.broadcast %add3A_1036 : i32 to vector<16xi32>
        %add3A_1038 = arith.addi %mul3A_951, %add3A_1037 : vector<16xi32>
        %add3A_1039 = arith.addi %mul3A_983, %add3A_112 : vector<16xi32>
        %gather3A_1040 = tpu.vector_load_idx %arg9[%add3A_1039] : memref<4096xf32, #tpu.memory_space<vmem>>[vector<16xi32>], vector<16xf32>,
        %add3A_1041 = arith.constant 11 : i32
        %add3A_1042 = vector.broadcast %add3A_1041 : i32 to vector<16xi32>
        %add3A_1043 = arith.addi %mul3A_951, %add3A_1042 : vector<16xi32>
        %add3A_1044 = arith.addi %mul3A_983, %add3A_121 : vector<16xi32>
        %gather3A_1045 = tpu.vector_load_idx %arg9[%add3A_1044] : memref<4096xf32, #tpu.memory_space<vmem>>[vector<16xi32>], vector<16xf32>,
        %add3A_1046 = arith.constant 12 : i32
        %add3A_1047 = vector.broadcast %add3A_1046 : i32 to vector<16xi32>
        %add3A_1048 = arith.addi %mul3A_951, %add3A_1047 : vector<16xi32>
        %add3A_1049 = arith.addi %mul3A_983, %add3A_130 : vector<16xi32>
        %gather3A_1050 = tpu.vector_load_idx %arg9[%add3A_1049] : memref<4096xf32, #tpu.memory_space<vmem>>[vector<16xi32>], vector<16xf32>,
        %add3A_1051 = arith.constant 13 : i32
        %add3A_1052 = vector.broadcast %add3A_1051 : i32 to vector<16xi32>
        %add3A_1053 = arith.addi %mul3A_951, %add3A_1052 : vector<16xi32>
        %add3A_1054 = arith.addi %mul3A_983, %add3A_139 : vector<16xi32>
        %gather3A_1055 = tpu.vector_load_idx %arg9[%add3A_1054] : memref<4096xf32, #tpu.memory_space<vmem>>[vector<16xi32>], vector<16xf32>,
        %add3A_1056 = arith.constant 14 : i32
        %add3A_1057 = vector.broadcast %add3A_1056 : i32 to vector<16xi32>
        %add3A_1058 = arith.addi %mul3A_951, %add3A_1057 : vector<16xi32>
        %add3A_1059 = arith.addi %mul3A_983, %add3A_148 : vector<16xi32>
        %gather3A_1060 = tpu.vector_load_idx %arg9[%add3A_1059] : memref<4096xf32, #tpu.memory_space<vmem>>[vector<16xi32>], vector<16xf32>,
        %add3A_1061 = arith.constant 15 : i32
        %add3A_1062 = vector.broadcast %add3A_1061 : i32 to vector<16xi32>
        %add3A_1063 = arith.addi %mul3A_951, %add3A_1062 : vector<16xi32>
        %gt3A_1064 = arith.cmpf ogt, %gather3A_990, %gather3A_985 : vector<16xf32>
        %select_n3A_1065 = arith.select %gt3A_1064, %gather3A_990, %gather3A_985 : vector<16xi1>, vector<16xf32>
        %select_n3A_1066 = arith.select %gt3A_1064, %add3A_993, %add3A_988 : vector<16xi1>, vector<16xi32>
        %gt3A_1067 = arith.cmpf ogt, %gather3A_1000, %gather3A_995 : vector<16xf32>
        %select_n3A_1068 = arith.select %gt3A_1067, %gather3A_1000, %gather3A_995 : vector<16xi1>, vector<16xf32>
        %select_n3A_1069 = arith.select %gt3A_1067, %add3A_1003, %add3A_998 : vector<16xi1>, vector<16xi32>
        %gt3A_1070 = arith.cmpf ogt, %gather3A_1010, %gather3A_1005 : vector<16xf32>
        %select_n3A_1071 = arith.select %gt3A_1070, %gather3A_1010, %gather3A_1005 : vector<16xi1>, vector<16xf32>
        %select_n3A_1072 = arith.select %gt3A_1070, %add3A_1013, %add3A_1008 : vector<16xi1>, vector<16xi32>
        %gt3A_1073 = arith.cmpf ogt, %gather3A_1020, %gather3A_1015 : vector<16xf32>
        %select_n3A_1074 = arith.select %gt3A_1073, %gather3A_1020, %gather3A_1015 : vector<16xi1>, vector<16xf32>
        %select_n3A_1075 = arith.select %gt3A_1073, %add3A_1023, %add3A_1018 : vector<16xi1>, vector<16xi32>
        %gt3A_1076 = arith.cmpf ogt, %gather3A_1030, %gather3A_1025 : vector<16xf32>
        %select_n3A_1077 = arith.select %gt3A_1076, %gather3A_1030, %gather3A_1025 : vector<16xi1>, vector<16xf32>
        %select_n3A_1078 = arith.select %gt3A_1076, %add3A_1033, %add3A_1028 : vector<16xi1>, vector<16xi32>
        %gt3A_1079 = arith.cmpf ogt, %gather3A_1040, %gather3A_1035 : vector<16xf32>
        %select_n3A_1080 = arith.select %gt3A_1079, %gather3A_1040, %gather3A_1035 : vector<16xi1>, vector<16xf32>
        %select_n3A_1081 = arith.select %gt3A_1079, %add3A_1043, %add3A_1038 : vector<16xi1>, vector<16xi32>
        %gt3A_1082 = arith.cmpf ogt, %gather3A_1050, %gather3A_1045 : vector<16xf32>
        %select_n3A_1083 = arith.select %gt3A_1082, %gather3A_1050, %gather3A_1045 : vector<16xi1>, vector<16xf32>
        %select_n3A_1084 = arith.select %gt3A_1082, %add3A_1053, %add3A_1048 : vector<16xi1>, vector<16xi32>
        %gt3A_1085 = arith.cmpf ogt, %gather3A_1060, %gather3A_1055 : vector<16xf32>
        %select_n3A_1086 = arith.select %gt3A_1085, %gather3A_1060, %gather3A_1055 : vector<16xi1>, vector<16xf32>
        %select_n3A_1087 = arith.select %gt3A_1085, %add3A_1063, %add3A_1058 : vector<16xi1>, vector<16xi32>
        %gt3A_1088 = arith.cmpf ogt, %select_n3A_1068, %select_n3A_1065 : vector<16xf32>
        %select_n3A_1089 = arith.select %gt3A_1088, %select_n3A_1068, %select_n3A_1065 : vector<16xi1>, vector<16xf32>
        %select_n3A_1090 = arith.select %gt3A_1088, %select_n3A_1069, %select_n3A_1066 : vector<16xi1>, vector<16xi32>
        %gt3A_1091 = arith.cmpf ogt, %select_n3A_1074, %select_n3A_1071 : vector<16xf32>
        %select_n3A_1092 = arith.select %gt3A_1091, %select_n3A_1074, %select_n3A_1071 : vector<16xi1>, vector<16xf32>
        %select_n3A_1093 = arith.select %gt3A_1091, %select_n3A_1075, %select_n3A_1072 : vector<16xi1>, vector<16xi32>
        %gt3A_1094 = arith.cmpf ogt, %select_n3A_1080, %select_n3A_1077 : vector<16xf32>
        %select_n3A_1095 = arith.select %gt3A_1094, %select_n3A_1080, %select_n3A_1077 : vector<16xi1>, vector<16xf32>
        %select_n3A_1096 = arith.select %gt3A_1094, %select_n3A_1081, %select_n3A_1078 : vector<16xi1>, vector<16xi32>
        %gt3A_1097 = arith.cmpf ogt, %select_n3A_1086, %select_n3A_1083 : vector<16xf32>
        %select_n3A_1098 = arith.select %gt3A_1097, %select_n3A_1086, %select_n3A_1083 : vector<16xi1>, vector<16xf32>
        %select_n3A_1099 = arith.select %gt3A_1097, %select_n3A_1087, %select_n3A_1084 : vector<16xi1>, vector<16xi32>
        %gt3A_1100 = arith.cmpf ogt, %select_n3A_1092, %select_n3A_1089 : vector<16xf32>
        %select_n3A_1101 = arith.select %gt3A_1100, %select_n3A_1092, %select_n3A_1089 : vector<16xi1>, vector<16xf32>
        %select_n3A_1102 = arith.select %gt3A_1100, %select_n3A_1093, %select_n3A_1090 : vector<16xi1>, vector<16xi32>
        %gt3A_1103 = arith.cmpf ogt, %select_n3A_1098, %select_n3A_1095 : vector<16xf32>
        %select_n3A_1104 = arith.select %gt3A_1103, %select_n3A_1098, %select_n3A_1095 : vector<16xi1>, vector<16xf32>
        %select_n3A_1105 = arith.select %gt3A_1103, %select_n3A_1099, %select_n3A_1096 : vector<16xi1>, vector<16xi32>
        %gt3A_1106 = arith.cmpf ogt, %select_n3A_1104, %select_n3A_1101 : vector<16xf32>
        %select_n3A_1107 = arith.select %gt3A_1106, %select_n3A_1104, %select_n3A_1101 : vector<16xi1>, vector<16xf32>
        %select_n3A_1108 = arith.select %gt3A_1106, %select_n3A_1105, %select_n3A_1102 : vector<16xi1>, vector<16xi32>
        %add3A_1109 = arith.addi %mul3A_951, %iota3A : vector<16xi32>
        tpu.vector_store_idx %arg11[%add3A_1109], %select_n3A_1107 : memref<256xf32, #tpu.memory_space<vmem>>[vector<16xi32>], vector<16xf32>,
        %add3A_1110 = arith.addi %mul3A_951, %iota3A : vector<16xi32>
        tpu.vector_store_idx %arg12[%add3A_1110], %select_n3A_1108 : memref<256xi32, #tpu.memory_space<vmem>>[vector<16xi32>], vector<16xi32>,
        %get3A_1111 = arith.constant 0 : index
        %get3A_1112 = tpu.vector_load %arg13[%get3A_1111] {strides = array<i32>} : memref<256xf32, #tpu.memory_space<vmem>>, vector<16xf32>,
        %get3A_1113 = arith.constant 16 : index
        %get3A_1114 = tpu.vector_load %arg13[%get3A_1113] {strides = array<i32>} : memref<256xf32, #tpu.memory_space<vmem>>, vector<16xf32>,
        %get3A_1115 = arith.constant 32 : index
        %get3A_1116 = tpu.vector_load %arg13[%get3A_1115] {strides = array<i32>} : memref<256xf32, #tpu.memory_space<vmem>>, vector<16xf32>,
        %get3A_1117 = arith.constant 48 : index
        %get3A_1118 = tpu.vector_load %arg13[%get3A_1117] {strides = array<i32>} : memref<256xf32, #tpu.memory_space<vmem>>, vector<16xf32>,
        %get3A_1119 = arith.constant 64 : index
        %get3A_1120 = tpu.vector_load %arg13[%get3A_1119] {strides = array<i32>} : memref<256xf32, #tpu.memory_space<vmem>>, vector<16xf32>,
        %get3A_1121 = arith.constant 80 : index
        %get3A_1122 = tpu.vector_load %arg13[%get3A_1121] {strides = array<i32>} : memref<256xf32, #tpu.memory_space<vmem>>, vector<16xf32>,
        %get3A_1123 = arith.constant 96 : index
        %get3A_1124 = tpu.vector_load %arg13[%get3A_1123] {strides = array<i32>} : memref<256xf32, #tpu.memory_space<vmem>>, vector<16xf32>,
        %get3A_1125 = arith.constant 112 : index
        %get3A_1126 = tpu.vector_load %arg13[%get3A_1125] {strides = array<i32>} : memref<256xf32, #tpu.memory_space<vmem>>, vector<16xf32>,
        %get3A_1127 = arith.constant 128 : index
        %get3A_1128 = tpu.vector_load %arg13[%get3A_1127] {strides = array<i32>} : memref<256xf32, #tpu.memory_space<vmem>>, vector<16xf32>,
        %get3A_1129 = arith.constant 144 : index
        %get3A_1130 = tpu.vector_load %arg13[%get3A_1129] {strides = array<i32>} : memref<256xf32, #tpu.memory_space<vmem>>, vector<16xf32>,
        %get3A_1131 = arith.constant 160 : index
        %get3A_1132 = tpu.vector_load %arg13[%get3A_1131] {strides = array<i32>} : memref<256xf32, #tpu.memory_space<vmem>>, vector<16xf32>,
        %get3A_1133 = arith.constant 176 : index
        %get3A_1134 = tpu.vector_load %arg13[%get3A_1133] {strides = array<i32>} : memref<256xf32, #tpu.memory_space<vmem>>, vector<16xf32>,
        %get3A_1135 = arith.constant 192 : index
        %get3A_1136 = tpu.vector_load %arg13[%get3A_1135] {strides = array<i32>} : memref<256xf32, #tpu.memory_space<vmem>>, vector<16xf32>,
        %get3A_1137 = arith.constant 208 : index
        %get3A_1138 = tpu.vector_load %arg13[%get3A_1137] {strides = array<i32>} : memref<256xf32, #tpu.memory_space<vmem>>, vector<16xf32>,
        %get3A_1139 = arith.constant 224 : index
        %get3A_1140 = tpu.vector_load %arg13[%get3A_1139] {strides = array<i32>} : memref<256xf32, #tpu.memory_space<vmem>>, vector<16xf32>,
        %get3A_1141 = arith.constant 240 : index
        %get3A_1142 = tpu.vector_load %arg13[%get3A_1141] {strides = array<i32>} : memref<256xf32, #tpu.memory_space<vmem>>, vector<16xf32>,
        %broadcast_in_dim3A_1143 = arith.constant 0 : i32
        %broadcast_in_dim3A_1144 = vector.broadcast %broadcast_in_dim3A_1143 : i32 to vector<16xi32>
        %broadcast_in_dim3A_1145 = arith.constant 1 : i32
        %broadcast_in_dim3A_1146 = vector.broadcast %broadcast_in_dim3A_1145 : i32 to vector<16xi32>
        %broadcast_in_dim3A_1147 = arith.constant 2 : i32
        %broadcast_in_dim3A_1148 = vector.broadcast %broadcast_in_dim3A_1147 : i32 to vector<16xi32>
        %broadcast_in_dim3A_1149 = arith.constant 3 : i32
        %broadcast_in_dim3A_1150 = vector.broadcast %broadcast_in_dim3A_1149 : i32 to vector<16xi32>
        %broadcast_in_dim3A_1151 = arith.constant 4 : i32
        %broadcast_in_dim3A_1152 = vector.broadcast %broadcast_in_dim3A_1151 : i32 to vector<16xi32>
        %broadcast_in_dim3A_1153 = arith.constant 5 : i32
        %broadcast_in_dim3A_1154 = vector.broadcast %broadcast_in_dim3A_1153 : i32 to vector<16xi32>
        %broadcast_in_dim3A_1155 = arith.constant 6 : i32
        %broadcast_in_dim3A_1156 = vector.broadcast %broadcast_in_dim3A_1155 : i32 to vector<16xi32>
        %broadcast_in_dim3A_1157 = arith.constant 7 : i32
        %broadcast_in_dim3A_1158 = vector.broadcast %broadcast_in_dim3A_1157 : i32 to vector<16xi32>
        %broadcast_in_dim3A_1159 = arith.constant 8 : i32
        %broadcast_in_dim3A_1160 = vector.broadcast %broadcast_in_dim3A_1159 : i32 to vector<16xi32>
        %broadcast_in_dim3A_1161 = arith.constant 9 : i32
        %broadcast_in_dim3A_1162 = vector.broadcast %broadcast_in_dim3A_1161 : i32 to vector<16xi32>
        %broadcast_in_dim3A_1163 = arith.constant 10 : i32
        %broadcast_in_dim3A_1164 = vector.broadcast %broadcast_in_dim3A_1163 : i32 to vector<16xi32>
        %broadcast_in_dim3A_1165 = arith.constant 11 : i32
        %broadcast_in_dim3A_1166 = vector.broadcast %broadcast_in_dim3A_1165 : i32 to vector<16xi32>
        %broadcast_in_dim3A_1167 = arith.constant 12 : i32
        %broadcast_in_dim3A_1168 = vector.broadcast %broadcast_in_dim3A_1167 : i32 to vector<16xi32>
        %broadcast_in_dim3A_1169 = arith.constant 13 : i32
        %broadcast_in_dim3A_1170 = vector.broadcast %broadcast_in_dim3A_1169 : i32 to vector<16xi32>
        %broadcast_in_dim3A_1171 = arith.constant 14 : i32
        %broadcast_in_dim3A_1172 = vector.broadcast %broadcast_in_dim3A_1171 : i32 to vector<16xi32>
        %broadcast_in_dim3A_1173 = arith.constant 15 : i32
        %broadcast_in_dim3A_1174 = vector.broadcast %broadcast_in_dim3A_1173 : i32 to vector<16xi32>
        %gt3A_1175 = arith.cmpf ogt, %get3A_1114, %get3A_1112 : vector<16xf32>
        %select_n3A_1176 = arith.select %gt3A_1175, %get3A_1114, %get3A_1112 : vector<16xi1>, vector<16xf32>
        %select_n3A_1177 = arith.select %gt3A_1175, %broadcast_in_dim3A_1146, %broadcast_in_dim3A_1144 : vector<16xi1>, vector<16xi32>
        %gt3A_1178 = arith.cmpf ogt, %get3A_1118, %get3A_1116 : vector<16xf32>
        %select_n3A_1179 = arith.select %gt3A_1178, %get3A_1118, %get3A_1116 : vector<16xi1>, vector<16xf32>
        %select_n3A_1180 = arith.select %gt3A_1178, %broadcast_in_dim3A_1150, %broadcast_in_dim3A_1148 : vector<16xi1>, vector<16xi32>
        %gt3A_1181 = arith.cmpf ogt, %get3A_1122, %get3A_1120 : vector<16xf32>
        %select_n3A_1182 = arith.select %gt3A_1181, %get3A_1122, %get3A_1120 : vector<16xi1>, vector<16xf32>
        %select_n3A_1183 = arith.select %gt3A_1181, %broadcast_in_dim3A_1154, %broadcast_in_dim3A_1152 : vector<16xi1>, vector<16xi32>
        %gt3A_1184 = arith.cmpf ogt, %get3A_1126, %get3A_1124 : vector<16xf32>
        %select_n3A_1185 = arith.select %gt3A_1184, %get3A_1126, %get3A_1124 : vector<16xi1>, vector<16xf32>
        %select_n3A_1186 = arith.select %gt3A_1184, %broadcast_in_dim3A_1158, %broadcast_in_dim3A_1156 : vector<16xi1>, vector<16xi32>
        %gt3A_1187 = arith.cmpf ogt, %get3A_1130, %get3A_1128 : vector<16xf32>
        %select_n3A_1188 = arith.select %gt3A_1187, %get3A_1130, %get3A_1128 : vector<16xi1>, vector<16xf32>
        %select_n3A_1189 = arith.select %gt3A_1187, %broadcast_in_dim3A_1162, %broadcast_in_dim3A_1160 : vector<16xi1>, vector<16xi32>
        %gt3A_1190 = arith.cmpf ogt, %get3A_1134, %get3A_1132 : vector<16xf32>
        %select_n3A_1191 = arith.select %gt3A_1190, %get3A_1134, %get3A_1132 : vector<16xi1>, vector<16xf32>
        %select_n3A_1192 = arith.select %gt3A_1190, %broadcast_in_dim3A_1166, %broadcast_in_dim3A_1164 : vector<16xi1>, vector<16xi32>
        %gt3A_1193 = arith.cmpf ogt, %get3A_1138, %get3A_1136 : vector<16xf32>
        %select_n3A_1194 = arith.select %gt3A_1193, %get3A_1138, %get3A_1136 : vector<16xi1>, vector<16xf32>
        %select_n3A_1195 = arith.select %gt3A_1193, %broadcast_in_dim3A_1170, %broadcast_in_dim3A_1168 : vector<16xi1>, vector<16xi32>
        %gt3A_1196 = arith.cmpf ogt, %get3A_1142, %get3A_1140 : vector<16xf32>
        %select_n3A_1197 = arith.select %gt3A_1196, %get3A_1142, %get3A_1140 : vector<16xi1>, vector<16xf32>
        %select_n3A_1198 = arith.select %gt3A_1196, %broadcast_in_dim3A_1174, %broadcast_in_dim3A_1172 : vector<16xi1>, vector<16xi32>
        %gt3A_1199 = arith.cmpf ogt, %select_n3A_1179, %select_n3A_1176 : vector<16xf32>
        %select_n3A_1200 = arith.select %gt3A_1199, %select_n3A_1179, %select_n3A_1176 : vector<16xi1>, vector<16xf32>
        %select_n3A_1201 = arith.select %gt3A_1199, %select_n3A_1180, %select_n3A_1177 : vector<16xi1>, vector<16xi32>
        %gt3A_1202 = arith.cmpf ogt, %select_n3A_1185, %select_n3A_1182 : vector<16xf32>
        %select_n3A_1203 = arith.select %gt3A_1202, %select_n3A_1185, %select_n3A_1182 : vector<16xi1>, vector<16xf32>
        %select_n3A_1204 = arith.select %gt3A_1202, %select_n3A_1186, %select_n3A_1183 : vector<16xi1>, vector<16xi32>
        %gt3A_1205 = arith.cmpf ogt, %select_n3A_1191, %select_n3A_1188 : vector<16xf32>
        %select_n3A_1206 = arith.select %gt3A_1205, %select_n3A_1191, %select_n3A_1188 : vector<16xi1>, vector<16xf32>
        %select_n3A_1207 = arith.select %gt3A_1205, %select_n3A_1192, %select_n3A_1189 : vector<16xi1>, vector<16xi32>
        %gt3A_1208 = arith.cmpf ogt, %select_n3A_1197, %select_n3A_1194 : vector<16xf32>
        %select_n3A_1209 = arith.select %gt3A_1208, %select_n3A_1197, %select_n3A_1194 : vector<16xi1>, vector<16xf32>
        %select_n3A_1210 = arith.select %gt3A_1208, %select_n3A_1198, %select_n3A_1195 : vector<16xi1>, vector<16xi32>
        %gt3A_1211 = arith.cmpf ogt, %select_n3A_1203, %select_n3A_1200 : vector<16xf32>
        %select_n3A_1212 = arith.select %gt3A_1211, %select_n3A_1203, %select_n3A_1200 : vector<16xi1>, vector<16xf32>
        %select_n3A_1213 = arith.select %gt3A_1211, %select_n3A_1204, %select_n3A_1201 : vector<16xi1>, vector<16xi32>
        %gt3A_1214 = arith.cmpf ogt, %select_n3A_1209, %select_n3A_1206 : vector<16xf32>
        %select_n3A_1215 = arith.select %gt3A_1214, %select_n3A_1209, %select_n3A_1206 : vector<16xi1>, vector<16xf32>
        %select_n3A_1216 = arith.select %gt3A_1214, %select_n3A_1210, %select_n3A_1207 : vector<16xi1>, vector<16xi32>
        %gt3A_1217 = arith.cmpf ogt, %select_n3A_1215, %select_n3A_1212 : vector<16xf32>
        %select_n3A_1218 = arith.select %gt3A_1217, %select_n3A_1215, %select_n3A_1212 : vector<16xi1>, vector<16xf32>
        %select_n3A_1219 = arith.select %gt3A_1217, %select_n3A_1216, %select_n3A_1213 : vector<16xi1>, vector<16xi32>
        %mul3A_1220 = arith.constant 16 : i32
        %mul3A_1221 = vector.broadcast %mul3A_1220 : i32 to vector<16xi32>
        %mul3A_1222 = arith.muli %select_n3A_1219, %mul3A_1221 : vector<16xi32>
        %add3A_1223 = arith.addi %mul3A_1222, %iota3A : vector<16xi32>
        %gather3A_1224 = tpu.vector_load_idx %arg14[%add3A_1223] : memref<256xi32, #tpu.memory_space<vmem>>[vector<16xi32>], vector<16xi32>,
        %mul3A_1225 = arith.constant 512 : i32
        %mul3A_1226 = vector.broadcast %mul3A_1225 : i32 to vector<16xi32>
        %mul3A_1227 = arith.muli %iota3A, %mul3A_1226 : vector<16xi32>
        %shift_right_arithmetic3A_1228 = arith.constant 7 : i32
        %shift_right_arithmetic3A_1229 = vector.broadcast %shift_right_arithmetic3A_1228 : i32 to vector<16xi32>
        %shift_right_arithmetic3A_1230 = arith.shrsi %gather3A_1224, %shift_right_arithmetic3A_1229 : vector<16xi32>
        %mul3A_1231 = arith.constant 256 : i32
        %mul3A_1232 = vector.broadcast %mul3A_1231 : i32 to vector<16xi32>
        %mul3A_1233 = arith.muli %shift_right_arithmetic3A_1230, %mul3A_1232 : vector<16xi32>
        %add3A_1234 = arith.addi %mul3A_1227, %mul3A_1233 : vector<16xi32>
        %and3A_1235 = arith.constant 127 : i32
        %and3A_1236 = vector.broadcast %and3A_1235 : i32 to vector<16xi32>
        %and3A_1237 = arith.andi %gather3A_1224, %and3A_1236 : vector<16xi32>
        %add3A_1238 = arith.addi %add3A_1234, %and3A_1237 : vector<16xi32>
        %gather3A_1239 = tpu.vector_load_idx %arg8[%add3A_1238] : memref<8200xf32, #tpu.memory_space<vmem>>[vector<16xi32>], vector<16xf32>,
        %add3A_1240 = arith.constant 128 : i32
        %add3A_1241 = vector.broadcast %add3A_1240 : i32 to vector<16xi32>
        %add3A_1242 = arith.addi %add3A_1238, %add3A_1241 : vector<16xi32>
        %gather3A_1243 = tpu.vector_load_idx %arg8[%add3A_1242] : memref<8200xf32, #tpu.memory_space<vmem>>[vector<16xi32>], vector<16xf32>,
        %mul3A_1244 = arith.constant 16 : i32
        %mul3A_1245 = vector.broadcast %mul3A_1244 : i32 to vector<16xi32>
        %mul3A_1246 = arith.muli %gather3A_1224, %mul3A_1245 : vector<16xi32>
        %add3A_1247 = arith.addi %iota3A, %gather3A_1224 : vector<16xi32>
        %and3A_1248 = arith.constant 15 : i32
        %and3A_1249 = vector.broadcast %and3A_1248 : i32 to vector<16xi32>
        %and3A_1250 = arith.andi %add3A_1247, %and3A_1249 : vector<16xi32>
        %add3A_1251 = arith.addi %mul3A_1246, %and3A_1250 : vector<16xi32>
        tpu.vector_store_idx %arg10[%add3A_1251], %broadcast_in_dim3A_1 : memref<4096xf32, #tpu.memory_space<vmem>>[vector<16xi32>], vector<16xf32>,
        %mul3A_1252 = arith.constant 16 : i32
        %mul3A_1253 = vector.broadcast %mul3A_1252 : i32 to vector<16xi32>
        %mul3A_1254 = arith.muli %mul3A_1222, %mul3A_1253 : vector<16xi32>
        %add3A_1255 = arith.addi %mul3A_1254, %add3A_13 : vector<16xi32>
        %gather3A_1256 = tpu.vector_load_idx %arg10[%add3A_1255] : memref<4096xf32, #tpu.memory_space<vmem>>[vector<16xi32>], vector<16xf32>,
        %add3A_1257 = arith.constant 0 : i32
        %add3A_1258 = vector.broadcast %add3A_1257 : i32 to vector<16xi32>
        %add3A_1259 = arith.addi %mul3A_1222, %add3A_1258 : vector<16xi32>
        %add3A_1260 = arith.addi %mul3A_1254, %add3A_22 : vector<16xi32>
        %gather3A_1261 = tpu.vector_load_idx %arg10[%add3A_1260] : memref<4096xf32, #tpu.memory_space<vmem>>[vector<16xi32>], vector<16xf32>,
        %add3A_1262 = arith.constant 1 : i32
        %add3A_1263 = vector.broadcast %add3A_1262 : i32 to vector<16xi32>
        %add3A_1264 = arith.addi %mul3A_1222, %add3A_1263 : vector<16xi32>
        %add3A_1265 = arith.addi %mul3A_1254, %add3A_31 : vector<16xi32>
        %gather3A_1266 = tpu.vector_load_idx %arg10[%add3A_1265] : memref<4096xf32, #tpu.memory_space<vmem>>[vector<16xi32>], vector<16xf32>,
        %add3A_1267 = arith.constant 2 : i32
        %add3A_1268 = vector.broadcast %add3A_1267 : i32 to vector<16xi32>
        %add3A_1269 = arith.addi %mul3A_1222, %add3A_1268 : vector<16xi32>
        %add3A_1270 = arith.addi %mul3A_1254, %add3A_40 : vector<16xi32>
        %gather3A_1271 = tpu.vector_load_idx %arg10[%add3A_1270] : memref<4096xf32, #tpu.memory_space<vmem>>[vector<16xi32>], vector<16xf32>,
        %add3A_1272 = arith.constant 3 : i32
        %add3A_1273 = vector.broadcast %add3A_1272 : i32 to vector<16xi32>
        %add3A_1274 = arith.addi %mul3A_1222, %add3A_1273 : vector<16xi32>
        %add3A_1275 = arith.addi %mul3A_1254, %add3A_49 : vector<16xi32>
        %gather3A_1276 = tpu.vector_load_idx %arg10[%add3A_1275] : memref<4096xf32, #tpu.memory_space<vmem>>[vector<16xi32>], vector<16xf32>,
        %add3A_1277 = arith.constant 4 : i32
        %add3A_1278 = vector.broadcast %add3A_1277 : i32 to vector<16xi32>
        %add3A_1279 = arith.addi %mul3A_1222, %add3A_1278 : vector<16xi32>
        %add3A_1280 = arith.addi %mul3A_1254, %add3A_58 : vector<16xi32>
        %gather3A_1281 = tpu.vector_load_idx %arg10[%add3A_1280] : memref<4096xf32, #tpu.memory_space<vmem>>[vector<16xi32>], vector<16xf32>,
        %add3A_1282 = arith.constant 5 : i32
        %add3A_1283 = vector.broadcast %add3A_1282 : i32 to vector<16xi32>
        %add3A_1284 = arith.addi %mul3A_1222, %add3A_1283 : vector<16xi32>
        %add3A_1285 = arith.addi %mul3A_1254, %add3A_67 : vector<16xi32>
        %gather3A_1286 = tpu.vector_load_idx %arg10[%add3A_1285] : memref<4096xf32, #tpu.memory_space<vmem>>[vector<16xi32>], vector<16xf32>,
        %add3A_1287 = arith.constant 6 : i32
        %add3A_1288 = vector.broadcast %add3A_1287 : i32 to vector<16xi32>
        %add3A_1289 = arith.addi %mul3A_1222, %add3A_1288 : vector<16xi32>
        %add3A_1290 = arith.addi %mul3A_1254, %add3A_76 : vector<16xi32>
        %gather3A_1291 = tpu.vector_load_idx %arg10[%add3A_1290] : memref<4096xf32, #tpu.memory_space<vmem>>[vector<16xi32>], vector<16xf32>,
        %add3A_1292 = arith.constant 7 : i32
        %add3A_1293 = vector.broadcast %add3A_1292 : i32 to vector<16xi32>
        %add3A_1294 = arith.addi %mul3A_1222, %add3A_1293 : vector<16xi32>
        %add3A_1295 = arith.addi %mul3A_1254, %add3A_85 : vector<16xi32>
        %gather3A_1296 = tpu.vector_load_idx %arg10[%add3A_1295] : memref<4096xf32, #tpu.memory_space<vmem>>[vector<16xi32>], vector<16xf32>,
        %add3A_1297 = arith.constant 8 : i32
        %add3A_1298 = vector.broadcast %add3A_1297 : i32 to vector<16xi32>
        %add3A_1299 = arith.addi %mul3A_1222, %add3A_1298 : vector<16xi32>
        %add3A_1300 = arith.addi %mul3A_1254, %add3A_94 : vector<16xi32>
        %gather3A_1301 = tpu.vector_load_idx %arg10[%add3A_1300] : memref<4096xf32, #tpu.memory_space<vmem>>[vector<16xi32>], vector<16xf32>,
        %add3A_1302 = arith.constant 9 : i32
        %add3A_1303 = vector.broadcast %add3A_1302 : i32 to vector<16xi32>
        %add3A_1304 = arith.addi %mul3A_1222, %add3A_1303 : vector<16xi32>
        %add3A_1305 = arith.addi %mul3A_1254, %add3A_103 : vector<16xi32>
        %gather3A_1306 = tpu.vector_load_idx %arg10[%add3A_1305] : memref<4096xf32, #tpu.memory_space<vmem>>[vector<16xi32>], vector<16xf32>,
        %add3A_1307 = arith.constant 10 : i32
        %add3A_1308 = vector.broadcast %add3A_1307 : i32 to vector<16xi32>
        %add3A_1309 = arith.addi %mul3A_1222, %add3A_1308 : vector<16xi32>
        %add3A_1310 = arith.addi %mul3A_1254, %add3A_112 : vector<16xi32>
        %gather3A_1311 = tpu.vector_load_idx %arg10[%add3A_1310] : memref<4096xf32, #tpu.memory_space<vmem>>[vector<16xi32>], vector<16xf32>,
        %add3A_1312 = arith.constant 11 : i32
        %add3A_1313 = vector.broadcast %add3A_1312 : i32 to vector<16xi32>
        %add3A_1314 = arith.addi %mul3A_1222, %add3A_1313 : vector<16xi32>
        %add3A_1315 = arith.addi %mul3A_1254, %add3A_121 : vector<16xi32>
        %gather3A_1316 = tpu.vector_load_idx %arg10[%add3A_1315] : memref<4096xf32, #tpu.memory_space<vmem>>[vector<16xi32>], vector<16xf32>,
        %add3A_1317 = arith.constant 12 : i32
        %add3A_1318 = vector.broadcast %add3A_1317 : i32 to vector<16xi32>
        %add3A_1319 = arith.addi %mul3A_1222, %add3A_1318 : vector<16xi32>
        %add3A_1320 = arith.addi %mul3A_1254, %add3A_130 : vector<16xi32>
        %gather3A_1321 = tpu.vector_load_idx %arg10[%add3A_1320] : memref<4096xf32, #tpu.memory_space<vmem>>[vector<16xi32>], vector<16xf32>,
        %add3A_1322 = arith.constant 13 : i32
        %add3A_1323 = vector.broadcast %add3A_1322 : i32 to vector<16xi32>
        %add3A_1324 = arith.addi %mul3A_1222, %add3A_1323 : vector<16xi32>
        %add3A_1325 = arith.addi %mul3A_1254, %add3A_139 : vector<16xi32>
        %gather3A_1326 = tpu.vector_load_idx %arg10[%add3A_1325] : memref<4096xf32, #tpu.memory_space<vmem>>[vector<16xi32>], vector<16xf32>,
        %add3A_1327 = arith.constant 14 : i32
        %add3A_1328 = vector.broadcast %add3A_1327 : i32 to vector<16xi32>
        %add3A_1329 = arith.addi %mul3A_1222, %add3A_1328 : vector<16xi32>
        %add3A_1330 = arith.addi %mul3A_1254, %add3A_148 : vector<16xi32>
        %gather3A_1331 = tpu.vector_load_idx %arg10[%add3A_1330] : memref<4096xf32, #tpu.memory_space<vmem>>[vector<16xi32>], vector<16xf32>,
        %add3A_1332 = arith.constant 15 : i32
        %add3A_1333 = vector.broadcast %add3A_1332 : i32 to vector<16xi32>
        %add3A_1334 = arith.addi %mul3A_1222, %add3A_1333 : vector<16xi32>
        %gt3A_1335 = arith.cmpf ogt, %gather3A_1261, %gather3A_1256 : vector<16xf32>
        %select_n3A_1336 = arith.select %gt3A_1335, %gather3A_1261, %gather3A_1256 : vector<16xi1>, vector<16xf32>
        %select_n3A_1337 = arith.select %gt3A_1335, %add3A_1264, %add3A_1259 : vector<16xi1>, vector<16xi32>
        %gt3A_1338 = arith.cmpf ogt, %gather3A_1271, %gather3A_1266 : vector<16xf32>
        %select_n3A_1339 = arith.select %gt3A_1338, %gather3A_1271, %gather3A_1266 : vector<16xi1>, vector<16xf32>
        %select_n3A_1340 = arith.select %gt3A_1338, %add3A_1274, %add3A_1269 : vector<16xi1>, vector<16xi32>
        %gt3A_1341 = arith.cmpf ogt, %gather3A_1281, %gather3A_1276 : vector<16xf32>
        %select_n3A_1342 = arith.select %gt3A_1341, %gather3A_1281, %gather3A_1276 : vector<16xi1>, vector<16xf32>
        %select_n3A_1343 = arith.select %gt3A_1341, %add3A_1284, %add3A_1279 : vector<16xi1>, vector<16xi32>
        %gt3A_1344 = arith.cmpf ogt, %gather3A_1291, %gather3A_1286 : vector<16xf32>
        %select_n3A_1345 = arith.select %gt3A_1344, %gather3A_1291, %gather3A_1286 : vector<16xi1>, vector<16xf32>
        %select_n3A_1346 = arith.select %gt3A_1344, %add3A_1294, %add3A_1289 : vector<16xi1>, vector<16xi32>
        %gt3A_1347 = arith.cmpf ogt, %gather3A_1301, %gather3A_1296 : vector<16xf32>
        %select_n3A_1348 = arith.select %gt3A_1347, %gather3A_1301, %gather3A_1296 : vector<16xi1>, vector<16xf32>
        %select_n3A_1349 = arith.select %gt3A_1347, %add3A_1304, %add3A_1299 : vector<16xi1>, vector<16xi32>
        %gt3A_1350 = arith.cmpf ogt, %gather3A_1311, %gather3A_1306 : vector<16xf32>
        %select_n3A_1351 = arith.select %gt3A_1350, %gather3A_1311, %gather3A_1306 : vector<16xi1>, vector<16xf32>
        %select_n3A_1352 = arith.select %gt3A_1350, %add3A_1314, %add3A_1309 : vector<16xi1>, vector<16xi32>
        %gt3A_1353 = arith.cmpf ogt, %gather3A_1321, %gather3A_1316 : vector<16xf32>
        %select_n3A_1354 = arith.select %gt3A_1353, %gather3A_1321, %gather3A_1316 : vector<16xi1>, vector<16xf32>
        %select_n3A_1355 = arith.select %gt3A_1353, %add3A_1324, %add3A_1319 : vector<16xi1>, vector<16xi32>
        %gt3A_1356 = arith.cmpf ogt, %gather3A_1331, %gather3A_1326 : vector<16xf32>
        %select_n3A_1357 = arith.select %gt3A_1356, %gather3A_1331, %gather3A_1326 : vector<16xi1>, vector<16xf32>
        %select_n3A_1358 = arith.select %gt3A_1356, %add3A_1334, %add3A_1329 : vector<16xi1>, vector<16xi32>
        %gt3A_1359 = arith.cmpf ogt, %select_n3A_1339, %select_n3A_1336 : vector<16xf32>
        %select_n3A_1360 = arith.select %gt3A_1359, %select_n3A_1339, %select_n3A_1336 : vector<16xi1>, vector<16xf32>
        %select_n3A_1361 = arith.select %gt3A_1359, %select_n3A_1340, %select_n3A_1337 : vector<16xi1>, vector<16xi32>
        %gt3A_1362 = arith.cmpf ogt, %select_n3A_1345, %select_n3A_1342 : vector<16xf32>
        %select_n3A_1363 = arith.select %gt3A_1362, %select_n3A_1345, %select_n3A_1342 : vector<16xi1>, vector<16xf32>
        %select_n3A_1364 = arith.select %gt3A_1362, %select_n3A_1346, %select_n3A_1343 : vector<16xi1>, vector<16xi32>
        %gt3A_1365 = arith.cmpf ogt, %select_n3A_1351, %select_n3A_1348 : vector<16xf32>
        %select_n3A_1366 = arith.select %gt3A_1365, %select_n3A_1351, %select_n3A_1348 : vector<16xi1>, vector<16xf32>
        %select_n3A_1367 = arith.select %gt3A_1365, %select_n3A_1352, %select_n3A_1349 : vector<16xi1>, vector<16xi32>
        %gt3A_1368 = arith.cmpf ogt, %select_n3A_1357, %select_n3A_1354 : vector<16xf32>
        %select_n3A_1369 = arith.select %gt3A_1368, %select_n3A_1357, %select_n3A_1354 : vector<16xi1>, vector<16xf32>
        %select_n3A_1370 = arith.select %gt3A_1368, %select_n3A_1358, %select_n3A_1355 : vector<16xi1>, vector<16xi32>
        %gt3A_1371 = arith.cmpf ogt, %select_n3A_1363, %select_n3A_1360 : vector<16xf32>
        %select_n3A_1372 = arith.select %gt3A_1371, %select_n3A_1363, %select_n3A_1360 : vector<16xi1>, vector<16xf32>
        %select_n3A_1373 = arith.select %gt3A_1371, %select_n3A_1364, %select_n3A_1361 : vector<16xi1>, vector<16xi32>
        %gt3A_1374 = arith.cmpf ogt, %select_n3A_1369, %select_n3A_1366 : vector<16xf32>
        %select_n3A_1375 = arith.select %gt3A_1374, %select_n3A_1369, %select_n3A_1366 : vector<16xi1>, vector<16xf32>
        %select_n3A_1376 = arith.select %gt3A_1374, %select_n3A_1370, %select_n3A_1367 : vector<16xi1>, vector<16xi32>
        %gt3A_1377 = arith.cmpf ogt, %select_n3A_1375, %select_n3A_1372 : vector<16xf32>
        %select_n3A_1378 = arith.select %gt3A_1377, %select_n3A_1375, %select_n3A_1372 : vector<16xi1>, vector<16xf32>
        %select_n3A_1379 = arith.select %gt3A_1377, %select_n3A_1376, %select_n3A_1373 : vector<16xi1>, vector<16xi32>
        %add3A_1380 = arith.addi %mul3A_1222, %iota3A : vector<16xi32>
        tpu.vector_store_idx %arg13[%add3A_1380], %select_n3A_1378 : memref<256xf32, #tpu.memory_space<vmem>>[vector<16xi32>], vector<16xf32>,
        %add3A_1381 = arith.addi %mul3A_1222, %iota3A : vector<16xi32>
        tpu.vector_store_idx %arg14[%add3A_1381], %select_n3A_1379 : memref<256xi32, #tpu.memory_space<vmem>>[vector<16xi32>], vector<16xi32>,
        %sub3A_1382 = arith.subf %gather3A_968, %gather3A_1239 : vector<16xf32>
        %sub3A_1383 = arith.subf %gather3A_972, %gather3A_1243 : vector<16xf32>
        %mul3A_1384 = arith.mulf %sub3A_1382, %sub3A_1382 : vector<16xf32>
        %add3A_1385 = arith.addf %scan3A_839, %mul3A_1384 : vector<16xf32>
        %mul3A_1386 = arith.mulf %sub3A_1383, %sub3A_1383 : vector<16xf32>
        %add3A_1387 = arith.addf %add3A_1385, %mul3A_1386 : vector<16xf32>
        scf.yield %add3A_1387 : vector<16xf32>
      }
      %scan3A_565 = arith.constant 9 : i32
      %get3A_566 = arith.constant 0 : index
      %get3A_567 = tpu.vector_load %arg11[%get3A_566] {strides = array<i32>} : memref<256xf32, #tpu.memory_space<vmem>>, vector<16xf32>,
      %get3A_568 = arith.constant 16 : index
      %get3A_569 = tpu.vector_load %arg11[%get3A_568] {strides = array<i32>} : memref<256xf32, #tpu.memory_space<vmem>>, vector<16xf32>,
      %get3A_570 = arith.constant 32 : index
      %get3A_571 = tpu.vector_load %arg11[%get3A_570] {strides = array<i32>} : memref<256xf32, #tpu.memory_space<vmem>>, vector<16xf32>,
      %get3A_572 = arith.constant 48 : index
      %get3A_573 = tpu.vector_load %arg11[%get3A_572] {strides = array<i32>} : memref<256xf32, #tpu.memory_space<vmem>>, vector<16xf32>,
      %get3A_574 = arith.constant 64 : index
      %get3A_575 = tpu.vector_load %arg11[%get3A_574] {strides = array<i32>} : memref<256xf32, #tpu.memory_space<vmem>>, vector<16xf32>,
      %get3A_576 = arith.constant 80 : index
      %get3A_577 = tpu.vector_load %arg11[%get3A_576] {strides = array<i32>} : memref<256xf32, #tpu.memory_space<vmem>>, vector<16xf32>,
      %get3A_578 = arith.constant 96 : index
      %get3A_579 = tpu.vector_load %arg11[%get3A_578] {strides = array<i32>} : memref<256xf32, #tpu.memory_space<vmem>>, vector<16xf32>,
      %get3A_580 = arith.constant 112 : index
      %get3A_581 = tpu.vector_load %arg11[%get3A_580] {strides = array<i32>} : memref<256xf32, #tpu.memory_space<vmem>>, vector<16xf32>,
      %get3A_582 = arith.constant 128 : index
      %get3A_583 = tpu.vector_load %arg11[%get3A_582] {strides = array<i32>} : memref<256xf32, #tpu.memory_space<vmem>>, vector<16xf32>,
      %get3A_584 = arith.constant 144 : index
      %get3A_585 = tpu.vector_load %arg11[%get3A_584] {strides = array<i32>} : memref<256xf32, #tpu.memory_space<vmem>>, vector<16xf32>,
      %get3A_586 = arith.constant 160 : index
      %get3A_587 = tpu.vector_load %arg11[%get3A_586] {strides = array<i32>} : memref<256xf32, #tpu.memory_space<vmem>>, vector<16xf32>,
      %get3A_588 = arith.constant 176 : index
      %get3A_589 = tpu.vector_load %arg11[%get3A_588] {strides = array<i32>} : memref<256xf32, #tpu.memory_space<vmem>>, vector<16xf32>,
      %get3A_590 = arith.constant 192 : index
      %get3A_591 = tpu.vector_load %arg11[%get3A_590] {strides = array<i32>} : memref<256xf32, #tpu.memory_space<vmem>>, vector<16xf32>,
      %get3A_592 = arith.constant 208 : index
      %get3A_593 = tpu.vector_load %arg11[%get3A_592] {strides = array<i32>} : memref<256xf32, #tpu.memory_space<vmem>>, vector<16xf32>,
      %get3A_594 = arith.constant 224 : index
      %get3A_595 = tpu.vector_load %arg11[%get3A_594] {strides = array<i32>} : memref<256xf32, #tpu.memory_space<vmem>>, vector<16xf32>,
      %get3A_596 = arith.constant 240 : index
      %get3A_597 = tpu.vector_load %arg11[%get3A_596] {strides = array<i32>} : memref<256xf32, #tpu.memory_space<vmem>>, vector<16xf32>,
      %broadcast_in_dim3A_598 = arith.constant 0 : i32
      %broadcast_in_dim3A_599 = vector.broadcast %broadcast_in_dim3A_598 : i32 to vector<16xi32>
      %broadcast_in_dim3A_600 = arith.constant 1 : i32
      %broadcast_in_dim3A_601 = vector.broadcast %broadcast_in_dim3A_600 : i32 to vector<16xi32>
      %broadcast_in_dim3A_602 = arith.constant 2 : i32
      %broadcast_in_dim3A_603 = vector.broadcast %broadcast_in_dim3A_602 : i32 to vector<16xi32>
      %broadcast_in_dim3A_604 = arith.constant 3 : i32
      %broadcast_in_dim3A_605 = vector.broadcast %broadcast_in_dim3A_604 : i32 to vector<16xi32>
      %broadcast_in_dim3A_606 = arith.constant 4 : i32
      %broadcast_in_dim3A_607 = vector.broadcast %broadcast_in_dim3A_606 : i32 to vector<16xi32>
      %broadcast_in_dim3A_608 = arith.constant 5 : i32
      %broadcast_in_dim3A_609 = vector.broadcast %broadcast_in_dim3A_608 : i32 to vector<16xi32>
      %broadcast_in_dim3A_610 = arith.constant 6 : i32
      %broadcast_in_dim3A_611 = vector.broadcast %broadcast_in_dim3A_610 : i32 to vector<16xi32>
      %broadcast_in_dim3A_612 = arith.constant 7 : i32
      %broadcast_in_dim3A_613 = vector.broadcast %broadcast_in_dim3A_612 : i32 to vector<16xi32>
      %broadcast_in_dim3A_614 = arith.constant 8 : i32
      %broadcast_in_dim3A_615 = vector.broadcast %broadcast_in_dim3A_614 : i32 to vector<16xi32>
      %broadcast_in_dim3A_616 = arith.constant 9 : i32
      %broadcast_in_dim3A_617 = vector.broadcast %broadcast_in_dim3A_616 : i32 to vector<16xi32>
      %broadcast_in_dim3A_618 = arith.constant 10 : i32
      %broadcast_in_dim3A_619 = vector.broadcast %broadcast_in_dim3A_618 : i32 to vector<16xi32>
      %broadcast_in_dim3A_620 = arith.constant 11 : i32
      %broadcast_in_dim3A_621 = vector.broadcast %broadcast_in_dim3A_620 : i32 to vector<16xi32>
      %broadcast_in_dim3A_622 = arith.constant 12 : i32
      %broadcast_in_dim3A_623 = vector.broadcast %broadcast_in_dim3A_622 : i32 to vector<16xi32>
      %broadcast_in_dim3A_624 = arith.constant 13 : i32
      %broadcast_in_dim3A_625 = vector.broadcast %broadcast_in_dim3A_624 : i32 to vector<16xi32>
      %broadcast_in_dim3A_626 = arith.constant 14 : i32
      %broadcast_in_dim3A_627 = vector.broadcast %broadcast_in_dim3A_626 : i32 to vector<16xi32>
      %broadcast_in_dim3A_628 = arith.constant 15 : i32
      %broadcast_in_dim3A_629 = vector.broadcast %broadcast_in_dim3A_628 : i32 to vector<16xi32>
      %gt3A_630 = arith.cmpf ogt, %get3A_569, %get3A_567 : vector<16xf32>
      %select_n3A_631 = arith.select %gt3A_630, %get3A_569, %get3A_567 : vector<16xi1>, vector<16xf32>
      %select_n3A_632 = arith.select %gt3A_630, %broadcast_in_dim3A_601, %broadcast_in_dim3A_599 : vector<16xi1>, vector<16xi32>
      %gt3A_633 = arith.cmpf ogt, %get3A_573, %get3A_571 : vector<16xf32>
      %select_n3A_634 = arith.select %gt3A_633, %get3A_573, %get3A_571 : vector<16xi1>, vector<16xf32>
      %select_n3A_635 = arith.select %gt3A_633, %broadcast_in_dim3A_605, %broadcast_in_dim3A_603 : vector<16xi1>, vector<16xi32>
      %gt3A_636 = arith.cmpf ogt, %get3A_577, %get3A_575 : vector<16xf32>
      %select_n3A_637 = arith.select %gt3A_636, %get3A_577, %get3A_575 : vector<16xi1>, vector<16xf32>
      %select_n3A_638 = arith.select %gt3A_636, %broadcast_in_dim3A_609, %broadcast_in_dim3A_607 : vector<16xi1>, vector<16xi32>
      %gt3A_639 = arith.cmpf ogt, %get3A_581, %get3A_579 : vector<16xf32>
      %select_n3A_640 = arith.select %gt3A_639, %get3A_581, %get3A_579 : vector<16xi1>, vector<16xf32>
      %select_n3A_641 = arith.select %gt3A_639, %broadcast_in_dim3A_613, %broadcast_in_dim3A_611 : vector<16xi1>, vector<16xi32>
      %gt3A_642 = arith.cmpf ogt, %get3A_585, %get3A_583 : vector<16xf32>
      %select_n3A_643 = arith.select %gt3A_642, %get3A_585, %get3A_583 : vector<16xi1>, vector<16xf32>
      %select_n3A_644 = arith.select %gt3A_642, %broadcast_in_dim3A_617, %broadcast_in_dim3A_615 : vector<16xi1>, vector<16xi32>
      %gt3A_645 = arith.cmpf ogt, %get3A_589, %get3A_587 : vector<16xf32>
      %select_n3A_646 = arith.select %gt3A_645, %get3A_589, %get3A_587 : vector<16xi1>, vector<16xf32>
      %select_n3A_647 = arith.select %gt3A_645, %broadcast_in_dim3A_621, %broadcast_in_dim3A_619 : vector<16xi1>, vector<16xi32>
      %gt3A_648 = arith.cmpf ogt, %get3A_593, %get3A_591 : vector<16xf32>
      %select_n3A_649 = arith.select %gt3A_648, %get3A_593, %get3A_591 : vector<16xi1>, vector<16xf32>
      %select_n3A_650 = arith.select %gt3A_648, %broadcast_in_dim3A_625, %broadcast_in_dim3A_623 : vector<16xi1>, vector<16xi32>
      %gt3A_651 = arith.cmpf ogt, %get3A_597, %get3A_595 : vector<16xf32>
      %select_n3A_652 = arith.select %gt3A_651, %get3A_597, %get3A_595 : vector<16xi1>, vector<16xf32>
      %select_n3A_653 = arith.select %gt3A_651, %broadcast_in_dim3A_629, %broadcast_in_dim3A_627 : vector<16xi1>, vector<16xi32>
      %gt3A_654 = arith.cmpf ogt, %select_n3A_634, %select_n3A_631 : vector<16xf32>
      %select_n3A_655 = arith.select %gt3A_654, %select_n3A_634, %select_n3A_631 : vector<16xi1>, vector<16xf32>
      %select_n3A_656 = arith.select %gt3A_654, %select_n3A_635, %select_n3A_632 : vector<16xi1>, vector<16xi32>
      %gt3A_657 = arith.cmpf ogt, %select_n3A_640, %select_n3A_637 : vector<16xf32>
      %select_n3A_658 = arith.select %gt3A_657, %select_n3A_640, %select_n3A_637 : vector<16xi1>, vector<16xf32>
      %select_n3A_659 = arith.select %gt3A_657, %select_n3A_641, %select_n3A_638 : vector<16xi1>, vector<16xi32>
      %gt3A_660 = arith.cmpf ogt, %select_n3A_646, %select_n3A_643 : vector<16xf32>
      %select_n3A_661 = arith.select %gt3A_660, %select_n3A_646, %select_n3A_643 : vector<16xi1>, vector<16xf32>
      %select_n3A_662 = arith.select %gt3A_660, %select_n3A_647, %select_n3A_644 : vector<16xi1>, vector<16xi32>
      %gt3A_663 = arith.cmpf ogt, %select_n3A_652, %select_n3A_649 : vector<16xf32>
      %select_n3A_664 = arith.select %gt3A_663, %select_n3A_652, %select_n3A_649 : vector<16xi1>, vector<16xf32>
      %select_n3A_665 = arith.select %gt3A_663, %select_n3A_653, %select_n3A_650 : vector<16xi1>, vector<16xi32>
      %gt3A_666 = arith.cmpf ogt, %select_n3A_658, %select_n3A_655 : vector<16xf32>
      %select_n3A_667 = arith.select %gt3A_666, %select_n3A_658, %select_n3A_655 : vector<16xi1>, vector<16xf32>
      %select_n3A_668 = arith.select %gt3A_666, %select_n3A_659, %select_n3A_656 : vector<16xi1>, vector<16xi32>
      %gt3A_669 = arith.cmpf ogt, %select_n3A_664, %select_n3A_661 : vector<16xf32>
      %select_n3A_670 = arith.select %gt3A_669, %select_n3A_664, %select_n3A_661 : vector<16xi1>, vector<16xf32>
      %select_n3A_671 = arith.select %gt3A_669, %select_n3A_665, %select_n3A_662 : vector<16xi1>, vector<16xi32>
      %gt3A_672 = arith.cmpf ogt, %select_n3A_670, %select_n3A_667 : vector<16xf32>
      %select_n3A_673 = arith.select %gt3A_672, %select_n3A_670, %select_n3A_667 : vector<16xi1>, vector<16xf32>
      %select_n3A_674 = arith.select %gt3A_672, %select_n3A_671, %select_n3A_668 : vector<16xi1>, vector<16xi32>
      %mul3A_675 = arith.constant 16 : i32
      %mul3A_676 = vector.broadcast %mul3A_675 : i32 to vector<16xi32>
      %mul3A_677 = arith.muli %select_n3A_674, %mul3A_676 : vector<16xi32>
      %add3A_678 = arith.addi %mul3A_677, %iota3A : vector<16xi32>
      %gather3A_679 = tpu.vector_load_idx %arg12[%add3A_678] : memref<256xi32, #tpu.memory_space<vmem>>[vector<16xi32>], vector<16xi32>,
      %mul3A_680 = arith.constant 512 : i32
      %mul3A_681 = vector.broadcast %mul3A_680 : i32 to vector<16xi32>
      %mul3A_682 = arith.muli %iota3A, %mul3A_681 : vector<16xi32>
      %shift_right_arithmetic3A_683 = arith.constant 7 : i32
      %shift_right_arithmetic3A_684 = vector.broadcast %shift_right_arithmetic3A_683 : i32 to vector<16xi32>
      %shift_right_arithmetic3A_685 = arith.shrsi %gather3A_679, %shift_right_arithmetic3A_684 : vector<16xi32>
      %mul3A_686 = arith.constant 256 : i32
      %mul3A_687 = vector.broadcast %mul3A_686 : i32 to vector<16xi32>
      %mul3A_688 = arith.muli %shift_right_arithmetic3A_685, %mul3A_687 : vector<16xi32>
      %add3A_689 = arith.addi %mul3A_682, %mul3A_688 : vector<16xi32>
      %and3A_690 = arith.constant 127 : i32
      %and3A_691 = vector.broadcast %and3A_690 : i32 to vector<16xi32>
      %and3A_692 = arith.andi %gather3A_679, %and3A_691 : vector<16xi32>
      %add3A_693 = arith.addi %add3A_689, %and3A_692 : vector<16xi32>
      %gather3A_694 = tpu.vector_load_idx %arg7[%add3A_693] : memref<8200xf32, #tpu.memory_space<vmem>>[vector<16xi32>], vector<16xf32>,
      %add3A_695 = arith.constant 128 : i32
      %add3A_696 = vector.broadcast %add3A_695 : i32 to vector<16xi32>
      %add3A_697 = arith.addi %add3A_693, %add3A_696 : vector<16xi32>
      %gather3A_698 = tpu.vector_load_idx %arg7[%add3A_697] : memref<8200xf32, #tpu.memory_space<vmem>>[vector<16xi32>], vector<16xf32>,
      %get3A_699 = arith.constant 0 : index
      %get3A_700 = tpu.vector_load %arg13[%get3A_699] {strides = array<i32>} : memref<256xf32, #tpu.memory_space<vmem>>, vector<16xf32>,
      %get3A_701 = arith.constant 16 : index
      %get3A_702 = tpu.vector_load %arg13[%get3A_701] {strides = array<i32>} : memref<256xf32, #tpu.memory_space<vmem>>, vector<16xf32>,
      %get3A_703 = arith.constant 32 : index
      %get3A_704 = tpu.vector_load %arg13[%get3A_703] {strides = array<i32>} : memref<256xf32, #tpu.memory_space<vmem>>, vector<16xf32>,
      %get3A_705 = arith.constant 48 : index
      %get3A_706 = tpu.vector_load %arg13[%get3A_705] {strides = array<i32>} : memref<256xf32, #tpu.memory_space<vmem>>, vector<16xf32>,
      %get3A_707 = arith.constant 64 : index
      %get3A_708 = tpu.vector_load %arg13[%get3A_707] {strides = array<i32>} : memref<256xf32, #tpu.memory_space<vmem>>, vector<16xf32>,
      %get3A_709 = arith.constant 80 : index
      %get3A_710 = tpu.vector_load %arg13[%get3A_709] {strides = array<i32>} : memref<256xf32, #tpu.memory_space<vmem>>, vector<16xf32>,
      %get3A_711 = arith.constant 96 : index
      %get3A_712 = tpu.vector_load %arg13[%get3A_711] {strides = array<i32>} : memref<256xf32, #tpu.memory_space<vmem>>, vector<16xf32>,
      %get3A_713 = arith.constant 112 : index
      %get3A_714 = tpu.vector_load %arg13[%get3A_713] {strides = array<i32>} : memref<256xf32, #tpu.memory_space<vmem>>, vector<16xf32>,
      %get3A_715 = arith.constant 128 : index
      %get3A_716 = tpu.vector_load %arg13[%get3A_715] {strides = array<i32>} : memref<256xf32, #tpu.memory_space<vmem>>, vector<16xf32>,
      %get3A_717 = arith.constant 144 : index
      %get3A_718 = tpu.vector_load %arg13[%get3A_717] {strides = array<i32>} : memref<256xf32, #tpu.memory_space<vmem>>, vector<16xf32>,
      %get3A_719 = arith.constant 160 : index
      %get3A_720 = tpu.vector_load %arg13[%get3A_719] {strides = array<i32>} : memref<256xf32, #tpu.memory_space<vmem>>, vector<16xf32>,
      %get3A_721 = arith.constant 176 : index
      %get3A_722 = tpu.vector_load %arg13[%get3A_721] {strides = array<i32>} : memref<256xf32, #tpu.memory_space<vmem>>, vector<16xf32>,
      %get3A_723 = arith.constant 192 : index
      %get3A_724 = tpu.vector_load %arg13[%get3A_723] {strides = array<i32>} : memref<256xf32, #tpu.memory_space<vmem>>, vector<16xf32>,
      %get3A_725 = arith.constant 208 : index
      %get3A_726 = tpu.vector_load %arg13[%get3A_725] {strides = array<i32>} : memref<256xf32, #tpu.memory_space<vmem>>, vector<16xf32>,
      %get3A_727 = arith.constant 224 : index
      %get3A_728 = tpu.vector_load %arg13[%get3A_727] {strides = array<i32>} : memref<256xf32, #tpu.memory_space<vmem>>, vector<16xf32>,
      %get3A_729 = arith.constant 240 : index
      %get3A_730 = tpu.vector_load %arg13[%get3A_729] {strides = array<i32>} : memref<256xf32, #tpu.memory_space<vmem>>, vector<16xf32>,
      %broadcast_in_dim3A_731 = arith.constant 0 : i32
      %broadcast_in_dim3A_732 = vector.broadcast %broadcast_in_dim3A_731 : i32 to vector<16xi32>
      %broadcast_in_dim3A_733 = arith.constant 1 : i32
      %broadcast_in_dim3A_734 = vector.broadcast %broadcast_in_dim3A_733 : i32 to vector<16xi32>
      %broadcast_in_dim3A_735 = arith.constant 2 : i32
      %broadcast_in_dim3A_736 = vector.broadcast %broadcast_in_dim3A_735 : i32 to vector<16xi32>
      %broadcast_in_dim3A_737 = arith.constant 3 : i32
      %broadcast_in_dim3A_738 = vector.broadcast %broadcast_in_dim3A_737 : i32 to vector<16xi32>
      %broadcast_in_dim3A_739 = arith.constant 4 : i32
      %broadcast_in_dim3A_740 = vector.broadcast %broadcast_in_dim3A_739 : i32 to vector<16xi32>
      %broadcast_in_dim3A_741 = arith.constant 5 : i32
      %broadcast_in_dim3A_742 = vector.broadcast %broadcast_in_dim3A_741 : i32 to vector<16xi32>
      %broadcast_in_dim3A_743 = arith.constant 6 : i32
      %broadcast_in_dim3A_744 = vector.broadcast %broadcast_in_dim3A_743 : i32 to vector<16xi32>
      %broadcast_in_dim3A_745 = arith.constant 7 : i32
      %broadcast_in_dim3A_746 = vector.broadcast %broadcast_in_dim3A_745 : i32 to vector<16xi32>
      %broadcast_in_dim3A_747 = arith.constant 8 : i32
      %broadcast_in_dim3A_748 = vector.broadcast %broadcast_in_dim3A_747 : i32 to vector<16xi32>
      %broadcast_in_dim3A_749 = arith.constant 9 : i32
      %broadcast_in_dim3A_750 = vector.broadcast %broadcast_in_dim3A_749 : i32 to vector<16xi32>
      %broadcast_in_dim3A_751 = arith.constant 10 : i32
      %broadcast_in_dim3A_752 = vector.broadcast %broadcast_in_dim3A_751 : i32 to vector<16xi32>
      %broadcast_in_dim3A_753 = arith.constant 11 : i32
      %broadcast_in_dim3A_754 = vector.broadcast %broadcast_in_dim3A_753 : i32 to vector<16xi32>
      %broadcast_in_dim3A_755 = arith.constant 12 : i32
      %broadcast_in_dim3A_756 = vector.broadcast %broadcast_in_dim3A_755 : i32 to vector<16xi32>
      %broadcast_in_dim3A_757 = arith.constant 13 : i32
      %broadcast_in_dim3A_758 = vector.broadcast %broadcast_in_dim3A_757 : i32 to vector<16xi32>
      %broadcast_in_dim3A_759 = arith.constant 14 : i32
      %broadcast_in_dim3A_760 = vector.broadcast %broadcast_in_dim3A_759 : i32 to vector<16xi32>
      %broadcast_in_dim3A_761 = arith.constant 15 : i32
      %broadcast_in_dim3A_762 = vector.broadcast %broadcast_in_dim3A_761 : i32 to vector<16xi32>
      %gt3A_763 = arith.cmpf ogt, %get3A_702, %get3A_700 : vector<16xf32>
      %select_n3A_764 = arith.select %gt3A_763, %get3A_702, %get3A_700 : vector<16xi1>, vector<16xf32>
      %select_n3A_765 = arith.select %gt3A_763, %broadcast_in_dim3A_734, %broadcast_in_dim3A_732 : vector<16xi1>, vector<16xi32>
      %gt3A_766 = arith.cmpf ogt, %get3A_706, %get3A_704 : vector<16xf32>
      %select_n3A_767 = arith.select %gt3A_766, %get3A_706, %get3A_704 : vector<16xi1>, vector<16xf32>
      %select_n3A_768 = arith.select %gt3A_766, %broadcast_in_dim3A_738, %broadcast_in_dim3A_736 : vector<16xi1>, vector<16xi32>
      %gt3A_769 = arith.cmpf ogt, %get3A_710, %get3A_708 : vector<16xf32>
      %select_n3A_770 = arith.select %gt3A_769, %get3A_710, %get3A_708 : vector<16xi1>, vector<16xf32>
      %select_n3A_771 = arith.select %gt3A_769, %broadcast_in_dim3A_742, %broadcast_in_dim3A_740 : vector<16xi1>, vector<16xi32>
      %gt3A_772 = arith.cmpf ogt, %get3A_714, %get3A_712 : vector<16xf32>
      %select_n3A_773 = arith.select %gt3A_772, %get3A_714, %get3A_712 : vector<16xi1>, vector<16xf32>
      %select_n3A_774 = arith.select %gt3A_772, %broadcast_in_dim3A_746, %broadcast_in_dim3A_744 : vector<16xi1>, vector<16xi32>
      %gt3A_775 = arith.cmpf ogt, %get3A_718, %get3A_716 : vector<16xf32>
      %select_n3A_776 = arith.select %gt3A_775, %get3A_718, %get3A_716 : vector<16xi1>, vector<16xf32>
      %select_n3A_777 = arith.select %gt3A_775, %broadcast_in_dim3A_750, %broadcast_in_dim3A_748 : vector<16xi1>, vector<16xi32>
      %gt3A_778 = arith.cmpf ogt, %get3A_722, %get3A_720 : vector<16xf32>
      %select_n3A_779 = arith.select %gt3A_778, %get3A_722, %get3A_720 : vector<16xi1>, vector<16xf32>
      %select_n3A_780 = arith.select %gt3A_778, %broadcast_in_dim3A_754, %broadcast_in_dim3A_752 : vector<16xi1>, vector<16xi32>
      %gt3A_781 = arith.cmpf ogt, %get3A_726, %get3A_724 : vector<16xf32>
      %select_n3A_782 = arith.select %gt3A_781, %get3A_726, %get3A_724 : vector<16xi1>, vector<16xf32>
      %select_n3A_783 = arith.select %gt3A_781, %broadcast_in_dim3A_758, %broadcast_in_dim3A_756 : vector<16xi1>, vector<16xi32>
      %gt3A_784 = arith.cmpf ogt, %get3A_730, %get3A_728 : vector<16xf32>
      %select_n3A_785 = arith.select %gt3A_784, %get3A_730, %get3A_728 : vector<16xi1>, vector<16xf32>
      %select_n3A_786 = arith.select %gt3A_784, %broadcast_in_dim3A_762, %broadcast_in_dim3A_760 : vector<16xi1>, vector<16xi32>
      %gt3A_787 = arith.cmpf ogt, %select_n3A_767, %select_n3A_764 : vector<16xf32>
      %select_n3A_788 = arith.select %gt3A_787, %select_n3A_767, %select_n3A_764 : vector<16xi1>, vector<16xf32>
      %select_n3A_789 = arith.select %gt3A_787, %select_n3A_768, %select_n3A_765 : vector<16xi1>, vector<16xi32>
      %gt3A_790 = arith.cmpf ogt, %select_n3A_773, %select_n3A_770 : vector<16xf32>
      %select_n3A_791 = arith.select %gt3A_790, %select_n3A_773, %select_n3A_770 : vector<16xi1>, vector<16xf32>
      %select_n3A_792 = arith.select %gt3A_790, %select_n3A_774, %select_n3A_771 : vector<16xi1>, vector<16xi32>
      %gt3A_793 = arith.cmpf ogt, %select_n3A_779, %select_n3A_776 : vector<16xf32>
      %select_n3A_794 = arith.select %gt3A_793, %select_n3A_779, %select_n3A_776 : vector<16xi1>, vector<16xf32>
      %select_n3A_795 = arith.select %gt3A_793, %select_n3A_780, %select_n3A_777 : vector<16xi1>, vector<16xi32>
      %gt3A_796 = arith.cmpf ogt, %select_n3A_785, %select_n3A_782 : vector<16xf32>
      %select_n3A_797 = arith.select %gt3A_796, %select_n3A_785, %select_n3A_782 : vector<16xi1>, vector<16xf32>
      %select_n3A_798 = arith.select %gt3A_796, %select_n3A_786, %select_n3A_783 : vector<16xi1>, vector<16xi32>
      %gt3A_799 = arith.cmpf ogt, %select_n3A_791, %select_n3A_788 : vector<16xf32>
      %select_n3A_800 = arith.select %gt3A_799, %select_n3A_791, %select_n3A_788 : vector<16xi1>, vector<16xf32>
      %select_n3A_801 = arith.select %gt3A_799, %select_n3A_792, %select_n3A_789 : vector<16xi1>, vector<16xi32>
      %gt3A_802 = arith.cmpf ogt, %select_n3A_797, %select_n3A_794 : vector<16xf32>
      %select_n3A_803 = arith.select %gt3A_802, %select_n3A_797, %select_n3A_794 : vector<16xi1>, vector<16xf32>
      %select_n3A_804 = arith.select %gt3A_802, %select_n3A_798, %select_n3A_795 : vector<16xi1>, vector<16xi32>
      %gt3A_805 = arith.cmpf ogt, %select_n3A_803, %select_n3A_800 : vector<16xf32>
      %select_n3A_806 = arith.select %gt3A_805, %select_n3A_803, %select_n3A_800 : vector<16xi1>, vector<16xf32>
      %select_n3A_807 = arith.select %gt3A_805, %select_n3A_804, %select_n3A_801 : vector<16xi1>, vector<16xi32>
      %mul3A_808 = arith.constant 16 : i32
      %mul3A_809 = vector.broadcast %mul3A_808 : i32 to vector<16xi32>
      %mul3A_810 = arith.muli %select_n3A_807, %mul3A_809 : vector<16xi32>
      %add3A_811 = arith.addi %mul3A_810, %iota3A : vector<16xi32>
      %gather3A_812 = tpu.vector_load_idx %arg14[%add3A_811] : memref<256xi32, #tpu.memory_space<vmem>>[vector<16xi32>], vector<16xi32>,
      %mul3A_813 = arith.constant 512 : i32
      %mul3A_814 = vector.broadcast %mul3A_813 : i32 to vector<16xi32>
      %mul3A_815 = arith.muli %iota3A, %mul3A_814 : vector<16xi32>
      %shift_right_arithmetic3A_816 = arith.constant 7 : i32
      %shift_right_arithmetic3A_817 = vector.broadcast %shift_right_arithmetic3A_816 : i32 to vector<16xi32>
      %shift_right_arithmetic3A_818 = arith.shrsi %gather3A_812, %shift_right_arithmetic3A_817 : vector<16xi32>
      %mul3A_819 = arith.constant 256 : i32
      %mul3A_820 = vector.broadcast %mul3A_819 : i32 to vector<16xi32>
      %mul3A_821 = arith.muli %shift_right_arithmetic3A_818, %mul3A_820 : vector<16xi32>
      %add3A_822 = arith.addi %mul3A_815, %mul3A_821 : vector<16xi32>
      %and3A_823 = arith.constant 127 : i32
      %and3A_824 = vector.broadcast %and3A_823 : i32 to vector<16xi32>
      %and3A_825 = arith.andi %gather3A_812, %and3A_824 : vector<16xi32>
      %add3A_826 = arith.addi %add3A_822, %and3A_825 : vector<16xi32>
      %gather3A_827 = tpu.vector_load_idx %arg8[%add3A_826] : memref<8200xf32, #tpu.memory_space<vmem>>[vector<16xi32>], vector<16xf32>,
      %add3A_828 = arith.constant 128 : i32
      %add3A_829 = vector.broadcast %add3A_828 : i32 to vector<16xi32>
      %add3A_830 = arith.addi %add3A_826, %add3A_829 : vector<16xi32>
      %gather3A_831 = tpu.vector_load_idx %arg8[%add3A_830] : memref<8200xf32, #tpu.memory_space<vmem>>[vector<16xi32>], vector<16xf32>,
      %sub3A_832 = arith.subf %gather3A_694, %gather3A_827 : vector<16xf32>
      %sub3A_833 = arith.subf %gather3A_698, %gather3A_831 : vector<16xf32>
      %mul3A_834 = arith.mulf %sub3A_832, %sub3A_832 : vector<16xf32>
      %add3A_835 = arith.addf %scan3A_564, %mul3A_834 : vector<16xf32>
      %mul3A_836 = arith.mulf %sub3A_833, %sub3A_833 : vector<16xf32>
      %add3A_837 = arith.addf %add3A_835, %mul3A_836 : vector<16xf32>
      scf.yield %add3A_837 : vector<16xf32>
    }
    %scan3A_172 = arith.constant 12 : i32
    %mul3A_173 = arith.constant 24 : i32
    %mul3A_174 = arith.muli %add3A, %mul3A_173 : i32
    %mul3A_175 = arith.constant 8192 : i32
    %mul3A_176 = arith.muli %mul3A_174, %mul3A_175 : i32
    %dma_wait3A = arith.constant 0 : i32
    %dma_wait3A_177 = tpu.memref_slice %arg5[%dma_wait3A] : memref<8200xf32, #tpu.memory_space<vmem>> -> memref<8192xf32, #tpu.memory_space<vmem>>
    %dma_wait3A_178 = tpu.memref_slice %arg2[%mul3A_176] : memref<6291456xf32, #tpu.memory_space<hbm>> -> memref<8192xf32, #tpu.memory_space<hbm>>
    %dma_wait3A_179 = arith.constant 0 : i32
    %dma_wait3A_180 = tpu.memref_slice %arg5[%dma_wait3A_179] : memref<8200xf32, #tpu.memory_space<vmem>> -> memref<8192xf32, #tpu.memory_space<vmem>>
    %dma_wait3A_181 = tpu.memref_slice %arg2[%mul3A_176] : memref<6291456xf32, #tpu.memory_space<hbm>> -> memref<8192xf32, #tpu.memory_space<hbm>>
    tpu.wait_dma2 semaphore(%arg16 : memref<!tpu.dma_semaphore, #tpu.memory_space<semaphore_mem>>) src(%dma_wait3A_181 : memref<8192xf32, #tpu.memory_space<hbm>>) dst(%dma_wait3A_180 : memref<8192xf32, #tpu.memory_space<vmem>>)
    %dma_wait3A_182 = arith.constant 0 : i32
    %dma_wait3A_183 = tpu.memref_slice %arg6[%dma_wait3A_182] : memref<8200xf32, #tpu.memory_space<vmem>> -> memref<8192xf32, #tpu.memory_space<vmem>>
    %dma_wait3A_184 = tpu.memref_slice %arg3[%mul3A_176] : memref<6291456xf32, #tpu.memory_space<hbm>> -> memref<8192xf32, #tpu.memory_space<hbm>>
    %dma_wait3A_185 = arith.constant 0 : i32
    %dma_wait3A_186 = tpu.memref_slice %arg6[%dma_wait3A_185] : memref<8200xf32, #tpu.memory_space<vmem>> -> memref<8192xf32, #tpu.memory_space<vmem>>
    %dma_wait3A_187 = tpu.memref_slice %arg3[%mul3A_176] : memref<6291456xf32, #tpu.memory_space<hbm>> -> memref<8192xf32, #tpu.memory_space<hbm>>
    tpu.wait_dma2 semaphore(%arg16 : memref<!tpu.dma_semaphore, #tpu.memory_space<semaphore_mem>>) src(%dma_wait3A_187 : memref<8192xf32, #tpu.memory_space<hbm>>) dst(%dma_wait3A_186 : memref<8192xf32, #tpu.memory_space<vmem>>)
    %swap3A = arith.constant 0 : index
    %swap3A_188 = tpu.vector_load %arg15[%swap3A] {strides = array<i32>} : memref<16xf32, #tpu.memory_space<vmem>>, vector<16xf32>,
    tpu.vector_store %arg15[%swap3A], %scan3A_171 {strides = array<i32>} : memref<16xf32, #tpu.memory_space<vmem>>, vector<16xf32>,
    "tpu.region"() ({
      %run_scoped3A = tpu.sem_alloc : memref<!tpu.dma_semaphore, #tpu.memory_space<semaphore_mem>>
      %dma_start3A_189 = arith.constant 0 : i32
      %dma_start3A_190 = tpu.memref_slice %arg4[%add3A, %dma_start3A_189] : memref<32x16xf32, #tpu.memory_space<hbm>> -> memref<1x16xf32, #tpu.memory_space<hbm>>
      %dma_start3A_191 = tpu.memref_squeeze %dma_start3A_190 : memref<1x16xf32, #tpu.memory_space<hbm>> -> memref<16xf32, #tpu.memory_space<hbm>>
      %dma_start3A_192 = arith.constant 0 : i32
      %dma_start3A_193 = tpu.memref_slice %arg4[%add3A, %dma_start3A_192] : memref<32x16xf32, #tpu.memory_space<hbm>> -> memref<1x16xf32, #tpu.memory_space<hbm>>
      %dma_start3A_194 = tpu.memref_squeeze %dma_start3A_193 : memref<1x16xf32, #tpu.memory_space<hbm>> -> memref<16xf32, #tpu.memory_space<hbm>>
      tpu.enqueue_dma source(%arg15 : memref<16xf32, #tpu.memory_space<vmem>>) target(%dma_start3A_194 : memref<16xf32, #tpu.memory_space<hbm>>) target_semaphore(%run_scoped3A : memref<!tpu.dma_semaphore, #tpu.memory_space<semaphore_mem>>)
      %dma_wait3A_195 = arith.constant 0 : i32
      %dma_wait3A_196 = tpu.memref_slice %arg4[%add3A, %dma_wait3A_195] : memref<32x16xf32, #tpu.memory_space<hbm>> -> memref<1x16xf32, #tpu.memory_space<hbm>>
      %dma_wait3A_197 = tpu.memref_squeeze %dma_wait3A_196 : memref<1x16xf32, #tpu.memory_space<hbm>> -> memref<16xf32, #tpu.memory_space<hbm>>
      %dma_wait3A_198 = arith.constant 0 : i32
      %dma_wait3A_199 = tpu.memref_slice %arg4[%add3A, %dma_wait3A_198] : memref<32x16xf32, #tpu.memory_space<hbm>> -> memref<1x16xf32, #tpu.memory_space<hbm>>
      %dma_wait3A_200 = tpu.memref_squeeze %dma_wait3A_199 : memref<1x16xf32, #tpu.memory_space<hbm>> -> memref<16xf32, #tpu.memory_space<hbm>>
      tpu.wait_dma2 semaphore(%run_scoped3A : memref<!tpu.dma_semaphore, #tpu.memory_space<semaphore_mem>>) src(%arg15 : memref<16xf32, #tpu.memory_space<vmem>>) dst(%dma_wait3A_200 : memref<16xf32, #tpu.memory_space<hbm>>)
      tpu.yield
    }) : () -> ()
    return
  }
}

module attributes {stable_mosaic.version = 14 : i64} {
  func.func @_mse_body(%arg0: memref<4096x512xf32, #tpu.memory_space<vmem>>, %arg1: memref<4096x512xf32, #tpu.memory_space<vmem>>, %arg2: memref<1x1xf32, #tpu.memory_space<vmem>>) attributes {dimension_semantics = [], scalar_prefetch = 0 : i64, scratch_operands = 0 : i64, tpu.core_type = #tpu.core_type<tc>} {
    %get3A = arith.constant 0 : index
    %get3A_0 = arith.constant 0 : index
    %get3A_1 = vector.load %arg0[%get3A, %get3A_0] : memref<4096x512xf32, #tpu.memory_space<vmem>>, vector<4096x512xf32>
    %get3A_2 = arith.constant 0 : index
    %get3A_3 = arith.constant 0 : index
    %get3A_4 = vector.load %arg1[%get3A_2, %get3A_3] : memref<4096x512xf32, #tpu.memory_space<vmem>>, vector<4096x512xf32>
    %sub3A = arith.subf %get3A_1, %get3A_4 : vector<4096x512xf32>
    %mul3A = arith.mulf %sub3A, %sub3A : vector<4096x512xf32>
    %reduce_sum3A = vector.shape_cast %mul3A : vector<4096x512xf32> to vector<1x4096x512xf32>
    %reduce_sum3A_5 = arith.constant dense<0.000000e+00> : vector<1xf32>
    %reduce_sum3A_6 = vector.multi_reduction <add>, %reduce_sum3A, %reduce_sum3A_5 [1, 2] : vector<1x4096x512xf32> to vector<1xf32>
    %reduce_sum3A_7 = vector.shape_cast %reduce_sum3A_6 : vector<1xf32> to vector<1x1x1xf32>
    %reduce_sum3A_8 = vector.extract %reduce_sum3A_7[0, 0, 0] : f32 from vector<1x1x1xf32>
    %broadcast_in_dim3A = vector.broadcast %reduce_sum3A_8 : f32 to vector<1x1xf32>
    %swap3A = arith.constant 0 : index
    %swap3A_9 = arith.constant 0 : index
    %swap3A_10 = vector.load %arg2[%swap3A, %swap3A_9] : memref<1x1xf32, #tpu.memory_space<vmem>>, vector<1x1xf32>
    tpu.vector_store %arg2[%swap3A, %swap3A_9], %broadcast_in_dim3A {strides = array<i32>} : memref<1x1xf32, #tpu.memory_space<vmem>>, vector<1x1xf32>,
    return
  }
}

</mosaic_0001>

<sc_bundles>
// kernel: kernel.4.cloned.1.call-start
scs
__scs_entry_jumppad:
0x0: {  	(pc) =	sbr.rel $0x88, $3  }
0x1: {  	(tag) =	ssettag $0x0;
	lr =	simm.s32 $0x1  }
0x2: {  	[smem:$0x3F9D] =	sst lr;
	_ =	strace $0xD0000000  }
0x3: {  	_ = 	snop  }
0x4: {  	_ = 	snop  }
0x5: {  	_ = 	snop  }
0x6: {  	_ = 	snop  }
0x7: {  	_ = 	snop  }
__scs_overlays_trampoline_lowered:
0x8: {  	[smem:$0x3FAC] =	sst s0  }
0x9: {  	[smem:$0x3FAD] =	sst s1  }
0xa: {  	[smem:$0x3FAE] =	sst s2  }
0xb: {  	[smem:$0x3FAF] =	sst s3  }
0xc: {  	[smem:$0x3FB0] =	sst s4  }
0xd: {  	[smem:$0x3FB1] =	sst s5  }
0xe: {  	[smem:$0x3FB2] =	sst s6  }
0xf: {  	[smem:$0x3FB3] =	sst s7  }
0x10: {  	[smem:$0x3FB4] =	sst s8  }
0x11: {  	[smem:$0x3FB5] =	sst s9;
	s0 =	simm.s32 @!p0 $0x0  }
0x12: {  	s1 =	sld [smem:$0x3F9B];
	s0 =	simm.s32 @p0 $0x1  }
0x13: {  	[smem:$0x3FB6] =	sst s0;
	s0 =	simm.s32 @!p1 $0x0  }
0x14: {  	s2 =	sld [smem:$0x3F9A];
	s0 =	simm.s32 @p1 $0x1  }
0x15: {  	[smem:$0x3FB7] =	sst s0;
	s0 =	simm.s32 @!p2 $0x0  }
0x16: {  	s3 =	sld [smem:$0x3FDB];
	s0 =	simm.s32 @p2 $0x1  }
0x17: {  	s4 =	simm.s32 $0x1BF5;
	[smem:$0x3FB9] =	sst s0  }
0x18: {  	s0 =	sld [smem:$0x3F9C];
	_ =	swait.ge [sflag:s4], $0x0  }
0x19: {  	s7 =	sld [smem:$0x3F9D]  }
0x1a: {  	s8 =	sadd.s32 $0xFFFFE003, lr  }
0x1b: {  	s9 =	sadd.s32 $0xFFFFFEF7, lr;
	s5 =	simm.s32 $0xFFFFFFFF;
	p2 =	slt.u32 s8, $0xFFFFF086  }
0x1c: {  	p1 =	slt.u32 s9, $0xF7A;
	s5 =	simm.s32 @!p2 $0x0  }
0x1d: {  	s5 =	simm.s32 @p1 $0x1;
	p0 =	seq.s32 s7, s2  }
0x1e: {  	s7 =	smul.u32 @!p0 $0xF7A, s2;
	p2 =	seq.s32 @!p0 s5, $0x0  }
0x1f: {  	s9 =	smul.u32 $0xF7A, s1;
	s8 =	simm.s32 @!p0 $0x1BF5;
	p2 =	por !p2, p0  }
0x20: {  	[sflag:s8] =	ssyncset.s32 @!p0 $0xFFFFF086;
	s6 =	sadd.s32 @!p0 s3, s7;
	s7 =	simm.s32 @!p0 $0x108  }
0x21: {  	s3 =	sadd.s32 s3, s9;
	s6 =	sadd.s32 @!p0 $0x88, s6;
	s7 =	simm.s32 @p2 $0x1082  }
0x22: {  	[simem:s7], [sflag:s8] =	dma.local @!p0 [hbm:s6], $0xF7A  }
0x23: {  	s9 =	sor.u32 $0xD0000000, s2;
	s6 =	simm.s32 $0x108;
	_ =	swait.ge @!p0 [sflag:s8], $0x0  }
0x24: {  	s3 =	sadd.s32 $0x88, s3;
	s6 =	simm.s32 @!p1 $0x1082;
	[sflag:s4] =	ssyncset.s32 $0xFFFFF086  }
0x25: {  	[simem:s6], [sflag:s4] =	dma.local [hbm:s3], $0xF7A  }
0x26: {  	[smem:$0x3F9D] =	sst s1;
	(tag) =	ssettag s2;
	_ =	strace s9  }
0x27: {  	s1 =	sld [smem:$0x3FAD]  }
0x28: {  	s2 =	sld [smem:$0x3FAE]  }
0x29: {  	s4 =	sld [smem:$0x3FB0]  }
0x2a: {  	p0 =	seq.s32 s5, $0x0;
	s5 =	sld [smem:$0x3FB1]  }
0x2b: {  	s6 =	sld [smem:$0x3FB2]  }
0x2c: {  	s7 =	sld [smem:$0x3FB3]  }
0x2d: {  	s3 =	simm.s32 $0x108;
	s8 =	sld [smem:$0x3FB4]  }
0x2e: {  	s3 =	simm.s32 @!p0 $0x1082;
	s9 =	sld [smem:$0x3FB5]  }
0x2f: {  	lr =	sadd.s32 s0, s3;
	s0 =	sld [smem:$0x3FAC]  }
0x30: {  	s3 =	sld [smem:$0x3FAF]  }
0x31: {  	[smem:$0x3FB8] =	sst s10  }
0x32: {  	s10 =	sld [smem:$0x3FB6];
	_ =	sdelay $0x3  }
0x33: {  	p0 =	seq.s32 s10, $0x1;
	s10 =	sld [smem:$0x3FB8];
	_ =	sdelay $0x3  }
0x34: {  	[smem:$0x3FB8] =	sst s10  }
0x35: {  	s10 =	sld [smem:$0x3FB7];
	_ =	sdelay $0x3  }
0x36: {  	p1 =	seq.s32 s10, $0x1;
	s10 =	sld [smem:$0x3FB8];
	_ =	sdelay $0x3  }
0x37: {  	[smem:$0x3FB8] =	sst s10  }
0x38: {  	s10 =	sld [smem:$0x3FB9]  }
0x39: {  	_ = 	snop;
	(pc) =	sbr.ind lr, $3  }
0x3a: {  	_ = 	snop  }
0x3b: {  	_ = 	snop  }
0x3c: {  	p2 =	seq.s32 s10, $0x1;
	s10 =	sld [smem:$0x3FB8]  }
0x3d: {  	_ =	shalt  }
0x3e: {  	_ =	shalt  }
0x3f: {  	_ =	shalt  }
0x40: {  	_ =	shalt  }
0x41: {  	_ =	shalt  }
0x42: {  	_ =	shalt  }
0x43: {  	_ =	shalt  }
0x44: {  	_ =	shalt  }
0x45: {  	_ =	shalt  }
0x46: {  	_ =	shalt  }
0x47: {  	_ =	shalt  }
0x48: {  	_ =	shalt  }
0x49: {  	_ =	shalt  }
0x4a: {  	_ =	shalt  }
0x4b: {  	_ =	shalt  }
0x4c: {  	_ =	shalt  }
0x4d: {  	_ =	shalt  }
0x4e: {  	_ =	shalt  }
0x4f: {  	_ =	shalt  }
0x50: {  	_ =	shalt  }
0x51: {  	_ =	shalt  }
0x52: {  	_ =	shalt  }
0x53: {  	_ =	shalt  }
0x54: {  	_ =	shalt  }
0x55: {  	_ =	shalt  }
0x56: {  	_ =	shalt  }
0x57: {  	_ =	shalt  }
0x58: {  	_ =	shalt  }
0x59: {  	_ =	shalt  }
0x5a: {  	_ =	shalt  }
0x5b: {  	_ =	shalt  }
0x5c: {  	_ =	shalt  }
0x5d: {  	_ =	shalt  }
0x5e: {  	_ =	shalt  }
0x5f: {  	_ =	shalt  }
0x60: {  	_ =	shalt  }
0x61: {  	_ =	shalt  }
0x62: {  	_ =	shalt  }
0x63: {  	_ =	shalt  }
0x64: {  	_ =	shalt  }
0x65: {  	_ =	shalt  }
0x66: {  	_ =	shalt  }
0x67: {  	_ =	shalt  }
0x68: {  	_ =	shalt  }
0x69: {  	_ =	shalt  }
0x6a: {  	_ =	shalt  }
0x6b: {  	_ =	shalt  }
0x6c: {  	_ =	shalt  }
0x6d: {  	_ =	shalt  }
0x6e: {  	_ =	shalt  }
0x6f: {  	_ =	shalt  }
0x70: {  	_ =	shalt  }
0x71: {  	_ =	shalt  }
0x72: {  	_ =	shalt  }
0x73: {  	_ =	shalt  }
0x74: {  	_ =	shalt  }
0x75: {  	_ =	shalt  }
0x76: {  	_ =	shalt  }
0x77: {  	_ =	shalt  }
0x78: {  	_ =	shalt  }
0x79: {  	_ =	shalt  }
0x7a: {  	_ =	shalt  }
0x7b: {  	_ =	shalt  }
0x7c: {  	_ =	shalt  }
0x7d: {  	_ =	shalt  }
0x7e: {  	_ =	shalt  }
0x7f: {  	_ =	shalt  }
0x80: {  	_ =	shalt  }
0x81: {  	_ =	shalt  }
0x82: {  	_ =	shalt  }
0x83: {  	_ =	shalt  }
0x84: {  	_ =	shalt  }
0x85: {  	_ =	shalt  }
0x86: {  	_ =	shalt  }
0x87: {  	_ =	shalt  }
.Lfunc_end0:
.L_simem_size_0:
called_computation_lowered:
.L_overlay_start_0:
0x88: {  	s2 =	sld [smem:$0x3FD9]  }
0x89: {  	s3 =	sld [smem:$0x3FFE];
	_ =	sdelay $0x1  }
0x8a: {  	s1 =	srdreg.scid  }
0x8b: {  	s0 =	sand.u32 $0x1, s1  }
0x8c: {  	s17 =	sshll.u32 s0, $0xA;
	s2 =	sadd.s32 s3, s2  }
0x8d: {  	s2 =	sadd.s32 s2, s17  }
0x8e: {  	[smem:$0x3FC4] =	sst s2  }
0x8f: {  	_ = 	snop  }
0x90: {  	s2 =	sld [smem:$0x3FC7]  }
0x91: {  	s18 =	sld [smem:$0x3FC6];
	(tm) =	ssettm $0x1  }
0x92: {  	s4 =	sld [smem:$0x3FFB];
	_ =	sdelay $0x3  }
0x93: {  	_ =	strace s4  }
0x94: {  	s4 =	sld [smem:$0x3FFC];
	_ =	sdelay $0x3  }
0x95: {  	_ =	strace s4  }
0x96: {  	s4 =	sld [smem:$0x3FFD];
	_ =	sdelay $0x3  }
0x97: {  	_ =	strace s4  }
0x98: {  	_ =	strace $0x8FFFFFFF  }
0x99: {  	s19 =	sld [smem:$0x3FDB];
	_ =	sdelay $0x1  }
0x9a: {  	s5 =	simm.s32 $_scs_section_size  }
0x9b: {  	s6 =	simm.s32 $_size__tile_overlayer_lowered;
	s7 =	simm.s32 $_tile_overlayer_lowered  }
0x9c: {  	s22 =	simm.s32 $0x1BFF;
	s21 =	sshll.u32 s7, $0x1;
	s4 =	sadd.s32 s5, s19  }
0x9d: {  	s8 =	simm.s32 $0x0;
	s20 =	sshll.u32 s6, $0x1;
	s6 =	sadd.s32 s21, s4  }
0x9e: {  	[timem:s8], [sflag:s22] =	dma.local [hbm:s6], s20  }
0x9f: {  	_ =	swait.ge [sflag:s22], s20  }
0xa0: {  	s5 =	ssub.s32 $0x0, s20;
	[sflag:s22] =	ssyncset.done $0x0  }
0xa1: {  	[sflag:s22] =	ssyncadd.s32 s5;
	_ =	sdelay $0x1  }
0xa2: {  	s23 =	simm.s32 $0x1B8B  }
0xa3: {  	_ =	swait.ge [sflag:s23], $0x1  }
0xa4: {  	[sflag:s23] =	ssyncset.done $0x0  }
0xa5: {  	s25 =	simm.s32 $0x1B8E;
	s24 =	sld [smem:$0x3FFE];
	[sflag:s23] =	ssyncadd.s32 $0xFFFFFFFF  }
0xa6: {  	s26 =	simm.s32 $execute0_lowered;
	[smem:$0x3FD2] =	sst s25  }
0xa7: {  	s6 =	sshll.u32 s26, $0x1;
	_ =	strace $0x80000046;
	[dreg:$0x1] =	wrdreg $0xFFFFFFFF  }
0xa8: {  	s28 =	simm.s32 $_size_execute0_lowered;
	s4 =	sadd.s32 s4, s6;
	[dreg:$0x0] =	wrdreg $0x0  }
0xa9: {  	s6 =	sshll.u32 s28, $0x1;
	[dreg:$0x2] =	wrdreg s4  }
0xaa: {  	[dreg:$0x3] =	wrdreg s6  }
0xab: {  	[dreg:$0x4] =	wrdreg $0xC0  }
0xac: {  	_ =	task [dreg:s8], $0x5FFFF  }
0xad: {  	[dreg:$0x1] =	wrdreg $0xFFFFFFFF  }
0xae: {  	[dreg:$0x0] =	wrdreg $0x60  }
0xaf: {  	[dreg:$0x2] =	wrdreg s2  }
0xb0: {  	[dreg:$0x3] =	wrdreg s18  }
0xb1: {  	[dreg:$0x4] =	wrdreg s24  }
0xb2: {  	[dreg:$0x5] =	wrdreg $0x9  }
0xb3: {  	_ =	task.clear_ibuf [dreg:s8], $0x6FFFF;
	_ =	strace $0x90000046  }
0xb4: {  	s29 =	simm.s32 $0x9;
	_ =	strace $0x80000048  }
0xb5: {  	_ =	swait.ge [sflag:s29], $0x1  }
0xb6: {  	[sflag:s29] =	ssyncadd.s32 $0xFFFFFFFF  }
0xb7: {  	_ =	strace $0x90000048  }
0xb8: {  	_ =	sfence  }
0xb9: {  	s30 =	sld [smem:$0x0];
	_ =	sdelay $0x2  }
0xba: {  	s31 =	sshll.u32 s1, $0xD;
	s1 =	sshrl.u32 s1, $0x2  }
0xbb: {  	s3 =	sand.u32 $0x4000, s31;
	s1 =	sadd.s32 s1, s30  }
0xbc: {  	s0 =	sor.u32 s3, s0;
	s1 =	sshll.u32 s1, $0x11  }
0xbd: {  	s0 =	sor.u32 s1, s0  }
0xbe: {  	s0 =	sadd.s32 $0x8F2B, s0  }
0xbf: {  	[sflag:s0] =	ssyncadd.remote.s32 $0x1  }
0xc0: {  	_ =	sfence.sel $0xFFFF  }
0xc1: {  	[dreg:$0x0] =	wrdreg $0xFFFFFFFF;
	(pc) =	sbr.abs _section_cstart, $3  }
0xc2: {  	[dreg:$0x1] =	wrdreg $0xFFFFFFFF  }
0xc3: {  	_ =	task.clear_ibuf [dreg:s8], $0x2FFFF;
	_ =	strace $0x9FFFFFFF  }
0xc4: {  	(tm) =	ssettm $0x7FFFFFFF  }
0xc5: {  	_ =	shalt  }
tec
execute0_lowered:
.L_overlay_start_1:
0x0: {  	(tag) =	ssettag $0x1  }
0x1: {  	v0 =	vlaneseq.u32;
	v19 =	vimm.s32 $0x1C1B1A19  }
0x2: {  	v21 =	vimm.s32 $0x14131211;
	v24 =	vimm.s32 $0x21202F2E;
	vm0 =	vcmask $0x1F10  }
0x3: {  	v33 =	vimm.s32 $0x25242322;
	v34 =	vimm.s32 $0x29282726;
	v35 =	vimm.s32 $0x3E3D3C3B  }
0x4: {  	v36 =	vimm.s32 $0x3231303F;
	v26 =	vimm.s32 $0x36353433;
	v27 =	vimm.s32 $0x3A393837  }
0x5: {  	v39 =	vimm.s32 $0x4F4E4D4C;
	v40 =	vimm.s32 $0x43424140;
	v42 =	vimm.s32 $0x47464544  }
0x6: {  	v43 =	vimm.s32 $0x4B4A4948;
	v44 =	vimm.s32 $0x505F5E5D;
	v28 =	vimm.s32 $0x54535251  }
0x7: {  	v29 =	vimm.s32 $0x58575655;
	v30 =	vimm.s32 $0x5C5B5A59;
	v31 =	vimm.s32 $0x61606F6E  }
0x8: {  	v51 =	vimm.s32 $0x69686766;
	v56 =	vimm.s32 $0x6D6C6B6A;
	v57 =	vimm.s32 $0x7271707F  }
0x9: {  	v58 =	vimm.s32 $0x76757473;
	v59 =	vimm.s32 $0x7A797877;
	v60 =	vimm.s32 $0x7E7D7C7B  }
0xa: {  	v63 =	vimm.s32 $0x83828180;
	v1 =	vmul.u32 $0x10, v0;
	v20 =	vunpack.c.0.s8.s32 v19  }
0xb: {  	v19 =	vimm.s32 $0x101F1E1D;
	v21 =	vunpack.c.0.s8.s32 v21;
	v24 =	vunpack.c.0.s8.s32 v24  }
0xc: {  	v37 =	vunpack.c.0.s8.s32 v26;
	v38 =	vunpack.c.0.s8.s32 v27;
	v27 =	vunpack.c.0.s8.s32 v40  }
0xd: {  	v28 =	vunpack.c.0.s8.s32 v28;
	v29 =	vunpack.c.0.s8.s32 v29;
	v30 =	vunpack.c.0.s8.s32 v30  }
0xe: {  	v45 =	vunpack.c.0.s8.s32 v31;
	v61 =	vunpack.c.0.s8.s32 v59;
	v62 =	vunpack.c.0.s8.s32 v60  }
0xf: {  	v59 =	vimm.s32 $0xCBCAC9C8;
	v22 =	vunpack.c.0.s8.s32 v19;
	v19 =	vimm.s32 $0x18171615  }
0x10: {  	v2 =	vor.u32 $0x100, v1;
	v3 =	vor.u32 $0x200, v1;
	v4 =	vor.u32 $0x300, v1  }
0x11: {  	v5 =	vor.u32 $0x400, v1;
	v6 =	vor.u32 $0x500, v1;
	v7 =	vor.u32 $0x600, v1  }
0x12: {  	v8 =	vor.u32 $0x700, v1;
	v23 =	vunpack.c.0.s8.s32 v19;
	v19 =	vimm.s32 $0x2D2C2B2A  }
0x13: {  	v26 =	vsel vm0, v38, v37;
	v49 =	vsel vm0, v30, v29;
	v29 =	vunpack.c.0.s8.s32 v57  }
0x14: {  	v30 =	vunpack.c.0.s8.s32 v58;
	v31 =	vsel vm0, v62, v61;
	v37 =	vimm.s32 $0xA9A8A7A6  }
0x15: {  	v61 =	vimm.s32 $0xCFCECDCC;
	v62 =	vimm.s32 $0xC3C2C1C0;
	v25 =	vunpack.c.0.s8.s32 v19  }
0x16: {  	v20 =	vsel vm0, v22, v20;
	v22 =	vimm.s32 $0x8B8A8988;
	v21 =	vsel vm0, v23, v21  }
0x17: {  	v23 =	vunpack.c.0.s8.s32 v34;
	v29 =	vsel vm0, v30, v29;
	v30 =	vunpack.c.0.s8.s32 v63  }
0x18: {  	v34 =	vimm.s32 $0x9C9B9A99;
	v63 =	vimm.s32 $0xD8D7D6D5;
	v46 =	vcombine.low v21, v20  }
0x19: {  	v32 =	vsel vm0, v24, v25;
	v21 =	vunpack.c.0.s8.s32 v33;
	v24 =	vunpack.c.0.s8.s32 v35  }
0x1a: {  	v25 =	vunpack.c.0.s8.s32 v36;
	v20 =	vimm.s32 $0x87868584;
	v58 =	vcombine.low v31, v29  }
0x1b: {  	v33 =	vimm.s32 $0x98979695;
	v34 =	vunpack.c.0.s8.s32 v34;
	v35 =	vimm.s32 $0x909F9E9D  }
0x1c: {  	v36 =	vimm.s32 $0xA5A4A3A2;
	v33 =	vunpack.c.0.s8.s32 v33;
	v35 =	vunpack.c.0.s8.s32 v35  }
0x1d: {  	v23 =	vsel vm0, v23, v21;
	v24 =	vsel vm0, v25, v24;
	v25 =	vunpack.c.0.s8.s32 v39  }
0x1e: {  	v52 =	vcombine.low v23, v32;
	v53 =	vcombine.low v26, v24;
	v26 =	vunpack.c.0.s8.s32 v43  }
0x1f: {  	v32 =	vimm.s32 $0x65646362;
	v23 =	vimm.s32 $0x8F8E8D8C;
	v24 =	vimm.s32 $0x94939291  }
0x20: {  	v43 =	vimm.s32 $0xADACABAA;
	v41 =	vsel vm0, v27, v25;
	v25 =	vunpack.c.0.s8.s32 v42  }
0x21: {  	v27 =	vunpack.c.0.s8.s32 v44;
	v47 =	vunpack.c.0.s8.s32 v32;
	v32 =	vunpack.c.0.s8.s32 v20  }
0x22: {  	v31 =	vunpack.c.0.s8.s32 v23;
	v29 =	vunpack.c.0.s8.s32 v43;
	v44 =	vimm.s32 $0xA1A0AFAE  }
0x23: {  	v20 =	vimm.s32 $0xDCDBDAD9;
	v43 =	vimm.s32 $0xE5E4E3E2;
	v25 =	vsel vm0, v26, v25  }
0x24: {  	v48 =	vsel vm0, v28, v27;
	v50 =	vsel vm0, v47, v45;
	v26 =	vunpack.c.0.s8.s32 v51  }
0x25: {  	v28 =	vunpack.c.0.s8.s32 v56;
	v21 =	vsel vm0, v32, v30;
	v30 =	vunpack.c.0.s8.s32 v22  }
0x26: {  	v32 =	vunpack.c.0.s8.s32 v24;
	v45 =	vimm.s32 $0xB6B5B4B3;
	v47 =	vimm.s32 $0xBAB9B8B7  }
0x27: {  	v56 =	vimm.s32 $0xC7C6C5C4;
	v54 =	vcombine.low v25, v41;
	v55 =	vcombine.low v49, v48  }
0x28: {  	v25 =	vunpack.c.0.s8.s32 v36;
	v41 =	vsel vm0, v35, v34;
	v48 =	vimm.s32 $0xBEBDBCBB  }
0x29: {  	v49 =	vimm.s32 $0xB2B1B0BF;
	v36 =	vunpack.c.0.s8.s32 v59;
	v28 =	vsel vm0, v28, v26  }
0x2a: {  	v30 =	vsel vm0, v31, v30;
	v26 =	vunpack.c.0.s8.s32 v37;
	v40 =	vsel vm0, v33, v32  }
0x2b: {  	v31 =	vunpack.c.0.s8.s32 v44;
	v32 =	vunpack.c.0.s8.s32 v45;
	v33 =	vunpack.c.0.s8.s32 v47  }
0x2c: {  	v51 =	vunpack.c.0.s8.s32 v49;
	v44 =	vimm.s32 $0xFAF9F8F7;
	v45 =	vimm.s32 $0xFEFDFCFB  }
0x2d: {  	v47 =	vimm.s32 $0xF2F1F0FF;
	v57 =	vcombine.low v28, v50;
	v37 =	vcombine.low v30, v21  }
0x2e: {  	s0 =	rddreg [dreg:$0x0];
	v34 =	vcombine.low v41, v40;
	v50 =	vunpack.c.0.s8.s32 v48;
	v21 =	vimm.s32 $0xD0DFDEDD  }
0x2f: {  	s1 =	rddreg [dreg:$0x1];
	v40 =	vimm.s32 $0xD4D3D2D1;
	v41 =	vimm.s32 $0xE9E8E7E6;
	v48 =	vimm.s32 $0xF6F5F4F3  }
0x30: {  	s6 =	rddreg [dreg:$0x2];
	s4 =	simm.s32 $0x0;
	v42 =	vsel vm0, v26, v25;
	v31 =	vsel vm0, v31, v29;
	v32 =	vsel vm0, v33, v32  }
0x31: {  	[smem:$0x7FF] =	sst s4;
	v33 =	vunpack.c.0.s8.s32 v56;
	v40 =	vunpack.c.0.s8.s32 v40;
	v22 =	vunpack.c.0.s8.s32 v41  }
0x32: {  	s2 =	rddreg [dreg:$0x3];
	_ =	strace $0x80000047;
	[tilespmem:$0x1FF10] =	vst v46;
	v41 =	vimm.s32 $0xE1E0EFEE;
	v35 =	vsel vm0, v51, v50;
	v38 =	vcombine.low v31, v42  }
0x33: {  	[tilespmem:$0x1FF70] =	vst v58;
	v31 =	vunpack.c.0.s8.s32 v61;
	v42 =	vimm.s32 $0xEDECEBEA;
	v30 =	vunpack.c.0.s8.s32 v41  }
0x34: {  	[tilespmem:$0x1FF20] =	vst v52;
	v41 =	vunpack.c.0.s8.s32 v48;
	v61 =	vand.u32 $0xFF, v37;
	v39 =	vcombine.low v35, v32  }
0x35: {  	[tilespmem:$0x1FF30] =	vst v53;
	v60 =	vsel vm0, v36, v33;
	v32 =	vunpack.c.0.s8.s32 v62;
	v33 =	vunpack.c.0.s8.s32 v63  }
0x36: {  	s5 =	srdreg.scid;
	[tilespmem:$0x1FF40] =	vst v54;
	v35 =	vunpack.c.0.s8.s32 v20;
	v36 =	vunpack.c.0.s8.s32 v21;
	v23 =	vunpack.c.0.s8.s32 v42  }
0x37: {  	s3 =	stileid.u32;
	s12 =	simm.s32 $0x4100;
	s13 =	simm.s32 $0x6180;
	[tilespmem:$0x1FF50] =	vst v55;
	v62 =	vand.u32 $0xFF, v34;
	v63 =	vand.u32 $0xFF, v38;
	v31 =	vsel vm0, v32, v31  }
0x38: {  	s14 =	simm.s32 $0x1;
	s15 =	simm.s32 $0x8200;
	s16 =	simm.s32 $0xA200;
	[tilespmem:$0x1FF60] =	vst v57;
	v25 =	vsel vm0, v35, v33;
	v26 =	vsel vm0, v40, v36;
	v27 =	vsel vm0, v23, v22  }
0x39: {  	s17 =	simm.s32 $0xA300;
	s18 =	simm.s32 $0x9200;
	s19 =	simm.s32 $0xA400;
	[tilespmem:$0x1FF80] =	vst v61;
	v32 =	vunpack.c.0.s8.s32 v44;
	v33 =	vunpack.c.0.s8.s32 v45;
	v36 =	vunpack.c.0.s8.s32 v47  }
0x3a: {  	s20 =	simm.s32 $0xA500;
	s5 =	sand.u32 $0x1, s5;
	s7 =	sshll.u32 s3, $0x1;
	[tilespmem:$0x1FF90] =	vst v62;
	v51 =	vand.u32 $0xFF, v39;
	v24 =	vcombine.low v31, v60;
	v31 =	vunpack.c.0.s8.s32 v43  }
0x3b: {  	s21 =	simm.s32 $0x2;
	s22 =	simm.s32 $0xA600;
	s7 =	sor.u32 s5, s7;
	[tilespmem:$0x1FFA0] =	vst v63;
	v40 =	vcombine.low v26, v25;
	v44 =	vsel vm0, v33, v32;
	v36 =	vsel vm0, v41, v36  }
0x3c: {  	s23 =	simm.s32 $0x3;
	s8 =	ssub.s32 $0x2, s5;
	s9 =	smul.u32 $0x6000, s7;
	[tilespmem:$0x1FFB0] =	vst v51;
	v43 =	vsel vm0, v31, v30;
	v50 =	vcombine.low v36, v44;
	v56 =	vand.u32 $0xFF, v24  }
0x3d: {  	v9 =	vor.u32 $0x800, v1;
	s10 =	sshll.u32 s7, $0x4;
	s11 =	sshrl.u32 s8, $0x1;
	s5 =	smul.u32 $0x18, s7;
	v40 =	vand.u32 $0xFF, v40;
	v49 =	vcombine.low v43, v27;
	[tilespmem:$0x1FFC0] =	vst v56  }
0x3e: {  	s24 =	simm.s32 $0x0;
	v10 =	vor.u32 $0x900, v1;
	v11 =	vor.u32 $0xA00, v1;
	s10 =	sadd.s32 s10, s6;
	s11 =	ssub.s32 s8, s11;
	[tilespmem:$0x1FFD0] =	vst v40;
	v60 =	vand.u32 $0xFF, v50  }
0x3f: {  	v12 =	vor.u32 $0xB00, v1;
	v13 =	vor.u32 $0xC00, v1;
	s6 =	sadd.s32 s0, s9;
	s7 =	sadd.s32 s1, s9;
	s8 =	sor.u32 $0x1, s5;
	v59 =	vand.u32 $0xFF, v49;
	[tilespmem:$0x1FFF0] =	vst v60  }
0x40: {  	v14 =	vor.u32 $0xD00, v1;
	v15 =	vor.u32 $0xE00, v1;
	v16 =	vor.u32 $0xF00, v1;
	s9 =	sadd.s32 $0x400, s10;
	s10 =	smax.u32 s11, $0x1;
	s11 =	simm.s32 $0x2080;
	[tilespmem:$0x1FFE0] =	vst v59  }
.LBB2_1:
0x41: {  	[tilespmem:s4], [sflag:$0x1] =	stream.linear.gather [hbm4b:s6+s4], $0x2000, $0x38;
	[tilespmem:$0xA680] =	vst v63  }
0x42: {  	s25 =	simm.s32 $0x0  }
0x43: {  	v17 =	vimm.f32 $0.0e+00;
	[tilespmem:s11], [sflag:$0x1] =	stream.linear.gather [hbm4b:s7+s4], $0x2000, $0x38;
	[tilespmem:$0xA680] =	vst v63  }
.LBB2_2:
0x44: {  	s26 =	sshll.u32 s25, $0x1  }
0x45: {  	s28 =	sadd.s32 s26, s8  }
0x46: {  	s28 =	sshll.u32 s28, $0xA  }
0x47: {  	s29 =	sand.u32 $0x1FFFFC00, s28  }
0x48: {  	s28 =	simm.s32 $0x0;
	s30 =	sadd.s32 s0, s29  }
0x49: {  	[tilespmem:s12], [sflag:$0x2] =	stream.linear.gather [hbm4b:s30+s28], $0x2000, $0x38;
	[tilespmem:$0xA680] =	vst v63  }
0x4a: {  	[tilespmem:$0x1FF00] =	vst v17;
	s29 =	sadd.s32 s1, s29  }
0x4b: {  	[tilespmem:s13], [sflag:$0x2] =	stream.linear.gather [hbm4b:s29+s28], $0x2000, $0x38;
	[tilespmem:$0xA680] =	vst v63  }
0x4c: {  	_ =	swait.ge [sflag:s14], $0x2000  }
0x4d: {  	[sflag:s14] =	ssyncset.done $0x0  }
0x4e: {  	[sflag:s14] =	ssyncadd.s32 $0xFFFFE000  }
0x4f: {  	_ =	swait.ge [sflag:s14], $0x2000  }
0x50: {  	[sflag:s14] =	ssyncset.done $0x0  }
0x51: {  	s30 =	simm.s32 $0x0;
	s29 =	simm.s32 $0x100;
	[sflag:s14] =	ssyncadd.s32 $0xFFFFE000  }
.LBB2_3:
0x52: {  	v42 =	vld [tilespmem:s29+$0xFFFFFF00]  }
0x53: {  	v43 =	vld [tilespmem:s29+$0xFFFFFF80]  }
0x54: {  	v44 =	vld [tilespmem:s29+$0xFFFFFF10]  }
0x55: {  	v45 =	vld [tilespmem:s29+$0xFFFFFF90]  }
0x56: {  	v46 =	vld [tilespmem:s29+$0xFFFFFF20]  }
0x57: {  	v51 =	vld [tilespmem:s29+$0xFFFFFFA0]  }
0x58: {  	v52 =	vld [tilespmem:s29+$0xFFFFFF30]  }
0x59: {  	v53 =	vld [tilespmem:s29+$0xFFFFFFB0]  }
0x5a: {  	v54 =	vld [tilespmem:s29+$0xFFFFFF40]  }
0x5b: {  	v55 =	vld [tilespmem:s29+$0xFFFFFFC0]  }
0x5c: {  	v56 =	vld [tilespmem:s29+$0xFFFFFF50]  }
0x5d: {  	v57 =	vld [tilespmem:s29+$0xFFFFFFD0]  }
0x5e: {  	v58 =	vld [tilespmem:s29+$0xFFFFFF60]  }
0x5f: {  	v59 =	vld [tilespmem:s29+$0xFFFFFFE0]  }
0x60: {  	v60 =	vld [tilespmem:s29+$0xFFFFFF70]  }
0x61: {  	v61 =	vld [tilespmem:s29+$0xFFFFFFF0]  }
0x62: {  	v62 =	vld [tilespmem:s29+$0x0]  }
0x63: {  	v63 =	vld [tilespmem:s29+$0x80]  }
0x64: {  	v32 =	vld [tilespmem:s29+$0x10]  }
0x65: {  	v20 =	vld [tilespmem:s29+$0x90]  }
0x66: {  	v17 =	vld [tilespmem:s29+$0x20];
	v18 =	vsub.f32 v43, v42  }
0x67: {  	v22 =	vld [tilespmem:s29+$0xA0]  }
0x68: {  	v23 =	vld [tilespmem:s29+$0x30];
	(xrf0) =	vmax.scan.msk.f32 $0xffff, v18  }
0x69: {  	v19 =	vld [tilespmem:s29+$0xB0];
	v24 =	vsub.f32 v45, v44  }
0x6a: {  	v49 =	vld [tilespmem:s29+$0x40];
	v29 =	vadd.s32 s30, v0  }
0x6b: {  	v50 =	vld [tilespmem:s29+$0xC0];
	v42 =	vand.u32 $0xF, v29;
	(xrf0) =	vmax.scan.msk.f32 $0xffff, v24  }
0x6c: {  	v47 =	vld [tilespmem:s29+$0x50];
	v51 =	vsub.f32 v51, v46;
	v25 =	vor.u32 v1, v42  }
0x6d: {  	v48 =	vld [tilespmem:s29+$0xD0]  }
0x6e: {  	v21 =	vmov s30;
	v45 =	vld [tilespmem:s29+$0x60];
	v30, _, _ =	vpop (xrf0);
	(xrf0) =	vmax.scan.msk.f32 $0xffff, v51  }
0x6f: {  	v46 =	vld [tilespmem:s29+$0xE0];
	v27 =	vbroadcast v30, $0xF  }
0x70: {  	v43 =	vld [tilespmem:s29+$0x70];
	v52 =	vsub.f32 v53, v52  }
0x71: {  	s31 =	sadd.s32 $0x10, s30;
	v44 =	vld [tilespmem:s29+$0xF0];
	[tilespmem:v25+s15+$0x0] =	vst.idx.msk $0xffff, v18;
	v31, _, _ =	vpop (xrf0);
	vm0 =	veq.f32 v18, v27;
	v18 =	vor.u32 v2, v42  }
0x72: {  	v28 =	vmov s31;
	(xrf0) =	vmax.scan.msk.f32 $0xffff, v52;
	v25 =	vbroadcast v31, $0xF  }
0x73: {  	s31 =	sadd.s32 $0x20, s30;
	[tilespmem:v21+s16+$0x0] =	vst.idx.msk $0x1, v27;
	v27 =	vsub.f32 v55, v54;
	v33 =	vmctz.xlane vm0  }
0x74: {  	v37 =	vmov s31;
	v34 =	vor.u32 v3, v42;
	vm13 =	veq.f32 v24, v25;
	v35, _, _ =	vpop (xrf0)  }
0x75: {  	v36 =	vmctz.xlane vm13;
	[tilespmem:v21+s17+$0x0] =	vst.idx.msk $0x1, v33;
	(xrf0) =	vmax.scan.msk.f32 $0xffff, v27;
	v53 =	vbroadcast v35, $0xF  }
0x76: {  	[tilespmem:v18+s15+$0x0] =	vst.idx.msk $0xffff, v24  }
0x77: {  	v18 =	vadd.s32 $0x10, v36;
	v24 =	vsub.f32 v57, v56;
	[tilespmem:v28+s16+$0x0] =	vst.idx.msk $0x1, v25;
	vm14 =	veq.f32 v51, v53  }
0x78: {  	s31 =	sadd.s32 $0x30, s30;
	v38 =	vor.u32 v4, v42;
	v39, _, _ =	vpop (xrf0);
	[tilespmem:v28+s17+$0x0] =	vst.idx.msk $0x1, v18;
	v18 =	vmctz.xlane vm14  }
0x79: {  	v41 =	vmov s31;
	v40 =	vbroadcast v39, $0xF;
	(xrf0) =	vmax.scan.msk.f32 $0xffff, v24;
	[tilespmem:v34+s15+$0x0] =	vst.idx.msk $0xffff, v51  }
0x7a: {  	v51 =	vsub.f32 v59, v58;
	v18 =	vadd.s32 $0x20, v18;
	[tilespmem:v37+s16+$0x0] =	vst.idx.msk $0x1, v53  }
0x7b: {  	s31 =	sadd.s32 $0x40, s30;
	vm15 =	veq.f32 v52, v40;
	v57, _, _ =	vpop (xrf0);
	[tilespmem:v37+s17+$0x0] =	vst.idx.msk $0x1, v18;
	v18 =	vor.u32 v5, v42  }
0x7c: {  	v58 =	vmctz.xlane vm15;
	v59 =	vmov s31;
	v53 =	vbroadcast v57, $0xF;
	(xrf0) =	vmax.scan.msk.f32 $0xffff, v51  }
0x7d: {  	v21 =	vsub.f32 v61, v60;
	[tilespmem:v38+s15+$0x0] =	vst.idx.msk $0xffff, v52  }
0x7e: {  	v34 =	vor.u32 v6, v42;
	s31 =	sadd.s32 $0x50, s30;
	v31 =	vadd.s32 $0x30, v58;
	[tilespmem:v41+s16+$0x0] =	vst.idx.msk $0x1, v40;
	vm4 =	veq.f32 v27, v53  }
0x7f: {  	v36 =	vmov s31;
	[tilespmem:v41+s17+$0x0] =	vst.idx.msk $0x1, v31;
	v33 =	vmctz.xlane vm4;
	v35, _, _ =	vpop (xrf0);
	(xrf0) =	vmax.scan.msk.f32 $0xffff, v21  }
0x80: {  	v37 =	vsub.f32 v63, v62;
	[tilespmem:v18+s15+$0x0] =	vst.idx.msk $0xffff, v27;
	v18 =	vbroadcast v35, $0xF  }
0x81: {  	v25 =	vadd.s32 $0x40, v33;
	[tilespmem:v59+s16+$0x0] =	vst.idx.msk $0x1, v53  }
0x82: {  	s31 =	sadd.s32 $0x60, s30;
	v38 =	vor.u32 v7, v42;
	v39, _, _ =	vpop (xrf0);
	(xrf0) =	vmax.scan.msk.f32 $0xffff, v37;
	[tilespmem:v59+s17+$0x0] =	vst.idx.msk $0x1, v25;
	vm5 =	veq.f32 v24, v18  }
0x83: {  	v41 =	vmov s31;
	v53 =	vbroadcast v39, $0xF;
	v40 =	vmctz.xlane vm5;
	[tilespmem:v34+s15+$0x0] =	vst.idx.msk $0xffff, v24  }
0x84: {  	v58 =	vor.u32 v8, v42;
	s31 =	sadd.s32 $0x70, s30;
	[tilespmem:v36+s16+$0x0] =	vst.idx.msk $0x1, v18;
	v18 =	vsub.f32 v20, v32  }
0x85: {  	v61 =	vmov s31;
	vm6 =	veq.f32 v51, v53;
	v59, _, _ =	vpop (xrf0);
	v56 =	vadd.s32 $0x50, v40  }
0x86: {  	v57 =	vmctz.xlane vm6;
	v60 =	vbroadcast v59, $0xF;
	[tilespmem:v36+s17+$0x0] =	vst.idx.msk $0x1, v56;
	(xrf0) =	vmax.scan.msk.f32 $0xffff, v18  }
0x87: {  	v17 =	vsub.f32 v22, v17;
	v62 =	vor.u32 v9, v42;
	s31 =	sadd.s32 $0x80, s30;
	[tilespmem:v38+s15+$0x0] =	vst.idx.msk $0xffff, v51  }
0x88: {  	v29 =	vmov s31;
	v20 =	vadd.s32 $0x60, v57;
	vm7 =	veq.f32 v21, v60;
	v63, _, _ =	vpop (xrf0);
	[tilespmem:v41+s16+$0x0] =	vst.idx.msk $0x1, v53  }
0x89: {  	(xrf0) =	vmax.scan.msk.f32 $0xffff, v17;
	v26 =	vmctz.xlane vm7;
	v22 =	vbroadcast v63, $0xF;
	[tilespmem:v41+s17+$0x0] =	vst.idx.msk $0x1, v20  }
0x8a: {  	v19 =	vsub.f32 v19, v23;
	[tilespmem:v58+s15+$0x0] =	vst.idx.msk $0xffff, v21  }
0x8b: {  	v33 =	vor.u32 v10, v42;
	v30 =	vadd.s32 $0x70, v26;
	vm8 =	veq.f32 v37, v22;
	[tilespmem:v61+s16+$0x0] =	vst.idx.msk $0x1, v60  }
0x8c: {  	s31 =	sadd.s32 $0x90, s30;
	v31 =	vmctz.xlane vm8;
	[tilespmem:v61+s17+$0x0] =	vst.idx.msk $0x1, v30;
	v34, _, _ =	vpop (xrf0);
	(xrf0) =	vmax.scan.msk.f32 $0xffff, v19  }
0x8d: {  	v36 =	vmov s31;
	[tilespmem:v62+s15+$0x0] =	vst.idx.msk $0xffff, v37;
	v35 =	vbroadcast v34, $0xF;
	v37 =	vsub.f32 v50, v49  }
0x8e: {  	v40 =	vor.u32 v11, v42;
	v21 =	vadd.s32 $0x80, v31;
	[tilespmem:v29+s16+$0x0] =	vst.idx.msk $0x1, v22  }
0x8f: {  	s31 =	sadd.s32 $0xA0, s30;
	v41 =	vsub.f32 v48, v47;
	v38, _, _ =	vpop (xrf0);
	[tilespmem:v29+s17+$0x0] =	vst.idx.msk $0x1, v21;
	vm9 =	veq.f32 v18, v35;
	(xrf0) =	vmax.scan.msk.f32 $0xffff, v37  }
0x90: {  	v21 =	vbroadcast v38, $0xF;
	v39 =	vmctz.xlane vm9;
	[tilespmem:v33+s15+$0x0] =	vst.idx.msk $0xffff, v18;
	v18 =	vmov s31  }
0x91: {  	v51 =	vsub.f32 v46, v45;
	v49 =	vor.u32 v12, v42  }
0x92: {  	s31 =	sadd.s32 $0xB0, s30;
	[tilespmem:v36+s16+$0x0] =	vst.idx.msk $0x1, v35;
	vm10 =	veq.f32 v17, v21;
	v25 =	vadd.s32 $0x90, v39;
	v47, _, _ =	vpop (xrf0);
	(xrf0) =	vmax.scan.msk.f32 $0xffff, v41  }
0x93: {  	v50 =	vmov s31;
	v48 =	vmctz.xlane vm10;
	v20 =	vbroadcast v47, $0xF;
	[tilespmem:v36+s17+$0x0] =	vst.idx.msk $0x1, v25  }
0x94: {  	v55 =	vsub.f32 v44, v43;
	v53 =	vor.u32 v13, v42;
	[tilespmem:v40+s15+$0x0] =	vst.idx.msk $0xffff, v17  }
0x95: {  	s31 =	sadd.s32 $0xC0, s30;
	v17 =	vadd.s32 $0xA0, v48;
	vm11 =	veq.f32 v19, v20;
	[tilespmem:v18+s16+$0x0] =	vst.idx.msk $0x1, v21;
	v54, _, _ =	vpop (xrf0);
	(xrf0) =	vmax.scan.msk.f32 $0xffff, v51  }
0x96: {  	v52 =	vmctz.xlane vm11;
	[tilespmem:v18+s17+$0x0] =	vst.idx.msk $0x1, v17;
	v17 =	vbroadcast v54, $0xF;
	v18 =	vmov s31  }
0x97: {  	v56 =	vor.u32 v14, v42;
	[tilespmem:v49+s15+$0x0] =	vst.idx.msk $0xffff, v19  }
0x98: {  	s31 =	sadd.s32 $0xD0, s30;
	v19 =	vadd.s32 $0xB0, v52;
	[tilespmem:v50+s16+$0x0] =	vst.idx.msk $0x1, v20;
	vm12 =	veq.f32 v37, v17;
	v57, _, _ =	vpop (xrf0);
	(xrf0) =	vmax.scan.msk.f32 $0xffff, v55  }
0x99: {  	v58 =	vmov s31;
	[tilespmem:v50+s17+$0x0] =	vst.idx.msk $0x1, v19;
	v19 =	vmctz.xlane vm12;
	v21 =	vbroadcast v57, $0xF  }
0x9a: {  	[tilespmem:v53+s15+$0x0] =	vst.idx.msk $0xffff, v37  }
0x9b: {  	s31 =	sadd.s32 $0xE0, s30;
	v59, _, _ =	vpop (xrf0);
	v19 =	vadd.s32 $0xC0, v19;
	[tilespmem:v18+s16+$0x0] =	vst.idx.msk $0x1, v17;
	vm13 =	veq.f32 v41, v21;
	v17 =	vor.u32 v15, v42  }
0x9c: {  	v60 =	vmov s31;
	[tilespmem:v18+s17+$0x0] =	vst.idx.msk $0x1, v19;
	v18 =	vmctz.xlane vm13;
	v19 =	vbroadcast v59, $0xF  }
0x9d: {  	[tilespmem:v56+s15+$0x0] =	vst.idx.msk $0xffff, v41  }
0x9e: {  	v61 =	vor.u32 v16, v42;
	s31 =	sadd.s32 $0xF0, s30;
	v18 =	vadd.s32 $0xD0, v18;
	[tilespmem:v58+s16+$0x0] =	vst.idx.msk $0x1, v21;
	vm14 =	veq.f32 v51, v19;
	v62, _, _ =	vpop (xrf0)  }
0x9f: {  	v63 =	vmov s31;
	[tilespmem:v58+s17+$0x0] =	vst.idx.msk $0x1, v18;
	v18 =	vmctz.xlane vm14;
	v21 =	vbroadcast v62, $0xF  }
0xa0: {  	p0 =	sne.s32 s30, $0xF;
	[tilespmem:v17+s15+$0x0] =	vst.idx.msk $0xffff, v51  }
.Ltmp0:
0xa1: {  	v17 =	vadd.s32 $0xE0, v18;
	[tilespmem:v60+s16+$0x0] =	vst.idx.msk $0x1, v19;
	vm15 =	veq.f32 v55, v21;
	(pc) =	sbr.rel @p0 .LBB2_3-.Ltmp0, $4  }
0xa2: {  	[tilespmem:v60+s17+$0x0] =	vst.idx.msk $0x1, v17;
	v17 =	vmctz.xlane vm15  }
0xa3: {  	[tilespmem:v61+s15+$0x0] =	vst.idx.msk $0xffff, v55  }
0xa4: {  	v17 =	vadd.s32 $0xF0, v17;
	[tilespmem:v63+s16+$0x0] =	vst.idx.msk $0x1, v21  }
0xa5: {  	s29 =	sadd.s32 $0x200, s29;
	s30 =	sadd.s32 $0x1, s30;
	[tilespmem:v63+s17+$0x0] =	vst.idx.msk $0x1, v17  }
0xa6: {  	s29 =	simm.s32 $0x2180  }
.LBB2_5:
0xa7: {  	v17 =	vld [tilespmem:s29+$0xFFFFFF00]  }
0xa8: {  	v18 =	vld [tilespmem:s29+$0xFFFFFF80]  }
0xa9: {  	v19 =	vld [tilespmem:s29+$0xFFFFFF10]  }
0xaa: {  	v20 =	vld [tilespmem:s29+$0xFFFFFF90]  }
0xab: {  	v21 =	vld [tilespmem:s29+$0xFFFFFF20]  }
0xac: {  	v22 =	vld [tilespmem:s29+$0xFFFFFFA0]  }
0xad: {  	v23 =	vld [tilespmem:s29+$0xFFFFFF30]  }
0xae: {  	v24 =	vld [tilespmem:s29+$0xFFFFFFB0]  }
0xaf: {  	v25 =	vld [tilespmem:s29+$0xFFFFFF40]  }
0xb0: {  	v27 =	vld [tilespmem:s29+$0xFFFFFFC0]  }
0xb1: {  	v28 =	vld [tilespmem:s29+$0xFFFFFF50]  }
0xb2: {  	v32 =	vld [tilespmem:s29+$0xFFFFFFD0]  }
0xb3: {  	v51 =	vld [tilespmem:s29+$0xFFFFFF60]  }
0xb4: {  	v52 =	vld [tilespmem:s29+$0xFFFFFFE0]  }
0xb5: {  	v53 =	vld [tilespmem:s29+$0xFFFFFF70]  }
0xb6: {  	v54 =	vld [tilespmem:s29+$0xFFFFFFF0]  }
0xb7: {  	v55 =	vld [tilespmem:s29+$0x0]  }
0xb8: {  	v56 =	vld [tilespmem:s29+$0x80]  }
0xb9: {  	v57 =	vld [tilespmem:s29+$0x10]  }
0xba: {  	v58 =	vld [tilespmem:s29+$0x90]  }
0xbb: {  	v59 =	vld [tilespmem:s29+$0x20];
	v17 =	vsub.f32 v18, v17  }
0xbc: {  	v60 =	vld [tilespmem:s29+$0xA0]  }
0xbd: {  	v61 =	vld [tilespmem:s29+$0xB0];
	(xrf0) =	vmax.scan.msk.f32 $0xffff, v17  }
0xbe: {  	v49 =	vld [tilespmem:s29+$0x40];
	v19 =	vsub.f32 v20, v19  }
0xbf: {  	v29 =	vadd.s32 s28, v0;
	v50 =	vld [tilespmem:s29+$0xC0]  }
0xc0: {  	v47 =	vld [tilespmem:s29+$0x50];
	v42 =	vand.u32 $0xF, v29;
	(xrf0) =	vmax.scan.msk.f32 $0xffff, v19  }
0xc1: {  	v48 =	vld [tilespmem:s29+$0xD0];
	v20 =	vor.u32 v1, v42;
	v21 =	vsub.f32 v22, v21  }
0xc2: {  	v45 =	vld [tilespmem:s29+$0x60]  }
0xc3: {  	v46 =	vld [tilespmem:s29+$0xE0];
	v44, _, _ =	vpop (xrf0);
	(xrf0) =	vmax.scan.msk.f32 $0xffff, v21  }
0xc4: {  	v30 =	vmov s28;
	v43 =	vld [tilespmem:s29+$0x70];
	v62 =	vbroadcast v44, $0xF  }
0xc5: {  	v18 =	vld [tilespmem:s29+$0x30];
	v23 =	vsub.f32 v24, v23  }
0xc6: {  	s30 =	sadd.s32 $0x10, s28;
	v44 =	vld [tilespmem:s29+$0xF0];
	[tilespmem:v20+s18+$0x0] =	vst.idx.msk $0xffff, v17;
	v31, _, _ =	vpop (xrf0);
	vm0 =	veq.f32 v17, v62;
	v17 =	vor.u32 v2, v42  }
0xc7: {  	v63 =	vmov s30;
	(xrf0) =	vmax.scan.msk.f32 $0xffff, v23;
	v20 =	vbroadcast v31, $0xF  }
0xc8: {  	s31 =	sadd.s32 $0x20, s28;
	v25 =	vsub.f32 v27, v25;
	v33 =	vmctz.xlane vm0  }
0xc9: {  	v37 =	vmov s31;
	v34 =	vor.u32 v3, v42;
	[tilespmem:v30+s19+$0x0] =	vst.idx.msk $0x1, v62;
	vm13 =	veq.f32 v19, v20;
	v35, _, _ =	vpop (xrf0)  }
0xca: {  	v36 =	vmctz.xlane vm13;
	[tilespmem:v30+s20+$0x0] =	vst.idx.msk $0x1, v33;
	(xrf0) =	vmax.scan.msk.f32 $0xffff, v25;
	v24 =	vbroadcast v35, $0xF  }
0xcb: {  	[tilespmem:v17+s18+$0x0] =	vst.idx.msk $0xffff, v19  }
0xcc: {  	v17 =	vadd.s32 $0x10, v36;
	v19 =	vsub.f32 v32, v28;
	[tilespmem:v63+s19+$0x0] =	vst.idx.msk $0x1, v20;
	vm14 =	veq.f32 v21, v24  }
0xcd: {  	s31 =	sadd.s32 $0x30, s28;
	v38 =	vor.u32 v4, v42;
	v39, _, _ =	vpop (xrf0);
	[tilespmem:v63+s20+$0x0] =	vst.idx.msk $0x1, v17;
	v17 =	vmctz.xlane vm14  }
0xce: {  	v41 =	vmov s31;
	v40 =	vbroadcast v39, $0xF;
	(xrf0) =	vmax.scan.msk.f32 $0xffff, v19;
	[tilespmem:v34+s18+$0x0] =	vst.idx.msk $0xffff, v21  }
0xcf: {  	v17 =	vadd.s32 $0x20, v17;
	[tilespmem:v37+s19+$0x0] =	vst.idx.msk $0x1, v24;
	v24 =	vsub.f32 v52, v51  }
0xd0: {  	s31 =	sadd.s32 $0x40, s28;
	vm15 =	veq.f32 v23, v40;
	v62, _, _ =	vpop (xrf0);
	[tilespmem:v37+s20+$0x0] =	vst.idx.msk $0x1, v17;
	v17 =	vor.u32 v5, v42  }
0xd1: {  	v29 =	vmov s31;
	v63 =	vmctz.xlane vm15;
	v27 =	vbroadcast v62, $0xF;
	(xrf0) =	vmax.scan.msk.f32 $0xffff, v24  }
0xd2: {  	v36 =	vsub.f32 v54, v53;
	[tilespmem:v38+s18+$0x0] =	vst.idx.msk $0xffff, v23  }
0xd3: {  	s31 =	sadd.s32 $0x50, s28;
	v35 =	vadd.s32 $0x30, v63;
	v38 =	vor.u32 v6, v42;
	[tilespmem:v41+s19+$0x0] =	vst.idx.msk $0x1, v40;
	vm4 =	veq.f32 v25, v27  }
0xd4: {  	v40 =	vmov s31;
	[tilespmem:v41+s20+$0x0] =	vst.idx.msk $0x1, v35;
	v37 =	vmctz.xlane vm4;
	v39, _, _ =	vpop (xrf0)  }
0xd5: {  	(xrf0) =	vmax.scan.msk.f32 $0xffff, v36;
	[tilespmem:v17+s18+$0x0] =	vst.idx.msk $0xffff, v25;
	v17 =	vbroadcast v39, $0xF  }
0xd6: {  	s31 =	sadd.s32 $0x60, s28;
	v41 =	vsub.f32 v56, v55;
	v20 =	vadd.s32 $0x40, v37;
	[tilespmem:v29+s19+$0x0] =	vst.idx.msk $0x1, v27  }
0xd7: {  	v51 =	vor.u32 v7, v42;
	v54 =	vmov s31;
	[tilespmem:v29+s20+$0x0] =	vst.idx.msk $0x1, v20;
	vm5 =	veq.f32 v19, v17;
	v52, _, _ =	vpop (xrf0)  }
0xd8: {  	(xrf0) =	vmax.scan.msk.f32 $0xffff, v41;
	v53 =	vmctz.xlane vm5;
	v27 =	vbroadcast v52, $0xF;
	[tilespmem:v38+s18+$0x0] =	vst.idx.msk $0xffff, v19  }
0xd9: {  	[tilespmem:v40+s19+$0x0] =	vst.idx.msk $0x1, v17;
	v17 =	vsub.f32 v58, v57  }
0xda: {  	v19 =	vadd.s32 $0x50, v53;
	vm6 =	veq.f32 v24, v27  }
0xdb: {  	v55 =	vor.u32 v8, v42;
	s31 =	sadd.s32 $0x70, s28;
	v56, _, _ =	vpop (xrf0);
	[tilespmem:v40+s20+$0x0] =	vst.idx.msk $0x1, v19;
	v19 =	vmctz.xlane vm6;
	(xrf0) =	vmax.scan.msk.f32 $0xffff, v17  }
0xdc: {  	v58 =	vmov s31;
	v57 =	vbroadcast v56, $0xF;
	[tilespmem:v51+s18+$0x0] =	vst.idx.msk $0xffff, v24  }
0xdd: {  	v60 =	vsub.f32 v60, v59;
	v18 =	vsub.f32 v61, v18;
	v19 =	vadd.s32 $0x60, v19;
	[tilespmem:v54+s19+$0x0] =	vst.idx.msk $0x1, v27  }
0xde: {  	s31 =	sadd.s32 $0x80, s28;
	vm7 =	veq.f32 v36, v57;
	v62, _, _ =	vpop (xrf0);
	[tilespmem:v54+s20+$0x0] =	vst.idx.msk $0x1, v19;
	v19 =	vor.u32 v9, v42  }
0xdf: {  	v29 =	vmov s31;
	v63 =	vmctz.xlane vm7;
	(xrf0) =	vmax.scan.msk.f32 $0xffff, v60;
	v27 =	vbroadcast v62, $0xF  }
0xe0: {  	v35 =	vor.u32 v10, v42;
	[tilespmem:v55+s18+$0x0] =	vst.idx.msk $0xffff, v36  }
0xe1: {  	s31 =	sadd.s32 $0x90, s28;
	v33 =	vadd.s32 $0x70, v63;
	[tilespmem:v58+s19+$0x0] =	vst.idx.msk $0x1, v57;
	vm8 =	veq.f32 v41, v27;
	v36, _, _ =	vpop (xrf0);
	(xrf0) =	vmax.scan.msk.f32 $0xffff, v18  }
0xe2: {  	v37 =	vmov s31;
	[tilespmem:v58+s20+$0x0] =	vst.idx.msk $0x1, v33;
	v34 =	vmctz.xlane vm8  }
0xe3: {  	v38 =	vsub.f32 v50, v49;
	[tilespmem:v19+s18+$0x0] =	vst.idx.msk $0xffff, v41;
	v19 =	vbroadcast v36, $0xF  }
0xe4: {  	v47 =	vsub.f32 v48, v47;
	v20 =	vadd.s32 $0x80, v34;
	[tilespmem:v29+s19+$0x0] =	vst.idx.msk $0x1, v27  }
0xe5: {  	s31 =	sadd.s32 $0xA0, s28;
	v39, _, _ =	vpop (xrf0);
	v41 =	vor.u32 v11, v42;
	(xrf0) =	vmax.scan.msk.f32 $0xffff, v38;
	[tilespmem:v29+s20+$0x0] =	vst.idx.msk $0x1, v20;
	vm9 =	veq.f32 v17, v19  }
0xe6: {  	v20 =	vbroadcast v39, $0xF;
	v40 =	vmctz.xlane vm9;
	[tilespmem:v35+s18+$0x0] =	vst.idx.msk $0xffff, v17;
	v17 =	vmov s31  }
0xe7: {  	v49 =	vor.u32 v12, v42;
	[tilespmem:v37+s19+$0x0] =	vst.idx.msk $0x1, v19;
	v19, _, _ =	vpop (xrf0)  }
0xe8: {  	s31 =	sadd.s32 $0xB0, s28;
	vm10 =	veq.f32 v60, v20;
	(xrf0) =	vmax.scan.msk.f32 $0xffff, v47;
	v25 =	vadd.s32 $0x90, v40;
	v19 =	vbroadcast v19, $0xF  }
0xe9: {  	v51 =	vsub.f32 v46, v45;
	v50 =	vmov s31;
	v48 =	vmctz.xlane vm10;
	[tilespmem:v37+s20+$0x0] =	vst.idx.msk $0x1, v25  }
0xea: {  	v54 =	vor.u32 v13, v42;
	[tilespmem:v41+s18+$0x0] =	vst.idx.msk $0xffff, v60;
	vm11 =	veq.f32 v18, v19  }
0xeb: {  	s31 =	sadd.s32 $0xC0, s28;
	v55, _, _ =	vpop (xrf0);
	(xrf0) =	vmax.scan.msk.f32 $0xffff, v51;
	v52 =	vadd.s32 $0xA0, v48;
	[tilespmem:v17+s19+$0x0] =	vst.idx.msk $0x1, v20;
	v53 =	vmctz.xlane vm11  }
0xec: {  	v57 =	vsub.f32 v44, v43;
	v56 =	vmov s31;
	[tilespmem:v17+s20+$0x0] =	vst.idx.msk $0x1, v52;
	v17 =	vbroadcast v55, $0xF  }
0xed: {  	[tilespmem:v49+s18+$0x0] =	vst.idx.msk $0xffff, v18;
	v18 =	vadd.s32 $0xB0, v53  }
0xee: {  	s31 =	sadd.s32 $0xD0, s28;
	v58, _, _ =	vpop (xrf0);
	(xrf0) =	vmax.scan.msk.f32 $0xffff, v57;
	[tilespmem:v50+s19+$0x0] =	vst.idx.msk $0x1, v19;
	vm12 =	veq.f32 v38, v17;
	v19 =	vor.u32 v14, v42  }
0xef: {  	v59 =	vmov s31;
	v20 =	vbroadcast v58, $0xF;
	[tilespmem:v50+s20+$0x0] =	vst.idx.msk $0x1, v18;
	v18 =	vmctz.xlane vm12  }
0xf0: {  	[tilespmem:v54+s18+$0x0] =	vst.idx.msk $0xffff, v38  }
0xf1: {  	s31 =	sadd.s32 $0xE0, s28;
	v60, _, _ =	vpop (xrf0);
	vm13 =	veq.f32 v47, v20;
	v18 =	vadd.s32 $0xC0, v18;
	[tilespmem:v56+s19+$0x0] =	vst.idx.msk $0x1, v17;
	v17 =	vor.u32 v15, v42  }
0xf2: {  	v61 =	vmov s31;
	v23 =	vbroadcast v60, $0xF;
	[tilespmem:v56+s20+$0x0] =	vst.idx.msk $0x1, v18;
	v18 =	vmctz.xlane vm13  }
0xf3: {  	[tilespmem:v19+s18+$0x0] =	vst.idx.msk $0xffff, v47  }
0xf4: {  	s31 =	sadd.s32 $0xF0, s28;
	vm14 =	veq.f32 v51, v23;
	v19 =	vor.u32 v16, v42;
	v62, _, _ =	vpop (xrf0);
	v18 =	vadd.s32 $0xD0, v18;
	[tilespmem:v59+s19+$0x0] =	vst.idx.msk $0x1, v20  }
0xf5: {  	v63 =	vmov s31;
	v20 =	vbroadcast v62, $0xF;
	[tilespmem:v59+s20+$0x0] =	vst.idx.msk $0x1, v18;
	v18 =	vmctz.xlane vm14  }
0xf6: {  	p0 =	sne.s32 s28, $0xF;
	[tilespmem:v17+s18+$0x0] =	vst.idx.msk $0xffff, v51  }
.Ltmp1:
0xf7: {  	vm15 =	veq.f32 v57, v20;
	v17 =	vadd.s32 $0xE0, v18;
	[tilespmem:v61+s19+$0x0] =	vst.idx.msk $0x1, v23;
	(pc) =	sbr.rel @p0 .LBB2_5-.Ltmp1, $4  }
0xf8: {  	[tilespmem:v61+s20+$0x0] =	vst.idx.msk $0x1, v17;
	v17 =	vmctz.xlane vm15  }
0xf9: {  	[tilespmem:v19+s18+$0x0] =	vst.idx.msk $0xffff, v57  }
0xfa: {  	v17 =	vadd.s32 $0xF0, v17;
	[tilespmem:v63+s19+$0x0] =	vst.idx.msk $0x1, v20  }
0xfb: {  	s29 =	sadd.s32 $0x200, s29;
	s28 =	sadd.s32 $0x1, s28;
	[tilespmem:v63+s20+$0x0] =	vst.idx.msk $0x1, v17  }
0xfc: {  	v36 =	vld [tilespmem:$0x1FF20]  }
0xfd: {  	v37 =	vld [tilespmem:$0x1FF30]  }
0xfe: {  	v54 =	vld [tilespmem:$0x1FF40]  }
0xff: {  	v55 =	vld [tilespmem:$0x1FF50]  }
0x100: {  	v57 =	vld [tilespmem:$0x1FF60]  }
0x101: {  	v58 =	vld [tilespmem:$0x1FF70]  }
0x102: {  	v61 =	vld [tilespmem:$0x1FF80]  }
0x103: {  	v62 =	vld [tilespmem:$0x1FF90]  }
0x104: {  	v63 =	vld [tilespmem:$0x1FFA0]  }
0x105: {  	v38 =	vld [tilespmem:$0x1FFB0]  }
0x106: {  	v39 =	vld [tilespmem:$0x1FFC0]  }
0x107: {  	v40 =	vld [tilespmem:$0x1FFD0]  }
0x108: {  	v41 =	vld [tilespmem:$0x1FFE0]  }
0x109: {  	v60 =	vld [tilespmem:$0x1FFF0]  }
0x10a: {  	s28 =	simm.s32 $0x9;
	v30 =	vld [tilespmem:$0x1FF00]  }
.LBB2_7:
0x10b: {  	v17 =	vld [tilespmem:$0xA200]  }
0x10c: {  	v18 =	vld [tilespmem:$0xA210]  }
0x10d: {  	v19 =	vld [tilespmem:$0xA220]  }
0x10e: {  	v20 =	vld [tilespmem:$0xA230]  }
0x10f: {  	v21 =	vld [tilespmem:$0xA240]  }
0x110: {  	v22 =	vld [tilespmem:$0xA250]  }
0x111: {  	v23 =	vld [tilespmem:$0xA260]  }
0x112: {  	v24 =	vld [tilespmem:$0xA270]  }
0x113: {  	v25 =	vld [tilespmem:$0xA280]  }
0x114: {  	v27 =	vld [tilespmem:$0xA290]  }
0x115: {  	v28 =	vld [tilespmem:$0xA2A0]  }
0x116: {  	v32 =	vld [tilespmem:$0xA2B0]  }
0x117: {  	v42 =	vld [tilespmem:$0xA2C0]  }
0x118: {  	v43 =	vld [tilespmem:$0xA2D0]  }
0x119: {  	v44 =	vld [tilespmem:$0xA2E0]  }
0x11a: {  	v34 =	vimm.s32 $0x0;
	v45 =	vld [tilespmem:$0xA2F0];
	v26 =	vimm.s32 $0x2;
	v29 =	vimm.s32 $0x4  }
0x11b: {  	v33 =	vimm.s32 $0x6;
	v35 =	vimm.s32 $0x8;
	v56 =	vimm.s32 $0xA  }
0x11c: {  	v59 =	vimm.s32 $0xC;
	v31 =	vimm.s32 $0xE;
	vm0 =	vgt.f32 v18, v17  }
0x11d: {  	vm7 =	vgt.f32 v20, v19;
	vm8 =	vgt.f32 v22, v21;
	vm9 =	vgt.f32 v24, v23  }
0x11e: {  	vm10 =	vgt.f32 v27, v25;
	vm11 =	vgt.f32 v32, v28;
	vm12 =	vgt.f32 v43, v42  }
0x11f: {  	vm13 =	vgt.f32 v45, v44;
	v17 =	vsel vm0, v18, v17;
	v18 =	vsel vm0, $0x1, v34  }
0x120: {  	v19 =	vsel vm7, v20, v19;
	v48 =	vsel vm7, $0x3, v26;
	v21 =	vsel vm8, v22, v21  }
0x121: {  	v49 =	vsel vm8, $0x5, v29;
	v23 =	vsel vm9, v24, v23;
	v50 =	vsel vm9, $0x7, v33  }
0x122: {  	v25 =	vsel vm10, v27, v25;
	v27 =	vsel vm10, $0x9, v35;
	v28 =	vsel vm11, v32, v28  }
0x123: {  	v51 =	vsel vm11, $0xB, v56;
	v42 =	vsel vm12, v43, v42;
	v52 =	vsel vm12, $0xD, v59  }
0x124: {  	v44 =	vsel vm13, v45, v44;
	v53 =	vsel vm13, $0xF, v31;
	vm14 =	vgt.f32 v19, v17  }
0x125: {  	vm15 =	vgt.f32 v23, v21;
	vm1 =	vgt.f32 v28, v25;
	vm2 =	vgt.f32 v44, v42  }
0x126: {  	v17 =	vsel vm14, v19, v17;
	v18 =	vsel vm14, v48, v18;
	v19 =	vsel vm15, v23, v21  }
0x127: {  	v48 =	vsel vm15, v50, v49;
	v49 =	vsel vm1, v28, v25;
	v50 =	vsel vm2, v44, v42  }
0x128: {  	v51 =	vsel vm1, v51, v27;
	vm4 =	vgt.f32 v19, v17;
	vm5 =	vgt.f32 v50, v49  }
0x129: {  	v52 =	vsel vm2, v53, v52;
	v17 =	vsel vm4, v19, v17;
	v19 =	vsel vm5, v50, v49  }
0x12a: {  	v18 =	vsel vm4, v48, v18;
	v53 =	vsel vm5, v52, v51;
	vm6 =	vgt.f32 v19, v17  }
0x12b: {  	v17 =	vsel vm6, v53, v18  }
0x12c: {  	v18 =	vshll.u32 v17, $0x4  }
0x12d: {  	v19 =	vor.u32 v0, v18;
	_ =	sdelay $0x4  }
0x12e: {  	v24 =	vld.idx.msk [tilespmem:v19+s17+$0x0], $0xffff;
	_ =	sdelay $0x4  }
0x12f: {  	v25 =	vshll.u32 v24, $0x1  }
0x130: {  	v42 =	vmul.u32 $0x200, v0;
	v51 =	vld [tilespmem:$0x1FF10];
	v27 =	vand.u32 $0x7F, v24;
	v21 =	vand.u32 $0xFFFFFF00, v25  }
0x131: {  	v32 =	vadd.s32 v0, v24;
	v21 =	vor.u32 v27, v21  }
0x132: {  	v20 =	vshll.u32 v24, $0x4;
	v22 =	vand.u32 $0xF, v32;
	v21 =	vadd.s32 v42, v21  }
0x133: {  	v17 =	vshll.u32 v17, $0x8;
	v20 =	vor.u32 v20, v22;
	v43 =	vor.u32 $0x80, v21  }
0x134: {  	v22 =	vor.u32 v0, v17  }
0x135: {  	v50 =	vor.u32 v51, v17  }
0x136: {  	v32 =	vor.u32 v36, v17  }
0x137: {  	v52 =	vimm.f32 $-3.399999950e+38;
	v47 =	vor.u32 v37, v17;
	v45 =	vld.idx.msk [tilespmem:v21+s4+$0x0], $0xffff  }
0x138: {  	v48 =	vor.u32 v54, v17;
	v44 =	vld.idx.msk [tilespmem:v43+s4+$0x0], $0xffff;
	[tilespmem:v20+s15+$0x0] =	vst.idx.msk $0xffff, v52  }
0x139: {  	v49 =	vor.u32 v55, v17;
	v22 =	vld.idx.msk [tilespmem:v22+s15+$0x0], $0xffff  }
0x13a: {  	v28 =	vor.u32 v58, v17;
	v24 =	vld.idx.msk [tilespmem:v50+s15+$0x0], $0xffff  }
0x13b: {  	v53 =	vor.u32 v62, v17;
	v21 =	vld.idx.msk [tilespmem:v32+s15+$0x0], $0xffff  }
0x13c: {  	v46 =	vor.u32 v63, v17;
	v23 =	vld.idx.msk [tilespmem:v47+s15+$0x0], $0xffff  }
0x13d: {  	v50 =	vor.u32 v57, v17;
	v20 =	vld.idx.msk [tilespmem:v48+s15+$0x0], $0xffff  }
0x13e: {  	v32 =	vor.u32 v61, v17;
	v25 =	vld.idx.msk [tilespmem:v49+s15+$0x0], $0xffff  }
0x13f: {  	v47 =	vor.u32 v38, v17;
	v28 =	vld.idx.msk [tilespmem:v28+s15+$0x0], $0xffff  }
0x140: {  	v48 =	vor.u32 v39, v17;
	v43 =	vld.idx.msk [tilespmem:v53+s15+$0x0], $0xffff  }
0x141: {  	v49 =	vor.u32 v40, v17;
	v46 =	vld.idx.msk [tilespmem:v46+s15+$0x0], $0xffff  }
0x142: {  	v27 =	vld.idx.msk [tilespmem:v50+s15+$0x0], $0xffff  }
0x143: {  	v32 =	vld.idx.msk [tilespmem:v32+s15+$0x0], $0xffff;
	v50 =	vor.u32 v41, v17  }
0x144: {  	v17 =	vor.u32 v60, v17;
	v47 =	vld.idx.msk [tilespmem:v47+s15+$0x0], $0xffff  }
0x145: {  	v48 =	vld.idx.msk [tilespmem:v48+s15+$0x0], $0xffff  }
0x146: {  	v49 =	vld.idx.msk [tilespmem:v49+s15+$0x0], $0xffff;
	vm7 =	vgt.f32 v24, v22  }
0x147: {  	vm8 =	vgt.f32 v23, v21;
	vm9 =	vgt.f32 v25, v20;
	v22 =	vsel vm7, v24, v22  }
0x148: {  	v24 =	vsel vm7, $0x1, v34;
	v21 =	vsel vm8, v23, v21;
	v23 =	vsel vm8, $0x3, v26;
	v50 =	vld.idx.msk [tilespmem:v50+s15+$0x0], $0xffff  }
0x149: {  	v20 =	vsel vm9, v25, v20;
	v53 =	vsel vm9, $0x5, v29;
	vm15 =	vgt.f32 v21, v22;
	v17 =	vld.idx.msk [tilespmem:v17+s15+$0x0], $0xffff  }
0x14a: {  	v21 =	vsel vm15, v21, v22;
	v22 =	vsel vm15, v23, v24;
	vm10 =	vgt.f32 v28, v27  }
0x14b: {  	vm11 =	vgt.f32 v43, v32;
	vm12 =	vgt.f32 v47, v46;
	vm13 =	vgt.f32 v49, v48  }
0x14c: {  	v27 =	vsel vm10, v28, v27;
	v28 =	vsel vm10, $0x7, v33;
	v32 =	vsel vm11, v43, v32  }
0x14d: {  	v43 =	vsel vm11, $0x9, v35;
	v46 =	vsel vm12, v47, v46;
	v47 =	vsel vm12, $0xB, v56  }
0x14e: {  	v48 =	vsel vm13, v49, v48;
	v49 =	vsel vm13, $0xD, v59;
	vm14 =	vgt.f32 v17, v50  }
0x14f: {  	vm4 =	vgt.f32 v27, v20;
	vm5 =	vgt.f32 v46, v32;
	v17 =	vsel vm14, v17, v50  }
0x150: {  	v20 =	vsel vm4, v27, v20;
	v53 =	vsel vm4, v28, v53;
	vm6 =	vgt.f32 v17, v48  }
0x151: {  	v32 =	vsel vm5, v46, v32;
	v46 =	vsel vm5, v47, v43;
	v17 =	vsel vm6, v17, v48  }
0x152: {  	vm7 =	vgt.f32 v20, v21;
	v50 =	vsel vm14, $0xF, v31;
	vm8 =	vgt.f32 v17, v32  }
0x153: {  	v20 =	vsel vm7, v20, v21;
	v47 =	vsel vm6, v50, v49;
	v17 =	vsel vm8, v17, v32  }
0x154: {  	v48 =	vsel vm7, v53, v22;
	v49 =	vsel vm8, v47, v46;
	vm9 =	vgt.f32 v17, v20  }
0x155: {  	v17 =	vsel vm9, v17, v20;
	v50 =	vsel vm9, v49, v48  }
0x156: {  	v18 =	vor.u32 v18, v50;
	[tilespmem:v19+s16+$0x0] =	vst.idx.msk $0xffff, v17  }
0x157: {  	[tilespmem:v19+s17+$0x0] =	vst.idx.msk $0xffff, v18  }
0x158: {  	v17 =	vld [tilespmem:$0xA400]  }
0x159: {  	v18 =	vld [tilespmem:$0xA410]  }
0x15a: {  	v19 =	vld [tilespmem:$0xA420]  }
0x15b: {  	v20 =	vld [tilespmem:$0xA430]  }
0x15c: {  	v21 =	vld [tilespmem:$0xA440]  }
0x15d: {  	v22 =	vld [tilespmem:$0xA450]  }
0x15e: {  	v23 =	vld [tilespmem:$0xA460]  }
0x15f: {  	v24 =	vld [tilespmem:$0xA470]  }
0x160: {  	v25 =	vld [tilespmem:$0xA480]  }
0x161: {  	v27 =	vld [tilespmem:$0xA490]  }
0x162: {  	v28 =	vld [tilespmem:$0xA4A0]  }
0x163: {  	v32 =	vld [tilespmem:$0xA4B0]  }
0x164: {  	v43 =	vld [tilespmem:$0xA4C0]  }
0x165: {  	v46 =	vld [tilespmem:$0xA4D0]  }
0x166: {  	v47 =	vld [tilespmem:$0xA4E0]  }
0x167: {  	v53 =	vld [tilespmem:$0xA4F0];
	_ =	sdelay $0x1  }
0x168: {  	vm10 =	vgt.f32 v18, v17  }
0x169: {  	vm11 =	vgt.f32 v20, v19;
	vm12 =	vgt.f32 v22, v21;
	vm13 =	vgt.f32 v24, v23  }
0x16a: {  	vm14 =	vgt.f32 v27, v25;
	vm15 =	vgt.f32 v32, v28;
	vm4 =	vgt.f32 v46, v43  }
0x16b: {  	vm5 =	vgt.f32 v53, v47;
	v17 =	vsel vm10, v18, v17;
	v18 =	vsel vm10, $0x1, v34  }
0x16c: {  	v19 =	vsel vm11, v20, v19;
	v20 =	vsel vm11, $0x3, v26;
	v21 =	vsel vm12, v22, v21  }
0x16d: {  	v22 =	vsel vm12, $0x5, v29;
	v23 =	vsel vm13, v24, v23;
	v24 =	vsel vm13, $0x7, v33  }
0x16e: {  	v25 =	vsel vm14, v27, v25;
	v27 =	vsel vm14, $0x9, v35;
	v28 =	vsel vm15, v32, v28  }
0x16f: {  	v32 =	vsel vm15, $0xB, v56;
	v43 =	vsel vm4, v46, v43;
	v46 =	vsel vm4, $0xD, v59  }
0x170: {  	v47 =	vsel vm5, v53, v47;
	v53 =	vsel vm5, $0xF, v31;
	vm6 =	vgt.f32 v19, v17  }
0x171: {  	vm7 =	vgt.f32 v23, v21;
	vm8 =	vgt.f32 v28, v25;
	vm9 =	vgt.f32 v47, v43  }
0x172: {  	v17 =	vsel vm6, v19, v17;
	v18 =	vsel vm6, v20, v18;
	v19 =	vsel vm7, v23, v21  }
0x173: {  	v20 =	vsel vm7, v24, v22;
	v21 =	vsel vm8, v28, v25;
	v49 =	vsel vm9, v47, v43  }
0x174: {  	v50 =	vsel vm8, v32, v27;
	vm10 =	vgt.f32 v19, v17;
	vm11 =	vgt.f32 v49, v21  }
0x175: {  	v53 =	vsel vm9, v53, v46;
	v17 =	vsel vm10, v19, v17;
	v19 =	vsel vm11, v49, v21  }
0x176: {  	v18 =	vsel vm10, v20, v18;
	v25 =	vsel vm11, v53, v50;
	vm12 =	vgt.f32 v19, v17  }
0x177: {  	v17 =	vsel vm12, v25, v18  }
0x178: {  	v18 =	vshll.u32 v17, $0x4  }
0x179: {  	v19 =	vor.u32 v0, v18;
	_ =	sdelay $0x4  }
0x17a: {  	v27 =	vld.idx.msk [tilespmem:v19+s20+$0x0], $0xffff;
	_ =	sdelay $0x4  }
0x17b: {  	v32 =	vshll.u32 v27, $0x1  }
0x17c: {  	v43 =	vand.u32 $0x7F, v27;
	v21 =	vand.u32 $0xFFFFFF00, v32  }
0x17d: {  	v46 =	vadd.s32 v0, v27;
	v20 =	vshll.u32 v27, $0x4;
	v21 =	vor.u32 v43, v21  }
0x17e: {  	v23 =	vand.u32 $0xF, v46;
	v43 =	vor.u32 $0x80, v42;
	v22 =	vadd.s32 v42, v21  }
0x17f: {  	v17 =	vshll.u32 v17, $0x8;
	v20 =	vor.u32 v20, v23;
	v21 =	vadd.s32 v43, v21  }
0x180: {  	v47 =	vor.u32 v0, v17  }
0x181: {  	v48 =	vor.u32 v51, v17  }
0x182: {  	v49 =	vor.u32 v36, v17  }
0x183: {  	v50 =	vor.u32 v37, v17;
	v22 =	vld.idx.msk [tilespmem:v22+s11+$0x0], $0xffff  }
0x184: {  	v51 =	vor.u32 v54, v17;
	v21 =	vld.idx.msk [tilespmem:v21+s11+$0x0], $0xffff;
	[tilespmem:v20+s18+$0x0] =	vst.idx.msk $0xffff, v52  }
0x185: {  	v28 =	vor.u32 v55, v17;
	v23 =	vld.idx.msk [tilespmem:v47+s18+$0x0], $0xffff  }
0x186: {  	v53 =	vor.u32 v58, v17;
	v24 =	vld.idx.msk [tilespmem:v48+s18+$0x0], $0xffff  }
0x187: {  	v52 =	vor.u32 v57, v17;
	v25 =	vld.idx.msk [tilespmem:v49+s18+$0x0], $0xffff  }
0x188: {  	v27 =	vld.idx.msk [tilespmem:v50+s18+$0x0], $0xffff;
	v47 =	vor.u32 v61, v17  }
0x189: {  	v20 =	vld.idx.msk [tilespmem:v51+s18+$0x0], $0xffff;
	v48 =	vor.u32 v62, v17  }
0x18a: {  	v28 =	vld.idx.msk [tilespmem:v28+s18+$0x0], $0xffff;
	v49 =	vor.u32 v63, v17  }
0x18b: {  	v50 =	vor.u32 v38, v17;
	v46 =	vld.idx.msk [tilespmem:v53+s18+$0x0], $0xffff  }
0x18c: {  	v51 =	vor.u32 v39, v17;
	v32 =	vld.idx.msk [tilespmem:v52+s18+$0x0], $0xffff  }
0x18d: {  	v53 =	vor.u32 v41, v17;
	v47 =	vld.idx.msk [tilespmem:v47+s18+$0x0], $0xffff  }
0x18e: {  	v52 =	vor.u32 v40, v17;
	v48 =	vld.idx.msk [tilespmem:v48+s18+$0x0], $0xffff  }
0x18f: {  	v17 =	vor.u32 v60, v17;
	v49 =	vld.idx.msk [tilespmem:v49+s18+$0x0], $0xffff  }
0x190: {  	v22 =	vsub.f32 v45, v22;
	v21 =	vsub.f32 v44, v21;
	v50 =	vld.idx.msk [tilespmem:v50+s18+$0x0], $0xffff  }
0x191: {  	v51 =	vld.idx.msk [tilespmem:v51+s18+$0x0], $0xffff;
	vm13 =	vgt.f32 v24, v23;
	vm14 =	vgt.f32 v27, v25;
	vm15 =	vgt.f32 v28, v20  }
0x192: {  	v53 =	vld.idx.msk [tilespmem:v53+s18+$0x0], $0xffff;
	v23 =	vsel vm13, v24, v23;
	v24 =	vsel vm14, v27, v25;
	v25 =	vsel vm13, $0x1, v34  }
0x193: {  	v20 =	vsel vm15, v28, v20;
	v27 =	vsel vm14, $0x3, v26;
	v22 =	vmul.f32 v22, v22;
	v52 =	vld.idx.msk [tilespmem:v52+s18+$0x0], $0xffff  }
0x194: {  	v21 =	vmul.f32 v21, v21;
	vm9 =	vgt.f32 v24, v23;
	v17 =	vld.idx.msk [tilespmem:v17+s18+$0x0], $0xffff;
	vm4 =	vgt.f32 v46, v32  }
0x195: {  	v23 =	vsel vm9, v24, v23;
	v25 =	vsel vm9, v27, v25;
	v28 =	vsel vm4, v46, v32  }
0x196: {  	vm5 =	vgt.f32 v48, v47;
	v32 =	vsel vm15, $0x5, v29;
	vm6 =	vgt.f32 v50, v49  }
0x197: {  	v46 =	vsel vm5, v48, v47;
	v47 =	vsel vm4, $0x7, v33;
	v33 =	vsel vm6, v50, v49  }
0x198: {  	v34 =	vsel vm5, $0x9, v35;
	v35 =	vsel vm6, $0xB, v56;
	vm10 =	vgt.f32 v28, v20  }
0x199: {  	v20 =	vsel vm10, v28, v20;
	vm7 =	vgt.f32 v52, v51;
	vm8 =	vgt.f32 v17, v53  }
0x19a: {  	v47 =	vsel vm10, v47, v32;
	v50 =	vsel vm7, v52, v51;
	v17 =	vsel vm8, v17, v53  }
0x19b: {  	vm11 =	vgt.f32 v33, v46;
	vm13 =	vgt.f32 v20, v23;
	vm12 =	vgt.f32 v17, v50  }
0x19c: {  	v28 =	vsel vm11, v33, v46;
	v20 =	vsel vm13, v20, v23;
	v17 =	vsel vm12, v17, v50  }
0x19d: {  	p0 =	sne.s32 s28, $0x1;
	v56 =	vsel vm7, $0xD, v59;
	v59 =	vsel vm8, $0xF, v31;
	vm14 =	vgt.f32 v17, v28  }
.Ltmp2:
0x19e: {  	v53 =	vsel vm11, v35, v34;
	v24 =	vsel vm12, v59, v56;
	v17 =	vsel vm14, v17, v28;
	(pc) =	sbr.rel @p0 .LBB2_7-.Ltmp2, $4  }
0x19f: {  	v56 =	vsel vm13, v47, v25;
	v24 =	vsel vm14, v24, v53;
	vm15 =	vgt.f32 v17, v20  }
0x1a0: {  	v22 =	vadd.f32 v22, v30;
	v17 =	vsel vm15, v17, v20;
	v59 =	vsel vm15, v24, v56  }
0x1a1: {  	v18 =	vor.u32 v18, v59;
	[tilespmem:v19+s19+$0x0] =	vst.idx.msk $0xffff, v17  }
0x1a2: {  	s28 =	sadd.s32 $0xFFFFFFFF, s28;
	v30 =	vadd.f32 v21, v22;
	[tilespmem:v19+s20+$0x0] =	vst.idx.msk $0xffff, v18  }
0x1a3: {  	v17 =	vld [tilespmem:$0xA200]  }
0x1a4: {  	v18 =	vld [tilespmem:$0xA210]  }
0x1a5: {  	v19 =	vld [tilespmem:$0xA220]  }
0x1a6: {  	v20 =	vld [tilespmem:$0xA230]  }
0x1a7: {  	v21 =	vld [tilespmem:$0xA240]  }
0x1a8: {  	v22 =	vld [tilespmem:$0xA250]  }
0x1a9: {  	v23 =	vld [tilespmem:$0xA260]  }
0x1aa: {  	v24 =	vld [tilespmem:$0xA270]  }
0x1ab: {  	v25 =	vld [tilespmem:$0xA280]  }
0x1ac: {  	v27 =	vld [tilespmem:$0xA290]  }
0x1ad: {  	v28 =	vld [tilespmem:$0xA2A0]  }
0x1ae: {  	v32 =	vld [tilespmem:$0xA2B0]  }
0x1af: {  	v44 =	vld [tilespmem:$0xA2C0]  }
0x1b0: {  	v45 =	vld [tilespmem:$0xA2D0]  }
0x1b1: {  	v46 =	vld [tilespmem:$0xA2E0]  }
0x1b2: {  	v47 =	vld [tilespmem:$0xA2F0];
	v37 =	vimm.s32 $0x0;
	v26 =	vimm.s32 $0x2;
	v29 =	vimm.s32 $0x4  }
0x1b3: {  	v48 =	vld [tilespmem:$0xA400];
	v33 =	vimm.s32 $0x6;
	v35 =	vimm.s32 $0x8;
	v36 =	vimm.s32 $0xA  }
0x1b4: {  	v49 =	vld [tilespmem:$0xA410];
	v34 =	vimm.s32 $0xC;
	v31 =	vimm.s32 $0xE;
	vm0 =	vgt.f32 v18, v17  }
0x1b5: {  	v50 =	vld [tilespmem:$0xA420];
	vm13 =	vgt.f32 v20, v19;
	vm14 =	vgt.f32 v22, v21;
	vm15 =	vgt.f32 v24, v23  }
0x1b6: {  	v51 =	vld [tilespmem:$0xA430];
	vm4 =	vgt.f32 v27, v25;
	vm5 =	vgt.f32 v32, v28;
	vm1 =	vgt.f32 v45, v44  }
0x1b7: {  	v59 =	vld [tilespmem:$0xA480];
	vm6 =	vgt.f32 v47, v46;
	v17 =	vsel vm0, v18, v17;
	v18 =	vsel vm0, $0x1, v37  }
0x1b8: {  	v60 =	vld [tilespmem:$0xA490];
	v19 =	vsel vm13, v20, v19;
	v62 =	vsel vm13, $0x3, v26;
	v21 =	vsel vm14, v22, v21  }
0x1b9: {  	v63 =	vsel vm14, $0x5, v29;
	v23 =	vsel vm15, v24, v23;
	v40 =	vsel vm15, $0x7, v33  }
0x1ba: {  	v25 =	vsel vm4, v27, v25;
	v41 =	vsel vm4, $0x9, v35;
	v28 =	vsel vm5, v32, v28  }
0x1bb: {  	v44 =	vsel vm1, v45, v44;
	v56 =	vsel vm5, $0xB, v36;
	v46 =	vsel vm6, v47, v46  }
0x1bc: {  	v58 =	vsel vm1, $0xD, v34;
	vm13 =	vgt.f32 v49, v48;
	vm14 =	vgt.f32 v51, v50  }
0x1bd: {  	v52 =	vld [tilespmem:$0xA440];
	vm5 =	vgt.f32 v60, v59;
	vm2 =	vgt.f32 v19, v17;
	vm7 =	vgt.f32 v23, v21  }
0x1be: {  	v57 =	vld [tilespmem:$0xA470];
	vm8 =	vgt.f32 v28, v25;
	vm9 =	vgt.f32 v46, v44;
	v53 =	vsel vm13, v49, v48  }
0x1bf: {  	v61 =	vld [tilespmem:$0xA4A0];
	v54 =	vsel vm14, v51, v50;
	v55 =	vsel vm14, $0x3, v26;
	v17 =	vsel vm2, v19, v17  }
0x1c0: {  	v32 =	vld [tilespmem:$0xA450];
	v18 =	vsel vm2, v62, v18;
	v21 =	vsel vm7, v23, v21;
	v22 =	vsel vm7, v40, v63  }
0x1c1: {  	v19 =	vld [tilespmem:$0xA460];
	v25 =	vsel vm8, v28, v25;
	v28 =	vsel vm6, $0xF, v31;
	v44 =	vsel vm9, v46, v44  }
0x1c2: {  	v27 =	vsel vm8, v56, v41;
	v62 =	vld [tilespmem:$0xA4B0];
	v23 =	vsel vm5, v60, v59;
	vm10 =	vgt.f32 v21, v17  }
0x1c3: {  	v40 =	vld [tilespmem:$0xA4E0];
	vm11 =	vgt.f32 v44, v25;
	v28 =	vsel vm9, v28, v58;
	v58 =	vsel vm5, $0x9, v35  }
0x1c4: {  	v41 =	vld [tilespmem:$0xA4F0];
	vm9 =	vgt.f32 v54, v53;
	v17 =	vsel vm10, v21, v17;
	v63 =	vsel vm11, v44, v25  }
0x1c5: {  	v38 =	vld [tilespmem:$0xA4C0];
	v18 =	vsel vm10, v22, v18;
	v39 =	vsel vm11, v28, v27;
	v28 =	vsel vm13, $0x1, v37  }
0x1c6: {  	v27 =	vsel vm9, v54, v53;
	vm12 =	vgt.f32 v63, v17;
	v17 =	vld [tilespmem:$0xA4D0];
	vm15 =	vgt.f32 v32, v52  }
0x1c7: {  	v28 =	vsel vm9, v55, v28;
	v18 =	vsel vm12, v39, v18;
	v32 =	vsel vm15, v32, v52  }
0x1c8: {  	v56 =	vsel vm15, $0x5, v29;
	vm4 =	vgt.f32 v57, v19;
	vm6 =	vgt.f32 v62, v61  }
0x1c9: {  	vm8 =	vgt.f32 v41, v40;
	v18 =	vshll.u32 v18, $0x4;
	v19 =	vsel vm4, v57, v19  }
0x1ca: {  	v57 =	vsel vm4, $0x7, v33;
	v45 =	vsel vm6, v62, v61;
	v59 =	vsel vm6, $0xB, v36  }
0x1cb: {  	v21 =	vsel vm8, v41, v40;
	v61 =	vsel vm8, $0xF, v31;
	vm7 =	vgt.f32 v17, v38  }
0x1cc: {  	vm10 =	vgt.f32 v19, v32;
	vm11 =	vgt.f32 v45, v23;
	v17 =	vsel vm7, v17, v38  }
0x1cd: {  	v19 =	vsel vm10, v19, v32;
	v20 =	vsel vm10, v57, v56;
	vm12 =	vgt.f32 v21, v17  }
0x1ce: {  	v23 =	vsel vm11, v45, v23;
	v24 =	vsel vm11, v59, v58;
	v17 =	vsel vm12, v21, v17  }
0x1cf: {  	v60 =	vsel vm7, $0xD, v34;
	vm13 =	vgt.f32 v19, v27;
	vm14 =	vgt.f32 v17, v23  }
0x1d0: {  	v19 =	vsel vm13, v19, v27;
	v62 =	vsel vm12, v61, v60;
	v17 =	vsel vm14, v17, v23  }
0x1d1: {  	v20 =	vsel vm13, v20, v28;
	v21 =	vsel vm14, v62, v24;
	vm15 =	vgt.f32 v17, v19  }
0x1d2: {  	v17 =	vor.u32 v0, v18;
	v18 =	vsel vm15, v21, v20  }
0x1d3: {  	v18 =	vshll.u32 v18, $0x4  }
0x1d4: {  	v18 =	vor.u32 v0, v18;
	_ =	sdelay $0x2  }
0x1d5: {  	v17 =	vld.idx.msk [tilespmem:v17+s17+$0x0], $0xffff;
	_ =	sdelay $0x1  }
0x1d6: {  	v18 =	vld.idx.msk [tilespmem:v18+s20+$0x0], $0xffff;
	_ =	sdelay $0x2  }
0x1d7: {  	v19 =	vshll.u32 v17, $0x1  }
0x1d8: {  	v17 =	vand.u32 $0x7F, v17;
	v19 =	vand.u32 $0xFFFFFF00, v19  }
0x1d9: {  	v17 =	vor.u32 v17, v19;
	v19 =	vshll.u32 v18, $0x1  }
0x1da: {  	v17 =	vadd.s32 v42, v17;
	v18 =	vand.u32 $0x7F, v18;
	v19 =	vand.u32 $0xFFFFFF00, v19  }
0x1db: {  	s28 =	sadd.s32 $0x2, s26;
	v63 =	vor.u32 $0x80, v17;
	v18 =	vor.u32 v18, v19  }
0x1dc: {  	p0 =	seq.s32 s28, $0x18;
	v19 =	vadd.s32 v42, v18  }
0x1dd: {  	s28 =	simm.s32 @p0 $0x0;
	v18 =	vadd.s32 v43, v18  }
0x1de: {  	s26 =	simm.s32 $0x0;
	s28 =	sadd.s32 s5, s28  }
0x1df: {  	s28 =	sshll.u32 s28, $0xA;
	v38 =	vld.idx.msk [tilespmem:v17+s26+$0x0], $0xffff  }
0x1e0: {  	s28 =	sand.u32 $0x1FFFF800, s28;
	v31 =	vld.idx.msk [tilespmem:v63+s26+$0x0], $0xffff  }
0x1e1: {  	s29 =	sadd.s32 s0, s28;
	v40 =	vld.idx.msk [tilespmem:v19+s11+$0x0], $0xffff  }
0x1e2: {  	v39 =	vld.idx.msk [tilespmem:v18+s11+$0x0], $0xffff;
	[tilespmem:s26], [sflag:$0x1] =	stream.linear.gather [hbm4b:s29+s26], $0x2000, $0x38  }
0x1e3: {  	s28 =	sadd.s32 s1, s28  }
0x1e4: {  	[tilespmem:s11], [sflag:$0x1] =	stream.linear.gather [hbm4b:s28+s26], $0x2000, $0x38;
	[tilespmem:$0xA680] =	vst v63  }
0x1e5: {  	_ =	swait.ge [sflag:s21], $0x2000  }
0x1e6: {  	[sflag:s21] =	ssyncset.done $0x0  }
0x1e7: {  	[sflag:s21] =	ssyncadd.s32 $0xFFFFE000  }
0x1e8: {  	_ =	swait.ge [sflag:s21], $0x2000  }
0x1e9: {  	[sflag:s21] =	ssyncset.done $0x0  }
0x1ea: {  	s29 =	simm.s32 $0x0;
	s28 =	simm.s32 $0x4200;
	[sflag:s21] =	ssyncadd.s32 $0xFFFFE000  }
.LBB2_9:
0x1eb: {  	v17 =	vld [tilespmem:s28+$0xFFFFFF00]  }
0x1ec: {  	v18 =	vld [tilespmem:s28+$0xFFFFFF80]  }
0x1ed: {  	v19 =	vld [tilespmem:s28+$0xFFFFFF10]  }
0x1ee: {  	v20 =	vld [tilespmem:s28+$0xFFFFFF90]  }
0x1ef: {  	v21 =	vld [tilespmem:s28+$0xFFFFFF20]  }
0x1f0: {  	v22 =	vld [tilespmem:s28+$0xFFFFFFA0]  }
0x1f1: {  	v23 =	vld [tilespmem:s28+$0xFFFFFF30]  }
0x1f2: {  	v24 =	vld [tilespmem:s28+$0xFFFFFFB0]  }
0x1f3: {  	v25 =	vld [tilespmem:s28+$0xFFFFFF40]  }
0x1f4: {  	v27 =	vld [tilespmem:s28+$0xFFFFFFC0]  }
0x1f5: {  	v28 =	vld [tilespmem:s28+$0xFFFFFF50]  }
0x1f6: {  	v32 =	vld [tilespmem:s28+$0xFFFFFFD0]  }
0x1f7: {  	v57 =	vld [tilespmem:s28+$0xFFFFFF60]  }
0x1f8: {  	v58 =	vld [tilespmem:s28+$0xFFFFFFE0]  }
0x1f9: {  	v59 =	vld [tilespmem:s28+$0xFFFFFF70]  }
0x1fa: {  	v60 =	vld [tilespmem:s28+$0xFFFFFFF0]  }
0x1fb: {  	v61 =	vld [tilespmem:s28+$0x0]  }
0x1fc: {  	v62 =	vld [tilespmem:s28+$0x80]  }
0x1fd: {  	v63 =	vld [tilespmem:s28+$0x10]  }
0x1fe: {  	v44 =	vld [tilespmem:s28+$0x90]  }
0x1ff: {  	v45 =	vld [tilespmem:s28+$0x20];
	v17 =	vsub.f32 v18, v17  }
0x200: {  	v46 =	vld [tilespmem:s28+$0xA0]  }
0x201: {  	v47 =	vld [tilespmem:s28+$0xB0];
	(xrf0) =	vmax.scan.msk.f32 $0xffff, v17  }
0x202: {  	v55 =	vld [tilespmem:s28+$0x40];
	v19 =	vsub.f32 v20, v19  }
0x203: {  	v26 =	vadd.s32 s29, v0;
	v56 =	vld [tilespmem:s28+$0xC0]  }
0x204: {  	v53 =	vld [tilespmem:s28+$0x50];
	v48 =	vand.u32 $0xF, v26;
	(xrf0) =	vmax.scan.msk.f32 $0xffff, v19  }
0x205: {  	v54 =	vld [tilespmem:s28+$0xD0];
	v20 =	vor.u32 v1, v48;
	v21 =	vsub.f32 v22, v21  }
0x206: {  	v51 =	vld [tilespmem:s28+$0x60]  }
0x207: {  	v52 =	vld [tilespmem:s28+$0xE0];
	v50, _, _ =	vpop (xrf0);
	(xrf0) =	vmax.scan.msk.f32 $0xffff, v21  }
0x208: {  	v33 =	vmov s29;
	v49 =	vld [tilespmem:s28+$0x70];
	v26 =	vbroadcast v50, $0xF  }
0x209: {  	v18 =	vld [tilespmem:s28+$0x30];
	v23 =	vsub.f32 v24, v23  }
0x20a: {  	s30 =	sadd.s32 $0x10, s29;
	v50 =	vld [tilespmem:s28+$0xF0];
	[tilespmem:v20+s15+$0x0] =	vst.idx.msk $0xffff, v17;
	v34, _, _ =	vpop (xrf0);
	vm0 =	veq.f32 v17, v26;
	v17 =	vor.u32 v2, v48  }
0x20b: {  	v29 =	vmov s30;
	(xrf0) =	vmax.scan.msk.f32 $0xffff, v23;
	v20 =	vbroadcast v34, $0xF  }
0x20c: {  	v36 =	vor.u32 v3, v48;
	v35 =	vmctz.xlane vm0  }
0x20d: {  	s31 =	sadd.s32 $0x20, s29;
	v25 =	vsub.f32 v27, v25;
	[tilespmem:v33+s16+$0x0] =	vst.idx.msk $0x1, v26;
	vm13 =	veq.f32 v19, v20;
	v37, _, _ =	vpop (xrf0)  }
0x20e: {  	v41 =	vmctz.xlane vm13;
	[tilespmem:v33+s17+$0x0] =	vst.idx.msk $0x1, v35;
	v33 =	vmov s31;
	v24 =	vbroadcast v37, $0xF  }
0x20f: {  	(xrf0) =	vmax.scan.msk.f32 $0xffff, v25;
	[tilespmem:v17+s15+$0x0] =	vst.idx.msk $0xffff, v19  }
0x210: {  	v17 =	vadd.s32 $0x10, v41;
	v19 =	vsub.f32 v32, v28;
	[tilespmem:v29+s16+$0x0] =	vst.idx.msk $0x1, v20;
	vm14 =	veq.f32 v21, v24  }
0x211: {  	v34 =	vor.u32 v4, v48;
	s31 =	sadd.s32 $0x30, s29;
	v35, _, _ =	vpop (xrf0);
	[tilespmem:v29+s17+$0x0] =	vst.idx.msk $0x1, v17;
	v17 =	vmctz.xlane vm14  }
0x212: {  	v37 =	vmov s31;
	(xrf0) =	vmax.scan.msk.f32 $0xffff, v19;
	[tilespmem:v36+s15+$0x0] =	vst.idx.msk $0xffff, v21;
	v36 =	vbroadcast v35, $0xF  }
0x213: {  	v17 =	vadd.s32 $0x20, v17;
	[tilespmem:v33+s16+$0x0] =	vst.idx.msk $0x1, v24;
	v24 =	vsub.f32 v58, v57  }
0x214: {  	[tilespmem:v33+s17+$0x0] =	vst.idx.msk $0x1, v17;
	vm15 =	veq.f32 v23, v36;
	v17 =	vor.u32 v5, v48  }
0x215: {  	s31 =	sadd.s32 $0x40, s29;
	v41, _, _ =	vpop (xrf0);
	v57 =	vmctz.xlane vm15;
	(xrf0) =	vmax.scan.msk.f32 $0xffff, v24  }
0x216: {  	v28 =	vmov s31;
	v26 =	vbroadcast v41, $0xF;
	[tilespmem:v34+s15+$0x0] =	vst.idx.msk $0xffff, v23  }
0x217: {  	s31 =	sadd.s32 $0x50, s29;
	v21 =	vsub.f32 v60, v59;
	[tilespmem:v37+s16+$0x0] =	vst.idx.msk $0x1, v36;
	v58 =	vadd.s32 $0x30, v57  }
0x218: {  	v32 =	vor.u32 v6, v48;
	v34 =	vmov s31;
	vm4 =	veq.f32 v25, v26;
	v33, _, _ =	vpop (xrf0);
	[tilespmem:v37+s17+$0x0] =	vst.idx.msk $0x1, v58  }
0x219: {  	v27 =	vmctz.xlane vm4;
	(xrf0) =	vmax.scan.msk.f32 $0xffff, v21;
	[tilespmem:v17+s15+$0x0] =	vst.idx.msk $0xffff, v25;
	v17 =	vbroadcast v33, $0xF  }
0x21a: {  	v35 =	vsub.f32 v62, v61  }
0x21b: {  	s31 =	sadd.s32 $0x60, s29;
	v36 =	vor.u32 v7, v48;
	v20 =	vadd.s32 $0x40, v27;
	[tilespmem:v28+s16+$0x0] =	vst.idx.msk $0x1, v26;
	vm5 =	veq.f32 v19, v17;
	v37, _, _ =	vpop (xrf0)  }
0x21c: {  	[tilespmem:v28+s17+$0x0] =	vst.idx.msk $0x1, v20;
	v28 =	vmov s31;
	v41 =	vmctz.xlane vm5;
	v26 =	vbroadcast v37, $0xF  }
0x21d: {  	(xrf0) =	vmax.scan.msk.f32 $0xffff, v35;
	[tilespmem:v32+s15+$0x0] =	vst.idx.msk $0xffff, v19  }
0x21e: {  	[tilespmem:v34+s16+$0x0] =	vst.idx.msk $0x1, v17;
	v17 =	vsub.f32 v44, v63;
	v19 =	vadd.s32 $0x50, v41;
	vm6 =	veq.f32 v24, v26  }
0x21f: {  	v57 =	vor.u32 v8, v48;
	s31 =	sadd.s32 $0x70, s29;
	v58, _, _ =	vpop (xrf0);
	[tilespmem:v34+s17+$0x0] =	vst.idx.msk $0x1, v19;
	v19 =	vmctz.xlane vm6  }
0x220: {  	v60 =	vmov s31;
	v59 =	vbroadcast v58, $0xF;
	(xrf0) =	vmax.scan.msk.f32 $0xffff, v17;
	[tilespmem:v36+s15+$0x0] =	vst.idx.msk $0xffff, v24  }
0x221: {  	v61 =	vsub.f32 v46, v45;
	v19 =	vadd.s32 $0x60, v19;
	[tilespmem:v28+s16+$0x0] =	vst.idx.msk $0x1, v26  }
0x222: {  	vm7 =	veq.f32 v21, v59;
	[tilespmem:v28+s17+$0x0] =	vst.idx.msk $0x1, v19;
	v19 =	vor.u32 v9, v48  }
0x223: {  	v18 =	vsub.f32 v47, v18;
	s31 =	sadd.s32 $0x80, s29;
	v62, _, _ =	vpop (xrf0);
	v63 =	vmctz.xlane vm7  }
0x224: {  	(xrf0) =	vmax.scan.msk.f32 $0xffff, v61;
	v26 =	vbroadcast v62, $0xF;
	v28 =	vmov s31;
	[tilespmem:v57+s15+$0x0] =	vst.idx.msk $0xffff, v21  }
0x225: {  	v27 =	vadd.s32 $0x70, v63;
	[tilespmem:v60+s16+$0x0] =	vst.idx.msk $0x1, v59  }
0x226: {  	v33 =	vor.u32 v10, v48;
	s31 =	sadd.s32 $0x90, s29;
	vm8 =	veq.f32 v35, v26;
	[tilespmem:v60+s17+$0x0] =	vst.idx.msk $0x1, v27;
	v34, _, _ =	vpop (xrf0);
	(xrf0) =	vmax.scan.msk.f32 $0xffff, v18  }
0x227: {  	v32 =	vmctz.xlane vm8;
	[tilespmem:v19+s15+$0x0] =	vst.idx.msk $0xffff, v35;
	v35 =	vmov s31  }
0x228: {  	v36 =	vsub.f32 v56, v55;
	v19 =	vbroadcast v34, $0xF  }
0x229: {  	v45 =	vsub.f32 v54, v53;
	v20 =	vadd.s32 $0x80, v32;
	[tilespmem:v28+s16+$0x0] =	vst.idx.msk $0x1, v26  }
0x22a: {  	v44 =	vor.u32 v11, v48;
	v37, _, _ =	vpop (xrf0);
	s31 =	sadd.s32 $0xA0, s29;
	(xrf0) =	vmax.scan.msk.f32 $0xffff, v36;
	[tilespmem:v28+s17+$0x0] =	vst.idx.msk $0x1, v20;
	vm9 =	veq.f32 v17, v19  }
0x22b: {  	v20 =	vbroadcast v37, $0xF;
	v41 =	vmctz.xlane vm9;
	[tilespmem:v33+s15+$0x0] =	vst.idx.msk $0xffff, v17;
	v17 =	vmov s31  }
0x22c: {  	v28 =	vor.u32 v12, v48;
	[tilespmem:v35+s16+$0x0] =	vst.idx.msk $0x1, v19;
	v19, _, _ =	vpop (xrf0)  }
0x22d: {  	s31 =	sadd.s32 $0xB0, s29;
	vm10 =	veq.f32 v61, v20;
	v25 =	vadd.s32 $0x90, v41;
	(xrf0) =	vmax.scan.msk.f32 $0xffff, v45;
	v19 =	vbroadcast v19, $0xF  }
0x22e: {  	v51 =	vsub.f32 v52, v51;
	v47 =	vmov s31;
	v46 =	vmctz.xlane vm10;
	[tilespmem:v35+s17+$0x0] =	vst.idx.msk $0x1, v25  }
0x22f: {  	v54 =	vor.u32 v13, v48;
	[tilespmem:v44+s15+$0x0] =	vst.idx.msk $0xffff, v61;
	vm11 =	veq.f32 v18, v19  }
0x230: {  	s31 =	sadd.s32 $0xC0, s29;
	v55, _, _ =	vpop (xrf0);
	(xrf0) =	vmax.scan.msk.f32 $0xffff, v51;
	v52 =	vadd.s32 $0xA0, v46;
	[tilespmem:v17+s16+$0x0] =	vst.idx.msk $0x1, v20;
	v53 =	vmctz.xlane vm11  }
0x231: {  	v57 =	vsub.f32 v50, v49;
	v56 =	vmov s31;
	[tilespmem:v17+s17+$0x0] =	vst.idx.msk $0x1, v52;
	v17 =	vbroadcast v55, $0xF  }
0x232: {  	[tilespmem:v28+s15+$0x0] =	vst.idx.msk $0xffff, v18;
	v18 =	vadd.s32 $0xB0, v53  }
0x233: {  	s31 =	sadd.s32 $0xD0, s29;
	[tilespmem:v47+s16+$0x0] =	vst.idx.msk $0x1, v19;
	vm12 =	veq.f32 v36, v17;
	v19 =	vor.u32 v14, v48;
	v58, _, _ =	vpop (xrf0);
	(xrf0) =	vmax.scan.msk.f32 $0xffff, v57  }
0x234: {  	v59 =	vmov s31;
	[tilespmem:v47+s17+$0x0] =	vst.idx.msk $0x1, v18;
	v18 =	vmctz.xlane vm12;
	v20 =	vbroadcast v58, $0xF  }
0x235: {  	[tilespmem:v54+s15+$0x0] =	vst.idx.msk $0xffff, v36  }
0x236: {  	s31 =	sadd.s32 $0xE0, s29;
	v60, _, _ =	vpop (xrf0);
	v18 =	vadd.s32 $0xC0, v18;
	[tilespmem:v56+s16+$0x0] =	vst.idx.msk $0x1, v17;
	vm13 =	veq.f32 v45, v20;
	v17 =	vor.u32 v15, v48  }
0x237: {  	v61 =	vmov s31;
	v23 =	vbroadcast v60, $0xF;
	[tilespmem:v56+s17+$0x0] =	vst.idx.msk $0x1, v18;
	v18 =	vmctz.xlane vm13  }
0x238: {  	[tilespmem:v19+s15+$0x0] =	vst.idx.msk $0xffff, v45  }
0x239: {  	s31 =	sadd.s32 $0xF0, s29;
	vm14 =	veq.f32 v51, v23;
	v19 =	vor.u32 v16, v48;
	v18 =	vadd.s32 $0xD0, v18;
	[tilespmem:v59+s16+$0x0] =	vst.idx.msk $0x1, v20;
	v62, _, _ =	vpop (xrf0)  }
0x23a: {  	v63 =	vmov s31;
	[tilespmem:v59+s17+$0x0] =	vst.idx.msk $0x1, v18;
	v18 =	vmctz.xlane vm14;
	v20 =	vbroadcast v62, $0xF  }
0x23b: {  	p0 =	sne.s32 s29, $0xF;
	[tilespmem:v17+s15+$0x0] =	vst.idx.msk $0xffff, v51  }
.Ltmp3:
0x23c: {  	v17 =	vadd.s32 $0xE0, v18;
	[tilespmem:v61+s16+$0x0] =	vst.idx.msk $0x1, v23;
	vm15 =	veq.f32 v57, v20;
	(pc) =	sbr.rel @p0 .LBB2_9-.Ltmp3, $4  }
0x23d: {  	[tilespmem:v61+s17+$0x0] =	vst.idx.msk $0x1, v17;
	v17 =	vmctz.xlane vm15  }
0x23e: {  	[tilespmem:v19+s15+$0x0] =	vst.idx.msk $0xffff, v57  }
0x23f: {  	v17 =	vadd.s32 $0xF0, v17;
	[tilespmem:v63+s16+$0x0] =	vst.idx.msk $0x1, v20  }
0x240: {  	s28 =	sadd.s32 $0x200, s28;
	s29 =	sadd.s32 $0x1, s29;
	[tilespmem:v63+s17+$0x0] =	vst.idx.msk $0x1, v17  }
0x241: {  	s28 =	simm.s32 $0x6280  }
0x242: {  	v17 =	vld [tilespmem:s28+$0xFFFFFF60]  }
0x243: {  	v18 =	vld [tilespmem:s28+$0xFFFFFFE0]  }
0x244: {  	v19 =	vld [tilespmem:s28+$0xFFFFFFD0]  }
0x245: {  	v20 =	vld [tilespmem:s28+$0xFFFFFF50]  }
0x246: {  	v21 =	vld [tilespmem:s28+$0xFFFFFF70]  }
0x247: {  	v22 =	vld [tilespmem:s28+$0xFFFFFF40]  }
0x248: {  	v23 =	vld [tilespmem:s28+$0xFFFFFFC0]  }
0x249: {  	v24 =	vld [tilespmem:s28+$0xFFFFFFF0]  }
0x24a: {  	v25 =	vld [tilespmem:s28+$0xFFFFFF30]  }
0x24b: {  	v27 =	vld [tilespmem:s28+$0xFFFFFF20]  }
0x24c: {  	v28 =	vld [tilespmem:s28+$0xFFFFFFA0]  }
0x24d: {  	v29 =	vld [tilespmem:s28+$0xFFFFFF10]  }
0x24e: {  	v32 =	vld [tilespmem:s28+$0xFFFFFF90]  }
0x24f: {  	v44 =	vld [tilespmem:s28+$0xFFFFFF00]  }
0x250: {  	v45 =	vld [tilespmem:s28+$0xFFFFFF80]  }
0x251: {  	v26 =	vld [tilespmem:s28+$0xFFFFFFB0]  }
0x252: {  	v46 =	vld [tilespmem:s28+$0x30]  }
0x253: {  	v47 =	vld [tilespmem:s28+$0xB0];
	v27 =	vsub.f32 v28, v27  }
0x254: {  	v48 =	vld [tilespmem:s28+$0x40];
	v28 =	vsub.f32 v32, v29  }
0x255: {  	v53 =	vld [tilespmem:s28+$0xD0];
	v41 =	vsub.f32 v45, v44;
	(xrf0) =	vmax.scan.msk.f32 $0xffff, v27  }
0x256: {  	v49 =	vld [tilespmem:s28+$0x70];
	(xrf0) =	vmax.scan.msk.f32 $0xffff, v28  }
0x257: {  	v54 =	vld [tilespmem:s28+$0xF0];
	(xrf0) =	vmax.scan.msk.f32 $0xffff, v41  }
0x258: {  	v55 =	vld [tilespmem:s28+$0x0]  }
0x259: {  	v56 =	vld [tilespmem:s28+$0x90]  }
0x25a: {  	v50 =	vadd.s32 s26, v0;
	v29 =	vld [tilespmem:s28+$0xC0]  }
0x25b: {  	v51 =	vand.u32 $0xF, v50;
	v59 =	vld [tilespmem:s28+$0x10];
	v57, _, _ =	vpop (xrf0)  }
0x25c: {  	v61 =	vmov s26;
	v58 =	vor.u32 v1, v51;
	v44 =	vld [tilespmem:s28+$0x60];
	v60, _, _ =	vpop (xrf0)  }
0x25d: {  	v62 =	vor.u32 v3, v51;
	v45 =	vld [tilespmem:s28+$0xE0];
	v25 =	vsub.f32 v26, v25;
	v52 =	vsub.f32 v47, v46;
	v36, _, _ =	vpop (xrf0)  }
0x25e: {  	v26 =	vld [tilespmem:s28+$0x80];
	v22 =	vsub.f32 v23, v22;
	v21 =	vsub.f32 v24, v21;
	v46 =	vbroadcast v36, $0xF  }
0x25f: {  	s29 =	simm.s32 $0x10;
	v47 =	vor.u32 v2, v51;
	v23 =	vld [tilespmem:s28+$0x50];
	v19 =	vsub.f32 v19, v20;
	v50 =	vsub.f32 v29, v48;
	(xrf0) =	vmax.scan.msk.f32 $0xffff, v25  }
0x260: {  	v24 =	vld [tilespmem:s28+$0x20];
	v29 =	vmov s29;
	(xrf0) =	vmax.scan.msk.f32 $0xffff, v52;
	v37 =	vbroadcast v60, $0xF;
	vm0 =	veq.f32 v41, v46  }
0x261: {  	v17 =	vsub.f32 v18, v17;
	s29 =	simm.s32 $0x20;
	v60 =	vld [tilespmem:s28+$0xA0];
	(xrf0) =	vmax.scan.msk.f32 $0xffff, v22;
	[tilespmem:v58+s18+$0x0] =	vst.idx.msk $0xffff, v41;
	v41 =	vmctz.xlane vm0  }
0x262: {  	v63 =	vmov s29;
	(xrf0) =	vmax.scan.msk.f32 $0xffff, v50;
	vm14 =	veq.f32 v28, v37;
	[tilespmem:v61+s19+$0x0] =	vst.idx.msk $0x1, v46  }
0x263: {  	v57 =	vbroadcast v57, $0xF;
	(xrf0) =	vmax.scan.msk.f32 $0xffff, v21;
	v58 =	vmctz.xlane vm14;
	[tilespmem:v61+s20+$0x0] =	vst.idx.msk $0x1, v41  }
0x264: {  	v48 =	vsub.f32 v45, v44;
	v36 =	vor.u32 v4, v51;
	(xrf0) =	vmax.scan.msk.f32 $0xffff, v19;
	[tilespmem:v47+s18+$0x0] =	vst.idx.msk $0xffff, v28  }
0x265: {  	s29 =	simm.s32 $0x30;
	vm15 =	veq.f32 v27, v57;
	v18 =	vadd.s32 $0x10, v58;
	v28, _, _ =	vpop (xrf0);
	(xrf0) =	vmax.scan.msk.f32 $0xffff, v17;
	[tilespmem:v29+s19+$0x0] =	vst.idx.msk $0x1, v37  }
0x266: {  	v20 =	vbroadcast v28, $0xF;
	v37 =	vmctz.xlane vm15;
	[tilespmem:v29+s20+$0x0] =	vst.idx.msk $0x1, v18;
	v18 =	vmov s29  }
0x267: {  	v49 =	vsub.f32 v54, v49;
	v28, _, _ =	vpop (xrf0);
	(xrf0) =	vmax.scan.msk.f32 $0xffff, v48;
	[tilespmem:v62+s18+$0x0] =	vst.idx.msk $0xffff, v27  }
0x268: {  	v29 =	vor.u32 v5, v51;
	v41, _, _ =	vpop (xrf0);
	s29 =	simm.s32 $0x40;
	vm4 =	veq.f32 v25, v20;
	v58 =	vadd.s32 $0x20, v37;
	[tilespmem:v63+s19+$0x0] =	vst.idx.msk $0x1, v57  }
0x269: {  	v27 =	vbroadcast v41, $0xF;
	v44, _, _ =	vpop (xrf0);
	v62 =	vmov s29;
	v61 =	vmctz.xlane vm4;
	[tilespmem:v63+s20+$0x0] =	vst.idx.msk $0x1, v58  }
0x26a: {  	v26 =	vsub.f32 v26, v55;
	(xrf0) =	vmax.scan.msk.f32 $0xffff, v49;
	v47, _, _ =	vpop (xrf0);
	[tilespmem:v36+s18+$0x0] =	vst.idx.msk $0xffff, v25  }
0x26b: {  	s29 =	simm.s32 $0x50;
	vm5 =	veq.f32 v22, v27;
	v63 =	vor.u32 v6, v51;
	v35, _, _ =	vpop (xrf0);
	v36 =	vadd.s32 $0x30, v61;
	[tilespmem:v18+s19+$0x0] =	vst.idx.msk $0x1, v20  }
0x26c: {  	v25 =	vbroadcast v35, $0xF;
	v37 =	vmctz.xlane vm5;
	[tilespmem:v18+s20+$0x0] =	vst.idx.msk $0x1, v36;
	v18 =	vmov s29  }
0x26d: {  	v57 =	vor.u32 v7, v51;
	v41, _, _ =	vpop (xrf0);
	(xrf0) =	vmax.scan.msk.f32 $0xffff, v26;
	[tilespmem:v29+s18+$0x0] =	vst.idx.msk $0xffff, v22  }
0x26e: {  	v58 =	vbroadcast v41, $0xF;
	vm6 =	veq.f32 v19, v25;
	v20 =	vadd.s32 $0x40, v37;
	s29 =	simm.s32 $0x60;
	[tilespmem:v62+s19+$0x0] =	vst.idx.msk $0x1, v27  }
0x26f: {  	v29 =	vsub.f32 v56, v59;
	v61 =	vmctz.xlane vm6;
	[tilespmem:v62+s20+$0x0] =	vst.idx.msk $0x1, v20;
	v62 =	vmov s29  }
0x270: {  	v24 =	vsub.f32 v60, v24;
	vm7 =	veq.f32 v17, v58;
	[tilespmem:v63+s18+$0x0] =	vst.idx.msk $0xffff, v19  }
0x271: {  	(xrf0) =	vmax.scan.msk.f32 $0xffff, v29;
	v27 =	vadd.s32 $0x50, v61;
	s29 =	simm.s32 $0x70;
	v63 =	vor.u32 v8, v51;
	[tilespmem:v18+s19+$0x0] =	vst.idx.msk $0x1, v25  }
0x272: {  	v36 =	vbroadcast v47, $0xF;
	v37 =	vmctz.xlane vm7;
	v19, _, _ =	vpop (xrf0);
	[tilespmem:v18+s20+$0x0] =	vst.idx.msk $0x1, v27;
	v18 =	vmov s29  }
0x273: {  	v41 =	vor.u32 v9, v51;
	v46, _, _ =	vpop (xrf0);
	[tilespmem:v57+s18+$0x0] =	vst.idx.msk $0xffff, v17  }
0x274: {  	vm8 =	veq.f32 v21, v36;
	v25 =	vadd.s32 $0x60, v37;
	v55, _, _ =	vpop (xrf0);
	(xrf0) =	vmax.scan.msk.f32 $0xffff, v24;
	s29 =	simm.s32 $0x80;
	[tilespmem:v62+s19+$0x0] =	vst.idx.msk $0x1, v58  }
0x275: {  	v56 =	vmctz.xlane vm8;
	v17 =	vbroadcast v55, $0xF;
	v57 =	vmov s29;
	[tilespmem:v62+s20+$0x0] =	vst.idx.msk $0x1, v25  }
0x276: {  	[tilespmem:v63+s18+$0x0] =	vst.idx.msk $0xffff, v21  }
0x277: {  	v59 =	vor.u32 v10, v51;
	v22 =	vadd.s32 $0x70, v56;
	s29 =	simm.s32 $0x90;
	vm9 =	veq.f32 v26, v17;
	v58, _, _ =	vpop (xrf0);
	[tilespmem:v18+s19+$0x0] =	vst.idx.msk $0x1, v36  }
0x278: {  	v25 =	vbroadcast v58, $0xF;
	v60 =	vmctz.xlane vm9;
	[tilespmem:v18+s20+$0x0] =	vst.idx.msk $0x1, v22;
	v18 =	vmov s29  }
0x279: {  	v62 =	vor.u32 v11, v51;
	[tilespmem:v41+s18+$0x0] =	vst.idx.msk $0xffff, v26  }
0x27a: {  	v22 =	vsub.f32 v53, v23;
	vm10 =	veq.f32 v29, v25;
	v63, _, _ =	vpop (xrf0);
	v32 =	vadd.s32 $0x80, v60;
	s29 =	simm.s32 $0xA0;
	[tilespmem:v57+s19+$0x0] =	vst.idx.msk $0x1, v17  }
0x27b: {  	v61 =	vmctz.xlane vm10;
	v36 =	vmov s29;
	v17 =	vbroadcast v63, $0xF;
	[tilespmem:v57+s20+$0x0] =	vst.idx.msk $0x1, v32  }
0x27c: {  	v45 =	vbroadcast v28, $0xF;
	(xrf0) =	vmax.scan.msk.f32 $0xffff, v22;
	[tilespmem:v59+s18+$0x0] =	vst.idx.msk $0xffff, v29  }
0x27d: {  	v37 =	vor.u32 v12, v51;
	s29 =	simm.s32 $0xB0;
	v23 =	vadd.s32 $0x90, v61;
	vm11 =	veq.f32 v24, v17;
	[tilespmem:v18+s19+$0x0] =	vst.idx.msk $0x1, v25  }
0x27e: {  	v41 =	vmctz.xlane vm11;
	[tilespmem:v18+s20+$0x0] =	vst.idx.msk $0x1, v23;
	v18 =	vmov s29  }
0x27f: {  	vm12 =	veq.f32 v52, v45;
	[tilespmem:v62+s18+$0x0] =	vst.idx.msk $0xffff, v24  }
0x280: {  	v47 =	vor.u32 v13, v51;
	v60 =	vbroadcast v44, $0xF;
	s29 =	simm.s32 $0xC0;
	v58 =	vadd.s32 $0xA0, v41;
	[tilespmem:v36+s19+$0x0] =	vst.idx.msk $0x1, v17  }
0x281: {  	v59 =	vmctz.xlane vm12;
	v61 =	vmov s29;
	[tilespmem:v36+s20+$0x0] =	vst.idx.msk $0x1, v58  }
0x282: {  	v56 =	vbroadcast v19, $0xF;
	vm13 =	veq.f32 v50, v60;
	v17, _, _ =	vpop (xrf0);
	[tilespmem:v37+s18+$0x0] =	vst.idx.msk $0xffff, v52  }
0x283: {  	v62 =	vadd.s32 $0xB0, v59;
	s29 =	simm.s32 $0xD0;
	v55 =	vbroadcast v17, $0xF;
	v17 =	vor.u32 v14, v51;
	[tilespmem:v18+s19+$0x0] =	vst.idx.msk $0x1, v45  }
0x284: {  	v63 =	vmctz.xlane vm13;
	v58 =	vmov s29;
	[tilespmem:v18+s20+$0x0] =	vst.idx.msk $0x1, v62  }
0x285: {  	v54 =	vbroadcast v46, $0xF;
	vm15 =	veq.f32 v48, v56;
	vm1 =	veq.f32 v22, v55;
	[tilespmem:v47+s18+$0x0] =	vst.idx.msk $0xffff, v50  }
0x286: {  	s30 =	simm.s32 $0xE0;
	v19 =	vadd.s32 $0xC0, v63;
	v52 =	vor.u32 v15, v51;
	v18 =	vmctz.xlane vm1;
	[tilespmem:v61+s19+$0x0] =	vst.idx.msk $0x1, v60  }
0x287: {  	vm14 =	veq.f32 v49, v54;
	v50 =	vor.u32 v16, v51;
	v51 =	vmov s30;
	[tilespmem:v61+s20+$0x0] =	vst.idx.msk $0x1, v19  }
0x288: {  	v53 =	vmctz.xlane vm15;
	v59 =	vmctz.xlane vm14;
	s29 =	simm.s32 $0x1;
	v57 =	vadd.s32 $0xD0, v18;
	[tilespmem:v17+s18+$0x0] =	vst.idx.msk $0xffff, v22  }
.LBB2_11:
0x289: {  	p0 =	sne.s32 s29, $0xF;
	[tilespmem:v58+s19+$0x0] =	vst.idx.msk $0x1, v55;
	s26 =	sadd.s32 $0xF0, s26;
	s28 =	sadd.s32 $0x200, s28  }
0x28a: {  	[tilespmem:v58+s20+$0x0] =	vst.idx.msk $0x1, v57;
	v17 =	vmov s26;
	s26 =	smov.u32 s29;
	s29 =	sadd.s32 $0x1, s29  }
0x28b: {  	[tilespmem:v52+s18+$0x0] =	vst.idx.msk $0xffff, v48  }
0x28c: {  	v18 =	vadd.s32 $0xE0, v53;
	[tilespmem:v51+s19+$0x0] =	vst.idx.msk $0x1, v56  }
0x28d: {  	[tilespmem:v51+s20+$0x0] =	vst.idx.msk $0x1, v18  }
0x28e: {  	[tilespmem:v50+s18+$0x0] =	vst.idx.msk $0xffff, v49  }
0x28f: {  	v18 =	vadd.s32 $0xF0, v59;
	[tilespmem:v17+s19+$0x0] =	vst.idx.msk $0x1, v54  }
0x290: {  	[tilespmem:v17+s20+$0x0] =	vst.idx.msk $0x1, v18  }
0x291: {  	v17 =	vld [tilespmem:s28+$0xFFFFFF60]  }
0x292: {  	v18 =	vld [tilespmem:s28+$0xFFFFFFE0]  }
0x293: {  	v19 =	vld [tilespmem:s28+$0xFFFFFFD0]  }
0x294: {  	v20 =	vld [tilespmem:s28+$0xFFFFFF50]  }
0x295: {  	v21 =	vld [tilespmem:s28+$0xFFFFFF70]  }
0x296: {  	v22 =	vld [tilespmem:s28+$0xFFFFFF40]  }
0x297: {  	v23 =	vld [tilespmem:s28+$0xFFFFFFC0]  }
0x298: {  	v24 =	vld [tilespmem:s28+$0xFFFFFFF0]  }
0x299: {  	v25 =	vld [tilespmem:s28+$0xFFFFFF30]  }
0x29a: {  	v26 =	vld [tilespmem:s28+$0xFFFFFFB0]  }
0x29b: {  	v27 =	vld [tilespmem:s28+$0xFFFFFF20]  }
0x29c: {  	v28 =	vld [tilespmem:s28+$0xFFFFFFA0]  }
0x29d: {  	v29 =	vld [tilespmem:s28+$0xFFFFFF10]  }
0x29e: {  	v32 =	vld [tilespmem:s28+$0xFFFFFF90]  }
0x29f: {  	v44 =	vld [tilespmem:s28+$0xFFFFFF00]  }
0x2a0: {  	v45 =	vld [tilespmem:s28+$0xFFFFFF80]  }
0x2a1: {  	v46 =	vld [tilespmem:s28+$0x30]  }
0x2a2: {  	v47 =	vld [tilespmem:s28+$0xB0]  }
0x2a3: {  	v48 =	vadd.s32 s26, v0;
	v27 =	vsub.f32 v28, v27;
	v49 =	vld [tilespmem:s28+$0x40];
	v29 =	vsub.f32 v32, v29  }
0x2a4: {  	v51 =	vand.u32 $0xF, v48;
	v28 =	vld [tilespmem:s28+$0xC0]  }
0x2a5: {  	v50 =	vor.u32 v16, v51;
	v55 =	vld [tilespmem:s28+$0xD0];
	v32 =	vsub.f32 v45, v44;
	v44 =	vor.u32 v1, v51;
	(xrf0) =	vmax.scan.msk.f32 $0xffff, v27  }
0x2a6: {  	v25 =	vsub.f32 v26, v25;
	v45 =	vmov s26;
	v48 =	vld [tilespmem:s28+$0x60];
	(xrf0) =	vmax.scan.msk.f32 $0xffff, v29  }
0x2a7: {  	v26 =	vld [tilespmem:s28+$0xE0];
	v53 =	vsub.f32 v47, v46;
	(xrf0) =	vmax.scan.msk.f32 $0xffff, v32  }
0x2a8: {  	s30 =	sadd.s32 $0x10, s26;
	v47 =	vor.u32 v2, v51;
	v46 =	vld [tilespmem:s28+$0x70];
	(xrf0) =	vmax.scan.msk.f32 $0xffff, v25  }
0x2a9: {  	v22 =	vsub.f32 v23, v22;
	v54 =	vld [tilespmem:s28+$0xF0];
	v52 =	vsub.f32 v28, v49;
	(xrf0) =	vmax.scan.msk.f32 $0xffff, v53  }
0x2aa: {  	v57 =	vsub.f32 v24, v21;
	v28 =	vmov s30;
	v23 =	vld [tilespmem:s28+$0x0]  }
0x2ab: {  	v24 =	vor.u32 v3, v51;
	v21 =	vld [tilespmem:s28+$0x90];
	v49, _, _ =	vpop (xrf0);
	(xrf0) =	vmax.scan.msk.f32 $0xffff, v22  }
0x2ac: {  	v19 =	vsub.f32 v19, v20;
	v59 =	vld [tilespmem:s28+$0x10];
	v60 =	vbroadcast v49, $0xF;
	v20, _, _ =	vpop (xrf0);
	(xrf0) =	vmax.scan.msk.f32 $0xffff, v52  }
0x2ad: {  	v62 =	vor.u32 v4, v51;
	v61 =	vld [tilespmem:s28+$0x80];
	v49, _, _ =	vpop (xrf0);
	(xrf0) =	vmax.scan.msk.f32 $0xffff, v57  }
0x2ae: {  	v17 =	vsub.f32 v18, v17;
	v20 =	vbroadcast v20, $0xF;
	v63 =	vld [tilespmem:s28+$0x50];
	v49 =	vbroadcast v49, $0xF;
	v18, _, _ =	vpop (xrf0);
	(xrf0) =	vmax.scan.msk.f32 $0xffff, v19  }
0x2af: {  	v48 =	vsub.f32 v26, v48;
	vm0 =	veq.f32 v27, v60;
	v33 =	vld [tilespmem:s28+$0x20];
	v18 =	vbroadcast v18, $0xF;
	v56, _, _ =	vpop (xrf0)  }
0x2b0: {  	vm2 =	veq.f32 v29, v20;
	v34 =	vmctz.xlane vm0;
	v26 =	vld [tilespmem:s28+$0xA0];
	vm1 =	veq.f32 v32, v49;
	(xrf0) =	vmax.scan.msk.f32 $0xffff, v17  }
0x2b1: {  	s30 =	sadd.s32 $0x20, s26;
	[tilespmem:v44+s18+$0x0] =	vst.idx.msk $0xffff, v32;
	v41 =	vmctz.xlane vm1;
	v44 =	vor.u32 v5, v51;
	v58, _, _ =	vpop (xrf0);
	(xrf0) =	vmax.scan.msk.f32 $0xffff, v48  }
0x2b2: {  	v36 =	vmov s30;
	v35 =	vmctz.xlane vm2;
	[tilespmem:v45+s19+$0x0] =	vst.idx.msk $0x1, v49;
	v37 =	vbroadcast v58, $0xF;
	v58, _, _ =	vpop (xrf0)  }
0x2b3: {  	vm0 =	veq.f32 v25, v18;
	v49 =	vsub.f32 v54, v46;
	[tilespmem:v45+s20+$0x0] =	vst.idx.msk $0x1, v41;
	v32, _, _ =	vpop (xrf0)  }
0x2b4: {  	v45 =	vor.u32 v6, v51;
	[tilespmem:v47+s18+$0x0] =	vst.idx.msk $0xffff, v29;
	v29 =	vmctz.xlane vm0;
	vm0 =	veq.f32 v22, v37;
	v46, _, _ =	vpop (xrf0)  }
0x2b5: {  	s30 =	sadd.s32 $0x30, s26;
	v35 =	vadd.s32 $0x10, v35;
	v23 =	vsub.f32 v61, v23;
	[tilespmem:v28+s19+$0x0] =	vst.idx.msk $0x1, v20;
	v20 =	vbroadcast v46, $0xF  }
0x2b6: {  	[tilespmem:v28+s20+$0x0] =	vst.idx.msk $0x1, v35;
	v28 =	vmov s30;
	v35 =	vmctz.xlane vm0;
	v46, _, _ =	vpop (xrf0);
	(xrf0) =	vmax.scan.msk.f32 $0xffff, v49  }
0x2b7: {  	[tilespmem:v24+s18+$0x0] =	vst.idx.msk $0xffff, v27;
	vm0 =	veq.f32 v19, v20;
	(xrf0) =	vmax.scan.msk.f32 $0xffff, v23;
	v24, _, _ =	vpop (xrf0)  }
0x2b8: {  	s30 =	sadd.s32 $0x40, s26;
	v27 =	vadd.s32 $0x20, v34;
	v34 =	vor.u32 v7, v51;
	v46 =	vbroadcast v46, $0xF;
	[tilespmem:v36+s19+$0x0] =	vst.idx.msk $0x1, v60  }
0x2b9: {  	[tilespmem:v36+s20+$0x0] =	vst.idx.msk $0x1, v27;
	v27 =	vmov s30;
	v36 =	vmctz.xlane vm0  }
0x2ba: {  	v21 =	vsub.f32 v21, v59;
	vm0 =	veq.f32 v17, v46;
	[tilespmem:v62+s18+$0x0] =	vst.idx.msk $0xffff, v25  }
0x2bb: {  	s30 =	sadd.s32 $0x50, s26;
	v25 =	vadd.s32 $0x30, v29;
	v29 =	vbroadcast v32, $0xF;
	[tilespmem:v28+s19+$0x0] =	vst.idx.msk $0x1, v18;
	v18 =	vor.u32 v8, v51  }
0x2bc: {  	[tilespmem:v28+s20+$0x0] =	vst.idx.msk $0x1, v25;
	v25 =	vmov s30;
	v28 =	vmctz.xlane vm0;
	(xrf0) =	vmax.scan.msk.f32 $0xffff, v21;
	v32, _, _ =	vpop (xrf0)  }
0x2bd: {  	vm0 =	veq.f32 v57, v29;
	[tilespmem:v44+s18+$0x0] =	vst.idx.msk $0xffff, v22;
	v22 =	vor.u32 v9, v51;
	v44, _, _ =	vpop (xrf0)  }
0x2be: {  	v35 =	vadd.s32 $0x40, v35;
	s30 =	sadd.s32 $0x60, s26;
	[tilespmem:v27+s19+$0x0] =	vst.idx.msk $0x1, v37;
	v37 =	vmctz.xlane vm0;
	v44 =	vbroadcast v44, $0xF  }
0x2bf: {  	v54 =	vbroadcast v32, $0xF;
	[tilespmem:v27+s20+$0x0] =	vst.idx.msk $0x1, v35;
	v27 =	vmov s30  }
0x2c0: {  	[tilespmem:v45+s18+$0x0] =	vst.idx.msk $0xffff, v19;
	vm0 =	veq.f32 v23, v44  }
0x2c1: {  	v26 =	vsub.f32 v26, v33;
	s30 =	sadd.s32 $0x70, s26;
	v19 =	vadd.s32 $0x50, v36;
	[tilespmem:v25+s19+$0x0] =	vst.idx.msk $0x1, v20;
	v20 =	vor.u32 v10, v51  }
0x2c2: {  	[tilespmem:v25+s20+$0x0] =	vst.idx.msk $0x1, v19;
	v19 =	vmov s30;
	v25 =	vmctz.xlane vm0;
	vm0 =	veq.f32 v49, v54;
	v32, _, _ =	vpop (xrf0)  }
0x2c3: {  	[tilespmem:v34+s18+$0x0] =	vst.idx.msk $0xffff, v17;
	v59 =	vmctz.xlane vm0;
	(xrf0) =	vmax.scan.msk.f32 $0xffff, v26  }
0x2c4: {  	s30 =	sadd.s32 $0x80, s26;
	v17 =	vadd.s32 $0x60, v28;
	v28 =	vbroadcast v32, $0xF;
	[tilespmem:v27+s19+$0x0] =	vst.idx.msk $0x1, v46  }
0x2c5: {  	[tilespmem:v27+s20+$0x0] =	vst.idx.msk $0x1, v17;
	v17 =	vmov s30;
	v27 =	vsub.f32 v55, v63  }
0x2c6: {  	vm0 =	veq.f32 v21, v28;
	[tilespmem:v18+s18+$0x0] =	vst.idx.msk $0xffff, v57  }
0x2c7: {  	s30 =	sadd.s32 $0x90, s26;
	v18 =	vadd.s32 $0x70, v37;
	[tilespmem:v19+s19+$0x0] =	vst.idx.msk $0x1, v29;
	v29 =	vmctz.xlane vm0;
	(xrf0) =	vmax.scan.msk.f32 $0xffff, v27  }
0x2c8: {  	[tilespmem:v19+s20+$0x0] =	vst.idx.msk $0x1, v18;
	v18 =	vmov s30  }
0x2c9: {  	v19 =	vor.u32 v11, v51;
	[tilespmem:v22+s18+$0x0] =	vst.idx.msk $0xffff, v23;
	v22, _, _ =	vpop (xrf0)  }
0x2ca: {  	s30 =	sadd.s32 $0xA0, s26;
	v23 =	vadd.s32 $0x80, v25;
	[tilespmem:v17+s19+$0x0] =	vst.idx.msk $0x1, v44;
	v22 =	vbroadcast v22, $0xF  }
0x2cb: {  	[tilespmem:v17+s20+$0x0] =	vst.idx.msk $0x1, v23;
	v17 =	vmov s30  }
0x2cc: {  	[tilespmem:v20+s18+$0x0] =	vst.idx.msk $0xffff, v21;
	vm0 =	veq.f32 v26, v22;
	v20 =	vor.u32 v12, v51  }
0x2cd: {  	v25 =	vbroadcast v56, $0xF;
	s30 =	sadd.s32 $0xB0, s26;
	v21 =	vadd.s32 $0x90, v29;
	[tilespmem:v18+s19+$0x0] =	vst.idx.msk $0x1, v28;
	v23 =	vmctz.xlane vm0;
	v28, _, _ =	vpop (xrf0)  }
0x2ce: {  	[tilespmem:v18+s20+$0x0] =	vst.idx.msk $0x1, v21;
	v18 =	vmov s30;
	v55 =	vbroadcast v28, $0xF  }
0x2cf: {  	vm0 =	veq.f32 v53, v25;
	[tilespmem:v19+s18+$0x0] =	vst.idx.msk $0xffff, v26;
	v19 =	vor.u32 v13, v51  }
0x2d0: {  	s30 =	sadd.s32 $0xC0, s26;
	v21 =	vadd.s32 $0xA0, v23;
	v23 =	vbroadcast v58, $0xF;
	[tilespmem:v17+s19+$0x0] =	vst.idx.msk $0x1, v22;
	v22 =	vmctz.xlane vm0  }
0x2d1: {  	v56 =	vbroadcast v24, $0xF;
	vm0 =	veq.f32 v27, v55;
	[tilespmem:v17+s20+$0x0] =	vst.idx.msk $0x1, v21;
	v17 =	vmov s30  }
0x2d2: {  	vm1 =	veq.f32 v52, v23;
	v21 =	vmctz.xlane vm0;
	[tilespmem:v20+s18+$0x0] =	vst.idx.msk $0xffff, v53;
	v20 =	vor.u32 v14, v51  }
0x2d3: {  	s30 =	sadd.s32 $0xD0, s26;
	vm0 =	veq.f32 v48, v56;
	v22 =	vadd.s32 $0xB0, v22;
	v24 =	vmctz.xlane vm1;
	[tilespmem:v18+s19+$0x0] =	vst.idx.msk $0x1, v25  }
.Ltmp4:
0x2d4: {  	v58 =	vmov s30;
	v53 =	vmctz.xlane vm0;
	v57 =	vadd.s32 $0xD0, v21;
	[tilespmem:v18+s20+$0x0] =	vst.idx.msk $0x1, v22;
	(pc) =	sbr.rel @p0 .LBB2_11-.Ltmp4, $4  }
0x2d5: {  	[tilespmem:v19+s18+$0x0] =	vst.idx.msk $0xffff, v52  }
0x2d6: {  	s30 =	sadd.s32 $0xE0, s26;
	v18 =	vadd.s32 $0xC0, v24;
	v52 =	vor.u32 v15, v51;
	[tilespmem:v17+s19+$0x0] =	vst.idx.msk $0x1, v23  }
0x2d7: {  	v51 =	vmov s30;
	[tilespmem:v17+s20+$0x0] =	vst.idx.msk $0x1, v18  }
0x2d8: {  	[tilespmem:v20+s18+$0x0] =	vst.idx.msk $0xffff, v27  }
0x2d9: {  	_ =	sdelay $0x1  }
0x2da: {  	v46 =	vld [tilespmem:$0x1FF10]  }
0x2db: {  	v19 =	vadd.s32 $0xE0, v53;
	v53 =	vld [tilespmem:$0x1FF30]  }
0x2dc: {  	[tilespmem:v58+s19+$0x0] =	vst.idx.msk $0x1, v55;
	v55 =	vld [tilespmem:$0x1FF50]  }
0x2dd: {  	v61 =	vld [tilespmem:$0x1FF80]  }
0x2de: {  	v62 =	vld [tilespmem:$0x1FF90]  }
0x2df: {  	v20 =	vsub.f32 v31, v39;
	v39 =	vld [tilespmem:$0x1FFC0]  }
0x2e0: {  	s26 =	sadd.s32 $0xF0, s26;
	v18 =	vsub.f32 v38, v40;
	v40 =	vld [tilespmem:$0x1FFD0]  }
0x2e1: {  	v60 =	vld [tilespmem:$0x1FFF0];
	[tilespmem:v58+s20+$0x0] =	vst.idx.msk $0x1, v57;
	v17 =	vmov s26  }
0x2e2: {  	v57 =	vld [tilespmem:$0x1FF60];
	[tilespmem:v52+s18+$0x0] =	vst.idx.msk $0xffff, v48  }
0x2e3: {  	v58 =	vld [tilespmem:$0x1FF70];
	v18 =	vmul.f32 v18, v18;
	[tilespmem:v51+s19+$0x0] =	vst.idx.msk $0x1, v56  }
0x2e4: {  	v63 =	vadd.s32 $0xF0, v59;
	v47 =	vimm.s32 $0x0;
	v59 =	vimm.s32 $0xA;
	v52 =	vld [tilespmem:$0x1FF20];
	[tilespmem:v51+s20+$0x0] =	vst.idx.msk $0x1, v19  }
0x2e5: {  	v31 =	vimm.s32 $0xC;
	v18 =	vadd.f32 v18, v30;
	v19 =	vmul.f32 v20, v20;
	v30 =	vld [tilespmem:$0x1FFE0];
	[tilespmem:v50+s18+$0x0] =	vst.idx.msk $0xffff, v49  }
0x2e6: {  	v48 =	vimm.s32 $0x2;
	v56 =	vimm.s32 $0x8;
	v51 =	vimm.s32 $0x6;
	[tilespmem:v17+s19+$0x0] =	vst.idx.msk $0x1, v54;
	v54 =	vld [tilespmem:$0x1FF40]  }
0x2e7: {  	s26 =	simm.s32 $0x9;
	v49 =	vimm.s32 $0x4;
	v50 =	vimm.s32 $0xE;
	v41 =	vadd.f32 v19, v18;
	[tilespmem:v17+s20+$0x0] =	vst.idx.msk $0x1, v63;
	v63 =	vld [tilespmem:$0x1FFA0]  }
.LBB2_13:
0x2e8: {  	v17 =	vld [tilespmem:$0xA200]  }
0x2e9: {  	v18 =	vld [tilespmem:$0xA210]  }
0x2ea: {  	v19 =	vld [tilespmem:$0xA220]  }
0x2eb: {  	v20 =	vld [tilespmem:$0xA230]  }
0x2ec: {  	v21 =	vld [tilespmem:$0xA240]  }
0x2ed: {  	v22 =	vld [tilespmem:$0xA250]  }
0x2ee: {  	v23 =	vld [tilespmem:$0xA260]  }
0x2ef: {  	v24 =	vld [tilespmem:$0xA270]  }
0x2f0: {  	v25 =	vld [tilespmem:$0xA280]  }
0x2f1: {  	v26 =	vld [tilespmem:$0xA290]  }
0x2f2: {  	v27 =	vld [tilespmem:$0xA2A0]  }
0x2f3: {  	v28 =	vld [tilespmem:$0xA2B0]  }
0x2f4: {  	v29 =	vld [tilespmem:$0xA2C0]  }
0x2f5: {  	v32 =	vld [tilespmem:$0xA2D0]  }
0x2f6: {  	v33 =	vld [tilespmem:$0xA2E0]  }
0x2f7: {  	v34 =	vld [tilespmem:$0xA2F0];
	_ =	sdelay $0x1  }
0x2f8: {  	vm0 =	vgt.f32 v18, v17  }
0x2f9: {  	vm7 =	vgt.f32 v20, v19;
	vm8 =	vgt.f32 v22, v21;
	vm9 =	vgt.f32 v24, v23  }
0x2fa: {  	vm10 =	vgt.f32 v26, v25;
	vm11 =	vgt.f32 v28, v27;
	vm12 =	vgt.f32 v32, v29  }
0x2fb: {  	vm13 =	vgt.f32 v34, v33;
	v17 =	vsel vm0, v18, v17;
	v18 =	vsel vm0, $0x1, v47  }
0x2fc: {  	v19 =	vsel vm7, v20, v19;
	v37 =	vsel vm7, $0x3, v48;
	v21 =	vsel vm8, v22, v21  }
0x2fd: {  	v38 =	vsel vm8, $0x5, v49;
	v23 =	vsel vm9, v24, v23;
	v44 =	vsel vm9, $0x7, v51  }
0x2fe: {  	v25 =	vsel vm10, v26, v25;
	v45 =	vsel vm10, $0x9, v56;
	v27 =	vsel vm11, v28, v27  }
0x2ff: {  	v28 =	vsel vm11, $0xB, v59;
	v29 =	vsel vm12, v32, v29;
	v32 =	vsel vm12, $0xD, v31  }
0x300: {  	v33 =	vsel vm13, v34, v33;
	v36 =	vsel vm13, $0xF, v50;
	vm14 =	vgt.f32 v19, v17  }
0x301: {  	vm15 =	vgt.f32 v23, v21;
	vm1 =	vgt.f32 v27, v25;
	vm2 =	vgt.f32 v33, v29  }
0x302: {  	v17 =	vsel vm14, v19, v17;
	v18 =	vsel vm14, v37, v18;
	v19 =	vsel vm15, v23, v21  }
0x303: {  	v37 =	vsel vm15, v44, v38;
	v38 =	vsel vm1, v27, v25;
	v44 =	vsel vm2, v33, v29  }
0x304: {  	v45 =	vsel vm1, v28, v45;
	vm4 =	vgt.f32 v19, v17;
	vm5 =	vgt.f32 v44, v38  }
0x305: {  	v32 =	vsel vm2, v36, v32;
	v17 =	vsel vm4, v19, v17;
	v19 =	vsel vm5, v44, v38  }
0x306: {  	v18 =	vsel vm4, v37, v18;
	v33 =	vsel vm5, v32, v45;
	vm6 =	vgt.f32 v19, v17  }
0x307: {  	v17 =	vsel vm6, v33, v18  }
0x308: {  	v18 =	vshll.u32 v17, $0x4  }
0x309: {  	v19 =	vor.u32 v0, v18;
	_ =	sdelay $0x4  }
0x30a: {  	v34 =	vld.idx.msk [tilespmem:v19+s17+$0x0], $0xffff;
	_ =	sdelay $0x4  }
0x30b: {  	v35 =	vshll.u32 v34, $0x1  }
0x30c: {  	v36 =	vand.u32 $0x7F, v34;
	v21 =	vand.u32 $0xFFFFFF00, v35  }
0x30d: {  	v21 =	vor.u32 v36, v21  }
0x30e: {  	v37 =	vadd.s32 v0, v34;
	v21 =	vadd.s32 v42, v21  }
0x30f: {  	v20 =	vshll.u32 v34, $0x4;
	v22 =	vand.u32 $0xF, v37;
	v38 =	vor.u32 $0x80, v21  }
0x310: {  	v17 =	vshll.u32 v17, $0x8;
	v20 =	vor.u32 v20, v22  }
0x311: {  	v22 =	vor.u32 v0, v17  }
0x312: {  	v32 =	vor.u32 v46, v17  }
0x313: {  	v33 =	vor.u32 v52, v17  }
0x314: {  	v34 =	vor.u32 v53, v17;
	v44 =	vld.idx.msk [tilespmem:v38+s12+$0x0], $0xffff;
	v38 =	vimm.f32 $-3.399999950e+38  }
0x315: {  	v37 =	vor.u32 v57, v17;
	v45 =	vld.idx.msk [tilespmem:v21+s12+$0x0], $0xffff;
	[tilespmem:v20+s15+$0x0] =	vst.idx.msk $0xffff, v38  }
0x316: {  	v22 =	vld.idx.msk [tilespmem:v22+s15+$0x0], $0xffff  }
0x317: {  	v35 =	vor.u32 v54, v17;
	v24 =	vld.idx.msk [tilespmem:v32+s15+$0x0], $0xffff  }
0x318: {  	v36 =	vor.u32 v55, v17;
	v21 =	vld.idx.msk [tilespmem:v33+s15+$0x0], $0xffff  }
0x319: {  	v27 =	vor.u32 v58, v17;
	v23 =	vld.idx.msk [tilespmem:v34+s15+$0x0], $0xffff  }
0x31a: {  	v28 =	vor.u32 v61, v17;
	v26 =	vld.idx.msk [tilespmem:v37+s15+$0x0], $0xffff  }
0x31b: {  	v29 =	vor.u32 v62, v17;
	v37 =	vld [tilespmem:$0x1FFB0]  }
0x31c: {  	v20 =	vld.idx.msk [tilespmem:v35+s15+$0x0], $0xffff;
	v32 =	vor.u32 v63, v17  }
0x31d: {  	v25 =	vld.idx.msk [tilespmem:v36+s15+$0x0], $0xffff;
	v34 =	vor.u32 v39, v17  }
0x31e: {  	v27 =	vld.idx.msk [tilespmem:v27+s15+$0x0], $0xffff;
	v35 =	vor.u32 v40, v17  }
0x31f: {  	v28 =	vld.idx.msk [tilespmem:v28+s15+$0x0], $0xffff;
	v36 =	vor.u32 v30, v17  }
0x320: {  	v29 =	vld.idx.msk [tilespmem:v29+s15+$0x0], $0xffff;
	v33 =	vor.u32 v37, v17  }
0x321: {  	v32 =	vld.idx.msk [tilespmem:v32+s15+$0x0], $0xffff;
	v17 =	vor.u32 v60, v17  }
0x322: {  	v34 =	vld.idx.msk [tilespmem:v34+s15+$0x0], $0xffff  }
0x323: {  	v35 =	vld.idx.msk [tilespmem:v35+s15+$0x0], $0xffff;
	vm7 =	vgt.f32 v24, v22  }
0x324: {  	v36 =	vld.idx.msk [tilespmem:v36+s15+$0x0], $0xffff;
	vm8 =	vgt.f32 v23, v21;
	vm9 =	vgt.f32 v25, v20;
	vm10 =	vgt.f32 v27, v26  }
0x325: {  	vm11 =	vgt.f32 v29, v28;
	v22 =	vsel vm7, v24, v22;
	v24 =	vsel vm7, $0x1, v47;
	v33 =	vld.idx.msk [tilespmem:v33+s15+$0x0], $0xffff  }
0x326: {  	v21 =	vsel vm8, v23, v21;
	v23 =	vsel vm8, $0x3, v48;
	v20 =	vsel vm9, v25, v20;
	v17 =	vld.idx.msk [tilespmem:v17+s15+$0x0], $0xffff  }
0x327: {  	v25 =	vsel vm9, $0x5, v49;
	v26 =	vsel vm10, v27, v26;
	v27 =	vsel vm10, $0x7, v51  }
0x328: {  	v28 =	vsel vm11, v29, v28;
	vm15 =	vgt.f32 v21, v22;
	vm4 =	vgt.f32 v26, v20  }
0x329: {  	v29 =	vsel vm11, $0x9, v56;
	v21 =	vsel vm15, v21, v22;
	v20 =	vsel vm4, v26, v20  }
0x32a: {  	v22 =	vsel vm15, v23, v24;
	v23 =	vsel vm4, v27, v25;
	vm7 =	vgt.f32 v20, v21  }
0x32b: {  	vm13 =	vgt.f32 v35, v34;
	vm12 =	vgt.f32 v33, v32;
	vm14 =	vgt.f32 v17, v36  }
0x32c: {  	v34 =	vsel vm13, v35, v34;
	v32 =	vsel vm12, v33, v32;
	v17 =	vsel vm14, v17, v36  }
0x32d: {  	v20 =	vsel vm7, v20, v21;
	vm5 =	vgt.f32 v32, v28;
	vm6 =	vgt.f32 v17, v34  }
0x32e: {  	v35 =	vsel vm13, $0xD, v31;
	v24 =	vsel vm5, v32, v28;
	v17 =	vsel vm6, v17, v34  }
0x32f: {  	v33 =	vsel vm12, $0xB, v59;
	v36 =	vsel vm14, $0xF, v50;
	vm8 =	vgt.f32 v17, v24  }
0x330: {  	v34 =	vsel vm5, v33, v29;
	v32 =	vsel vm6, v36, v35;
	v17 =	vsel vm8, v17, v24  }
0x331: {  	v33 =	vsel vm7, v23, v22;
	v34 =	vsel vm8, v32, v34;
	vm9 =	vgt.f32 v17, v20  }
0x332: {  	v17 =	vsel vm9, v17, v20;
	v35 =	vsel vm9, v34, v33  }
0x333: {  	v18 =	vor.u32 v18, v35;
	[tilespmem:v19+s16+$0x0] =	vst.idx.msk $0xffff, v17  }
0x334: {  	[tilespmem:v19+s17+$0x0] =	vst.idx.msk $0xffff, v18  }
0x335: {  	v17 =	vld [tilespmem:$0xA400]  }
0x336: {  	v18 =	vld [tilespmem:$0xA410]  }
0x337: {  	v19 =	vld [tilespmem:$0xA420]  }
0x338: {  	v20 =	vld [tilespmem:$0xA430]  }
0x339: {  	v21 =	vld [tilespmem:$0xA440]  }
0x33a: {  	v22 =	vld [tilespmem:$0xA450]  }
0x33b: {  	v23 =	vld [tilespmem:$0xA460]  }
0x33c: {  	v36 =	vld [tilespmem:$0xA470]  }
0x33d: {  	v25 =	vld [tilespmem:$0xA480]  }
0x33e: {  	v26 =	vld [tilespmem:$0xA490]  }
0x33f: {  	v27 =	vld [tilespmem:$0xA4A0]  }
0x340: {  	v28 =	vld [tilespmem:$0xA4B0]  }
0x341: {  	v29 =	vld [tilespmem:$0xA4C0]  }
0x342: {  	v32 =	vld [tilespmem:$0xA4D0]  }
0x343: {  	v33 =	vld [tilespmem:$0xA4E0]  }
0x344: {  	v34 =	vld [tilespmem:$0xA4F0];
	_ =	sdelay $0x1  }
0x345: {  	vm10 =	vgt.f32 v18, v17  }
0x346: {  	vm11 =	vgt.f32 v20, v19;
	vm12 =	vgt.f32 v22, v21;
	vm13 =	vgt.f32 v36, v23  }
0x347: {  	vm14 =	vgt.f32 v26, v25;
	vm15 =	vgt.f32 v28, v27;
	vm4 =	vgt.f32 v32, v29  }
0x348: {  	vm5 =	vgt.f32 v34, v33;
	v17 =	vsel vm10, v18, v17;
	v18 =	vsel vm10, $0x1, v47  }
0x349: {  	v19 =	vsel vm11, v20, v19;
	v20 =	vsel vm11, $0x3, v48;
	v21 =	vsel vm12, v22, v21  }
0x34a: {  	v22 =	vsel vm12, $0x5, v49;
	v23 =	vsel vm13, v36, v23;
	v36 =	vsel vm13, $0x7, v51  }
0x34b: {  	v25 =	vsel vm14, v26, v25;
	v26 =	vsel vm14, $0x9, v56;
	v27 =	vsel vm15, v28, v27  }
0x34c: {  	v28 =	vsel vm15, $0xB, v59;
	v29 =	vsel vm4, v32, v29;
	v32 =	vsel vm4, $0xD, v31  }
0x34d: {  	v33 =	vsel vm5, v34, v33;
	v34 =	vsel vm5, $0xF, v50;
	vm6 =	vgt.f32 v19, v17  }
0x34e: {  	vm7 =	vgt.f32 v23, v21;
	vm8 =	vgt.f32 v27, v25;
	vm9 =	vgt.f32 v33, v29  }
0x34f: {  	v17 =	vsel vm6, v19, v17;
	v18 =	vsel vm6, v20, v18;
	v19 =	vsel vm7, v23, v21  }
0x350: {  	v20 =	vsel vm7, v36, v22;
	v21 =	vsel vm8, v27, v25;
	v36 =	vsel vm9, v33, v29  }
0x351: {  	v33 =	vsel vm8, v28, v26;
	vm10 =	vgt.f32 v19, v17;
	vm11 =	vgt.f32 v36, v21  }
0x352: {  	v35 =	vsel vm9, v34, v32;
	v17 =	vsel vm10, v19, v17;
	v19 =	vsel vm11, v36, v21  }
0x353: {  	v18 =	vsel vm10, v20, v18;
	v36 =	vsel vm11, v35, v33;
	vm12 =	vgt.f32 v19, v17  }
0x354: {  	v17 =	vsel vm12, v36, v18  }
0x355: {  	v18 =	vshll.u32 v17, $0x4  }
0x356: {  	v19 =	vor.u32 v0, v18;
	_ =	sdelay $0x4  }
0x357: {  	v24 =	vld.idx.msk [tilespmem:v19+s20+$0x0], $0xffff;
	_ =	sdelay $0x4  }
0x358: {  	v25 =	vshll.u32 v24, $0x1  }
0x359: {  	v26 =	vand.u32 $0x7F, v24;
	v21 =	vand.u32 $0xFFFFFF00, v25  }
0x35a: {  	v27 =	vadd.s32 v0, v24;
	v21 =	vor.u32 v26, v21  }
0x35b: {  	v20 =	vshll.u32 v24, $0x4;
	v23 =	vand.u32 $0xF, v27;
	v22 =	vadd.s32 v42, v21  }
0x35c: {  	v17 =	vshll.u32 v17, $0x8;
	v20 =	vor.u32 v20, v23;
	v21 =	vadd.s32 v43, v21  }
0x35d: {  	v32 =	vor.u32 v0, v17  }
0x35e: {  	v33 =	vor.u32 v46, v17  }
0x35f: {  	v34 =	vor.u32 v52, v17  }
0x360: {  	v35 =	vor.u32 v53, v17;
	v22 =	vld.idx.msk [tilespmem:v22+s13+$0x0], $0xffff  }
0x361: {  	v36 =	vor.u32 v54, v17;
	v21 =	vld.idx.msk [tilespmem:v21+s13+$0x0], $0xffff;
	[tilespmem:v20+s18+$0x0] =	vst.idx.msk $0xffff, v38  }
0x362: {  	v28 =	vor.u32 v57, v17;
	v23 =	vld.idx.msk [tilespmem:v32+s18+$0x0], $0xffff  }
0x363: {  	v29 =	vor.u32 v58, v17;
	v24 =	vld.idx.msk [tilespmem:v33+s18+$0x0], $0xffff  }
0x364: {  	v38 =	vor.u32 v55, v17;
	v25 =	vld.idx.msk [tilespmem:v34+s18+$0x0], $0xffff  }
0x365: {  	v26 =	vld.idx.msk [tilespmem:v35+s18+$0x0], $0xffff;
	v32 =	vor.u32 v61, v17  }
0x366: {  	v20 =	vld.idx.msk [tilespmem:v36+s18+$0x0], $0xffff;
	v33 =	vor.u32 v62, v17  }
0x367: {  	v34 =	vor.u32 v63, v17;
	v28 =	vld.idx.msk [tilespmem:v28+s18+$0x0], $0xffff  }
0x368: {  	v35 =	vor.u32 v37, v17;
	v29 =	vld.idx.msk [tilespmem:v29+s18+$0x0], $0xffff  }
0x369: {  	v36 =	vor.u32 v39, v17;
	v27 =	vld.idx.msk [tilespmem:v38+s18+$0x0], $0xffff  }
0x36a: {  	v37 =	vor.u32 v40, v17;
	v38 =	vmov v63;
	v32 =	vld.idx.msk [tilespmem:v32+s18+$0x0], $0xffff  }
0x36b: {  	v63 =	vmovc v62;
	v62 =	vmovc v61;
	v61 =	vmov v43;
	v43 =	vmov v58;
	v58 =	vmov v57;
	v33 =	vld.idx.msk [tilespmem:v33+s18+$0x0], $0xffff  }
0x36c: {  	v57 =	vmovc v55;
	v55 =	vmovc v54;
	v54 =	vmov v53;
	v53 =	vmov v52;
	v52 =	vmov v46;
	v34 =	vld.idx.msk [tilespmem:v34+s18+$0x0], $0xffff  }
0x36d: {  	v46 =	vor.u32 v30, v17;
	v17 =	vor.u32 v60, v17;
	v22 =	vsub.f32 v45, v22;
	v35 =	vld.idx.msk [tilespmem:v35+s18+$0x0], $0xffff  }
0x36e: {  	v21 =	vsub.f32 v44, v21;
	v36 =	vld.idx.msk [tilespmem:v36+s18+$0x0], $0xffff;
	vm13 =	vgt.f32 v24, v23;
	vm14 =	vgt.f32 v26, v25  }
0x36f: {  	v37 =	vld.idx.msk [tilespmem:v37+s18+$0x0], $0xffff;
	vm4 =	vgt.f32 v29, v28;
	v23 =	vsel vm13, v24, v23;
	v24 =	vsel vm14, v26, v25  }
0x370: {  	v25 =	vsel vm13, $0x1, v47;
	v26 =	vsel vm14, $0x3, v48;
	v22 =	vmul.f32 v22, v22  }
0x371: {  	v21 =	vmul.f32 v21, v21;
	vm9 =	vgt.f32 v24, v23;
	vm15 =	vgt.f32 v27, v20  }
0x372: {  	v23 =	vsel vm9, v24, v23;
	v25 =	vsel vm9, v26, v25;
	v46 =	vld.idx.msk [tilespmem:v46+s18+$0x0], $0xffff;
	v20 =	vsel vm15, v27, v20  }
0x373: {  	v17 =	vld.idx.msk [tilespmem:v17+s18+$0x0], $0xffff;
	v27 =	vsel vm4, v29, v28;
	vm5 =	vgt.f32 v33, v32;
	v28 =	vsel vm15, $0x5, v49  }
0x374: {  	vm6 =	vgt.f32 v35, v34;
	vm7 =	vgt.f32 v37, v36;
	v29 =	vsel vm5, v33, v32  }
0x375: {  	v32 =	vsel vm4, $0x7, v51;
	v33 =	vsel vm6, v35, v34;
	v34 =	vsel vm5, $0x9, v56  }
0x376: {  	v35 =	vsel vm7, v37, v36;
	v36 =	vsel vm6, $0xB, v59;
	vm10 =	vgt.f32 v27, v20  }
0x377: {  	v37 =	vsel vm7, $0xD, v31;
	v20 =	vsel vm10, v27, v20;
	vm11 =	vgt.f32 v33, v29  }
0x378: {  	v32 =	vsel vm10, v32, v28;
	v28 =	vsel vm11, v36, v34;
	vm8 =	vgt.f32 v17, v46  }
0x379: {  	v17 =	vsel vm8, v17, v46;
	v46 =	vmovc v52;
	v52 =	vmovc v53;
	v53 =	vmov v54;
	v54 =	vmov v55  }
0x37a: {  	v55 =	vmovc v57;
	v57 =	vmovc v58;
	v58 =	vmov v43;
	v43 =	vmov v61;
	vm12 =	vgt.f32 v17, v35  }
0x37b: {  	v61 =	vmovc v62;
	v62 =	vmovc v63;
	v63 =	vmov v38;
	v38 =	vsel vm11, v33, v29;
	v17 =	vsel vm12, v17, v35  }
0x37c: {  	p0 =	sne.s32 s26, $0x1;
	vm13 =	vgt.f32 v20, v23;
	v24 =	vsel vm8, $0xF, v50;
	vm14 =	vgt.f32 v17, v38  }
.Ltmp5:
0x37d: {  	v20 =	vsel vm13, v20, v23;
	v24 =	vsel vm12, v24, v37;
	v17 =	vsel vm14, v17, v38;
	(pc) =	sbr.rel @p0 .LBB2_13-.Ltmp5, $4  }
0x37e: {  	v44 =	vsel vm13, v32, v25;
	v24 =	vsel vm14, v24, v28;
	vm15 =	vgt.f32 v17, v20  }
0x37f: {  	v22 =	vadd.f32 v22, v41;
	v17 =	vsel vm15, v17, v20;
	v45 =	vsel vm15, v24, v44  }
0x380: {  	v18 =	vor.u32 v18, v45;
	[tilespmem:v19+s19+$0x0] =	vst.idx.msk $0xffff, v17  }
0x381: {  	s26 =	sadd.s32 $0xFFFFFFFF, s26;
	v41 =	vadd.f32 v21, v22;
	[tilespmem:v19+s20+$0x0] =	vst.idx.msk $0xffff, v18  }
0x382: {  	v17 =	vld [tilespmem:$0xA200]  }
0x383: {  	v18 =	vld [tilespmem:$0xA210]  }
0x384: {  	v19 =	vld [tilespmem:$0xA220]  }
0x385: {  	v20 =	vld [tilespmem:$0xA230]  }
0x386: {  	v21 =	vld [tilespmem:$0xA240]  }
0x387: {  	v22 =	vld [tilespmem:$0xA250]  }
0x388: {  	v23 =	vld [tilespmem:$0xA260]  }
0x389: {  	v24 =	vld [tilespmem:$0xA270]  }
0x38a: {  	v25 =	vld [tilespmem:$0xA280]  }
0x38b: {  	v26 =	vld [tilespmem:$0xA290]  }
0x38c: {  	v27 =	vld [tilespmem:$0xA2A0]  }
0x38d: {  	v28 =	vld [tilespmem:$0xA2B0]  }
0x38e: {  	v29 =	vld [tilespmem:$0xA2C0]  }
0x38f: {  	v32 =	vld [tilespmem:$0xA2D0]  }
0x390: {  	v33 =	vld [tilespmem:$0xA2E0]  }
0x391: {  	v34 =	vld [tilespmem:$0xA2F0]  }
0x392: {  	v35 =	vld [tilespmem:$0xA400]  }
0x393: {  	v36 =	vld [tilespmem:$0xA410]  }
0x394: {  	v37 =	vld [tilespmem:$0xA420];
	vm0 =	vgt.f32 v18, v17;
	vm13 =	vgt.f32 v20, v19;
	vm14 =	vgt.f32 v22, v21  }
0x395: {  	v44 =	vld [tilespmem:$0xA430];
	vm15 =	vgt.f32 v24, v23;
	vm4 =	vgt.f32 v26, v25;
	vm5 =	vgt.f32 v28, v27  }
0x396: {  	v57 =	vld [tilespmem:$0xA480];
	vm1 =	vgt.f32 v32, v29;
	vm6 =	vgt.f32 v34, v33;
	v17 =	vsel vm0, v18, v17  }
0x397: {  	v60 =	vld [tilespmem:$0xA490];
	v18 =	vsel vm0, $0x1, v47;
	v19 =	vsel vm13, v20, v19;
	v62 =	vsel vm13, $0x3, v48  }
0x398: {  	v21 =	vsel vm14, v22, v21;
	v63 =	vsel vm14, $0x5, v49;
	v23 =	vsel vm15, v24, v23  }
0x399: {  	v40 =	vsel vm15, $0x7, v51;
	v25 =	vsel vm4, v26, v25;
	v52 =	vsel vm4, $0x9, v56  }
0x39a: {  	v27 =	vsel vm5, v28, v27;
	v29 =	vsel vm1, v32, v29;
	v53 =	vsel vm5, $0xB, v59  }
0x39b: {  	v33 =	vsel vm6, v34, v33;
	v54 =	vsel vm1, $0xD, v31;
	v58 =	vsel vm6, $0xF, v50  }
0x39c: {  	v39 =	vld [tilespmem:$0xA4E0];
	vm13 =	vgt.f32 v36, v35;
	vm14 =	vgt.f32 v44, v37;
	vm5 =	vgt.f32 v60, v57  }
0x39d: {  	v46 =	vld [tilespmem:$0xA4F0];
	vm2 =	vgt.f32 v19, v17;
	vm7 =	vgt.f32 v23, v21;
	vm8 =	vgt.f32 v27, v25  }
0x39e: {  	v55 =	vld [tilespmem:$0xA470];
	vm9 =	vgt.f32 v33, v29;
	v45 =	vsel vm13, $0x1, v47;
	v47 =	vsel vm14, v44, v37  }
0x39f: {  	v61 =	vld [tilespmem:$0xA4A0];
	v24 =	vsel vm5, v60, v57;
	v17 =	vsel vm2, v19, v17;
	v18 =	vsel vm2, v62, v18  }
0x3a0: {  	v38 =	vld [tilespmem:$0xA4D0];
	v21 =	vsel vm7, v23, v21;
	v22 =	vsel vm7, v40, v63;
	v25 =	vsel vm8, v27, v25  }
0x3a1: {  	v20 =	vld [tilespmem:$0xA460];
	v29 =	vsel vm9, v33, v29;
	v26 =	vsel vm8, v53, v52;
	v27 =	vsel vm9, v58, v54  }
0x3a2: {  	v28 =	vld [tilespmem:$0xA440];
	v40 =	vsel vm13, v36, v35;
	v52 =	vsel vm14, $0x3, v48;
	vm8 =	vgt.f32 v46, v39  }
0x3a3: {  	v19 =	vld [tilespmem:$0xA450];
	vm10 =	vgt.f32 v21, v17;
	vm11 =	vgt.f32 v29, v25;
	v58 =	vsel vm8, $0xF, v50  }
0x3a4: {  	v63 =	vld [tilespmem:$0xA4B0];
	vm9 =	vgt.f32 v47, v40;
	v17 =	vsel vm10, v21, v17;
	v62 =	vsel vm11, v29, v25  }
0x3a5: {  	v18 =	vsel vm10, v22, v18;
	v34 =	vsel vm11, v27, v26;
	vm12 =	vgt.f32 v62, v17;
	v17 =	vld [tilespmem:$0xA4C0]  }
0x3a6: {  	v22 =	vsel vm8, v46, v39;
	v26 =	vsel vm9, v47, v40;
	vm4 =	vgt.f32 v55, v20  }
0x3a7: {  	v27 =	vsel vm9, v52, v45;
	v18 =	vsel vm12, v34, v18;
	v20 =	vsel vm4, v55, v20  }
0x3a8: {  	v54 =	vsel vm4, $0x7, v51;
	v55 =	vsel vm5, $0x9, v56;
	vm15 =	vgt.f32 v19, v28  }
0x3a9: {  	vm6 =	vgt.f32 v63, v61;
	v19 =	vsel vm15, v19, v28;
	v53 =	vsel vm15, $0x5, v49  }
0x3aa: {  	v25 =	vsel vm6, v63, v61;
	v56 =	vsel vm6, $0xB, v59;
	vm7 =	vgt.f32 v38, v17  }
0x3ab: {  	vm10 =	vgt.f32 v20, v19;
	vm11 =	vgt.f32 v25, v24;
	v17 =	vsel vm7, v38, v17  }
0x3ac: {  	v19 =	vsel vm10, v20, v19;
	v59 =	vsel vm10, v54, v53;
	vm12 =	vgt.f32 v22, v17  }
0x3ad: {  	v60 =	vsel vm11, v25, v24;
	v61 =	vsel vm11, v56, v55;
	v17 =	vsel vm12, v22, v17  }
0x3ae: {  	v57 =	vsel vm7, $0xD, v31;
	vm13 =	vgt.f32 v19, v26;
	vm14 =	vgt.f32 v17, v60  }
0x3af: {  	v19 =	vsel vm13, v19, v26;
	v21 =	vsel vm12, v58, v57;
	v17 =	vsel vm14, v17, v60  }
0x3b0: {  	v20 =	vsel vm13, v59, v27;
	v21 =	vsel vm14, v21, v61;
	vm15 =	vgt.f32 v17, v19  }
0x3b1: {  	v17 =	vshll.u32 v18, $0x4;
	v18 =	vsel vm15, v21, v20  }
0x3b2: {  	v17 =	vor.u32 v0, v17;
	v18 =	vshll.u32 v18, $0x4  }
0x3b3: {  	v18 =	vor.u32 v0, v18;
	_ =	sdelay $0x3  }
0x3b4: {  	v17 =	vld.idx.msk [tilespmem:v17+s17+$0x0], $0xffff  }
0x3b5: {  	v18 =	vld.idx.msk [tilespmem:v18+s20+$0x0], $0xffff;
	_ =	sdelay $0x3  }
0x3b6: {  	v19 =	vshll.u32 v17, $0x1  }
0x3b7: {  	v17 =	vand.u32 $0x7F, v17;
	v19 =	vand.u32 $0xFFFFFF00, v19;
	v62 =	vshll.u32 v18, $0x1  }
0x3b8: {  	v17 =	vor.u32 v17, v19;
	v18 =	vand.u32 $0x7F, v18;
	v19 =	vand.u32 $0xFFFFFF00, v62  }
0x3b9: {  	v17 =	vadd.s32 v42, v17;
	v18 =	vor.u32 v18, v19  }
0x3ba: {  	v19 =	vadd.s32 v42, v18  }
0x3bb: {  	v63 =	vor.u32 $0x80, v17  }
0x3bc: {  	v18 =	vadd.s32 v43, v18;
	_ =	sdelay $0x1  }
0x3bd: {  	v17 =	vld.idx.msk [tilespmem:v17+s12+$0x0], $0xffff  }
0x3be: {  	v19 =	vld.idx.msk [tilespmem:v19+s13+$0x0], $0xffff  }
0x3bf: {  	v20 =	vld.idx.msk [tilespmem:v63+s12+$0x0], $0xffff  }
0x3c0: {  	v18 =	vld.idx.msk [tilespmem:v18+s13+$0x0], $0xffff;
	_ =	sdelay $0x2  }
0x3c1: {  	s25 =	sadd.s32 $0x1, s25;
	v17 =	vsub.f32 v17, v19  }
0x3c2: {  	p0 =	sne.s32 s25, $0xC  }
.Ltmp6:
0x3c3: {  	v18 =	vsub.f32 v20, v18;
	v17 =	vmul.f32 v17, v17;
	(pc) =	sbr.rel @p0 .LBB2_2-.Ltmp6, $3  }
0x3c4: {  	_ = 	snop  }
0x3c5: {  	v18 =	vmul.f32 v18, v18;
	v17 =	vadd.f32 v17, v41;
	_ =	sdelay $0x1  }
0x3c6: {  	v17 =	vadd.f32 v18, v17  }
0x3c7: {  	_ =	swait.ge [sflag:s14], $0x2000  }
0x3c8: {  	[sflag:s14] =	ssyncset.done $0x0  }
0x3c9: {  	[sflag:s14] =	ssyncadd.s32 $0xFFFFE000  }
0x3ca: {  	_ =	swait.ge [sflag:s14], $0x2000  }
0x3cb: {  	s24 =	sadd.s32 $0x1, s24;
	[sflag:s14] =	ssyncset.done $0x0  }
0x3cc: {  	p0 =	sne.s32 s24, s10;
	[sflag:s14] =	ssyncadd.s32 $0xFFFFE000  }
.Ltmp7:
0x3cd: {  	[tilespmem:$0xA600] =	vst v17;
	(pc) =	sbr.rel @p0 .LBB2_1-.Ltmp7, $4  }
0x3ce: {  	[hbm4b:s9+s4] =	stream.linear.scatter [tilespmem:s22], [sflag:$0x3], $0x80, $0x38;
	[tilespmem:$0xA680] =	vst v63  }
0x3cf: {  	_ =	swait.ge [sflag:s23], $0x80  }
0x3d0: {  	[sflag:s23] =	ssyncset.done $0x0  }
0x3d1: {  	[sflag:s23] =	ssyncadd.s32 $0xFFFFFF80  }
0x3d2: {  	_ =	sfence.sel $0x180000  }
0x3d3: {  	[bflag:$0x0] =	sbarrier.arrive $0xFFFF  }
0x3d4: {  	p0 =	sne.s32 s3, $0x0;
	_ =	strace $0x90000047  }
0x3d5: {  	s0 =	sadd.s32 @!p0 $0x100000, s2;
	[bflag:$0x2] =	sbarrier.arrive $0xFFFF  }
0x3d6: {  	[sflag:s0] =	ssyncadd.tile.s32 @!p0 $0x1;
	_ =	shalt  }
.Lfunc_end2:
_tile_overlayer_lowered:
.L_overlay_start_2:
0x3d7: {  	(tag) =	ssettag $0x2  }
0x3d8: {  	s0 =	rddreg [dreg:$0x0];
	s2 =	stileid.u32  }
0x3d9: {  	s1 =	rddreg [dreg:$0x1];
	p0 =	sne.s32 s2, $0x0  }
0x3da: {  	s3 =	rddreg [dreg:$0x2];
	[bflag:$0x3] =	sbarrier.arrive $0xFFFF;
	s2 =	simm.s32 @!p0 $0x1C03  }
0x3db: {  	[timem:s3], [sflag:s2] =	dma.local @!p0 [hbm:s0], s1  }
0x3dc: {  	s0 =	simm.s32 @!p0 $0x3  }
0x3dd: {  	_ =	swait.ge @!p0 [sflag:s0], s1  }
0x3de: {  	s1 =	ssub.s32 @!p0 $0x0, s1;
	[sflag:s0] =	ssyncset.done @!p0 $0x0  }
0x3df: {  	[sflag:s0] =	ssyncadd.s32 @!p0 s1  }
0x3e0: {  	[bflag:$0x3] =	sbarrier.arrive $0xFFFF  }
0x3e1: {  	_ =	shalt  }

</sc_bundles>
